<compile_context>
chip_gen: v7x
topology: tpu7x:2x2x1
jax: 0.10.2.dev20260603
libtpu: 0.0.44.dev20260713+nightly
codegen_flags: <defaults>
</compile_context>

<pallas_src>
import jax
import jax.numpy as jnp
from jax import lax
from jax.experimental import pallas as pl
from jax.experimental.pallas import tpu as pltpu
from jax.experimental.pallas import tpu_sc as plsc

N = 131072
D = 256
HD = D // 2
NSEG = 2048
NC = 2
NS = 16
L = 16
ROWS_T = N // NS
R = 64
NBLK = ROWS_T // R
GRPS = R // L
SH_ROWS = NSEG // NS
EPS = 1e-8


def _sc_body(f3d_hbm, f2d_hbm, sp_hbm, bi_hbm,
             acc_a_out, acc_b_out, key_out, msp_out,
             a_buf, b_buf, sp0, sp1, bi0, bi1, ix0, ix1,
             stati, acc_a_sh, acc_b_sh,
             sem_in0, sem_in1, sem_sc0, sem_sc1):
    cid = lax.axis_index("c")
    sid = lax.axis_index("s")
    base = sid * ROWS_T
    col0 = cid * HD
    sps = (sp0, sp1)
    bis = (bi0, bi1)
    ixs = (ix0, ix1)
    sem_in = (sem_in0, sem_in1)
    sem_sc = (sem_sc0, sem_sc1)

    zv = jnp.zeros((L,), jnp.float32)
    for r in range(16):
        for j in range(HD // L):
            a_buf[0, r, pl.ds(j * L, L)] = zv
    for q in range(SH_ROWS // 16):
        dst = pl.ds(sid * SH_ROWS + q * 16, 16)
        pltpu.sync_copy(a_buf.at[0, pl.ds(0, 16)], acc_a_sh.at[dst])
        pltpu.sync_copy(a_buf.at[0, pl.ds(0, 16)], acc_b_sh.at[dst])

    stati[0] = jnp.zeros((L,), jnp.int32)
    stati[1] = jnp.zeros((L,), jnp.int32)

    plsc.subcore_barrier()

    def start_in(b, blk):
        rows = base + blk * R
        rt = base // 8 + blk * (R // 8)
        for q in range(R // 8):
            pltpu.async_copy(
                f3d_hbm.at[rt + q, cid], a_buf.at[b, pl.ds(q * 8, 8)], sem_in[b])
            pltpu.async_copy(
                f2d_hbm.at[rt + q, cid], b_buf.at[b, pl.ds(q * 8, 8)], sem_in[b])
        pltpu.async_copy(sp_hbm.at[pl.ds(rows, R)], sps[b], sem_in[b])
        pltpu.async_copy(bi_hbm.at[pl.ds(rows, R)], bis[b], sem_in[b])

    def wait_in(b, blk):
        rows = base + blk * R
        rt = base // 8 + blk * (R // 8)
        for q in range(R // 8):
            pltpu.make_async_copy(
                f3d_hbm.at[rt + q, cid], a_buf.at[b, pl.ds(q * 8, 8)], sem_in[b]).wait()
            pltpu.make_async_copy(
                f2d_hbm.at[rt + q, cid], b_buf.at[b, pl.ds(q * 8, 8)], sem_in[b]).wait()
        pltpu.make_async_copy(sp_hbm.at[pl.ds(rows, R)], sps[b], sem_in[b]).wait()
        pltpu.make_async_copy(bi_hbm.at[pl.ds(rows, R)], bis[b], sem_in[b]).wait()

    start_in(0, 0)
    start_in(1, 1)

    @pl.loop(0, NBLK, step=2)
    def _blocks(g):
        for b in (0, 1):
            blk = g + b
            rows = base + blk * R
            wait_in(b, blk)

            mk = stati[0]
            ms = stati[1]
            for v in range(GRPS):
                sl = pl.ds(v * L, L)
                spv = sps[b][sl]
                biv = bis[b][sl]
                ixs[b][sl] = spv + biv * 512
                mk = jnp.maximum(mk, biv * 1024 + spv)
                ms = jnp.maximum(ms, spv)
            stati[0] = mk
            stati[1] = ms

            pltpu.async_copy(a_buf.at[b], acc_a_sh.at[ixs[b]], sem_sc[b], add=True)
            pltpu.async_copy(b_buf.at[b], acc_b_sh.at[ixs[b]], sem_sc[b], add=True)

            pltpu.make_async_copy(a_buf.at[b], acc_a_sh.at[ixs[b]], sem_sc[b]).wait()
            pltpu.make_async_copy(b_buf.at[b], acc_b_sh.at[ixs[b]], sem_sc[b]).wait()

            @pl.when(blk + 2 < NBLK)
            def _refill():
                start_in(b, blk + 2)

    wid = sid * NC + cid
    pltpu.sync_copy(stati.at[0], key_out.at[wid])
    pltpu.sync_copy(stati.at[1], msp_out.at[wid])
    plsc.subcore_barrier()
    sh = pl.ds(sid * SH_ROWS, SH_ROWS)
    pltpu.sync_copy(acc_a_sh.at[sh], acc_a_out.at[cid, sh])
    pltpu.sync_copy(acc_b_sh.at[sh], acc_b_out.at[cid, sh])


def _stage1(f3d, f2d, sp, bi):
    f32, i32 = jnp.float32, jnp.int32
    mesh = plsc.VectorSubcoreMesh(
        core_axis_name="c", subcore_axis_name="s", num_cores=NC, num_subcores=NS)
    return pl.kernel(
        _sc_body,
        out_type=(
            jax.ShapeDtypeStruct((NC, NSEG, HD), f32),
            jax.ShapeDtypeStruct((NC, NSEG, HD), f32),
            jax.ShapeDtypeStruct((NC * NS, L), i32),
            jax.ShapeDtypeStruct((NC * NS, L), i32),
        ),
        mesh=mesh,
        compiler_params=pltpu.CompilerParams(
            use_tc_tiling_on_sc=False, needs_layout_passes=False),
        scratch_types=(
            pltpu.VMEM((2, R, HD), f32),
            pltpu.VMEM((2, R, HD), f32),
            pltpu.VMEM((R,), i32),
            pltpu.VMEM((R,), i32),
            pltpu.VMEM((R,), i32),
            pltpu.VMEM((R,), i32),
            pltpu.VMEM((R,), i32),
            pltpu.VMEM((R,), i32),
            pltpu.VMEM((2, L), i32),
            pltpu.VMEM_SHARED((NSEG, HD), f32),
            pltpu.VMEM_SHARED((NSEG, HD), f32),
            pltpu.SemaphoreType.DMA,
            pltpu.SemaphoreType.DMA,
            pltpu.SemaphoreType.DMA,
            pltpu.SemaphoreType.DMA,
        ),
    )(f3d, f2d, sp, bi)


BKP = 2048


def _tc_point_body(a_ref, b_ref, out_ref):
    a = a_ref[...]
    bm = b_ref[...]
    d = jnp.sum(a * bm, axis=1)
    na = jnp.maximum(jnp.sqrt(jnp.sum(a * a, axis=1)), EPS)
    nb = jnp.maximum(jnp.sqrt(jnp.sum(bm * bm, axis=1)), EPS)
    out_ref[0, 0, 0] = jnp.sum(d / (na * nb))


_tc_point = pl.pallas_call(
    _tc_point_body,
    grid=(N // BKP,),
    in_specs=[pl.BlockSpec((BKP, D), lambda i: (i, 0)),
              pl.BlockSpec((BKP, D), lambda i: (i, 0))],
    out_specs=pl.BlockSpec((1, 1, 1), lambda i: (i, 0, 0), memory_space=pltpu.SMEM),
    out_shape=jax.ShapeDtypeStruct((N // BKP, 1, 1), jnp.float32))


def _tc_body(acc_a_ref, acc_b_ref, simp_ref, key_ref, msp_ref, out_ref):
    sum_sim_p = jnp.sum(simp_ref[...])

    dots = (jnp.sum(acc_a_ref[0] * acc_b_ref[0], axis=1)
            + jnp.sum(acc_a_ref[1] * acc_b_ref[1], axis=1))
    sa2 = (jnp.sum(acc_a_ref[0] * acc_a_ref[0], axis=1)
           + jnp.sum(acc_a_ref[1] * acc_a_ref[1], axis=1))
    sb2 = (jnp.sum(acc_b_ref[0] * acc_b_ref[0], axis=1)
           + jnp.sum(acc_b_ref[1] * acc_b_ref[1], axis=1))
    sna = jnp.maximum(jnp.sqrt(sa2), EPS)
    snb = jnp.maximum(jnp.sqrt(sb2), EPS)
    sum_sim_sp = jnp.sum(dots / (sna * snb))

    maxkey = jnp.max(key_ref[...])
    maxsp = jnp.max(msp_ref[...])
    bstar = maxkey // 1024
    m2 = maxkey - bstar * 1024
    nseg = (bstar * (maxsp + 1) + m2 + 1).astype(jnp.float32)
    out_ref[0, 0] = 2.0 - sum_sim_p * (1.0 / N) - sum_sim_sp / nseg


_tc_stage = pl.pallas_call(
    _tc_body,
    out_shape=jax.ShapeDtypeStruct((1, 1), jnp.float32),
    out_specs=pl.BlockSpec(memory_space=pltpu.SMEM))


def kernel(F3D, Fraw2D, superpoint_ids, batch_idx):
    f3d4 = F3D.reshape(N // 8, 8, NC, HD).transpose(0, 2, 1, 3)
    f2d4 = Fraw2D.reshape(N // 8, 8, NC, HD).transpose(0, 2, 1, 3)
    acc_a, acc_b, keys, msps = _stage1(
        f3d4, f2d4,
        superpoint_ids.astype(jnp.int32), batch_idx.astype(jnp.int32))
    simp = _tc_point(F3D, Fraw2D)
    return _tc_stage(acc_a, acc_b, simp, keys, msps)[0, 0]

# --- scband reference (transcript-rebuilt; emitter-appended) ---
"""Pipeline reference for scband-geometry-guided-distillation-loss-90220083020233 (READ-ONLY COPY).

The authoritative reference and input builder live on the scoring server;
editing this copy changes nothing except your own understanding.
"""

import jax, jax.numpy as jnp
import numpy as np

N = 131072
D = 256
B = 4
SP = 512


def setup_inputs(seed: int = 0) -> dict:
    key = jax.random.key(seed)
    k1, k2, k3, k4 = jax.random.split(key, 4)
    F3D = jax.random.normal(k1, (N, D), dtype=jnp.float32)
    Fraw2D = jax.random.normal(k2, (N, D), dtype=jnp.float32)
    superpoint_ids = jax.random.randint(k3, (N,), 0, SP, dtype=jnp.int32)
    batch_idx = jnp.sort(jax.random.randint(k4, (N,), 0, B, dtype=jnp.int32))
    return {"F3D": F3D, "Fraw2D": Fraw2D, "superpoint_ids": superpoint_ids, "batch_idx": batch_idx}


def _cosine(a, b, eps=1e-8):
    dot = jnp.sum(a * b, axis=-1)
    na = jnp.maximum(jnp.linalg.norm(a, axis=-1), eps)
    nb = jnp.maximum(jnp.linalg.norm(b, axis=-1), eps)
    return dot / (na * nb)


def reference(F3D, Fraw2D, superpoint_ids, batch_idx):
    lambda_p = 1.0
    lambda_sp = 1.0
    loss_weight = 1.0
    n = F3D.shape[0]

    # point-wise loss (cosine, mean reduction)
    sim_p = _cosine(F3D, Fraw2D)
    loss_p = jnp.mean(1.0 - sim_p)

    # superpoint-wise loss: scatter_mean by global superpoint id
    sp = superpoint_ids.astype(jnp.int32)
    bi = batch_idx.astype(jnp.int32)
    offset_multiplier = jnp.max(sp) + 1
    global_sp_ids = sp + bi * offset_multiplier
    num_segments = jnp.max(global_sp_ids) + 1
    max_segments = SP * B

    ones = jnp.ones((n, 1), dtype=jnp.float32)
    cnt = jax.ops.segment_sum(ones, global_sp_ids, num_segments=max_segments)
    cnt = jnp.maximum(cnt, 1.0)
    avg_F3D_sp = jax.ops.segment_sum(F3D, global_sp_ids, num_segments=max_segments) / cnt
    avg_Fraw2D_sp = jax.ops.segment_sum(Fraw2D, global_sp_ids, num_segments=max_segments) / cnt

    sim_sp = _cosine(avg_F3D_sp, avg_Fraw2D_sp)
    seg_mask = (jnp.arange(max_segments) < num_segments).astype(jnp.float32)
    loss_sp = jnp.sum((1.0 - sim_sp) * seg_mask) / num_segments

    total = lambda_p * loss_p + lambda_sp * loss_sp
    return loss_weight * total

if __name__ == "__main__":
    import jax
    _d = setup_inputs()
    print(jax.jit(kernel)(*tuple(_d.values())))

</pallas_src>

<mosaic_0001>
#map = affine_map<(d0, d1) -> (0, 0, 0, 0)>
#map1 = affine_map<(d0, d1) -> (0)>
#map2 = affine_map<(d0, d1) -> (0, 0, 0)>
#map3 = affine_map<(d0, d1) -> (0, 0)>
module attributes {stable_mosaic.version = 14 : i64} {
  func.func @_sc_body(%arg0: i32, %arg1: i32, %arg2: memref<16384x2x8x128xf32, #tpu.memory_space<hbm>>, %arg3: memref<16384x2x8x128xf32, #tpu.memory_space<hbm>>, %arg4: memref<131072xi32, #tpu.memory_space<hbm>>, %arg5: memref<131072xi32, #tpu.memory_space<hbm>>, %arg6: memref<2x2048x128xf32, #tpu.memory_space<hbm>>, %arg7: memref<2x2048x128xf32, #tpu.memory_space<hbm>>, %arg8: memref<32x16xi32, #tpu.memory_space<hbm>>, %arg9: memref<32x16xi32, #tpu.memory_space<hbm>>, %arg10: memref<2x64x128xf32, #tpu.memory_space<vmem>>, %arg11: memref<2x64x128xf32, #tpu.memory_space<vmem>>, %arg12: memref<64xi32, #tpu.memory_space<vmem>>, %arg13: memref<64xi32, #tpu.memory_space<vmem>>, %arg14: memref<64xi32, #tpu.memory_space<vmem>>, %arg15: memref<64xi32, #tpu.memory_space<vmem>>, %arg16: memref<64xi32, #tpu.memory_space<vmem>>, %arg17: memref<64xi32, #tpu.memory_space<vmem>>, %arg18: memref<2x16xi32, #tpu.memory_space<vmem>>, %arg19: memref<2048x128xf32, #tpu.memory_space<vmem_shared>>, %arg20: memref<2048x128xf32, #tpu.memory_space<vmem_shared>>, %arg21: memref<!tpu.dma_semaphore, #tpu.memory_space<semaphore_mem>>, %arg22: memref<!tpu.dma_semaphore, #tpu.memory_space<semaphore_mem>>, %arg23: memref<!tpu.dma_semaphore, #tpu.memory_space<semaphore_mem>>, %arg24: memref<!tpu.dma_semaphore, #tpu.memory_space<semaphore_mem>>) attributes {dimension_semantics = [#tpu.dimension_semantics<core_parallel>, #tpu.dimension_semantics<subcore_parallel>], iteration_bounds = array<i64: 2, 16>, scalar_prefetch = 0 : i64, scratch_operands = 15 : i64, tpu.core_type = #tpu.core_type<sc_vector_subcore>, window_params = [{transform_indices = #map}, {transform_indices = #map}, {transform_indices = #map1}, {transform_indices = #map1}, {transform_indices = #map2}, {transform_indices = #map2}, {transform_indices = #map3}, {transform_indices = #map3}]} {
    %mul3A = arith.constant 8192 : i32
    %mul3A_0 = arith.muli %arg1, %mul3A : i32
    %mul3A_1 = arith.constant 128 : i32
    %mul3A_2 = arith.muli %arg0, %mul3A_1 : i32
    %broadcast_in_dim3A = arith.constant 0.000000e+00 : f32
    %broadcast_in_dim3A_3 = vector.broadcast %broadcast_in_dim3A : f32 to vector<16xf32>
    %swap3A = arith.constant 0 : i32
    %swap3A_4 = arith.constant 0 : i32
    %swap3A_5 = arith.index_cast %swap3A : i32 to index
    %swap3A_6 = arith.index_cast %swap3A_4 : i32 to index
    %swap3A_7 = arith.constant 0 : index
    %swap3A_8 = tpu.vector_load %arg10[%swap3A_5, %swap3A_6, %swap3A_7] {strides = array<i32>} : memref<2x64x128xf32, #tpu.memory_space<vmem>>, vector<16xf32>,
    tpu.vector_store %arg10[%swap3A_5, %swap3A_6, %swap3A_7], %broadcast_in_dim3A_3 {strides = array<i32>} : memref<2x64x128xf32, #tpu.memory_space<vmem>>, vector<16xf32>,
    %swap3A_9 = arith.constant 0 : i32
    %swap3A_10 = arith.constant 0 : i32
    %swap3A_11 = arith.index_cast %swap3A_9 : i32 to index
    %swap3A_12 = arith.index_cast %swap3A_10 : i32 to index
    %swap3A_13 = arith.constant 16 : index
    %swap3A_14 = tpu.vector_load %arg10[%swap3A_11, %swap3A_12, %swap3A_13] {strides = array<i32>} : memref<2x64x128xf32, #tpu.memory_space<vmem>>, vector<16xf32>,
    tpu.vector_store %arg10[%swap3A_11, %swap3A_12, %swap3A_13], %broadcast_in_dim3A_3 {strides = array<i32>} : memref<2x64x128xf32, #tpu.memory_space<vmem>>, vector<16xf32>,
    %swap3A_15 = arith.constant 0 : i32
    %swap3A_16 = arith.constant 0 : i32
    %swap3A_17 = arith.index_cast %swap3A_15 : i32 to index
    %swap3A_18 = arith.index_cast %swap3A_16 : i32 to index
    %swap3A_19 = arith.constant 32 : index
    %swap3A_20 = tpu.vector_load %arg10[%swap3A_17, %swap3A_18, %swap3A_19] {strides = array<i32>} : memref<2x64x128xf32, #tpu.memory_space<vmem>>, vector<16xf32>,
    tpu.vector_store %arg10[%swap3A_17, %swap3A_18, %swap3A_19], %broadcast_in_dim3A_3 {strides = array<i32>} : memref<2x64x128xf32, #tpu.memory_space<vmem>>, vector<16xf32>,
    %swap3A_21 = arith.constant 0 : i32
    %swap3A_22 = arith.constant 0 : i32
    %swap3A_23 = arith.index_cast %swap3A_21 : i32 to index
    %swap3A_24 = arith.index_cast %swap3A_22 : i32 to index
    %swap3A_25 = arith.constant 48 : index
    %swap3A_26 = tpu.vector_load %arg10[%swap3A_23, %swap3A_24, %swap3A_25] {strides = array<i32>} : memref<2x64x128xf32, #tpu.memory_space<vmem>>, vector<16xf32>,
    tpu.vector_store %arg10[%swap3A_23, %swap3A_24, %swap3A_25], %broadcast_in_dim3A_3 {strides = array<i32>} : memref<2x64x128xf32, #tpu.memory_space<vmem>>, vector<16xf32>,
    %swap3A_27 = arith.constant 0 : i32
    %swap3A_28 = arith.constant 0 : i32
    %swap3A_29 = arith.index_cast %swap3A_27 : i32 to index
    %swap3A_30 = arith.index_cast %swap3A_28 : i32 to index
    %swap3A_31 = arith.constant 64 : index
    %swap3A_32 = tpu.vector_load %arg10[%swap3A_29, %swap3A_30, %swap3A_31] {strides = array<i32>} : memref<2x64x128xf32, #tpu.memory_space<vmem>>, vector<16xf32>,
    tpu.vector_store %arg10[%swap3A_29, %swap3A_30, %swap3A_31], %broadcast_in_dim3A_3 {strides = array<i32>} : memref<2x64x128xf32, #tpu.memory_space<vmem>>, vector<16xf32>,
    %swap3A_33 = arith.constant 0 : i32
    %swap3A_34 = arith.constant 0 : i32
    %swap3A_35 = arith.index_cast %swap3A_33 : i32 to index
    %swap3A_36 = arith.index_cast %swap3A_34 : i32 to index
    %swap3A_37 = arith.constant 80 : index
    %swap3A_38 = tpu.vector_load %arg10[%swap3A_35, %swap3A_36, %swap3A_37] {strides = array<i32>} : memref<2x64x128xf32, #tpu.memory_space<vmem>>, vector<16xf32>,
    tpu.vector_store %arg10[%swap3A_35, %swap3A_36, %swap3A_37], %broadcast_in_dim3A_3 {strides = array<i32>} : memref<2x64x128xf32, #tpu.memory_space<vmem>>, vector<16xf32>,
    %swap3A_39 = arith.constant 0 : i32
    %swap3A_40 = arith.constant 0 : i32
    %swap3A_41 = arith.index_cast %swap3A_39 : i32 to index
    %swap3A_42 = arith.index_cast %swap3A_40 : i32 to index
    %swap3A_43 = arith.constant 96 : index
    %swap3A_44 = tpu.vector_load %arg10[%swap3A_41, %swap3A_42, %swap3A_43] {strides = array<i32>} : memref<2x64x128xf32, #tpu.memory_space<vmem>>, vector<16xf32>,
    tpu.vector_store %arg10[%swap3A_41, %swap3A_42, %swap3A_43], %broadcast_in_dim3A_3 {strides = array<i32>} : memref<2x64x128xf32, #tpu.memory_space<vmem>>, vector<16xf32>,
    %swap3A_45 = arith.constant 0 : i32
    %swap3A_46 = arith.constant 0 : i32
    %swap3A_47 = arith.index_cast %swap3A_45 : i32 to index
    %swap3A_48 = arith.index_cast %swap3A_46 : i32 to index
    %swap3A_49 = arith.constant 112 : index
    %swap3A_50 = tpu.vector_load %arg10[%swap3A_47, %swap3A_48, %swap3A_49] {strides = array<i32>} : memref<2x64x128xf32, #tpu.memory_space<vmem>>, vector<16xf32>,
    tpu.vector_store %arg10[%swap3A_47, %swap3A_48, %swap3A_49], %broadcast_in_dim3A_3 {strides = array<i32>} : memref<2x64x128xf32, #tpu.memory_space<vmem>>, vector<16xf32>,
    %swap3A_51 = arith.constant 0 : i32
    %swap3A_52 = arith.constant 1 : i32
    %swap3A_53 = arith.index_cast %swap3A_51 : i32 to index
    %swap3A_54 = arith.index_cast %swap3A_52 : i32 to index
    %swap3A_55 = arith.constant 0 : index
    %swap3A_56 = tpu.vector_load %arg10[%swap3A_53, %swap3A_54, %swap3A_55] {strides = array<i32>} : memref<2x64x128xf32, #tpu.memory_space<vmem>>, vector<16xf32>,
    tpu.vector_store %arg10[%swap3A_53, %swap3A_54, %swap3A_55], %broadcast_in_dim3A_3 {strides = array<i32>} : memref<2x64x128xf32, #tpu.memory_space<vmem>>, vector<16xf32>,
    %swap3A_57 = arith.constant 0 : i32
    %swap3A_58 = arith.constant 1 : i32
    %swap3A_59 = arith.index_cast %swap3A_57 : i32 to index
    %swap3A_60 = arith.index_cast %swap3A_58 : i32 to index
    %swap3A_61 = arith.constant 16 : index
    %swap3A_62 = tpu.vector_load %arg10[%swap3A_59, %swap3A_60, %swap3A_61] {strides = array<i32>} : memref<2x64x128xf32, #tpu.memory_space<vmem>>, vector<16xf32>,
    tpu.vector_store %arg10[%swap3A_59, %swap3A_60, %swap3A_61], %broadcast_in_dim3A_3 {strides = array<i32>} : memref<2x64x128xf32, #tpu.memory_space<vmem>>, vector<16xf32>,
    %swap3A_63 = arith.constant 0 : i32
    %swap3A_64 = arith.constant 1 : i32
    %swap3A_65 = arith.index_cast %swap3A_63 : i32 to index
    %swap3A_66 = arith.index_cast %swap3A_64 : i32 to index
    %swap3A_67 = arith.constant 32 : index
    %swap3A_68 = tpu.vector_load %arg10[%swap3A_65, %swap3A_66, %swap3A_67] {strides = array<i32>} : memref<2x64x128xf32, #tpu.memory_space<vmem>>, vector<16xf32>,
    tpu.vector_store %arg10[%swap3A_65, %swap3A_66, %swap3A_67], %broadcast_in_dim3A_3 {strides = array<i32>} : memref<2x64x128xf32, #tpu.memory_space<vmem>>, vector<16xf32>,
    %swap3A_69 = arith.constant 0 : i32
    %swap3A_70 = arith.constant 1 : i32
    %swap3A_71 = arith.index_cast %swap3A_69 : i32 to index
    %swap3A_72 = arith.index_cast %swap3A_70 : i32 to index
    %swap3A_73 = arith.constant 48 : index
    %swap3A_74 = tpu.vector_load %arg10[%swap3A_71, %swap3A_72, %swap3A_73] {strides = array<i32>} : memref<2x64x128xf32, #tpu.memory_space<vmem>>, vector<16xf32>,
    tpu.vector_store %arg10[%swap3A_71, %swap3A_72, %swap3A_73], %broadcast_in_dim3A_3 {strides = array<i32>} : memref<2x64x128xf32, #tpu.memory_space<vmem>>, vector<16xf32>,
    %swap3A_75 = arith.constant 0 : i32
    %swap3A_76 = arith.constant 1 : i32
    %swap3A_77 = arith.index_cast %swap3A_75 : i32 to index
    %swap3A_78 = arith.index_cast %swap3A_76 : i32 to index
    %swap3A_79 = arith.constant 64 : index
    %swap3A_80 = tpu.vector_load %arg10[%swap3A_77, %swap3A_78, %swap3A_79] {strides = array<i32>} : memref<2x64x128xf32, #tpu.memory_space<vmem>>, vector<16xf32>,
    tpu.vector_store %arg10[%swap3A_77, %swap3A_78, %swap3A_79], %broadcast_in_dim3A_3 {strides = array<i32>} : memref<2x64x128xf32, #tpu.memory_space<vmem>>, vector<16xf32>,
    %swap3A_81 = arith.constant 0 : i32
    %swap3A_82 = arith.constant 1 : i32
    %swap3A_83 = arith.index_cast %swap3A_81 : i32 to index
    %swap3A_84 = arith.index_cast %swap3A_82 : i32 to index
    %swap3A_85 = arith.constant 80 : index
    %swap3A_86 = tpu.vector_load %arg10[%swap3A_83, %swap3A_84, %swap3A_85] {strides = array<i32>} : memref<2x64x128xf32, #tpu.memory_space<vmem>>, vector<16xf32>,
    tpu.vector_store %arg10[%swap3A_83, %swap3A_84, %swap3A_85], %broadcast_in_dim3A_3 {strides = array<i32>} : memref<2x64x128xf32, #tpu.memory_space<vmem>>, vector<16xf32>,
    %swap3A_87 = arith.constant 0 : i32
    %swap3A_88 = arith.constant 1 : i32
    %swap3A_89 = arith.index_cast %swap3A_87 : i32 to index
    %swap3A_90 = arith.index_cast %swap3A_88 : i32 to index
    %swap3A_91 = arith.constant 96 : index
    %swap3A_92 = tpu.vector_load %arg10[%swap3A_89, %swap3A_90, %swap3A_91] {strides = array<i32>} : memref<2x64x128xf32, #tpu.memory_space<vmem>>, vector<16xf32>,
    tpu.vector_store %arg10[%swap3A_89, %swap3A_90, %swap3A_91], %broadcast_in_dim3A_3 {strides = array<i32>} : memref<2x64x128xf32, #tpu.memory_space<vmem>>, vector<16xf32>,
    %swap3A_93 = arith.constant 0 : i32
    %swap3A_94 = arith.constant 1 : i32
    %swap3A_95 = arith.index_cast %swap3A_93 : i32 to index
    %swap3A_96 = arith.index_cast %swap3A_94 : i32 to index
    %swap3A_97 = arith.constant 112 : index
    %swap3A_98 = tpu.vector_load %arg10[%swap3A_95, %swap3A_96, %swap3A_97] {strides = array<i32>} : memref<2x64x128xf32, #tpu.memory_space<vmem>>, vector<16xf32>,
    tpu.vector_store %arg10[%swap3A_95, %swap3A_96, %swap3A_97], %broadcast_in_dim3A_3 {strides = array<i32>} : memref<2x64x128xf32, #tpu.memory_space<vmem>>, vector<16xf32>,
    %swap3A_99 = arith.constant 0 : i32
    %swap3A_100 = arith.constant 2 : i32
    %swap3A_101 = arith.index_cast %swap3A_99 : i32 to index
    %swap3A_102 = arith.index_cast %swap3A_100 : i32 to index
    %swap3A_103 = arith.constant 0 : index
    %swap3A_104 = tpu.vector_load %arg10[%swap3A_101, %swap3A_102, %swap3A_103] {strides = array<i32>} : memref<2x64x128xf32, #tpu.memory_space<vmem>>, vector<16xf32>,
    tpu.vector_store %arg10[%swap3A_101, %swap3A_102, %swap3A_103], %broadcast_in_dim3A_3 {strides = array<i32>} : memref<2x64x128xf32, #tpu.memory_space<vmem>>, vector<16xf32>,
    %swap3A_105 = arith.constant 0 : i32
    %swap3A_106 = arith.constant 2 : i32
    %swap3A_107 = arith.index_cast %swap3A_105 : i32 to index
    %swap3A_108 = arith.index_cast %swap3A_106 : i32 to index
    %swap3A_109 = arith.constant 16 : index
    %swap3A_110 = tpu.vector_load %arg10[%swap3A_107, %swap3A_108, %swap3A_109] {strides = array<i32>} : memref<2x64x128xf32, #tpu.memory_space<vmem>>, vector<16xf32>,
    tpu.vector_store %arg10[%swap3A_107, %swap3A_108, %swap3A_109], %broadcast_in_dim3A_3 {strides = array<i32>} : memref<2x64x128xf32, #tpu.memory_space<vmem>>, vector<16xf32>,
    %swap3A_111 = arith.constant 0 : i32
    %swap3A_112 = arith.constant 2 : i32
    %swap3A_113 = arith.index_cast %swap3A_111 : i32 to index
    %swap3A_114 = arith.index_cast %swap3A_112 : i32 to index
    %swap3A_115 = arith.constant 32 : index
    %swap3A_116 = tpu.vector_load %arg10[%swap3A_113, %swap3A_114, %swap3A_115] {strides = array<i32>} : memref<2x64x128xf32, #tpu.memory_space<vmem>>, vector<16xf32>,
    tpu.vector_store %arg10[%swap3A_113, %swap3A_114, %swap3A_115], %broadcast_in_dim3A_3 {strides = array<i32>} : memref<2x64x128xf32, #tpu.memory_space<vmem>>, vector<16xf32>,
    %swap3A_117 = arith.constant 0 : i32
    %swap3A_118 = arith.constant 2 : i32
    %swap3A_119 = arith.index_cast %swap3A_117 : i32 to index
    %swap3A_120 = arith.index_cast %swap3A_118 : i32 to index
    %swap3A_121 = arith.constant 48 : index
    %swap3A_122 = tpu.vector_load %arg10[%swap3A_119, %swap3A_120, %swap3A_121] {strides = array<i32>} : memref<2x64x128xf32, #tpu.memory_space<vmem>>, vector<16xf32>,
    tpu.vector_store %arg10[%swap3A_119, %swap3A_120, %swap3A_121], %broadcast_in_dim3A_3 {strides = array<i32>} : memref<2x64x128xf32, #tpu.memory_space<vmem>>, vector<16xf32>,
    %swap3A_123 = arith.constant 0 : i32
    %swap3A_124 = arith.constant 2 : i32
    %swap3A_125 = arith.index_cast %swap3A_123 : i32 to index
    %swap3A_126 = arith.index_cast %swap3A_124 : i32 to index
    %swap3A_127 = arith.constant 64 : index
    %swap3A_128 = tpu.vector_load %arg10[%swap3A_125, %swap3A_126, %swap3A_127] {strides = array<i32>} : memref<2x64x128xf32, #tpu.memory_space<vmem>>, vector<16xf32>,
    tpu.vector_store %arg10[%swap3A_125, %swap3A_126, %swap3A_127], %broadcast_in_dim3A_3 {strides = array<i32>} : memref<2x64x128xf32, #tpu.memory_space<vmem>>, vector<16xf32>,
    %swap3A_129 = arith.constant 0 : i32
    %swap3A_130 = arith.constant 2 : i32
    %swap3A_131 = arith.index_cast %swap3A_129 : i32 to index
    %swap3A_132 = arith.index_cast %swap3A_130 : i32 to index
    %swap3A_133 = arith.constant 80 : index
    %swap3A_134 = tpu.vector_load %arg10[%swap3A_131, %swap3A_132, %swap3A_133] {strides = array<i32>} : memref<2x64x128xf32, #tpu.memory_space<vmem>>, vector<16xf32>,
    tpu.vector_store %arg10[%swap3A_131, %swap3A_132, %swap3A_133], %broadcast_in_dim3A_3 {strides = array<i32>} : memref<2x64x128xf32, #tpu.memory_space<vmem>>, vector<16xf32>,
    %swap3A_135 = arith.constant 0 : i32
    %swap3A_136 = arith.constant 2 : i32
    %swap3A_137 = arith.index_cast %swap3A_135 : i32 to index
    %swap3A_138 = arith.index_cast %swap3A_136 : i32 to index
    %swap3A_139 = arith.constant 96 : index
    %swap3A_140 = tpu.vector_load %arg10[%swap3A_137, %swap3A_138, %swap3A_139] {strides = array<i32>} : memref<2x64x128xf32, #tpu.memory_space<vmem>>, vector<16xf32>,
    tpu.vector_store %arg10[%swap3A_137, %swap3A_138, %swap3A_139], %broadcast_in_dim3A_3 {strides = array<i32>} : memref<2x64x128xf32, #tpu.memory_space<vmem>>, vector<16xf32>,
    %swap3A_141 = arith.constant 0 : i32
    %swap3A_142 = arith.constant 2 : i32
    %swap3A_143 = arith.index_cast %swap3A_141 : i32 to index
    %swap3A_144 = arith.index_cast %swap3A_142 : i32 to index
    %swap3A_145 = arith.constant 112 : index
    %swap3A_146 = tpu.vector_load %arg10[%swap3A_143, %swap3A_144, %swap3A_145] {strides = array<i32>} : memref<2x64x128xf32, #tpu.memory_space<vmem>>, vector<16xf32>,
    tpu.vector_store %arg10[%swap3A_143, %swap3A_144, %swap3A_145], %broadcast_in_dim3A_3 {strides = array<i32>} : memref<2x64x128xf32, #tpu.memory_space<vmem>>, vector<16xf32>,
    %swap3A_147 = arith.constant 0 : i32
    %swap3A_148 = arith.constant 3 : i32
    %swap3A_149 = arith.index_cast %swap3A_147 : i32 to index
    %swap3A_150 = arith.index_cast %swap3A_148 : i32 to index
    %swap3A_151 = arith.constant 0 : index
    %swap3A_152 = tpu.vector_load %arg10[%swap3A_149, %swap3A_150, %swap3A_151] {strides = array<i32>} : memref<2x64x128xf32, #tpu.memory_space<vmem>>, vector<16xf32>,
    tpu.vector_store %arg10[%swap3A_149, %swap3A_150, %swap3A_151], %broadcast_in_dim3A_3 {strides = array<i32>} : memref<2x64x128xf32, #tpu.memory_space<vmem>>, vector<16xf32>,
    %swap3A_153 = arith.constant 0 : i32
    %swap3A_154 = arith.constant 3 : i32
    %swap3A_155 = arith.index_cast %swap3A_153 : i32 to index
    %swap3A_156 = arith.index_cast %swap3A_154 : i32 to index
    %swap3A_157 = arith.constant 16 : index
    %swap3A_158 = tpu.vector_load %arg10[%swap3A_155, %swap3A_156, %swap3A_157] {strides = array<i32>} : memref<2x64x128xf32, #tpu.memory_space<vmem>>, vector<16xf32>,
    tpu.vector_store %arg10[%swap3A_155, %swap3A_156, %swap3A_157], %broadcast_in_dim3A_3 {strides = array<i32>} : memref<2x64x128xf32, #tpu.memory_space<vmem>>, vector<16xf32>,
    %swap3A_159 = arith.constant 0 : i32
    %swap3A_160 = arith.constant 3 : i32
    %swap3A_161 = arith.index_cast %swap3A_159 : i32 to index
    %swap3A_162 = arith.index_cast %swap3A_160 : i32 to index
    %swap3A_163 = arith.constant 32 : index
    %swap3A_164 = tpu.vector_load %arg10[%swap3A_161, %swap3A_162, %swap3A_163] {strides = array<i32>} : memref<2x64x128xf32, #tpu.memory_space<vmem>>, vector<16xf32>,
    tpu.vector_store %arg10[%swap3A_161, %swap3A_162, %swap3A_163], %broadcast_in_dim3A_3 {strides = array<i32>} : memref<2x64x128xf32, #tpu.memory_space<vmem>>, vector<16xf32>,
    %swap3A_165 = arith.constant 0 : i32
    %swap3A_166 = arith.constant 3 : i32
    %swap3A_167 = arith.index_cast %swap3A_165 : i32 to index
    %swap3A_168 = arith.index_cast %swap3A_166 : i32 to index
    %swap3A_169 = arith.constant 48 : index
    %swap3A_170 = tpu.vector_load %arg10[%swap3A_167, %swap3A_168, %swap3A_169] {strides = array<i32>} : memref<2x64x128xf32, #tpu.memory_space<vmem>>, vector<16xf32>,
    tpu.vector_store %arg10[%swap3A_167, %swap3A_168, %swap3A_169], %broadcast_in_dim3A_3 {strides = array<i32>} : memref<2x64x128xf32, #tpu.memory_space<vmem>>, vector<16xf32>,
    %swap3A_171 = arith.constant 0 : i32
    %swap3A_172 = arith.constant 3 : i32
    %swap3A_173 = arith.index_cast %swap3A_171 : i32 to index
    %swap3A_174 = arith.index_cast %swap3A_172 : i32 to index
    %swap3A_175 = arith.constant 64 : index
    %swap3A_176 = tpu.vector_load %arg10[%swap3A_173, %swap3A_174, %swap3A_175] {strides = array<i32>} : memref<2x64x128xf32, #tpu.memory_space<vmem>>, vector<16xf32>,
    tpu.vector_store %arg10[%swap3A_173, %swap3A_174, %swap3A_175], %broadcast_in_dim3A_3 {strides = array<i32>} : memref<2x64x128xf32, #tpu.memory_space<vmem>>, vector<16xf32>,
    %swap3A_177 = arith.constant 0 : i32
    %swap3A_178 = arith.constant 3 : i32
    %swap3A_179 = arith.index_cast %swap3A_177 : i32 to index
    %swap3A_180 = arith.index_cast %swap3A_178 : i32 to index
    %swap3A_181 = arith.constant 80 : index
    %swap3A_182 = tpu.vector_load %arg10[%swap3A_179, %swap3A_180, %swap3A_181] {strides = array<i32>} : memref<2x64x128xf32, #tpu.memory_space<vmem>>, vector<16xf32>,
    tpu.vector_store %arg10[%swap3A_179, %swap3A_180, %swap3A_181], %broadcast_in_dim3A_3 {strides = array<i32>} : memref<2x64x128xf32, #tpu.memory_space<vmem>>, vector<16xf32>,
    %swap3A_183 = arith.constant 0 : i32
    %swap3A_184 = arith.constant 3 : i32
    %swap3A_185 = arith.index_cast %swap3A_183 : i32 to index
    %swap3A_186 = arith.index_cast %swap3A_184 : i32 to index
    %swap3A_187 = arith.constant 96 : index
    %swap3A_188 = tpu.vector_load %arg10[%swap3A_185, %swap3A_186, %swap3A_187] {strides = array<i32>} : memref<2x64x128xf32, #tpu.memory_space<vmem>>, vector<16xf32>,
    tpu.vector_store %arg10[%swap3A_185, %swap3A_186, %swap3A_187], %broadcast_in_dim3A_3 {strides = array<i32>} : memref<2x64x128xf32, #tpu.memory_space<vmem>>, vector<16xf32>,
    %swap3A_189 = arith.constant 0 : i32
    %swap3A_190 = arith.constant 3 : i32
    %swap3A_191 = arith.index_cast %swap3A_189 : i32 to index
    %swap3A_192 = arith.index_cast %swap3A_190 : i32 to index
    %swap3A_193 = arith.constant 112 : index
    %swap3A_194 = tpu.vector_load %arg10[%swap3A_191, %swap3A_192, %swap3A_193] {strides = array<i32>} : memref<2x64x128xf32, #tpu.memory_space<vmem>>, vector<16xf32>,
    tpu.vector_store %arg10[%swap3A_191, %swap3A_192, %swap3A_193], %broadcast_in_dim3A_3 {strides = array<i32>} : memref<2x64x128xf32, #tpu.memory_space<vmem>>, vector<16xf32>,
    %swap3A_195 = arith.constant 0 : i32
    %swap3A_196 = arith.constant 4 : i32
    %swap3A_197 = arith.index_cast %swap3A_195 : i32 to index
    %swap3A_198 = arith.index_cast %swap3A_196 : i32 to index
    %swap3A_199 = arith.constant 0 : index
    %swap3A_200 = tpu.vector_load %arg10[%swap3A_197, %swap3A_198, %swap3A_199] {strides = array<i32>} : memref<2x64x128xf32, #tpu.memory_space<vmem>>, vector<16xf32>,
    tpu.vector_store %arg10[%swap3A_197, %swap3A_198, %swap3A_199], %broadcast_in_dim3A_3 {strides = array<i32>} : memref<2x64x128xf32, #tpu.memory_space<vmem>>, vector<16xf32>,
    %swap3A_201 = arith.constant 0 : i32
    %swap3A_202 = arith.constant 4 : i32
    %swap3A_203 = arith.index_cast %swap3A_201 : i32 to index
    %swap3A_204 = arith.index_cast %swap3A_202 : i32 to index
    %swap3A_205 = arith.constant 16 : index
    %swap3A_206 = tpu.vector_load %arg10[%swap3A_203, %swap3A_204, %swap3A_205] {strides = array<i32>} : memref<2x64x128xf32, #tpu.memory_space<vmem>>, vector<16xf32>,
    tpu.vector_store %arg10[%swap3A_203, %swap3A_204, %swap3A_205], %broadcast_in_dim3A_3 {strides = array<i32>} : memref<2x64x128xf32, #tpu.memory_space<vmem>>, vector<16xf32>,
    %swap3A_207 = arith.constant 0 : i32
    %swap3A_208 = arith.constant 4 : i32
    %swap3A_209 = arith.index_cast %swap3A_207 : i32 to index
    %swap3A_210 = arith.index_cast %swap3A_208 : i32 to index
    %swap3A_211 = arith.constant 32 : index
    %swap3A_212 = tpu.vector_load %arg10[%swap3A_209, %swap3A_210, %swap3A_211] {strides = array<i32>} : memref<2x64x128xf32, #tpu.memory_space<vmem>>, vector<16xf32>,
    tpu.vector_store %arg10[%swap3A_209, %swap3A_210, %swap3A_211], %broadcast_in_dim3A_3 {strides = array<i32>} : memref<2x64x128xf32, #tpu.memory_space<vmem>>, vector<16xf32>,
    %swap3A_213 = arith.constant 0 : i32
    %swap3A_214 = arith.constant 4 : i32
    %swap3A_215 = arith.index_cast %swap3A_213 : i32 to index
    %swap3A_216 = arith.index_cast %swap3A_214 : i32 to index
    %swap3A_217 = arith.constant 48 : index
    %swap3A_218 = tpu.vector_load %arg10[%swap3A_215, %swap3A_216, %swap3A_217] {strides = array<i32>} : memref<2x64x128xf32, #tpu.memory_space<vmem>>, vector<16xf32>,
    tpu.vector_store %arg10[%swap3A_215, %swap3A_216, %swap3A_217], %broadcast_in_dim3A_3 {strides = array<i32>} : memref<2x64x128xf32, #tpu.memory_space<vmem>>, vector<16xf32>,
    %swap3A_219 = arith.constant 0 : i32
    %swap3A_220 = arith.constant 4 : i32
    %swap3A_221 = arith.index_cast %swap3A_219 : i32 to index
    %swap3A_222 = arith.index_cast %swap3A_220 : i32 to index
    %swap3A_223 = arith.constant 64 : index
    %swap3A_224 = tpu.vector_load %arg10[%swap3A_221, %swap3A_222, %swap3A_223] {strides = array<i32>} : memref<2x64x128xf32, #tpu.memory_space<vmem>>, vector<16xf32>,
    tpu.vector_store %arg10[%swap3A_221, %swap3A_222, %swap3A_223], %broadcast_in_dim3A_3 {strides = array<i32>} : memref<2x64x128xf32, #tpu.memory_space<vmem>>, vector<16xf32>,
    %swap3A_225 = arith.constant 0 : i32
    %swap3A_226 = arith.constant 4 : i32
    %swap3A_227 = arith.index_cast %swap3A_225 : i32 to index
    %swap3A_228 = arith.index_cast %swap3A_226 : i32 to index
    %swap3A_229 = arith.constant 80 : index
    %swap3A_230 = tpu.vector_load %arg10[%swap3A_227, %swap3A_228, %swap3A_229] {strides = array<i32>} : memref<2x64x128xf32, #tpu.memory_space<vmem>>, vector<16xf32>,
    tpu.vector_store %arg10[%swap3A_227, %swap3A_228, %swap3A_229], %broadcast_in_dim3A_3 {strides = array<i32>} : memref<2x64x128xf32, #tpu.memory_space<vmem>>, vector<16xf32>,
    %swap3A_231 = arith.constant 0 : i32
    %swap3A_232 = arith.constant 4 : i32
    %swap3A_233 = arith.index_cast %swap3A_231 : i32 to index
    %swap3A_234 = arith.index_cast %swap3A_232 : i32 to index
    %swap3A_235 = arith.constant 96 : index
    %swap3A_236 = tpu.vector_load %arg10[%swap3A_233, %swap3A_234, %swap3A_235] {strides = array<i32>} : memref<2x64x128xf32, #tpu.memory_space<vmem>>, vector<16xf32>,
    tpu.vector_store %arg10[%swap3A_233, %swap3A_234, %swap3A_235], %broadcast_in_dim3A_3 {strides = array<i32>} : memref<2x64x128xf32, #tpu.memory_space<vmem>>, vector<16xf32>,
    %swap3A_237 = arith.constant 0 : i32
    %swap3A_238 = arith.constant 4 : i32
    %swap3A_239 = arith.index_cast %swap3A_237 : i32 to index
    %swap3A_240 = arith.index_cast %swap3A_238 : i32 to index
    %swap3A_241 = arith.constant 112 : index
    %swap3A_242 = tpu.vector_load %arg10[%swap3A_239, %swap3A_240, %swap3A_241] {strides = array<i32>} : memref<2x64x128xf32, #tpu.memory_space<vmem>>, vector<16xf32>,
    tpu.vector_store %arg10[%swap3A_239, %swap3A_240, %swap3A_241], %broadcast_in_dim3A_3 {strides = array<i32>} : memref<2x64x128xf32, #tpu.memory_space<vmem>>, vector<16xf32>,
    %swap3A_243 = arith.constant 0 : i32
    %swap3A_244 = arith.constant 5 : i32
    %swap3A_245 = arith.index_cast %swap3A_243 : i32 to index
    %swap3A_246 = arith.index_cast %swap3A_244 : i32 to index
    %swap3A_247 = arith.constant 0 : index
    %swap3A_248 = tpu.vector_load %arg10[%swap3A_245, %swap3A_246, %swap3A_247] {strides = array<i32>} : memref<2x64x128xf32, #tpu.memory_space<vmem>>, vector<16xf32>,
    tpu.vector_store %arg10[%swap3A_245, %swap3A_246, %swap3A_247], %broadcast_in_dim3A_3 {strides = array<i32>} : memref<2x64x128xf32, #tpu.memory_space<vmem>>, vector<16xf32>,
    %swap3A_249 = arith.constant 0 : i32
    %swap3A_250 = arith.constant 5 : i32
    %swap3A_251 = arith.index_cast %swap3A_249 : i32 to index
    %swap3A_252 = arith.index_cast %swap3A_250 : i32 to index
    %swap3A_253 = arith.constant 16 : index
    %swap3A_254 = tpu.vector_load %arg10[%swap3A_251, %swap3A_252, %swap3A_253] {strides = array<i32>} : memref<2x64x128xf32, #tpu.memory_space<vmem>>, vector<16xf32>,
    tpu.vector_store %arg10[%swap3A_251, %swap3A_252, %swap3A_253], %broadcast_in_dim3A_3 {strides = array<i32>} : memref<2x64x128xf32, #tpu.memory_space<vmem>>, vector<16xf32>,
    %swap3A_255 = arith.constant 0 : i32
    %swap3A_256 = arith.constant 5 : i32
    %swap3A_257 = arith.index_cast %swap3A_255 : i32 to index
    %swap3A_258 = arith.index_cast %swap3A_256 : i32 to index
    %swap3A_259 = arith.constant 32 : index
    %swap3A_260 = tpu.vector_load %arg10[%swap3A_257, %swap3A_258, %swap3A_259] {strides = array<i32>} : memref<2x64x128xf32, #tpu.memory_space<vmem>>, vector<16xf32>,
    tpu.vector_store %arg10[%swap3A_257, %swap3A_258, %swap3A_259], %broadcast_in_dim3A_3 {strides = array<i32>} : memref<2x64x128xf32, #tpu.memory_space<vmem>>, vector<16xf32>,
    %swap3A_261 = arith.constant 0 : i32
    %swap3A_262 = arith.constant 5 : i32
    %swap3A_263 = arith.index_cast %swap3A_261 : i32 to index
    %swap3A_264 = arith.index_cast %swap3A_262 : i32 to index
    %swap3A_265 = arith.constant 48 : index
    %swap3A_266 = tpu.vector_load %arg10[%swap3A_263, %swap3A_264, %swap3A_265] {strides = array<i32>} : memref<2x64x128xf32, #tpu.memory_space<vmem>>, vector<16xf32>,
    tpu.vector_store %arg10[%swap3A_263, %swap3A_264, %swap3A_265], %broadcast_in_dim3A_3 {strides = array<i32>} : memref<2x64x128xf32, #tpu.memory_space<vmem>>, vector<16xf32>,
    %swap3A_267 = arith.constant 0 : i32
    %swap3A_268 = arith.constant 5 : i32
    %swap3A_269 = arith.index_cast %swap3A_267 : i32 to index
    %swap3A_270 = arith.index_cast %swap3A_268 : i32 to index
    %swap3A_271 = arith.constant 64 : index
    %swap3A_272 = tpu.vector_load %arg10[%swap3A_269, %swap3A_270, %swap3A_271] {strides = array<i32>} : memref<2x64x128xf32, #tpu.memory_space<vmem>>, vector<16xf32>,
    tpu.vector_store %arg10[%swap3A_269, %swap3A_270, %swap3A_271], %broadcast_in_dim3A_3 {strides = array<i32>} : memref<2x64x128xf32, #tpu.memory_space<vmem>>, vector<16xf32>,
    %swap3A_273 = arith.constant 0 : i32
    %swap3A_274 = arith.constant 5 : i32
    %swap3A_275 = arith.index_cast %swap3A_273 : i32 to index
    %swap3A_276 = arith.index_cast %swap3A_274 : i32 to index
    %swap3A_277 = arith.constant 80 : index
    %swap3A_278 = tpu.vector_load %arg10[%swap3A_275, %swap3A_276, %swap3A_277] {strides = array<i32>} : memref<2x64x128xf32, #tpu.memory_space<vmem>>, vector<16xf32>,
    tpu.vector_store %arg10[%swap3A_275, %swap3A_276, %swap3A_277], %broadcast_in_dim3A_3 {strides = array<i32>} : memref<2x64x128xf32, #tpu.memory_space<vmem>>, vector<16xf32>,
    %swap3A_279 = arith.constant 0 : i32
    %swap3A_280 = arith.constant 5 : i32
    %swap3A_281 = arith.index_cast %swap3A_279 : i32 to index
    %swap3A_282 = arith.index_cast %swap3A_280 : i32 to index
    %swap3A_283 = arith.constant 96 : index
    %swap3A_284 = tpu.vector_load %arg10[%swap3A_281, %swap3A_282, %swap3A_283] {strides = array<i32>} : memref<2x64x128xf32, #tpu.memory_space<vmem>>, vector<16xf32>,
    tpu.vector_store %arg10[%swap3A_281, %swap3A_282, %swap3A_283], %broadcast_in_dim3A_3 {strides = array<i32>} : memref<2x64x128xf32, #tpu.memory_space<vmem>>, vector<16xf32>,
    %swap3A_285 = arith.constant 0 : i32
    %swap3A_286 = arith.constant 5 : i32
    %swap3A_287 = arith.index_cast %swap3A_285 : i32 to index
    %swap3A_288 = arith.index_cast %swap3A_286 : i32 to index
    %swap3A_289 = arith.constant 112 : index
    %swap3A_290 = tpu.vector_load %arg10[%swap3A_287, %swap3A_288, %swap3A_289] {strides = array<i32>} : memref<2x64x128xf32, #tpu.memory_space<vmem>>, vector<16xf32>,
    tpu.vector_store %arg10[%swap3A_287, %swap3A_288, %swap3A_289], %broadcast_in_dim3A_3 {strides = array<i32>} : memref<2x64x128xf32, #tpu.memory_space<vmem>>, vector<16xf32>,
    %swap3A_291 = arith.constant 0 : i32
    %swap3A_292 = arith.constant 6 : i32
    %swap3A_293 = arith.index_cast %swap3A_291 : i32 to index
    %swap3A_294 = arith.index_cast %swap3A_292 : i32 to index
    %swap3A_295 = arith.constant 0 : index
    %swap3A_296 = tpu.vector_load %arg10[%swap3A_293, %swap3A_294, %swap3A_295] {strides = array<i32>} : memref<2x64x128xf32, #tpu.memory_space<vmem>>, vector<16xf32>,
    tpu.vector_store %arg10[%swap3A_293, %swap3A_294, %swap3A_295], %broadcast_in_dim3A_3 {strides = array<i32>} : memref<2x64x128xf32, #tpu.memory_space<vmem>>, vector<16xf32>,
    %swap3A_297 = arith.constant 0 : i32
    %swap3A_298 = arith.constant 6 : i32
    %swap3A_299 = arith.index_cast %swap3A_297 : i32 to index
    %swap3A_300 = arith.index_cast %swap3A_298 : i32 to index
    %swap3A_301 = arith.constant 16 : index
    %swap3A_302 = tpu.vector_load %arg10[%swap3A_299, %swap3A_300, %swap3A_301] {strides = array<i32>} : memref<2x64x128xf32, #tpu.memory_space<vmem>>, vector<16xf32>,
    tpu.vector_store %arg10[%swap3A_299, %swap3A_300, %swap3A_301], %broadcast_in_dim3A_3 {strides = array<i32>} : memref<2x64x128xf32, #tpu.memory_space<vmem>>, vector<16xf32>,
    %swap3A_303 = arith.constant 0 : i32
    %swap3A_304 = arith.constant 6 : i32
    %swap3A_305 = arith.index_cast %swap3A_303 : i32 to index
    %swap3A_306 = arith.index_cast %swap3A_304 : i32 to index
    %swap3A_307 = arith.constant 32 : index
    %swap3A_308 = tpu.vector_load %arg10[%swap3A_305, %swap3A_306, %swap3A_307] {strides = array<i32>} : memref<2x64x128xf32, #tpu.memory_space<vmem>>, vector<16xf32>,
    tpu.vector_store %arg10[%swap3A_305, %swap3A_306, %swap3A_307], %broadcast_in_dim3A_3 {strides = array<i32>} : memref<2x64x128xf32, #tpu.memory_space<vmem>>, vector<16xf32>,
    %swap3A_309 = arith.constant 0 : i32
    %swap3A_310 = arith.constant 6 : i32
    %swap3A_311 = arith.index_cast %swap3A_309 : i32 to index
    %swap3A_312 = arith.index_cast %swap3A_310 : i32 to index
    %swap3A_313 = arith.constant 48 : index
    %swap3A_314 = tpu.vector_load %arg10[%swap3A_311, %swap3A_312, %swap3A_313] {strides = array<i32>} : memref<2x64x128xf32, #tpu.memory_space<vmem>>, vector<16xf32>,
    tpu.vector_store %arg10[%swap3A_311, %swap3A_312, %swap3A_313], %broadcast_in_dim3A_3 {strides = array<i32>} : memref<2x64x128xf32, #tpu.memory_space<vmem>>, vector<16xf32>,
    %swap3A_315 = arith.constant 0 : i32
    %swap3A_316 = arith.constant 6 : i32
    %swap3A_317 = arith.index_cast %swap3A_315 : i32 to index
    %swap3A_318 = arith.index_cast %swap3A_316 : i32 to index
    %swap3A_319 = arith.constant 64 : index
    %swap3A_320 = tpu.vector_load %arg10[%swap3A_317, %swap3A_318, %swap3A_319] {strides = array<i32>} : memref<2x64x128xf32, #tpu.memory_space<vmem>>, vector<16xf32>,
    tpu.vector_store %arg10[%swap3A_317, %swap3A_318, %swap3A_319], %broadcast_in_dim3A_3 {strides = array<i32>} : memref<2x64x128xf32, #tpu.memory_space<vmem>>, vector<16xf32>,
    %swap3A_321 = arith.constant 0 : i32
    %swap3A_322 = arith.constant 6 : i32
    %swap3A_323 = arith.index_cast %swap3A_321 : i32 to index
    %swap3A_324 = arith.index_cast %swap3A_322 : i32 to index
    %swap3A_325 = arith.constant 80 : index
    %swap3A_326 = tpu.vector_load %arg10[%swap3A_323, %swap3A_324, %swap3A_325] {strides = array<i32>} : memref<2x64x128xf32, #tpu.memory_space<vmem>>, vector<16xf32>,
    tpu.vector_store %arg10[%swap3A_323, %swap3A_324, %swap3A_325], %broadcast_in_dim3A_3 {strides = array<i32>} : memref<2x64x128xf32, #tpu.memory_space<vmem>>, vector<16xf32>,
    %swap3A_327 = arith.constant 0 : i32
    %swap3A_328 = arith.constant 6 : i32
    %swap3A_329 = arith.index_cast %swap3A_327 : i32 to index
    %swap3A_330 = arith.index_cast %swap3A_328 : i32 to index
    %swap3A_331 = arith.constant 96 : index
    %swap3A_332 = tpu.vector_load %arg10[%swap3A_329, %swap3A_330, %swap3A_331] {strides = array<i32>} : memref<2x64x128xf32, #tpu.memory_space<vmem>>, vector<16xf32>,
    tpu.vector_store %arg10[%swap3A_329, %swap3A_330, %swap3A_331], %broadcast_in_dim3A_3 {strides = array<i32>} : memref<2x64x128xf32, #tpu.memory_space<vmem>>, vector<16xf32>,
    %swap3A_333 = arith.constant 0 : i32
    %swap3A_334 = arith.constant 6 : i32
    %swap3A_335 = arith.index_cast %swap3A_333 : i32 to index
    %swap3A_336 = arith.index_cast %swap3A_334 : i32 to index
    %swap3A_337 = arith.constant 112 : index
    %swap3A_338 = tpu.vector_load %arg10[%swap3A_335, %swap3A_336, %swap3A_337] {strides = array<i32>} : memref<2x64x128xf32, #tpu.memory_space<vmem>>, vector<16xf32>,
    tpu.vector_store %arg10[%swap3A_335, %swap3A_336, %swap3A_337], %broadcast_in_dim3A_3 {strides = array<i32>} : memref<2x64x128xf32, #tpu.memory_space<vmem>>, vector<16xf32>,
    %swap3A_339 = arith.constant 0 : i32
    %swap3A_340 = arith.constant 7 : i32
    %swap3A_341 = arith.index_cast %swap3A_339 : i32 to index
    %swap3A_342 = arith.index_cast %swap3A_340 : i32 to index
    %swap3A_343 = arith.constant 0 : index
    %swap3A_344 = tpu.vector_load %arg10[%swap3A_341, %swap3A_342, %swap3A_343] {strides = array<i32>} : memref<2x64x128xf32, #tpu.memory_space<vmem>>, vector<16xf32>,
    tpu.vector_store %arg10[%swap3A_341, %swap3A_342, %swap3A_343], %broadcast_in_dim3A_3 {strides = array<i32>} : memref<2x64x128xf32, #tpu.memory_space<vmem>>, vector<16xf32>,
    %swap3A_345 = arith.constant 0 : i32
    %swap3A_346 = arith.constant 7 : i32
    %swap3A_347 = arith.index_cast %swap3A_345 : i32 to index
    %swap3A_348 = arith.index_cast %swap3A_346 : i32 to index
    %swap3A_349 = arith.constant 16 : index
    %swap3A_350 = tpu.vector_load %arg10[%swap3A_347, %swap3A_348, %swap3A_349] {strides = array<i32>} : memref<2x64x128xf32, #tpu.memory_space<vmem>>, vector<16xf32>,
    tpu.vector_store %arg10[%swap3A_347, %swap3A_348, %swap3A_349], %broadcast_in_dim3A_3 {strides = array<i32>} : memref<2x64x128xf32, #tpu.memory_space<vmem>>, vector<16xf32>,
    %swap3A_351 = arith.constant 0 : i32
    %swap3A_352 = arith.constant 7 : i32
    %swap3A_353 = arith.index_cast %swap3A_351 : i32 to index
    %swap3A_354 = arith.index_cast %swap3A_352 : i32 to index
    %swap3A_355 = arith.constant 32 : index
    %swap3A_356 = tpu.vector_load %arg10[%swap3A_353, %swap3A_354, %swap3A_355] {strides = array<i32>} : memref<2x64x128xf32, #tpu.memory_space<vmem>>, vector<16xf32>,
    tpu.vector_store %arg10[%swap3A_353, %swap3A_354, %swap3A_355], %broadcast_in_dim3A_3 {strides = array<i32>} : memref<2x64x128xf32, #tpu.memory_space<vmem>>, vector<16xf32>,
    %swap3A_357 = arith.constant 0 : i32
    %swap3A_358 = arith.constant 7 : i32
    %swap3A_359 = arith.index_cast %swap3A_357 : i32 to index
    %swap3A_360 = arith.index_cast %swap3A_358 : i32 to index
    %swap3A_361 = arith.constant 48 : index
    %swap3A_362 = tpu.vector_load %arg10[%swap3A_359, %swap3A_360, %swap3A_361] {strides = array<i32>} : memref<2x64x128xf32, #tpu.memory_space<vmem>>, vector<16xf32>,
    tpu.vector_store %arg10[%swap3A_359, %swap3A_360, %swap3A_361], %broadcast_in_dim3A_3 {strides = array<i32>} : memref<2x64x128xf32, #tpu.memory_space<vmem>>, vector<16xf32>,
    %swap3A_363 = arith.constant 0 : i32
    %swap3A_364 = arith.constant 7 : i32
    %swap3A_365 = arith.index_cast %swap3A_363 : i32 to index
    %swap3A_366 = arith.index_cast %swap3A_364 : i32 to index
    %swap3A_367 = arith.constant 64 : index
    %swap3A_368 = tpu.vector_load %arg10[%swap3A_365, %swap3A_366, %swap3A_367] {strides = array<i32>} : memref<2x64x128xf32, #tpu.memory_space<vmem>>, vector<16xf32>,
    tpu.vector_store %arg10[%swap3A_365, %swap3A_366, %swap3A_367], %broadcast_in_dim3A_3 {strides = array<i32>} : memref<2x64x128xf32, #tpu.memory_space<vmem>>, vector<16xf32>,
    %swap3A_369 = arith.constant 0 : i32
    %swap3A_370 = arith.constant 7 : i32
    %swap3A_371 = arith.index_cast %swap3A_369 : i32 to index
    %swap3A_372 = arith.index_cast %swap3A_370 : i32 to index
    %swap3A_373 = arith.constant 80 : index
    %swap3A_374 = tpu.vector_load %arg10[%swap3A_371, %swap3A_372, %swap3A_373] {strides = array<i32>} : memref<2x64x128xf32, #tpu.memory_space<vmem>>, vector<16xf32>,
    tpu.vector_store %arg10[%swap3A_371, %swap3A_372, %swap3A_373], %broadcast_in_dim3A_3 {strides = array<i32>} : memref<2x64x128xf32, #tpu.memory_space<vmem>>, vector<16xf32>,
    %swap3A_375 = arith.constant 0 : i32
    %swap3A_376 = arith.constant 7 : i32
    %swap3A_377 = arith.index_cast %swap3A_375 : i32 to index
    %swap3A_378 = arith.index_cast %swap3A_376 : i32 to index
    %swap3A_379 = arith.constant 96 : index
    %swap3A_380 = tpu.vector_load %arg10[%swap3A_377, %swap3A_378, %swap3A_379] {strides = array<i32>} : memref<2x64x128xf32, #tpu.memory_space<vmem>>, vector<16xf32>,
    tpu.vector_store %arg10[%swap3A_377, %swap3A_378, %swap3A_379], %broadcast_in_dim3A_3 {strides = array<i32>} : memref<2x64x128xf32, #tpu.memory_space<vmem>>, vector<16xf32>,
    %swap3A_381 = arith.constant 0 : i32
    %swap3A_382 = arith.constant 7 : i32
    %swap3A_383 = arith.index_cast %swap3A_381 : i32 to index
    %swap3A_384 = arith.index_cast %swap3A_382 : i32 to index
    %swap3A_385 = arith.constant 112 : index
    %swap3A_386 = tpu.vector_load %arg10[%swap3A_383, %swap3A_384, %swap3A_385] {strides = array<i32>} : memref<2x64x128xf32, #tpu.memory_space<vmem>>, vector<16xf32>,
    tpu.vector_store %arg10[%swap3A_383, %swap3A_384, %swap3A_385], %broadcast_in_dim3A_3 {strides = array<i32>} : memref<2x64x128xf32, #tpu.memory_space<vmem>>, vector<16xf32>,
    %swap3A_387 = arith.constant 0 : i32
    %swap3A_388 = arith.constant 8 : i32
    %swap3A_389 = arith.index_cast %swap3A_387 : i32 to index
    %swap3A_390 = arith.index_cast %swap3A_388 : i32 to index
    %swap3A_391 = arith.constant 0 : index
    %swap3A_392 = tpu.vector_load %arg10[%swap3A_389, %swap3A_390, %swap3A_391] {strides = array<i32>} : memref<2x64x128xf32, #tpu.memory_space<vmem>>, vector<16xf32>,
    tpu.vector_store %arg10[%swap3A_389, %swap3A_390, %swap3A_391], %broadcast_in_dim3A_3 {strides = array<i32>} : memref<2x64x128xf32, #tpu.memory_space<vmem>>, vector<16xf32>,
    %swap3A_393 = arith.constant 0 : i32
    %swap3A_394 = arith.constant 8 : i32
    %swap3A_395 = arith.index_cast %swap3A_393 : i32 to index
    %swap3A_396 = arith.index_cast %swap3A_394 : i32 to index
    %swap3A_397 = arith.constant 16 : index
    %swap3A_398 = tpu.vector_load %arg10[%swap3A_395, %swap3A_396, %swap3A_397] {strides = array<i32>} : memref<2x64x128xf32, #tpu.memory_space<vmem>>, vector<16xf32>,
    tpu.vector_store %arg10[%swap3A_395, %swap3A_396, %swap3A_397], %broadcast_in_dim3A_3 {strides = array<i32>} : memref<2x64x128xf32, #tpu.memory_space<vmem>>, vector<16xf32>,
    %swap3A_399 = arith.constant 0 : i32
    %swap3A_400 = arith.constant 8 : i32
    %swap3A_401 = arith.index_cast %swap3A_399 : i32 to index
    %swap3A_402 = arith.index_cast %swap3A_400 : i32 to index
    %swap3A_403 = arith.constant 32 : index
    %swap3A_404 = tpu.vector_load %arg10[%swap3A_401, %swap3A_402, %swap3A_403] {strides = array<i32>} : memref<2x64x128xf32, #tpu.memory_space<vmem>>, vector<16xf32>,
    tpu.vector_store %arg10[%swap3A_401, %swap3A_402, %swap3A_403], %broadcast_in_dim3A_3 {strides = array<i32>} : memref<2x64x128xf32, #tpu.memory_space<vmem>>, vector<16xf32>,
    %swap3A_405 = arith.constant 0 : i32
    %swap3A_406 = arith.constant 8 : i32
    %swap3A_407 = arith.index_cast %swap3A_405 : i32 to index
    %swap3A_408 = arith.index_cast %swap3A_406 : i32 to index
    %swap3A_409 = arith.constant 48 : index
    %swap3A_410 = tpu.vector_load %arg10[%swap3A_407, %swap3A_408, %swap3A_409] {strides = array<i32>} : memref<2x64x128xf32, #tpu.memory_space<vmem>>, vector<16xf32>,
    tpu.vector_store %arg10[%swap3A_407, %swap3A_408, %swap3A_409], %broadcast_in_dim3A_3 {strides = array<i32>} : memref<2x64x128xf32, #tpu.memory_space<vmem>>, vector<16xf32>,
    %swap3A_411 = arith.constant 0 : i32
    %swap3A_412 = arith.constant 8 : i32
    %swap3A_413 = arith.index_cast %swap3A_411 : i32 to index
    %swap3A_414 = arith.index_cast %swap3A_412 : i32 to index
    %swap3A_415 = arith.constant 64 : index
    %swap3A_416 = tpu.vector_load %arg10[%swap3A_413, %swap3A_414, %swap3A_415] {strides = array<i32>} : memref<2x64x128xf32, #tpu.memory_space<vmem>>, vector<16xf32>,
    tpu.vector_store %arg10[%swap3A_413, %swap3A_414, %swap3A_415], %broadcast_in_dim3A_3 {strides = array<i32>} : memref<2x64x128xf32, #tpu.memory_space<vmem>>, vector<16xf32>,
    %swap3A_417 = arith.constant 0 : i32
    %swap3A_418 = arith.constant 8 : i32
    %swap3A_419 = arith.index_cast %swap3A_417 : i32 to index
    %swap3A_420 = arith.index_cast %swap3A_418 : i32 to index
    %swap3A_421 = arith.constant 80 : index
    %swap3A_422 = tpu.vector_load %arg10[%swap3A_419, %swap3A_420, %swap3A_421] {strides = array<i32>} : memref<2x64x128xf32, #tpu.memory_space<vmem>>, vector<16xf32>,
    tpu.vector_store %arg10[%swap3A_419, %swap3A_420, %swap3A_421], %broadcast_in_dim3A_3 {strides = array<i32>} : memref<2x64x128xf32, #tpu.memory_space<vmem>>, vector<16xf32>,
    %swap3A_423 = arith.constant 0 : i32
    %swap3A_424 = arith.constant 8 : i32
    %swap3A_425 = arith.index_cast %swap3A_423 : i32 to index
    %swap3A_426 = arith.index_cast %swap3A_424 : i32 to index
    %swap3A_427 = arith.constant 96 : index
    %swap3A_428 = tpu.vector_load %arg10[%swap3A_425, %swap3A_426, %swap3A_427] {strides = array<i32>} : memref<2x64x128xf32, #tpu.memory_space<vmem>>, vector<16xf32>,
    tpu.vector_store %arg10[%swap3A_425, %swap3A_426, %swap3A_427], %broadcast_in_dim3A_3 {strides = array<i32>} : memref<2x64x128xf32, #tpu.memory_space<vmem>>, vector<16xf32>,
    %swap3A_429 = arith.constant 0 : i32
    %swap3A_430 = arith.constant 8 : i32
    %swap3A_431 = arith.index_cast %swap3A_429 : i32 to index
    %swap3A_432 = arith.index_cast %swap3A_430 : i32 to index
    %swap3A_433 = arith.constant 112 : index
    %swap3A_434 = tpu.vector_load %arg10[%swap3A_431, %swap3A_432, %swap3A_433] {strides = array<i32>} : memref<2x64x128xf32, #tpu.memory_space<vmem>>, vector<16xf32>,
    tpu.vector_store %arg10[%swap3A_431, %swap3A_432, %swap3A_433], %broadcast_in_dim3A_3 {strides = array<i32>} : memref<2x64x128xf32, #tpu.memory_space<vmem>>, vector<16xf32>,
    %swap3A_435 = arith.constant 0 : i32
    %swap3A_436 = arith.constant 9 : i32
    %swap3A_437 = arith.index_cast %swap3A_435 : i32 to index
    %swap3A_438 = arith.index_cast %swap3A_436 : i32 to index
    %swap3A_439 = arith.constant 0 : index
    %swap3A_440 = tpu.vector_load %arg10[%swap3A_437, %swap3A_438, %swap3A_439] {strides = array<i32>} : memref<2x64x128xf32, #tpu.memory_space<vmem>>, vector<16xf32>,
    tpu.vector_store %arg10[%swap3A_437, %swap3A_438, %swap3A_439], %broadcast_in_dim3A_3 {strides = array<i32>} : memref<2x64x128xf32, #tpu.memory_space<vmem>>, vector<16xf32>,
    %swap3A_441 = arith.constant 0 : i32
    %swap3A_442 = arith.constant 9 : i32
    %swap3A_443 = arith.index_cast %swap3A_441 : i32 to index
    %swap3A_444 = arith.index_cast %swap3A_442 : i32 to index
    %swap3A_445 = arith.constant 16 : index
    %swap3A_446 = tpu.vector_load %arg10[%swap3A_443, %swap3A_444, %swap3A_445] {strides = array<i32>} : memref<2x64x128xf32, #tpu.memory_space<vmem>>, vector<16xf32>,
    tpu.vector_store %arg10[%swap3A_443, %swap3A_444, %swap3A_445], %broadcast_in_dim3A_3 {strides = array<i32>} : memref<2x64x128xf32, #tpu.memory_space<vmem>>, vector<16xf32>,
    %swap3A_447 = arith.constant 0 : i32
    %swap3A_448 = arith.constant 9 : i32
    %swap3A_449 = arith.index_cast %swap3A_447 : i32 to index
    %swap3A_450 = arith.index_cast %swap3A_448 : i32 to index
    %swap3A_451 = arith.constant 32 : index
    %swap3A_452 = tpu.vector_load %arg10[%swap3A_449, %swap3A_450, %swap3A_451] {strides = array<i32>} : memref<2x64x128xf32, #tpu.memory_space<vmem>>, vector<16xf32>,
    tpu.vector_store %arg10[%swap3A_449, %swap3A_450, %swap3A_451], %broadcast_in_dim3A_3 {strides = array<i32>} : memref<2x64x128xf32, #tpu.memory_space<vmem>>, vector<16xf32>,
    %swap3A_453 = arith.constant 0 : i32
    %swap3A_454 = arith.constant 9 : i32
    %swap3A_455 = arith.index_cast %swap3A_453 : i32 to index
    %swap3A_456 = arith.index_cast %swap3A_454 : i32 to index
    %swap3A_457 = arith.constant 48 : index
    %swap3A_458 = tpu.vector_load %arg10[%swap3A_455, %swap3A_456, %swap3A_457] {strides = array<i32>} : memref<2x64x128xf32, #tpu.memory_space<vmem>>, vector<16xf32>,
    tpu.vector_store %arg10[%swap3A_455, %swap3A_456, %swap3A_457], %broadcast_in_dim3A_3 {strides = array<i32>} : memref<2x64x128xf32, #tpu.memory_space<vmem>>, vector<16xf32>,
    %swap3A_459 = arith.constant 0 : i32
    %swap3A_460 = arith.constant 9 : i32
    %swap3A_461 = arith.index_cast %swap3A_459 : i32 to index
    %swap3A_462 = arith.index_cast %swap3A_460 : i32 to index
    %swap3A_463 = arith.constant 64 : index
    %swap3A_464 = tpu.vector_load %arg10[%swap3A_461, %swap3A_462, %swap3A_463] {strides = array<i32>} : memref<2x64x128xf32, #tpu.memory_space<vmem>>, vector<16xf32>,
    tpu.vector_store %arg10[%swap3A_461, %swap3A_462, %swap3A_463], %broadcast_in_dim3A_3 {strides = array<i32>} : memref<2x64x128xf32, #tpu.memory_space<vmem>>, vector<16xf32>,
    %swap3A_465 = arith.constant 0 : i32
    %swap3A_466 = arith.constant 9 : i32
    %swap3A_467 = arith.index_cast %swap3A_465 : i32 to index
    %swap3A_468 = arith.index_cast %swap3A_466 : i32 to index
    %swap3A_469 = arith.constant 80 : index
    %swap3A_470 = tpu.vector_load %arg10[%swap3A_467, %swap3A_468, %swap3A_469] {strides = array<i32>} : memref<2x64x128xf32, #tpu.memory_space<vmem>>, vector<16xf32>,
    tpu.vector_store %arg10[%swap3A_467, %swap3A_468, %swap3A_469], %broadcast_in_dim3A_3 {strides = array<i32>} : memref<2x64x128xf32, #tpu.memory_space<vmem>>, vector<16xf32>,
    %swap3A_471 = arith.constant 0 : i32
    %swap3A_472 = arith.constant 9 : i32
    %swap3A_473 = arith.index_cast %swap3A_471 : i32 to index
    %swap3A_474 = arith.index_cast %swap3A_472 : i32 to index
    %swap3A_475 = arith.constant 96 : index
    %swap3A_476 = tpu.vector_load %arg10[%swap3A_473, %swap3A_474, %swap3A_475] {strides = array<i32>} : memref<2x64x128xf32, #tpu.memory_space<vmem>>, vector<16xf32>,
    tpu.vector_store %arg10[%swap3A_473, %swap3A_474, %swap3A_475], %broadcast_in_dim3A_3 {strides = array<i32>} : memref<2x64x128xf32, #tpu.memory_space<vmem>>, vector<16xf32>,
    %swap3A_477 = arith.constant 0 : i32
    %swap3A_478 = arith.constant 9 : i32
    %swap3A_479 = arith.index_cast %swap3A_477 : i32 to index
    %swap3A_480 = arith.index_cast %swap3A_478 : i32 to index
    %swap3A_481 = arith.constant 112 : index
    %swap3A_482 = tpu.vector_load %arg10[%swap3A_479, %swap3A_480, %swap3A_481] {strides = array<i32>} : memref<2x64x128xf32, #tpu.memory_space<vmem>>, vector<16xf32>,
    tpu.vector_store %arg10[%swap3A_479, %swap3A_480, %swap3A_481], %broadcast_in_dim3A_3 {strides = array<i32>} : memref<2x64x128xf32, #tpu.memory_space<vmem>>, vector<16xf32>,
    %swap3A_483 = arith.constant 0 : i32
    %swap3A_484 = arith.constant 10 : i32
    %swap3A_485 = arith.index_cast %swap3A_483 : i32 to index
    %swap3A_486 = arith.index_cast %swap3A_484 : i32 to index
    %swap3A_487 = arith.constant 0 : index
    %swap3A_488 = tpu.vector_load %arg10[%swap3A_485, %swap3A_486, %swap3A_487] {strides = array<i32>} : memref<2x64x128xf32, #tpu.memory_space<vmem>>, vector<16xf32>,
    tpu.vector_store %arg10[%swap3A_485, %swap3A_486, %swap3A_487], %broadcast_in_dim3A_3 {strides = array<i32>} : memref<2x64x128xf32, #tpu.memory_space<vmem>>, vector<16xf32>,
    %swap3A_489 = arith.constant 0 : i32
    %swap3A_490 = arith.constant 10 : i32
    %swap3A_491 = arith.index_cast %swap3A_489 : i32 to index
    %swap3A_492 = arith.index_cast %swap3A_490 : i32 to index
    %swap3A_493 = arith.constant 16 : index
    %swap3A_494 = tpu.vector_load %arg10[%swap3A_491, %swap3A_492, %swap3A_493] {strides = array<i32>} : memref<2x64x128xf32, #tpu.memory_space<vmem>>, vector<16xf32>,
    tpu.vector_store %arg10[%swap3A_491, %swap3A_492, %swap3A_493], %broadcast_in_dim3A_3 {strides = array<i32>} : memref<2x64x128xf32, #tpu.memory_space<vmem>>, vector<16xf32>,
    %swap3A_495 = arith.constant 0 : i32
    %swap3A_496 = arith.constant 10 : i32
    %swap3A_497 = arith.index_cast %swap3A_495 : i32 to index
    %swap3A_498 = arith.index_cast %swap3A_496 : i32 to index
    %swap3A_499 = arith.constant 32 : index
    %swap3A_500 = tpu.vector_load %arg10[%swap3A_497, %swap3A_498, %swap3A_499] {strides = array<i32>} : memref<2x64x128xf32, #tpu.memory_space<vmem>>, vector<16xf32>,
    tpu.vector_store %arg10[%swap3A_497, %swap3A_498, %swap3A_499], %broadcast_in_dim3A_3 {strides = array<i32>} : memref<2x64x128xf32, #tpu.memory_space<vmem>>, vector<16xf32>,
    %swap3A_501 = arith.constant 0 : i32
    %swap3A_502 = arith.constant 10 : i32
    %swap3A_503 = arith.index_cast %swap3A_501 : i32 to index
    %swap3A_504 = arith.index_cast %swap3A_502 : i32 to index
    %swap3A_505 = arith.constant 48 : index
    %swap3A_506 = tpu.vector_load %arg10[%swap3A_503, %swap3A_504, %swap3A_505] {strides = array<i32>} : memref<2x64x128xf32, #tpu.memory_space<vmem>>, vector<16xf32>,
    tpu.vector_store %arg10[%swap3A_503, %swap3A_504, %swap3A_505], %broadcast_in_dim3A_3 {strides = array<i32>} : memref<2x64x128xf32, #tpu.memory_space<vmem>>, vector<16xf32>,
    %swap3A_507 = arith.constant 0 : i32
    %swap3A_508 = arith.constant 10 : i32
    %swap3A_509 = arith.index_cast %swap3A_507 : i32 to index
    %swap3A_510 = arith.index_cast %swap3A_508 : i32 to index
    %swap3A_511 = arith.constant 64 : index
    %swap3A_512 = tpu.vector_load %arg10[%swap3A_509, %swap3A_510, %swap3A_511] {strides = array<i32>} : memref<2x64x128xf32, #tpu.memory_space<vmem>>, vector<16xf32>,
    tpu.vector_store %arg10[%swap3A_509, %swap3A_510, %swap3A_511], %broadcast_in_dim3A_3 {strides = array<i32>} : memref<2x64x128xf32, #tpu.memory_space<vmem>>, vector<16xf32>,
    %swap3A_513 = arith.constant 0 : i32
    %swap3A_514 = arith.constant 10 : i32
    %swap3A_515 = arith.index_cast %swap3A_513 : i32 to index
    %swap3A_516 = arith.index_cast %swap3A_514 : i32 to index
    %swap3A_517 = arith.constant 80 : index
    %swap3A_518 = tpu.vector_load %arg10[%swap3A_515, %swap3A_516, %swap3A_517] {strides = array<i32>} : memref<2x64x128xf32, #tpu.memory_space<vmem>>, vector<16xf32>,
    tpu.vector_store %arg10[%swap3A_515, %swap3A_516, %swap3A_517], %broadcast_in_dim3A_3 {strides = array<i32>} : memref<2x64x128xf32, #tpu.memory_space<vmem>>, vector<16xf32>,
    %swap3A_519 = arith.constant 0 : i32
    %swap3A_520 = arith.constant 10 : i32
    %swap3A_521 = arith.index_cast %swap3A_519 : i32 to index
    %swap3A_522 = arith.index_cast %swap3A_520 : i32 to index
    %swap3A_523 = arith.constant 96 : index
    %swap3A_524 = tpu.vector_load %arg10[%swap3A_521, %swap3A_522, %swap3A_523] {strides = array<i32>} : memref<2x64x128xf32, #tpu.memory_space<vmem>>, vector<16xf32>,
    tpu.vector_store %arg10[%swap3A_521, %swap3A_522, %swap3A_523], %broadcast_in_dim3A_3 {strides = array<i32>} : memref<2x64x128xf32, #tpu.memory_space<vmem>>, vector<16xf32>,
    %swap3A_525 = arith.constant 0 : i32
    %swap3A_526 = arith.constant 10 : i32
    %swap3A_527 = arith.index_cast %swap3A_525 : i32 to index
    %swap3A_528 = arith.index_cast %swap3A_526 : i32 to index
    %swap3A_529 = arith.constant 112 : index
    %swap3A_530 = tpu.vector_load %arg10[%swap3A_527, %swap3A_528, %swap3A_529] {strides = array<i32>} : memref<2x64x128xf32, #tpu.memory_space<vmem>>, vector<16xf32>,
    tpu.vector_store %arg10[%swap3A_527, %swap3A_528, %swap3A_529], %broadcast_in_dim3A_3 {strides = array<i32>} : memref<2x64x128xf32, #tpu.memory_space<vmem>>, vector<16xf32>,
    %swap3A_531 = arith.constant 0 : i32
    %swap3A_532 = arith.constant 11 : i32
    %swap3A_533 = arith.index_cast %swap3A_531 : i32 to index
    %swap3A_534 = arith.index_cast %swap3A_532 : i32 to index
    %swap3A_535 = arith.constant 0 : index
    %swap3A_536 = tpu.vector_load %arg10[%swap3A_533, %swap3A_534, %swap3A_535] {strides = array<i32>} : memref<2x64x128xf32, #tpu.memory_space<vmem>>, vector<16xf32>,
    tpu.vector_store %arg10[%swap3A_533, %swap3A_534, %swap3A_535], %broadcast_in_dim3A_3 {strides = array<i32>} : memref<2x64x128xf32, #tpu.memory_space<vmem>>, vector<16xf32>,
    %swap3A_537 = arith.constant 0 : i32
    %swap3A_538 = arith.constant 11 : i32
    %swap3A_539 = arith.index_cast %swap3A_537 : i32 to index
    %swap3A_540 = arith.index_cast %swap3A_538 : i32 to index
    %swap3A_541 = arith.constant 16 : index
    %swap3A_542 = tpu.vector_load %arg10[%swap3A_539, %swap3A_540, %swap3A_541] {strides = array<i32>} : memref<2x64x128xf32, #tpu.memory_space<vmem>>, vector<16xf32>,
    tpu.vector_store %arg10[%swap3A_539, %swap3A_540, %swap3A_541], %broadcast_in_dim3A_3 {strides = array<i32>} : memref<2x64x128xf32, #tpu.memory_space<vmem>>, vector<16xf32>,
    %swap3A_543 = arith.constant 0 : i32
    %swap3A_544 = arith.constant 11 : i32
    %swap3A_545 = arith.index_cast %swap3A_543 : i32 to index
    %swap3A_546 = arith.index_cast %swap3A_544 : i32 to index
    %swap3A_547 = arith.constant 32 : index
    %swap3A_548 = tpu.vector_load %arg10[%swap3A_545, %swap3A_546, %swap3A_547] {strides = array<i32>} : memref<2x64x128xf32, #tpu.memory_space<vmem>>, vector<16xf32>,
    tpu.vector_store %arg10[%swap3A_545, %swap3A_546, %swap3A_547], %broadcast_in_dim3A_3 {strides = array<i32>} : memref<2x64x128xf32, #tpu.memory_space<vmem>>, vector<16xf32>,
    %swap3A_549 = arith.constant 0 : i32
    %swap3A_550 = arith.constant 11 : i32
    %swap3A_551 = arith.index_cast %swap3A_549 : i32 to index
    %swap3A_552 = arith.index_cast %swap3A_550 : i32 to index
    %swap3A_553 = arith.constant 48 : index
    %swap3A_554 = tpu.vector_load %arg10[%swap3A_551, %swap3A_552, %swap3A_553] {strides = array<i32>} : memref<2x64x128xf32, #tpu.memory_space<vmem>>, vector<16xf32>,
    tpu.vector_store %arg10[%swap3A_551, %swap3A_552, %swap3A_553], %broadcast_in_dim3A_3 {strides = array<i32>} : memref<2x64x128xf32, #tpu.memory_space<vmem>>, vector<16xf32>,
    %swap3A_555 = arith.constant 0 : i32
    %swap3A_556 = arith.constant 11 : i32
    %swap3A_557 = arith.index_cast %swap3A_555 : i32 to index
    %swap3A_558 = arith.index_cast %swap3A_556 : i32 to index
    %swap3A_559 = arith.constant 64 : index
    %swap3A_560 = tpu.vector_load %arg10[%swap3A_557, %swap3A_558, %swap3A_559] {strides = array<i32>} : memref<2x64x128xf32, #tpu.memory_space<vmem>>, vector<16xf32>,
    tpu.vector_store %arg10[%swap3A_557, %swap3A_558, %swap3A_559], %broadcast_in_dim3A_3 {strides = array<i32>} : memref<2x64x128xf32, #tpu.memory_space<vmem>>, vector<16xf32>,
    %swap3A_561 = arith.constant 0 : i32
    %swap3A_562 = arith.constant 11 : i32
    %swap3A_563 = arith.index_cast %swap3A_561 : i32 to index
    %swap3A_564 = arith.index_cast %swap3A_562 : i32 to index
    %swap3A_565 = arith.constant 80 : index
    %swap3A_566 = tpu.vector_load %arg10[%swap3A_563, %swap3A_564, %swap3A_565] {strides = array<i32>} : memref<2x64x128xf32, #tpu.memory_space<vmem>>, vector<16xf32>,
    tpu.vector_store %arg10[%swap3A_563, %swap3A_564, %swap3A_565], %broadcast_in_dim3A_3 {strides = array<i32>} : memref<2x64x128xf32, #tpu.memory_space<vmem>>, vector<16xf32>,
    %swap3A_567 = arith.constant 0 : i32
    %swap3A_568 = arith.constant 11 : i32
    %swap3A_569 = arith.index_cast %swap3A_567 : i32 to index
    %swap3A_570 = arith.index_cast %swap3A_568 : i32 to index
    %swap3A_571 = arith.constant 96 : index
    %swap3A_572 = tpu.vector_load %arg10[%swap3A_569, %swap3A_570, %swap3A_571] {strides = array<i32>} : memref<2x64x128xf32, #tpu.memory_space<vmem>>, vector<16xf32>,
    tpu.vector_store %arg10[%swap3A_569, %swap3A_570, %swap3A_571], %broadcast_in_dim3A_3 {strides = array<i32>} : memref<2x64x128xf32, #tpu.memory_space<vmem>>, vector<16xf32>,
    %swap3A_573 = arith.constant 0 : i32
    %swap3A_574 = arith.constant 11 : i32
    %swap3A_575 = arith.index_cast %swap3A_573 : i32 to index
    %swap3A_576 = arith.index_cast %swap3A_574 : i32 to index
    %swap3A_577 = arith.constant 112 : index
    %swap3A_578 = tpu.vector_load %arg10[%swap3A_575, %swap3A_576, %swap3A_577] {strides = array<i32>} : memref<2x64x128xf32, #tpu.memory_space<vmem>>, vector<16xf32>,
    tpu.vector_store %arg10[%swap3A_575, %swap3A_576, %swap3A_577], %broadcast_in_dim3A_3 {strides = array<i32>} : memref<2x64x128xf32, #tpu.memory_space<vmem>>, vector<16xf32>,
    %swap3A_579 = arith.constant 0 : i32
    %swap3A_580 = arith.constant 12 : i32
    %swap3A_581 = arith.index_cast %swap3A_579 : i32 to index
    %swap3A_582 = arith.index_cast %swap3A_580 : i32 to index
    %swap3A_583 = arith.constant 0 : index
    %swap3A_584 = tpu.vector_load %arg10[%swap3A_581, %swap3A_582, %swap3A_583] {strides = array<i32>} : memref<2x64x128xf32, #tpu.memory_space<vmem>>, vector<16xf32>,
    tpu.vector_store %arg10[%swap3A_581, %swap3A_582, %swap3A_583], %broadcast_in_dim3A_3 {strides = array<i32>} : memref<2x64x128xf32, #tpu.memory_space<vmem>>, vector<16xf32>,
    %swap3A_585 = arith.constant 0 : i32
    %swap3A_586 = arith.constant 12 : i32
    %swap3A_587 = arith.index_cast %swap3A_585 : i32 to index
    %swap3A_588 = arith.index_cast %swap3A_586 : i32 to index
    %swap3A_589 = arith.constant 16 : index
    %swap3A_590 = tpu.vector_load %arg10[%swap3A_587, %swap3A_588, %swap3A_589] {strides = array<i32>} : memref<2x64x128xf32, #tpu.memory_space<vmem>>, vector<16xf32>,
    tpu.vector_store %arg10[%swap3A_587, %swap3A_588, %swap3A_589], %broadcast_in_dim3A_3 {strides = array<i32>} : memref<2x64x128xf32, #tpu.memory_space<vmem>>, vector<16xf32>,
    %swap3A_591 = arith.constant 0 : i32
    %swap3A_592 = arith.constant 12 : i32
    %swap3A_593 = arith.index_cast %swap3A_591 : i32 to index
    %swap3A_594 = arith.index_cast %swap3A_592 : i32 to index
    %swap3A_595 = arith.constant 32 : index
    %swap3A_596 = tpu.vector_load %arg10[%swap3A_593, %swap3A_594, %swap3A_595] {strides = array<i32>} : memref<2x64x128xf32, #tpu.memory_space<vmem>>, vector<16xf32>,
    tpu.vector_store %arg10[%swap3A_593, %swap3A_594, %swap3A_595], %broadcast_in_dim3A_3 {strides = array<i32>} : memref<2x64x128xf32, #tpu.memory_space<vmem>>, vector<16xf32>,
    %swap3A_597 = arith.constant 0 : i32
    %swap3A_598 = arith.constant 12 : i32
    %swap3A_599 = arith.index_cast %swap3A_597 : i32 to index
    %swap3A_600 = arith.index_cast %swap3A_598 : i32 to index
    %swap3A_601 = arith.constant 48 : index
    %swap3A_602 = tpu.vector_load %arg10[%swap3A_599, %swap3A_600, %swap3A_601] {strides = array<i32>} : memref<2x64x128xf32, #tpu.memory_space<vmem>>, vector<16xf32>,
    tpu.vector_store %arg10[%swap3A_599, %swap3A_600, %swap3A_601], %broadcast_in_dim3A_3 {strides = array<i32>} : memref<2x64x128xf32, #tpu.memory_space<vmem>>, vector<16xf32>,
    %swap3A_603 = arith.constant 0 : i32
    %swap3A_604 = arith.constant 12 : i32
    %swap3A_605 = arith.index_cast %swap3A_603 : i32 to index
    %swap3A_606 = arith.index_cast %swap3A_604 : i32 to index
    %swap3A_607 = arith.constant 64 : index
    %swap3A_608 = tpu.vector_load %arg10[%swap3A_605, %swap3A_606, %swap3A_607] {strides = array<i32>} : memref<2x64x128xf32, #tpu.memory_space<vmem>>, vector<16xf32>,
    tpu.vector_store %arg10[%swap3A_605, %swap3A_606, %swap3A_607], %broadcast_in_dim3A_3 {strides = array<i32>} : memref<2x64x128xf32, #tpu.memory_space<vmem>>, vector<16xf32>,
    %swap3A_609 = arith.constant 0 : i32
    %swap3A_610 = arith.constant 12 : i32
    %swap3A_611 = arith.index_cast %swap3A_609 : i32 to index
    %swap3A_612 = arith.index_cast %swap3A_610 : i32 to index
    %swap3A_613 = arith.constant 80 : index
    %swap3A_614 = tpu.vector_load %arg10[%swap3A_611, %swap3A_612, %swap3A_613] {strides = array<i32>} : memref<2x64x128xf32, #tpu.memory_space<vmem>>, vector<16xf32>,
    tpu.vector_store %arg10[%swap3A_611, %swap3A_612, %swap3A_613], %broadcast_in_dim3A_3 {strides = array<i32>} : memref<2x64x128xf32, #tpu.memory_space<vmem>>, vector<16xf32>,
    %swap3A_615 = arith.constant 0 : i32
    %swap3A_616 = arith.constant 12 : i32
    %swap3A_617 = arith.index_cast %swap3A_615 : i32 to index
    %swap3A_618 = arith.index_cast %swap3A_616 : i32 to index
    %swap3A_619 = arith.constant 96 : index
    %swap3A_620 = tpu.vector_load %arg10[%swap3A_617, %swap3A_618, %swap3A_619] {strides = array<i32>} : memref<2x64x128xf32, #tpu.memory_space<vmem>>, vector<16xf32>,
    tpu.vector_store %arg10[%swap3A_617, %swap3A_618, %swap3A_619], %broadcast_in_dim3A_3 {strides = array<i32>} : memref<2x64x128xf32, #tpu.memory_space<vmem>>, vector<16xf32>,
    %swap3A_621 = arith.constant 0 : i32
    %swap3A_622 = arith.constant 12 : i32
    %swap3A_623 = arith.index_cast %swap3A_621 : i32 to index
    %swap3A_624 = arith.index_cast %swap3A_622 : i32 to index
    %swap3A_625 = arith.constant 112 : index
    %swap3A_626 = tpu.vector_load %arg10[%swap3A_623, %swap3A_624, %swap3A_625] {strides = array<i32>} : memref<2x64x128xf32, #tpu.memory_space<vmem>>, vector<16xf32>,
    tpu.vector_store %arg10[%swap3A_623, %swap3A_624, %swap3A_625], %broadcast_in_dim3A_3 {strides = array<i32>} : memref<2x64x128xf32, #tpu.memory_space<vmem>>, vector<16xf32>,
    %swap3A_627 = arith.constant 0 : i32
    %swap3A_628 = arith.constant 13 : i32
    %swap3A_629 = arith.index_cast %swap3A_627 : i32 to index
    %swap3A_630 = arith.index_cast %swap3A_628 : i32 to index
    %swap3A_631 = arith.constant 0 : index
    %swap3A_632 = tpu.vector_load %arg10[%swap3A_629, %swap3A_630, %swap3A_631] {strides = array<i32>} : memref<2x64x128xf32, #tpu.memory_space<vmem>>, vector<16xf32>,
    tpu.vector_store %arg10[%swap3A_629, %swap3A_630, %swap3A_631], %broadcast_in_dim3A_3 {strides = array<i32>} : memref<2x64x128xf32, #tpu.memory_space<vmem>>, vector<16xf32>,
    %swap3A_633 = arith.constant 0 : i32
    %swap3A_634 = arith.constant 13 : i32
    %swap3A_635 = arith.index_cast %swap3A_633 : i32 to index
    %swap3A_636 = arith.index_cast %swap3A_634 : i32 to index
    %swap3A_637 = arith.constant 16 : index
    %swap3A_638 = tpu.vector_load %arg10[%swap3A_635, %swap3A_636, %swap3A_637] {strides = array<i32>} : memref<2x64x128xf32, #tpu.memory_space<vmem>>, vector<16xf32>,
    tpu.vector_store %arg10[%swap3A_635, %swap3A_636, %swap3A_637], %broadcast_in_dim3A_3 {strides = array<i32>} : memref<2x64x128xf32, #tpu.memory_space<vmem>>, vector<16xf32>,
    %swap3A_639 = arith.constant 0 : i32
    %swap3A_640 = arith.constant 13 : i32
    %swap3A_641 = arith.index_cast %swap3A_639 : i32 to index
    %swap3A_642 = arith.index_cast %swap3A_640 : i32 to index
    %swap3A_643 = arith.constant 32 : index
    %swap3A_644 = tpu.vector_load %arg10[%swap3A_641, %swap3A_642, %swap3A_643] {strides = array<i32>} : memref<2x64x128xf32, #tpu.memory_space<vmem>>, vector<16xf32>,
    tpu.vector_store %arg10[%swap3A_641, %swap3A_642, %swap3A_643], %broadcast_in_dim3A_3 {strides = array<i32>} : memref<2x64x128xf32, #tpu.memory_space<vmem>>, vector<16xf32>,
    %swap3A_645 = arith.constant 0 : i32
    %swap3A_646 = arith.constant 13 : i32
    %swap3A_647 = arith.index_cast %swap3A_645 : i32 to index
    %swap3A_648 = arith.index_cast %swap3A_646 : i32 to index
    %swap3A_649 = arith.constant 48 : index
    %swap3A_650 = tpu.vector_load %arg10[%swap3A_647, %swap3A_648, %swap3A_649] {strides = array<i32>} : memref<2x64x128xf32, #tpu.memory_space<vmem>>, vector<16xf32>,
    tpu.vector_store %arg10[%swap3A_647, %swap3A_648, %swap3A_649], %broadcast_in_dim3A_3 {strides = array<i32>} : memref<2x64x128xf32, #tpu.memory_space<vmem>>, vector<16xf32>,
    %swap3A_651 = arith.constant 0 : i32
    %swap3A_652 = arith.constant 13 : i32
    %swap3A_653 = arith.index_cast %swap3A_651 : i32 to index
    %swap3A_654 = arith.index_cast %swap3A_652 : i32 to index
    %swap3A_655 = arith.constant 64 : index
    %swap3A_656 = tpu.vector_load %arg10[%swap3A_653, %swap3A_654, %swap3A_655] {strides = array<i32>} : memref<2x64x128xf32, #tpu.memory_space<vmem>>, vector<16xf32>,
    tpu.vector_store %arg10[%swap3A_653, %swap3A_654, %swap3A_655], %broadcast_in_dim3A_3 {strides = array<i32>} : memref<2x64x128xf32, #tpu.memory_space<vmem>>, vector<16xf32>,
    %swap3A_657 = arith.constant 0 : i32
    %swap3A_658 = arith.constant 13 : i32
    %swap3A_659 = arith.index_cast %swap3A_657 : i32 to index
    %swap3A_660 = arith.index_cast %swap3A_658 : i32 to index
    %swap3A_661 = arith.constant 80 : index
    %swap3A_662 = tpu.vector_load %arg10[%swap3A_659, %swap3A_660, %swap3A_661] {strides = array<i32>} : memref<2x64x128xf32, #tpu.memory_space<vmem>>, vector<16xf32>,
    tpu.vector_store %arg10[%swap3A_659, %swap3A_660, %swap3A_661], %broadcast_in_dim3A_3 {strides = array<i32>} : memref<2x64x128xf32, #tpu.memory_space<vmem>>, vector<16xf32>,
    %swap3A_663 = arith.constant 0 : i32
    %swap3A_664 = arith.constant 13 : i32
    %swap3A_665 = arith.index_cast %swap3A_663 : i32 to index
    %swap3A_666 = arith.index_cast %swap3A_664 : i32 to index
    %swap3A_667 = arith.constant 96 : index
    %swap3A_668 = tpu.vector_load %arg10[%swap3A_665, %swap3A_666, %swap3A_667] {strides = array<i32>} : memref<2x64x128xf32, #tpu.memory_space<vmem>>, vector<16xf32>,
    tpu.vector_store %arg10[%swap3A_665, %swap3A_666, %swap3A_667], %broadcast_in_dim3A_3 {strides = array<i32>} : memref<2x64x128xf32, #tpu.memory_space<vmem>>, vector<16xf32>,
    %swap3A_669 = arith.constant 0 : i32
    %swap3A_670 = arith.constant 13 : i32
    %swap3A_671 = arith.index_cast %swap3A_669 : i32 to index
    %swap3A_672 = arith.index_cast %swap3A_670 : i32 to index
    %swap3A_673 = arith.constant 112 : index
    %swap3A_674 = tpu.vector_load %arg10[%swap3A_671, %swap3A_672, %swap3A_673] {strides = array<i32>} : memref<2x64x128xf32, #tpu.memory_space<vmem>>, vector<16xf32>,
    tpu.vector_store %arg10[%swap3A_671, %swap3A_672, %swap3A_673], %broadcast_in_dim3A_3 {strides = array<i32>} : memref<2x64x128xf32, #tpu.memory_space<vmem>>, vector<16xf32>,
    %swap3A_675 = arith.constant 0 : i32
    %swap3A_676 = arith.constant 14 : i32
    %swap3A_677 = arith.index_cast %swap3A_675 : i32 to index
    %swap3A_678 = arith.index_cast %swap3A_676 : i32 to index
    %swap3A_679 = arith.constant 0 : index
    %swap3A_680 = tpu.vector_load %arg10[%swap3A_677, %swap3A_678, %swap3A_679] {strides = array<i32>} : memref<2x64x128xf32, #tpu.memory_space<vmem>>, vector<16xf32>,
    tpu.vector_store %arg10[%swap3A_677, %swap3A_678, %swap3A_679], %broadcast_in_dim3A_3 {strides = array<i32>} : memref<2x64x128xf32, #tpu.memory_space<vmem>>, vector<16xf32>,
    %swap3A_681 = arith.constant 0 : i32
    %swap3A_682 = arith.constant 14 : i32
    %swap3A_683 = arith.index_cast %swap3A_681 : i32 to index
    %swap3A_684 = arith.index_cast %swap3A_682 : i32 to index
    %swap3A_685 = arith.constant 16 : index
    %swap3A_686 = tpu.vector_load %arg10[%swap3A_683, %swap3A_684, %swap3A_685] {strides = array<i32>} : memref<2x64x128xf32, #tpu.memory_space<vmem>>, vector<16xf32>,
    tpu.vector_store %arg10[%swap3A_683, %swap3A_684, %swap3A_685], %broadcast_in_dim3A_3 {strides = array<i32>} : memref<2x64x128xf32, #tpu.memory_space<vmem>>, vector<16xf32>,
    %swap3A_687 = arith.constant 0 : i32
    %swap3A_688 = arith.constant 14 : i32
    %swap3A_689 = arith.index_cast %swap3A_687 : i32 to index
    %swap3A_690 = arith.index_cast %swap3A_688 : i32 to index
    %swap3A_691 = arith.constant 32 : index
    %swap3A_692 = tpu.vector_load %arg10[%swap3A_689, %swap3A_690, %swap3A_691] {strides = array<i32>} : memref<2x64x128xf32, #tpu.memory_space<vmem>>, vector<16xf32>,
    tpu.vector_store %arg10[%swap3A_689, %swap3A_690, %swap3A_691], %broadcast_in_dim3A_3 {strides = array<i32>} : memref<2x64x128xf32, #tpu.memory_space<vmem>>, vector<16xf32>,
    %swap3A_693 = arith.constant 0 : i32
    %swap3A_694 = arith.constant 14 : i32
    %swap3A_695 = arith.index_cast %swap3A_693 : i32 to index
    %swap3A_696 = arith.index_cast %swap3A_694 : i32 to index
    %swap3A_697 = arith.constant 48 : index
    %swap3A_698 = tpu.vector_load %arg10[%swap3A_695, %swap3A_696, %swap3A_697] {strides = array<i32>} : memref<2x64x128xf32, #tpu.memory_space<vmem>>, vector<16xf32>,
    tpu.vector_store %arg10[%swap3A_695, %swap3A_696, %swap3A_697], %broadcast_in_dim3A_3 {strides = array<i32>} : memref<2x64x128xf32, #tpu.memory_space<vmem>>, vector<16xf32>,
    %swap3A_699 = arith.constant 0 : i32
    %swap3A_700 = arith.constant 14 : i32
    %swap3A_701 = arith.index_cast %swap3A_699 : i32 to index
    %swap3A_702 = arith.index_cast %swap3A_700 : i32 to index
    %swap3A_703 = arith.constant 64 : index
    %swap3A_704 = tpu.vector_load %arg10[%swap3A_701, %swap3A_702, %swap3A_703] {strides = array<i32>} : memref<2x64x128xf32, #tpu.memory_space<vmem>>, vector<16xf32>,
    tpu.vector_store %arg10[%swap3A_701, %swap3A_702, %swap3A_703], %broadcast_in_dim3A_3 {strides = array<i32>} : memref<2x64x128xf32, #tpu.memory_space<vmem>>, vector<16xf32>,
    %swap3A_705 = arith.constant 0 : i32
    %swap3A_706 = arith.constant 14 : i32
    %swap3A_707 = arith.index_cast %swap3A_705 : i32 to index
    %swap3A_708 = arith.index_cast %swap3A_706 : i32 to index
    %swap3A_709 = arith.constant 80 : index
    %swap3A_710 = tpu.vector_load %arg10[%swap3A_707, %swap3A_708, %swap3A_709] {strides = array<i32>} : memref<2x64x128xf32, #tpu.memory_space<vmem>>, vector<16xf32>,
    tpu.vector_store %arg10[%swap3A_707, %swap3A_708, %swap3A_709], %broadcast_in_dim3A_3 {strides = array<i32>} : memref<2x64x128xf32, #tpu.memory_space<vmem>>, vector<16xf32>,
    %swap3A_711 = arith.constant 0 : i32
    %swap3A_712 = arith.constant 14 : i32
    %swap3A_713 = arith.index_cast %swap3A_711 : i32 to index
    %swap3A_714 = arith.index_cast %swap3A_712 : i32 to index
    %swap3A_715 = arith.constant 96 : index
    %swap3A_716 = tpu.vector_load %arg10[%swap3A_713, %swap3A_714, %swap3A_715] {strides = array<i32>} : memref<2x64x128xf32, #tpu.memory_space<vmem>>, vector<16xf32>,
    tpu.vector_store %arg10[%swap3A_713, %swap3A_714, %swap3A_715], %broadcast_in_dim3A_3 {strides = array<i32>} : memref<2x64x128xf32, #tpu.memory_space<vmem>>, vector<16xf32>,
    %swap3A_717 = arith.constant 0 : i32
    %swap3A_718 = arith.constant 14 : i32
    %swap3A_719 = arith.index_cast %swap3A_717 : i32 to index
    %swap3A_720 = arith.index_cast %swap3A_718 : i32 to index
    %swap3A_721 = arith.constant 112 : index
    %swap3A_722 = tpu.vector_load %arg10[%swap3A_719, %swap3A_720, %swap3A_721] {strides = array<i32>} : memref<2x64x128xf32, #tpu.memory_space<vmem>>, vector<16xf32>,
    tpu.vector_store %arg10[%swap3A_719, %swap3A_720, %swap3A_721], %broadcast_in_dim3A_3 {strides = array<i32>} : memref<2x64x128xf32, #tpu.memory_space<vmem>>, vector<16xf32>,
    %swap3A_723 = arith.constant 0 : i32
    %swap3A_724 = arith.constant 15 : i32
    %swap3A_725 = arith.index_cast %swap3A_723 : i32 to index
    %swap3A_726 = arith.index_cast %swap3A_724 : i32 to index
    %swap3A_727 = arith.constant 0 : index
    %swap3A_728 = tpu.vector_load %arg10[%swap3A_725, %swap3A_726, %swap3A_727] {strides = array<i32>} : memref<2x64x128xf32, #tpu.memory_space<vmem>>, vector<16xf32>,
    tpu.vector_store %arg10[%swap3A_725, %swap3A_726, %swap3A_727], %broadcast_in_dim3A_3 {strides = array<i32>} : memref<2x64x128xf32, #tpu.memory_space<vmem>>, vector<16xf32>,
    %swap3A_729 = arith.constant 0 : i32
    %swap3A_730 = arith.constant 15 : i32
    %swap3A_731 = arith.index_cast %swap3A_729 : i32 to index
    %swap3A_732 = arith.index_cast %swap3A_730 : i32 to index
    %swap3A_733 = arith.constant 16 : index
    %swap3A_734 = tpu.vector_load %arg10[%swap3A_731, %swap3A_732, %swap3A_733] {strides = array<i32>} : memref<2x64x128xf32, #tpu.memory_space<vmem>>, vector<16xf32>,
    tpu.vector_store %arg10[%swap3A_731, %swap3A_732, %swap3A_733], %broadcast_in_dim3A_3 {strides = array<i32>} : memref<2x64x128xf32, #tpu.memory_space<vmem>>, vector<16xf32>,
    %swap3A_735 = arith.constant 0 : i32
    %swap3A_736 = arith.constant 15 : i32
    %swap3A_737 = arith.index_cast %swap3A_735 : i32 to index
    %swap3A_738 = arith.index_cast %swap3A_736 : i32 to index
    %swap3A_739 = arith.constant 32 : index
    %swap3A_740 = tpu.vector_load %arg10[%swap3A_737, %swap3A_738, %swap3A_739] {strides = array<i32>} : memref<2x64x128xf32, #tpu.memory_space<vmem>>, vector<16xf32>,
    tpu.vector_store %arg10[%swap3A_737, %swap3A_738, %swap3A_739], %broadcast_in_dim3A_3 {strides = array<i32>} : memref<2x64x128xf32, #tpu.memory_space<vmem>>, vector<16xf32>,
    %swap3A_741 = arith.constant 0 : i32
    %swap3A_742 = arith.constant 15 : i32
    %swap3A_743 = arith.index_cast %swap3A_741 : i32 to index
    %swap3A_744 = arith.index_cast %swap3A_742 : i32 to index
    %swap3A_745 = arith.constant 48 : index
    %swap3A_746 = tpu.vector_load %arg10[%swap3A_743, %swap3A_744, %swap3A_745] {strides = array<i32>} : memref<2x64x128xf32, #tpu.memory_space<vmem>>, vector<16xf32>,
    tpu.vector_store %arg10[%swap3A_743, %swap3A_744, %swap3A_745], %broadcast_in_dim3A_3 {strides = array<i32>} : memref<2x64x128xf32, #tpu.memory_space<vmem>>, vector<16xf32>,
    %swap3A_747 = arith.constant 0 : i32
    %swap3A_748 = arith.constant 15 : i32
    %swap3A_749 = arith.index_cast %swap3A_747 : i32 to index
    %swap3A_750 = arith.index_cast %swap3A_748 : i32 to index
    %swap3A_751 = arith.constant 64 : index
    %swap3A_752 = tpu.vector_load %arg10[%swap3A_749, %swap3A_750, %swap3A_751] {strides = array<i32>} : memref<2x64x128xf32, #tpu.memory_space<vmem>>, vector<16xf32>,
    tpu.vector_store %arg10[%swap3A_749, %swap3A_750, %swap3A_751], %broadcast_in_dim3A_3 {strides = array<i32>} : memref<2x64x128xf32, #tpu.memory_space<vmem>>, vector<16xf32>,
    %swap3A_753 = arith.constant 0 : i32
    %swap3A_754 = arith.constant 15 : i32
    %swap3A_755 = arith.index_cast %swap3A_753 : i32 to index
    %swap3A_756 = arith.index_cast %swap3A_754 : i32 to index
    %swap3A_757 = arith.constant 80 : index
    %swap3A_758 = tpu.vector_load %arg10[%swap3A_755, %swap3A_756, %swap3A_757] {strides = array<i32>} : memref<2x64x128xf32, #tpu.memory_space<vmem>>, vector<16xf32>,
    tpu.vector_store %arg10[%swap3A_755, %swap3A_756, %swap3A_757], %broadcast_in_dim3A_3 {strides = array<i32>} : memref<2x64x128xf32, #tpu.memory_space<vmem>>, vector<16xf32>,
    %swap3A_759 = arith.constant 0 : i32
    %swap3A_760 = arith.constant 15 : i32
    %swap3A_761 = arith.index_cast %swap3A_759 : i32 to index
    %swap3A_762 = arith.index_cast %swap3A_760 : i32 to index
    %swap3A_763 = arith.constant 96 : index
    %swap3A_764 = tpu.vector_load %arg10[%swap3A_761, %swap3A_762, %swap3A_763] {strides = array<i32>} : memref<2x64x128xf32, #tpu.memory_space<vmem>>, vector<16xf32>,
    tpu.vector_store %arg10[%swap3A_761, %swap3A_762, %swap3A_763], %broadcast_in_dim3A_3 {strides = array<i32>} : memref<2x64x128xf32, #tpu.memory_space<vmem>>, vector<16xf32>,
    %swap3A_765 = arith.constant 0 : i32
    %swap3A_766 = arith.constant 15 : i32
    %swap3A_767 = arith.index_cast %swap3A_765 : i32 to index
    %swap3A_768 = arith.index_cast %swap3A_766 : i32 to index
    %swap3A_769 = arith.constant 112 : index
    %swap3A_770 = tpu.vector_load %arg10[%swap3A_767, %swap3A_768, %swap3A_769] {strides = array<i32>} : memref<2x64x128xf32, #tpu.memory_space<vmem>>, vector<16xf32>,
    tpu.vector_store %arg10[%swap3A_767, %swap3A_768, %swap3A_769], %broadcast_in_dim3A_3 {strides = array<i32>} : memref<2x64x128xf32, #tpu.memory_space<vmem>>, vector<16xf32>,
    %mul3A_771 = arith.constant 128 : i32
    %mul3A_772 = arith.muli %arg1, %mul3A_771 : i32
    %add3A = arith.constant 0 : i32
    %add3A_773 = arith.addi %mul3A_772, %add3A : i32
    %run_scoped3A = arith.constant 0 : i32
    "tpu.region"() ({
      %run_scoped3A_1504 = tpu.sem_alloc : memref<!tpu.dma_semaphore, #tpu.memory_space<semaphore_mem>>
      %dma_start3A_1505 = arith.constant 0 : i32
      %dma_start3A_1506 = arith.constant 0 : i32
      %dma_start3A_1507 = tpu.memref_slice %arg10[%run_scoped3A, %dma_start3A_1505, %dma_start3A_1506] : memref<2x64x128xf32, #tpu.memory_space<vmem>> -> memref<1x16x128xf32, #tpu.memory_space<vmem>>
      %dma_start3A_1508 = tpu.memref_squeeze %dma_start3A_1507 : memref<1x16x128xf32, #tpu.memory_space<vmem>> -> memref<16x128xf32, #tpu.memory_space<vmem>>
      %dma_start3A_1509 = arith.constant 0 : i32
      %dma_start3A_1510 = tpu.memref_slice %arg19[%add3A_773, %dma_start3A_1509] : memref<2048x128xf32, #tpu.memory_space<vmem_shared>> -> memref<16x128xf32, #tpu.memory_space<vmem_shared>>
      %dma_start3A_1511 = arith.constant 0 : i32
      %dma_start3A_1512 = tpu.memref_slice %arg19[%add3A_773, %dma_start3A_1511] : memref<2048x128xf32, #tpu.memory_space<vmem_shared>> -> memref<16x128xf32, #tpu.memory_space<vmem_shared>>
      %dma_start3A_1513 = arith.constant 0 : i32
      %dma_start3A_1514 = arith.constant 0 : i32
      %dma_start3A_1515 = tpu.memref_slice %arg10[%run_scoped3A, %dma_start3A_1513, %dma_start3A_1514] : memref<2x64x128xf32, #tpu.memory_space<vmem>> -> memref<1x16x128xf32, #tpu.memory_space<vmem>>
      %dma_start3A_1516 = tpu.memref_squeeze %dma_start3A_1515 : memref<1x16x128xf32, #tpu.memory_space<vmem>> -> memref<16x128xf32, #tpu.memory_space<vmem>>
      tpu.enqueue_dma source(%dma_start3A_1516 : memref<16x128xf32, #tpu.memory_space<vmem>>) target(%dma_start3A_1512 : memref<16x128xf32, #tpu.memory_space<vmem_shared>>) target_semaphore(%run_scoped3A_1504 : memref<!tpu.dma_semaphore, #tpu.memory_space<semaphore_mem>>)
      %dma_wait3A = arith.constant 0 : i32
      %dma_wait3A_1517 = arith.constant 0 : i32
      %dma_wait3A_1518 = tpu.memref_slice %arg10[%run_scoped3A, %dma_wait3A, %dma_wait3A_1517] : memref<2x64x128xf32, #tpu.memory_space<vmem>> -> memref<1x16x128xf32, #tpu.memory_space<vmem>>
      %dma_wait3A_1519 = tpu.memref_squeeze %dma_wait3A_1518 : memref<1x16x128xf32, #tpu.memory_space<vmem>> -> memref<16x128xf32, #tpu.memory_space<vmem>>
      %dma_wait3A_1520 = arith.constant 0 : i32
      %dma_wait3A_1521 = tpu.memref_slice %arg19[%add3A_773, %dma_wait3A_1520] : memref<2048x128xf32, #tpu.memory_space<vmem_shared>> -> memref<16x128xf32, #tpu.memory_space<vmem_shared>>
      %dma_wait3A_1522 = arith.constant 0 : i32
      %dma_wait3A_1523 = tpu.memref_slice %arg19[%add3A_773, %dma_wait3A_1522] : memref<2048x128xf32, #tpu.memory_space<vmem_shared>> -> memref<16x128xf32, #tpu.memory_space<vmem_shared>>
      %dma_wait3A_1524 = arith.constant 0 : i32
      %dma_wait3A_1525 = arith.constant 0 : i32
      %dma_wait3A_1526 = tpu.memref_slice %arg10[%run_scoped3A, %dma_wait3A_1524, %dma_wait3A_1525] : memref<2x64x128xf32, #tpu.memory_space<vmem>> -> memref<1x16x128xf32, #tpu.memory_space<vmem>>
      %dma_wait3A_1527 = tpu.memref_squeeze %dma_wait3A_1526 : memref<1x16x128xf32, #tpu.memory_space<vmem>> -> memref<16x128xf32, #tpu.memory_space<vmem>>
      tpu.wait_dma2 semaphore(%run_scoped3A_1504 : memref<!tpu.dma_semaphore, #tpu.memory_space<semaphore_mem>>) src(%dma_wait3A_1527 : memref<16x128xf32, #tpu.memory_space<vmem>>) dst(%dma_wait3A_1523 : memref<16x128xf32, #tpu.memory_space<vmem_shared>>)
      tpu.yield
    }) : () -> ()
    %run_scoped3A_774 = arith.constant 0 : i32
    "tpu.region"() ({
      %run_scoped3A_1504 = tpu.sem_alloc : memref<!tpu.dma_semaphore, #tpu.memory_space<semaphore_mem>>
      %dma_start3A_1505 = arith.constant 0 : i32
      %dma_start3A_1506 = arith.constant 0 : i32
      %dma_start3A_1507 = tpu.memref_slice %arg10[%run_scoped3A_774, %dma_start3A_1505, %dma_start3A_1506] : memref<2x64x128xf32, #tpu.memory_space<vmem>> -> memref<1x16x128xf32, #tpu.memory_space<vmem>>
      %dma_start3A_1508 = tpu.memref_squeeze %dma_start3A_1507 : memref<1x16x128xf32, #tpu.memory_space<vmem>> -> memref<16x128xf32, #tpu.memory_space<vmem>>
      %dma_start3A_1509 = arith.constant 0 : i32
      %dma_start3A_1510 = tpu.memref_slice %arg20[%add3A_773, %dma_start3A_1509] : memref<2048x128xf32, #tpu.memory_space<vmem_shared>> -> memref<16x128xf32, #tpu.memory_space<vmem_shared>>
      %dma_start3A_1511 = arith.constant 0 : i32
      %dma_start3A_1512 = tpu.memref_slice %arg20[%add3A_773, %dma_start3A_1511] : memref<2048x128xf32, #tpu.memory_space<vmem_shared>> -> memref<16x128xf32, #tpu.memory_space<vmem_shared>>
      %dma_start3A_1513 = arith.constant 0 : i32
      %dma_start3A_1514 = arith.constant 0 : i32
      %dma_start3A_1515 = tpu.memref_slice %arg10[%run_scoped3A_774, %dma_start3A_1513, %dma_start3A_1514] : memref<2x64x128xf32, #tpu.memory_space<vmem>> -> memref<1x16x128xf32, #tpu.memory_space<vmem>>
      %dma_start3A_1516 = tpu.memref_squeeze %dma_start3A_1515 : memref<1x16x128xf32, #tpu.memory_space<vmem>> -> memref<16x128xf32, #tpu.memory_space<vmem>>
      tpu.enqueue_dma source(%dma_start3A_1516 : memref<16x128xf32, #tpu.memory_space<vmem>>) target(%dma_start3A_1512 : memref<16x128xf32, #tpu.memory_space<vmem_shared>>) target_semaphore(%run_scoped3A_1504 : memref<!tpu.dma_semaphore, #tpu.memory_space<semaphore_mem>>)
      %dma_wait3A = arith.constant 0 : i32
      %dma_wait3A_1517 = arith.constant 0 : i32
      %dma_wait3A_1518 = tpu.memref_slice %arg10[%run_scoped3A_774, %dma_wait3A, %dma_wait3A_1517] : memref<2x64x128xf32, #tpu.memory_space<vmem>> -> memref<1x16x128xf32, #tpu.memory_space<vmem>>
      %dma_wait3A_1519 = tpu.memref_squeeze %dma_wait3A_1518 : memref<1x16x128xf32, #tpu.memory_space<vmem>> -> memref<16x128xf32, #tpu.memory_space<vmem>>
      %dma_wait3A_1520 = arith.constant 0 : i32
      %dma_wait3A_1521 = tpu.memref_slice %arg20[%add3A_773, %dma_wait3A_1520] : memref<2048x128xf32, #tpu.memory_space<vmem_shared>> -> memref<16x128xf32, #tpu.memory_space<vmem_shared>>
      %dma_wait3A_1522 = arith.constant 0 : i32
      %dma_wait3A_1523 = tpu.memref_slice %arg20[%add3A_773, %dma_wait3A_1522] : memref<2048x128xf32, #tpu.memory_space<vmem_shared>> -> memref<16x128xf32, #tpu.memory_space<vmem_shared>>
      %dma_wait3A_1524 = arith.constant 0 : i32
      %dma_wait3A_1525 = arith.constant 0 : i32
      %dma_wait3A_1526 = tpu.memref_slice %arg10[%run_scoped3A_774, %dma_wait3A_1524, %dma_wait3A_1525] : memref<2x64x128xf32, #tpu.memory_space<vmem>> -> memref<1x16x128xf32, #tpu.memory_space<vmem>>
      %dma_wait3A_1527 = tpu.memref_squeeze %dma_wait3A_1526 : memref<1x16x128xf32, #tpu.memory_space<vmem>> -> memref<16x128xf32, #tpu.memory_space<vmem>>
      tpu.wait_dma2 semaphore(%run_scoped3A_1504 : memref<!tpu.dma_semaphore, #tpu.memory_space<semaphore_mem>>) src(%dma_wait3A_1527 : memref<16x128xf32, #tpu.memory_space<vmem>>) dst(%dma_wait3A_1523 : memref<16x128xf32, #tpu.memory_space<vmem_shared>>)
      tpu.yield
    }) : () -> ()
    %mul3A_775 = arith.constant 128 : i32
    %mul3A_776 = arith.muli %arg1, %mul3A_775 : i32
    %add3A_777 = arith.constant 16 : i32
    %add3A_778 = arith.addi %mul3A_776, %add3A_777 : i32
    %run_scoped3A_779 = arith.constant 0 : i32
    "tpu.region"() ({
      %run_scoped3A_1504 = tpu.sem_alloc : memref<!tpu.dma_semaphore, #tpu.memory_space<semaphore_mem>>
      %dma_start3A_1505 = arith.constant 0 : i32
      %dma_start3A_1506 = arith.constant 0 : i32
      %dma_start3A_1507 = tpu.memref_slice %arg10[%run_scoped3A_779, %dma_start3A_1505, %dma_start3A_1506] : memref<2x64x128xf32, #tpu.memory_space<vmem>> -> memref<1x16x128xf32, #tpu.memory_space<vmem>>
      %dma_start3A_1508 = tpu.memref_squeeze %dma_start3A_1507 : memref<1x16x128xf32, #tpu.memory_space<vmem>> -> memref<16x128xf32, #tpu.memory_space<vmem>>
      %dma_start3A_1509 = arith.constant 0 : i32
      %dma_start3A_1510 = tpu.memref_slice %arg19[%add3A_778, %dma_start3A_1509] : memref<2048x128xf32, #tpu.memory_space<vmem_shared>> -> memref<16x128xf32, #tpu.memory_space<vmem_shared>>
      %dma_start3A_1511 = arith.constant 0 : i32
      %dma_start3A_1512 = tpu.memref_slice %arg19[%add3A_778, %dma_start3A_1511] : memref<2048x128xf32, #tpu.memory_space<vmem_shared>> -> memref<16x128xf32, #tpu.memory_space<vmem_shared>>
      %dma_start3A_1513 = arith.constant 0 : i32
      %dma_start3A_1514 = arith.constant 0 : i32
      %dma_start3A_1515 = tpu.memref_slice %arg10[%run_scoped3A_779, %dma_start3A_1513, %dma_start3A_1514] : memref<2x64x128xf32, #tpu.memory_space<vmem>> -> memref<1x16x128xf32, #tpu.memory_space<vmem>>
      %dma_start3A_1516 = tpu.memref_squeeze %dma_start3A_1515 : memref<1x16x128xf32, #tpu.memory_space<vmem>> -> memref<16x128xf32, #tpu.memory_space<vmem>>
      tpu.enqueue_dma source(%dma_start3A_1516 : memref<16x128xf32, #tpu.memory_space<vmem>>) target(%dma_start3A_1512 : memref<16x128xf32, #tpu.memory_space<vmem_shared>>) target_semaphore(%run_scoped3A_1504 : memref<!tpu.dma_semaphore, #tpu.memory_space<semaphore_mem>>)
      %dma_wait3A = arith.constant 0 : i32
      %dma_wait3A_1517 = arith.constant 0 : i32
      %dma_wait3A_1518 = tpu.memref_slice %arg10[%run_scoped3A_779, %dma_wait3A, %dma_wait3A_1517] : memref<2x64x128xf32, #tpu.memory_space<vmem>> -> memref<1x16x128xf32, #tpu.memory_space<vmem>>
      %dma_wait3A_1519 = tpu.memref_squeeze %dma_wait3A_1518 : memref<1x16x128xf32, #tpu.memory_space<vmem>> -> memref<16x128xf32, #tpu.memory_space<vmem>>
      %dma_wait3A_1520 = arith.constant 0 : i32
      %dma_wait3A_1521 = tpu.memref_slice %arg19[%add3A_778, %dma_wait3A_1520] : memref<2048x128xf32, #tpu.memory_space<vmem_shared>> -> memref<16x128xf32, #tpu.memory_space<vmem_shared>>
      %dma_wait3A_1522 = arith.constant 0 : i32
      %dma_wait3A_1523 = tpu.memref_slice %arg19[%add3A_778, %dma_wait3A_1522] : memref<2048x128xf32, #tpu.memory_space<vmem_shared>> -> memref<16x128xf32, #tpu.memory_space<vmem_shared>>
      %dma_wait3A_1524 = arith.constant 0 : i32
      %dma_wait3A_1525 = arith.constant 0 : i32
      %dma_wait3A_1526 = tpu.memref_slice %arg10[%run_scoped3A_779, %dma_wait3A_1524, %dma_wait3A_1525] : memref<2x64x128xf32, #tpu.memory_space<vmem>> -> memref<1x16x128xf32, #tpu.memory_space<vmem>>
      %dma_wait3A_1527 = tpu.memref_squeeze %dma_wait3A_1526 : memref<1x16x128xf32, #tpu.memory_space<vmem>> -> memref<16x128xf32, #tpu.memory_space<vmem>>
      tpu.wait_dma2 semaphore(%run_scoped3A_1504 : memref<!tpu.dma_semaphore, #tpu.memory_space<semaphore_mem>>) src(%dma_wait3A_1527 : memref<16x128xf32, #tpu.memory_space<vmem>>) dst(%dma_wait3A_1523 : memref<16x128xf32, #tpu.memory_space<vmem_shared>>)
      tpu.yield
    }) : () -> ()
    %run_scoped3A_780 = arith.constant 0 : i32
    "tpu.region"() ({
      %run_scoped3A_1504 = tpu.sem_alloc : memref<!tpu.dma_semaphore, #tpu.memory_space<semaphore_mem>>
      %dma_start3A_1505 = arith.constant 0 : i32
      %dma_start3A_1506 = arith.constant 0 : i32
      %dma_start3A_1507 = tpu.memref_slice %arg10[%run_scoped3A_780, %dma_start3A_1505, %dma_start3A_1506] : memref<2x64x128xf32, #tpu.memory_space<vmem>> -> memref<1x16x128xf32, #tpu.memory_space<vmem>>
      %dma_start3A_1508 = tpu.memref_squeeze %dma_start3A_1507 : memref<1x16x128xf32, #tpu.memory_space<vmem>> -> memref<16x128xf32, #tpu.memory_space<vmem>>
      %dma_start3A_1509 = arith.constant 0 : i32
      %dma_start3A_1510 = tpu.memref_slice %arg20[%add3A_778, %dma_start3A_1509] : memref<2048x128xf32, #tpu.memory_space<vmem_shared>> -> memref<16x128xf32, #tpu.memory_space<vmem_shared>>
      %dma_start3A_1511 = arith.constant 0 : i32
      %dma_start3A_1512 = tpu.memref_slice %arg20[%add3A_778, %dma_start3A_1511] : memref<2048x128xf32, #tpu.memory_space<vmem_shared>> -> memref<16x128xf32, #tpu.memory_space<vmem_shared>>
      %dma_start3A_1513 = arith.constant 0 : i32
      %dma_start3A_1514 = arith.constant 0 : i32
      %dma_start3A_1515 = tpu.memref_slice %arg10[%run_scoped3A_780, %dma_start3A_1513, %dma_start3A_1514] : memref<2x64x128xf32, #tpu.memory_space<vmem>> -> memref<1x16x128xf32, #tpu.memory_space<vmem>>
      %dma_start3A_1516 = tpu.memref_squeeze %dma_start3A_1515 : memref<1x16x128xf32, #tpu.memory_space<vmem>> -> memref<16x128xf32, #tpu.memory_space<vmem>>
      tpu.enqueue_dma source(%dma_start3A_1516 : memref<16x128xf32, #tpu.memory_space<vmem>>) target(%dma_start3A_1512 : memref<16x128xf32, #tpu.memory_space<vmem_shared>>) target_semaphore(%run_scoped3A_1504 : memref<!tpu.dma_semaphore, #tpu.memory_space<semaphore_mem>>)
      %dma_wait3A = arith.constant 0 : i32
      %dma_wait3A_1517 = arith.constant 0 : i32
      %dma_wait3A_1518 = tpu.memref_slice %arg10[%run_scoped3A_780, %dma_wait3A, %dma_wait3A_1517] : memref<2x64x128xf32, #tpu.memory_space<vmem>> -> memref<1x16x128xf32, #tpu.memory_space<vmem>>
      %dma_wait3A_1519 = tpu.memref_squeeze %dma_wait3A_1518 : memref<1x16x128xf32, #tpu.memory_space<vmem>> -> memref<16x128xf32, #tpu.memory_space<vmem>>
      %dma_wait3A_1520 = arith.constant 0 : i32
      %dma_wait3A_1521 = tpu.memref_slice %arg20[%add3A_778, %dma_wait3A_1520] : memref<2048x128xf32, #tpu.memory_space<vmem_shared>> -> memref<16x128xf32, #tpu.memory_space<vmem_shared>>
      %dma_wait3A_1522 = arith.constant 0 : i32
      %dma_wait3A_1523 = tpu.memref_slice %arg20[%add3A_778, %dma_wait3A_1522] : memref<2048x128xf32, #tpu.memory_space<vmem_shared>> -> memref<16x128xf32, #tpu.memory_space<vmem_shared>>
      %dma_wait3A_1524 = arith.constant 0 : i32
      %dma_wait3A_1525 = arith.constant 0 : i32
      %dma_wait3A_1526 = tpu.memref_slice %arg10[%run_scoped3A_780, %dma_wait3A_1524, %dma_wait3A_1525] : memref<2x64x128xf32, #tpu.memory_space<vmem>> -> memref<1x16x128xf32, #tpu.memory_space<vmem>>
      %dma_wait3A_1527 = tpu.memref_squeeze %dma_wait3A_1526 : memref<1x16x128xf32, #tpu.memory_space<vmem>> -> memref<16x128xf32, #tpu.memory_space<vmem>>
      tpu.wait_dma2 semaphore(%run_scoped3A_1504 : memref<!tpu.dma_semaphore, #tpu.memory_space<semaphore_mem>>) src(%dma_wait3A_1527 : memref<16x128xf32, #tpu.memory_space<vmem>>) dst(%dma_wait3A_1523 : memref<16x128xf32, #tpu.memory_space<vmem_shared>>)
      tpu.yield
    }) : () -> ()
    %mul3A_781 = arith.constant 128 : i32
    %mul3A_782 = arith.muli %arg1, %mul3A_781 : i32
    %add3A_783 = arith.constant 32 : i32
    %add3A_784 = arith.addi %mul3A_782, %add3A_783 : i32
    %run_scoped3A_785 = arith.constant 0 : i32
    "tpu.region"() ({
      %run_scoped3A_1504 = tpu.sem_alloc : memref<!tpu.dma_semaphore, #tpu.memory_space<semaphore_mem>>
      %dma_start3A_1505 = arith.constant 0 : i32
      %dma_start3A_1506 = arith.constant 0 : i32
      %dma_start3A_1507 = tpu.memref_slice %arg10[%run_scoped3A_785, %dma_start3A_1505, %dma_start3A_1506] : memref<2x64x128xf32, #tpu.memory_space<vmem>> -> memref<1x16x128xf32, #tpu.memory_space<vmem>>
      %dma_start3A_1508 = tpu.memref_squeeze %dma_start3A_1507 : memref<1x16x128xf32, #tpu.memory_space<vmem>> -> memref<16x128xf32, #tpu.memory_space<vmem>>
      %dma_start3A_1509 = arith.constant 0 : i32
      %dma_start3A_1510 = tpu.memref_slice %arg19[%add3A_784, %dma_start3A_1509] : memref<2048x128xf32, #tpu.memory_space<vmem_shared>> -> memref<16x128xf32, #tpu.memory_space<vmem_shared>>
      %dma_start3A_1511 = arith.constant 0 : i32
      %dma_start3A_1512 = tpu.memref_slice %arg19[%add3A_784, %dma_start3A_1511] : memref<2048x128xf32, #tpu.memory_space<vmem_shared>> -> memref<16x128xf32, #tpu.memory_space<vmem_shared>>
      %dma_start3A_1513 = arith.constant 0 : i32
      %dma_start3A_1514 = arith.constant 0 : i32
      %dma_start3A_1515 = tpu.memref_slice %arg10[%run_scoped3A_785, %dma_start3A_1513, %dma_start3A_1514] : memref<2x64x128xf32, #tpu.memory_space<vmem>> -> memref<1x16x128xf32, #tpu.memory_space<vmem>>
      %dma_start3A_1516 = tpu.memref_squeeze %dma_start3A_1515 : memref<1x16x128xf32, #tpu.memory_space<vmem>> -> memref<16x128xf32, #tpu.memory_space<vmem>>
      tpu.enqueue_dma source(%dma_start3A_1516 : memref<16x128xf32, #tpu.memory_space<vmem>>) target(%dma_start3A_1512 : memref<16x128xf32, #tpu.memory_space<vmem_shared>>) target_semaphore(%run_scoped3A_1504 : memref<!tpu.dma_semaphore, #tpu.memory_space<semaphore_mem>>)
      %dma_wait3A = arith.constant 0 : i32
      %dma_wait3A_1517 = arith.constant 0 : i32
      %dma_wait3A_1518 = tpu.memref_slice %arg10[%run_scoped3A_785, %dma_wait3A, %dma_wait3A_1517] : memref<2x64x128xf32, #tpu.memory_space<vmem>> -> memref<1x16x128xf32, #tpu.memory_space<vmem>>
      %dma_wait3A_1519 = tpu.memref_squeeze %dma_wait3A_1518 : memref<1x16x128xf32, #tpu.memory_space<vmem>> -> memref<16x128xf32, #tpu.memory_space<vmem>>
      %dma_wait3A_1520 = arith.constant 0 : i32
      %dma_wait3A_1521 = tpu.memref_slice %arg19[%add3A_784, %dma_wait3A_1520] : memref<2048x128xf32, #tpu.memory_space<vmem_shared>> -> memref<16x128xf32, #tpu.memory_space<vmem_shared>>
      %dma_wait3A_1522 = arith.constant 0 : i32
      %dma_wait3A_1523 = tpu.memref_slice %arg19[%add3A_784, %dma_wait3A_1522] : memref<2048x128xf32, #tpu.memory_space<vmem_shared>> -> memref<16x128xf32, #tpu.memory_space<vmem_shared>>
      %dma_wait3A_1524 = arith.constant 0 : i32
      %dma_wait3A_1525 = arith.constant 0 : i32
      %dma_wait3A_1526 = tpu.memref_slice %arg10[%run_scoped3A_785, %dma_wait3A_1524, %dma_wait3A_1525] : memref<2x64x128xf32, #tpu.memory_space<vmem>> -> memref<1x16x128xf32, #tpu.memory_space<vmem>>
      %dma_wait3A_1527 = tpu.memref_squeeze %dma_wait3A_1526 : memref<1x16x128xf32, #tpu.memory_space<vmem>> -> memref<16x128xf32, #tpu.memory_space<vmem>>
      tpu.wait_dma2 semaphore(%run_scoped3A_1504 : memref<!tpu.dma_semaphore, #tpu.memory_space<semaphore_mem>>) src(%dma_wait3A_1527 : memref<16x128xf32, #tpu.memory_space<vmem>>) dst(%dma_wait3A_1523 : memref<16x128xf32, #tpu.memory_space<vmem_shared>>)
      tpu.yield
    }) : () -> ()
    %run_scoped3A_786 = arith.constant 0 : i32
    "tpu.region"() ({
      %run_scoped3A_1504 = tpu.sem_alloc : memref<!tpu.dma_semaphore, #tpu.memory_space<semaphore_mem>>
      %dma_start3A_1505 = arith.constant 0 : i32
      %dma_start3A_1506 = arith.constant 0 : i32
      %dma_start3A_1507 = tpu.memref_slice %arg10[%run_scoped3A_786, %dma_start3A_1505, %dma_start3A_1506] : memref<2x64x128xf32, #tpu.memory_space<vmem>> -> memref<1x16x128xf32, #tpu.memory_space<vmem>>
      %dma_start3A_1508 = tpu.memref_squeeze %dma_start3A_1507 : memref<1x16x128xf32, #tpu.memory_space<vmem>> -> memref<16x128xf32, #tpu.memory_space<vmem>>
      %dma_start3A_1509 = arith.constant 0 : i32
      %dma_start3A_1510 = tpu.memref_slice %arg20[%add3A_784, %dma_start3A_1509] : memref<2048x128xf32, #tpu.memory_space<vmem_shared>> -> memref<16x128xf32, #tpu.memory_space<vmem_shared>>
      %dma_start3A_1511 = arith.constant 0 : i32
      %dma_start3A_1512 = tpu.memref_slice %arg20[%add3A_784, %dma_start3A_1511] : memref<2048x128xf32, #tpu.memory_space<vmem_shared>> -> memref<16x128xf32, #tpu.memory_space<vmem_shared>>
      %dma_start3A_1513 = arith.constant 0 : i32
      %dma_start3A_1514 = arith.constant 0 : i32
      %dma_start3A_1515 = tpu.memref_slice %arg10[%run_scoped3A_786, %dma_start3A_1513, %dma_start3A_1514] : memref<2x64x128xf32, #tpu.memory_space<vmem>> -> memref<1x16x128xf32, #tpu.memory_space<vmem>>
      %dma_start3A_1516 = tpu.memref_squeeze %dma_start3A_1515 : memref<1x16x128xf32, #tpu.memory_space<vmem>> -> memref<16x128xf32, #tpu.memory_space<vmem>>
      tpu.enqueue_dma source(%dma_start3A_1516 : memref<16x128xf32, #tpu.memory_space<vmem>>) target(%dma_start3A_1512 : memref<16x128xf32, #tpu.memory_space<vmem_shared>>) target_semaphore(%run_scoped3A_1504 : memref<!tpu.dma_semaphore, #tpu.memory_space<semaphore_mem>>)
      %dma_wait3A = arith.constant 0 : i32
      %dma_wait3A_1517 = arith.constant 0 : i32
      %dma_wait3A_1518 = tpu.memref_slice %arg10[%run_scoped3A_786, %dma_wait3A, %dma_wait3A_1517] : memref<2x64x128xf32, #tpu.memory_space<vmem>> -> memref<1x16x128xf32, #tpu.memory_space<vmem>>
      %dma_wait3A_1519 = tpu.memref_squeeze %dma_wait3A_1518 : memref<1x16x128xf32, #tpu.memory_space<vmem>> -> memref<16x128xf32, #tpu.memory_space<vmem>>
      %dma_wait3A_1520 = arith.constant 0 : i32
      %dma_wait3A_1521 = tpu.memref_slice %arg20[%add3A_784, %dma_wait3A_1520] : memref<2048x128xf32, #tpu.memory_space<vmem_shared>> -> memref<16x128xf32, #tpu.memory_space<vmem_shared>>
      %dma_wait3A_1522 = arith.constant 0 : i32
      %dma_wait3A_1523 = tpu.memref_slice %arg20[%add3A_784, %dma_wait3A_1522] : memref<2048x128xf32, #tpu.memory_space<vmem_shared>> -> memref<16x128xf32, #tpu.memory_space<vmem_shared>>
      %dma_wait3A_1524 = arith.constant 0 : i32
      %dma_wait3A_1525 = arith.constant 0 : i32
      %dma_wait3A_1526 = tpu.memref_slice %arg10[%run_scoped3A_786, %dma_wait3A_1524, %dma_wait3A_1525] : memref<2x64x128xf32, #tpu.memory_space<vmem>> -> memref<1x16x128xf32, #tpu.memory_space<vmem>>
      %dma_wait3A_1527 = tpu.memref_squeeze %dma_wait3A_1526 : memref<1x16x128xf32, #tpu.memory_space<vmem>> -> memref<16x128xf32, #tpu.memory_space<vmem>>
      tpu.wait_dma2 semaphore(%run_scoped3A_1504 : memref<!tpu.dma_semaphore, #tpu.memory_space<semaphore_mem>>) src(%dma_wait3A_1527 : memref<16x128xf32, #tpu.memory_space<vmem>>) dst(%dma_wait3A_1523 : memref<16x128xf32, #tpu.memory_space<vmem_shared>>)
      tpu.yield
    }) : () -> ()
    %mul3A_787 = arith.constant 128 : i32
    %mul3A_788 = arith.muli %arg1, %mul3A_787 : i32
    %add3A_789 = arith.constant 48 : i32
    %add3A_790 = arith.addi %mul3A_788, %add3A_789 : i32
    %run_scoped3A_791 = arith.constant 0 : i32
    "tpu.region"() ({
      %run_scoped3A_1504 = tpu.sem_alloc : memref<!tpu.dma_semaphore, #tpu.memory_space<semaphore_mem>>
      %dma_start3A_1505 = arith.constant 0 : i32
      %dma_start3A_1506 = arith.constant 0 : i32
      %dma_start3A_1507 = tpu.memref_slice %arg10[%run_scoped3A_791, %dma_start3A_1505, %dma_start3A_1506] : memref<2x64x128xf32, #tpu.memory_space<vmem>> -> memref<1x16x128xf32, #tpu.memory_space<vmem>>
      %dma_start3A_1508 = tpu.memref_squeeze %dma_start3A_1507 : memref<1x16x128xf32, #tpu.memory_space<vmem>> -> memref<16x128xf32, #tpu.memory_space<vmem>>
      %dma_start3A_1509 = arith.constant 0 : i32
      %dma_start3A_1510 = tpu.memref_slice %arg19[%add3A_790, %dma_start3A_1509] : memref<2048x128xf32, #tpu.memory_space<vmem_shared>> -> memref<16x128xf32, #tpu.memory_space<vmem_shared>>
      %dma_start3A_1511 = arith.constant 0 : i32
      %dma_start3A_1512 = tpu.memref_slice %arg19[%add3A_790, %dma_start3A_1511] : memref<2048x128xf32, #tpu.memory_space<vmem_shared>> -> memref<16x128xf32, #tpu.memory_space<vmem_shared>>
      %dma_start3A_1513 = arith.constant 0 : i32
      %dma_start3A_1514 = arith.constant 0 : i32
      %dma_start3A_1515 = tpu.memref_slice %arg10[%run_scoped3A_791, %dma_start3A_1513, %dma_start3A_1514] : memref<2x64x128xf32, #tpu.memory_space<vmem>> -> memref<1x16x128xf32, #tpu.memory_space<vmem>>
      %dma_start3A_1516 = tpu.memref_squeeze %dma_start3A_1515 : memref<1x16x128xf32, #tpu.memory_space<vmem>> -> memref<16x128xf32, #tpu.memory_space<vmem>>
      tpu.enqueue_dma source(%dma_start3A_1516 : memref<16x128xf32, #tpu.memory_space<vmem>>) target(%dma_start3A_1512 : memref<16x128xf32, #tpu.memory_space<vmem_shared>>) target_semaphore(%run_scoped3A_1504 : memref<!tpu.dma_semaphore, #tpu.memory_space<semaphore_mem>>)
      %dma_wait3A = arith.constant 0 : i32
      %dma_wait3A_1517 = arith.constant 0 : i32
      %dma_wait3A_1518 = tpu.memref_slice %arg10[%run_scoped3A_791, %dma_wait3A, %dma_wait3A_1517] : memref<2x64x128xf32, #tpu.memory_space<vmem>> -> memref<1x16x128xf32, #tpu.memory_space<vmem>>
      %dma_wait3A_1519 = tpu.memref_squeeze %dma_wait3A_1518 : memref<1x16x128xf32, #tpu.memory_space<vmem>> -> memref<16x128xf32, #tpu.memory_space<vmem>>
      %dma_wait3A_1520 = arith.constant 0 : i32
      %dma_wait3A_1521 = tpu.memref_slice %arg19[%add3A_790, %dma_wait3A_1520] : memref<2048x128xf32, #tpu.memory_space<vmem_shared>> -> memref<16x128xf32, #tpu.memory_space<vmem_shared>>
      %dma_wait3A_1522 = arith.constant 0 : i32
      %dma_wait3A_1523 = tpu.memref_slice %arg19[%add3A_790, %dma_wait3A_1522] : memref<2048x128xf32, #tpu.memory_space<vmem_shared>> -> memref<16x128xf32, #tpu.memory_space<vmem_shared>>
      %dma_wait3A_1524 = arith.constant 0 : i32
      %dma_wait3A_1525 = arith.constant 0 : i32
      %dma_wait3A_1526 = tpu.memref_slice %arg10[%run_scoped3A_791, %dma_wait3A_1524, %dma_wait3A_1525] : memref<2x64x128xf32, #tpu.memory_space<vmem>> -> memref<1x16x128xf32, #tpu.memory_space<vmem>>
      %dma_wait3A_1527 = tpu.memref_squeeze %dma_wait3A_1526 : memref<1x16x128xf32, #tpu.memory_space<vmem>> -> memref<16x128xf32, #tpu.memory_space<vmem>>
      tpu.wait_dma2 semaphore(%run_scoped3A_1504 : memref<!tpu.dma_semaphore, #tpu.memory_space<semaphore_mem>>) src(%dma_wait3A_1527 : memref<16x128xf32, #tpu.memory_space<vmem>>) dst(%dma_wait3A_1523 : memref<16x128xf32, #tpu.memory_space<vmem_shared>>)
      tpu.yield
    }) : () -> ()
    %run_scoped3A_792 = arith.constant 0 : i32
    "tpu.region"() ({
      %run_scoped3A_1504 = tpu.sem_alloc : memref<!tpu.dma_semaphore, #tpu.memory_space<semaphore_mem>>
      %dma_start3A_1505 = arith.constant 0 : i32
      %dma_start3A_1506 = arith.constant 0 : i32
      %dma_start3A_1507 = tpu.memref_slice %arg10[%run_scoped3A_792, %dma_start3A_1505, %dma_start3A_1506] : memref<2x64x128xf32, #tpu.memory_space<vmem>> -> memref<1x16x128xf32, #tpu.memory_space<vmem>>
      %dma_start3A_1508 = tpu.memref_squeeze %dma_start3A_1507 : memref<1x16x128xf32, #tpu.memory_space<vmem>> -> memref<16x128xf32, #tpu.memory_space<vmem>>
      %dma_start3A_1509 = arith.constant 0 : i32
      %dma_start3A_1510 = tpu.memref_slice %arg20[%add3A_790, %dma_start3A_1509] : memref<2048x128xf32, #tpu.memory_space<vmem_shared>> -> memref<16x128xf32, #tpu.memory_space<vmem_shared>>
      %dma_start3A_1511 = arith.constant 0 : i32
      %dma_start3A_1512 = tpu.memref_slice %arg20[%add3A_790, %dma_start3A_1511] : memref<2048x128xf32, #tpu.memory_space<vmem_shared>> -> memref<16x128xf32, #tpu.memory_space<vmem_shared>>
      %dma_start3A_1513 = arith.constant 0 : i32
      %dma_start3A_1514 = arith.constant 0 : i32
      %dma_start3A_1515 = tpu.memref_slice %arg10[%run_scoped3A_792, %dma_start3A_1513, %dma_start3A_1514] : memref<2x64x128xf32, #tpu.memory_space<vmem>> -> memref<1x16x128xf32, #tpu.memory_space<vmem>>
      %dma_start3A_1516 = tpu.memref_squeeze %dma_start3A_1515 : memref<1x16x128xf32, #tpu.memory_space<vmem>> -> memref<16x128xf32, #tpu.memory_space<vmem>>
      tpu.enqueue_dma source(%dma_start3A_1516 : memref<16x128xf32, #tpu.memory_space<vmem>>) target(%dma_start3A_1512 : memref<16x128xf32, #tpu.memory_space<vmem_shared>>) target_semaphore(%run_scoped3A_1504 : memref<!tpu.dma_semaphore, #tpu.memory_space<semaphore_mem>>)
      %dma_wait3A = arith.constant 0 : i32
      %dma_wait3A_1517 = arith.constant 0 : i32
      %dma_wait3A_1518 = tpu.memref_slice %arg10[%run_scoped3A_792, %dma_wait3A, %dma_wait3A_1517] : memref<2x64x128xf32, #tpu.memory_space<vmem>> -> memref<1x16x128xf32, #tpu.memory_space<vmem>>
      %dma_wait3A_1519 = tpu.memref_squeeze %dma_wait3A_1518 : memref<1x16x128xf32, #tpu.memory_space<vmem>> -> memref<16x128xf32, #tpu.memory_space<vmem>>
      %dma_wait3A_1520 = arith.constant 0 : i32
      %dma_wait3A_1521 = tpu.memref_slice %arg20[%add3A_790, %dma_wait3A_1520] : memref<2048x128xf32, #tpu.memory_space<vmem_shared>> -> memref<16x128xf32, #tpu.memory_space<vmem_shared>>
      %dma_wait3A_1522 = arith.constant 0 : i32
      %dma_wait3A_1523 = tpu.memref_slice %arg20[%add3A_790, %dma_wait3A_1522] : memref<2048x128xf32, #tpu.memory_space<vmem_shared>> -> memref<16x128xf32, #tpu.memory_space<vmem_shared>>
      %dma_wait3A_1524 = arith.constant 0 : i32
      %dma_wait3A_1525 = arith.constant 0 : i32
      %dma_wait3A_1526 = tpu.memref_slice %arg10[%run_scoped3A_792, %dma_wait3A_1524, %dma_wait3A_1525] : memref<2x64x128xf32, #tpu.memory_space<vmem>> -> memref<1x16x128xf32, #tpu.memory_space<vmem>>
      %dma_wait3A_1527 = tpu.memref_squeeze %dma_wait3A_1526 : memref<1x16x128xf32, #tpu.memory_space<vmem>> -> memref<16x128xf32, #tpu.memory_space<vmem>>
      tpu.wait_dma2 semaphore(%run_scoped3A_1504 : memref<!tpu.dma_semaphore, #tpu.memory_space<semaphore_mem>>) src(%dma_wait3A_1527 : memref<16x128xf32, #tpu.memory_space<vmem>>) dst(%dma_wait3A_1523 : memref<16x128xf32, #tpu.memory_space<vmem_shared>>)
      tpu.yield
    }) : () -> ()
    %mul3A_793 = arith.constant 128 : i32
    %mul3A_794 = arith.muli %arg1, %mul3A_793 : i32
    %add3A_795 = arith.constant 64 : i32
    %add3A_796 = arith.addi %mul3A_794, %add3A_795 : i32
    %run_scoped3A_797 = arith.constant 0 : i32
    "tpu.region"() ({
      %run_scoped3A_1504 = tpu.sem_alloc : memref<!tpu.dma_semaphore, #tpu.memory_space<semaphore_mem>>
      %dma_start3A_1505 = arith.constant 0 : i32
      %dma_start3A_1506 = arith.constant 0 : i32
      %dma_start3A_1507 = tpu.memref_slice %arg10[%run_scoped3A_797, %dma_start3A_1505, %dma_start3A_1506] : memref<2x64x128xf32, #tpu.memory_space<vmem>> -> memref<1x16x128xf32, #tpu.memory_space<vmem>>
      %dma_start3A_1508 = tpu.memref_squeeze %dma_start3A_1507 : memref<1x16x128xf32, #tpu.memory_space<vmem>> -> memref<16x128xf32, #tpu.memory_space<vmem>>
      %dma_start3A_1509 = arith.constant 0 : i32
      %dma_start3A_1510 = tpu.memref_slice %arg19[%add3A_796, %dma_start3A_1509] : memref<2048x128xf32, #tpu.memory_space<vmem_shared>> -> memref<16x128xf32, #tpu.memory_space<vmem_shared>>
      %dma_start3A_1511 = arith.constant 0 : i32
      %dma_start3A_1512 = tpu.memref_slice %arg19[%add3A_796, %dma_start3A_1511] : memref<2048x128xf32, #tpu.memory_space<vmem_shared>> -> memref<16x128xf32, #tpu.memory_space<vmem_shared>>
      %dma_start3A_1513 = arith.constant 0 : i32
      %dma_start3A_1514 = arith.constant 0 : i32
      %dma_start3A_1515 = tpu.memref_slice %arg10[%run_scoped3A_797, %dma_start3A_1513, %dma_start3A_1514] : memref<2x64x128xf32, #tpu.memory_space<vmem>> -> memref<1x16x128xf32, #tpu.memory_space<vmem>>
      %dma_start3A_1516 = tpu.memref_squeeze %dma_start3A_1515 : memref<1x16x128xf32, #tpu.memory_space<vmem>> -> memref<16x128xf32, #tpu.memory_space<vmem>>
      tpu.enqueue_dma source(%dma_start3A_1516 : memref<16x128xf32, #tpu.memory_space<vmem>>) target(%dma_start3A_1512 : memref<16x128xf32, #tpu.memory_space<vmem_shared>>) target_semaphore(%run_scoped3A_1504 : memref<!tpu.dma_semaphore, #tpu.memory_space<semaphore_mem>>)
      %dma_wait3A = arith.constant 0 : i32
      %dma_wait3A_1517 = arith.constant 0 : i32
      %dma_wait3A_1518 = tpu.memref_slice %arg10[%run_scoped3A_797, %dma_wait3A, %dma_wait3A_1517] : memref<2x64x128xf32, #tpu.memory_space<vmem>> -> memref<1x16x128xf32, #tpu.memory_space<vmem>>
      %dma_wait3A_1519 = tpu.memref_squeeze %dma_wait3A_1518 : memref<1x16x128xf32, #tpu.memory_space<vmem>> -> memref<16x128xf32, #tpu.memory_space<vmem>>
      %dma_wait3A_1520 = arith.constant 0 : i32
      %dma_wait3A_1521 = tpu.memref_slice %arg19[%add3A_796, %dma_wait3A_1520] : memref<2048x128xf32, #tpu.memory_space<vmem_shared>> -> memref<16x128xf32, #tpu.memory_space<vmem_shared>>
      %dma_wait3A_1522 = arith.constant 0 : i32
      %dma_wait3A_1523 = tpu.memref_slice %arg19[%add3A_796, %dma_wait3A_1522] : memref<2048x128xf32, #tpu.memory_space<vmem_shared>> -> memref<16x128xf32, #tpu.memory_space<vmem_shared>>
      %dma_wait3A_1524 = arith.constant 0 : i32
      %dma_wait3A_1525 = arith.constant 0 : i32
      %dma_wait3A_1526 = tpu.memref_slice %arg10[%run_scoped3A_797, %dma_wait3A_1524, %dma_wait3A_1525] : memref<2x64x128xf32, #tpu.memory_space<vmem>> -> memref<1x16x128xf32, #tpu.memory_space<vmem>>
      %dma_wait3A_1527 = tpu.memref_squeeze %dma_wait3A_1526 : memref<1x16x128xf32, #tpu.memory_space<vmem>> -> memref<16x128xf32, #tpu.memory_space<vmem>>
      tpu.wait_dma2 semaphore(%run_scoped3A_1504 : memref<!tpu.dma_semaphore, #tpu.memory_space<semaphore_mem>>) src(%dma_wait3A_1527 : memref<16x128xf32, #tpu.memory_space<vmem>>) dst(%dma_wait3A_1523 : memref<16x128xf32, #tpu.memory_space<vmem_shared>>)
      tpu.yield
    }) : () -> ()
    %run_scoped3A_798 = arith.constant 0 : i32
    "tpu.region"() ({
      %run_scoped3A_1504 = tpu.sem_alloc : memref<!tpu.dma_semaphore, #tpu.memory_space<semaphore_mem>>
      %dma_start3A_1505 = arith.constant 0 : i32
      %dma_start3A_1506 = arith.constant 0 : i32
      %dma_start3A_1507 = tpu.memref_slice %arg10[%run_scoped3A_798, %dma_start3A_1505, %dma_start3A_1506] : memref<2x64x128xf32, #tpu.memory_space<vmem>> -> memref<1x16x128xf32, #tpu.memory_space<vmem>>
      %dma_start3A_1508 = tpu.memref_squeeze %dma_start3A_1507 : memref<1x16x128xf32, #tpu.memory_space<vmem>> -> memref<16x128xf32, #tpu.memory_space<vmem>>
      %dma_start3A_1509 = arith.constant 0 : i32
      %dma_start3A_1510 = tpu.memref_slice %arg20[%add3A_796, %dma_start3A_1509] : memref<2048x128xf32, #tpu.memory_space<vmem_shared>> -> memref<16x128xf32, #tpu.memory_space<vmem_shared>>
      %dma_start3A_1511 = arith.constant 0 : i32
      %dma_start3A_1512 = tpu.memref_slice %arg20[%add3A_796, %dma_start3A_1511] : memref<2048x128xf32, #tpu.memory_space<vmem_shared>> -> memref<16x128xf32, #tpu.memory_space<vmem_shared>>
      %dma_start3A_1513 = arith.constant 0 : i32
      %dma_start3A_1514 = arith.constant 0 : i32
      %dma_start3A_1515 = tpu.memref_slice %arg10[%run_scoped3A_798, %dma_start3A_1513, %dma_start3A_1514] : memref<2x64x128xf32, #tpu.memory_space<vmem>> -> memref<1x16x128xf32, #tpu.memory_space<vmem>>
      %dma_start3A_1516 = tpu.memref_squeeze %dma_start3A_1515 : memref<1x16x128xf32, #tpu.memory_space<vmem>> -> memref<16x128xf32, #tpu.memory_space<vmem>>
      tpu.enqueue_dma source(%dma_start3A_1516 : memref<16x128xf32, #tpu.memory_space<vmem>>) target(%dma_start3A_1512 : memref<16x128xf32, #tpu.memory_space<vmem_shared>>) target_semaphore(%run_scoped3A_1504 : memref<!tpu.dma_semaphore, #tpu.memory_space<semaphore_mem>>)
      %dma_wait3A = arith.constant 0 : i32
      %dma_wait3A_1517 = arith.constant 0 : i32
      %dma_wait3A_1518 = tpu.memref_slice %arg10[%run_scoped3A_798, %dma_wait3A, %dma_wait3A_1517] : memref<2x64x128xf32, #tpu.memory_space<vmem>> -> memref<1x16x128xf32, #tpu.memory_space<vmem>>
      %dma_wait3A_1519 = tpu.memref_squeeze %dma_wait3A_1518 : memref<1x16x128xf32, #tpu.memory_space<vmem>> -> memref<16x128xf32, #tpu.memory_space<vmem>>
      %dma_wait3A_1520 = arith.constant 0 : i32
      %dma_wait3A_1521 = tpu.memref_slice %arg20[%add3A_796, %dma_wait3A_1520] : memref<2048x128xf32, #tpu.memory_space<vmem_shared>> -> memref<16x128xf32, #tpu.memory_space<vmem_shared>>
      %dma_wait3A_1522 = arith.constant 0 : i32
      %dma_wait3A_1523 = tpu.memref_slice %arg20[%add3A_796, %dma_wait3A_1522] : memref<2048x128xf32, #tpu.memory_space<vmem_shared>> -> memref<16x128xf32, #tpu.memory_space<vmem_shared>>
      %dma_wait3A_1524 = arith.constant 0 : i32
      %dma_wait3A_1525 = arith.constant 0 : i32
      %dma_wait3A_1526 = tpu.memref_slice %arg10[%run_scoped3A_798, %dma_wait3A_1524, %dma_wait3A_1525] : memref<2x64x128xf32, #tpu.memory_space<vmem>> -> memref<1x16x128xf32, #tpu.memory_space<vmem>>
      %dma_wait3A_1527 = tpu.memref_squeeze %dma_wait3A_1526 : memref<1x16x128xf32, #tpu.memory_space<vmem>> -> memref<16x128xf32, #tpu.memory_space<vmem>>
      tpu.wait_dma2 semaphore(%run_scoped3A_1504 : memref<!tpu.dma_semaphore, #tpu.memory_space<semaphore_mem>>) src(%dma_wait3A_1527 : memref<16x128xf32, #tpu.memory_space<vmem>>) dst(%dma_wait3A_1523 : memref<16x128xf32, #tpu.memory_space<vmem_shared>>)
      tpu.yield
    }) : () -> ()
    %mul3A_799 = arith.constant 128 : i32
    %mul3A_800 = arith.muli %arg1, %mul3A_799 : i32
    %add3A_801 = arith.constant 80 : i32
    %add3A_802 = arith.addi %mul3A_800, %add3A_801 : i32
    %run_scoped3A_803 = arith.constant 0 : i32
    "tpu.region"() ({
      %run_scoped3A_1504 = tpu.sem_alloc : memref<!tpu.dma_semaphore, #tpu.memory_space<semaphore_mem>>
      %dma_start3A_1505 = arith.constant 0 : i32
      %dma_start3A_1506 = arith.constant 0 : i32
      %dma_start3A_1507 = tpu.memref_slice %arg10[%run_scoped3A_803, %dma_start3A_1505, %dma_start3A_1506] : memref<2x64x128xf32, #tpu.memory_space<vmem>> -> memref<1x16x128xf32, #tpu.memory_space<vmem>>
      %dma_start3A_1508 = tpu.memref_squeeze %dma_start3A_1507 : memref<1x16x128xf32, #tpu.memory_space<vmem>> -> memref<16x128xf32, #tpu.memory_space<vmem>>
      %dma_start3A_1509 = arith.constant 0 : i32
      %dma_start3A_1510 = tpu.memref_slice %arg19[%add3A_802, %dma_start3A_1509] : memref<2048x128xf32, #tpu.memory_space<vmem_shared>> -> memref<16x128xf32, #tpu.memory_space<vmem_shared>>
      %dma_start3A_1511 = arith.constant 0 : i32
      %dma_start3A_1512 = tpu.memref_slice %arg19[%add3A_802, %dma_start3A_1511] : memref<2048x128xf32, #tpu.memory_space<vmem_shared>> -> memref<16x128xf32, #tpu.memory_space<vmem_shared>>
      %dma_start3A_1513 = arith.constant 0 : i32
      %dma_start3A_1514 = arith.constant 0 : i32
      %dma_start3A_1515 = tpu.memref_slice %arg10[%run_scoped3A_803, %dma_start3A_1513, %dma_start3A_1514] : memref<2x64x128xf32, #tpu.memory_space<vmem>> -> memref<1x16x128xf32, #tpu.memory_space<vmem>>
      %dma_start3A_1516 = tpu.memref_squeeze %dma_start3A_1515 : memref<1x16x128xf32, #tpu.memory_space<vmem>> -> memref<16x128xf32, #tpu.memory_space<vmem>>
      tpu.enqueue_dma source(%dma_start3A_1516 : memref<16x128xf32, #tpu.memory_space<vmem>>) target(%dma_start3A_1512 : memref<16x128xf32, #tpu.memory_space<vmem_shared>>) target_semaphore(%run_scoped3A_1504 : memref<!tpu.dma_semaphore, #tpu.memory_space<semaphore_mem>>)
      %dma_wait3A = arith.constant 0 : i32
      %dma_wait3A_1517 = arith.constant 0 : i32
      %dma_wait3A_1518 = tpu.memref_slice %arg10[%run_scoped3A_803, %dma_wait3A, %dma_wait3A_1517] : memref<2x64x128xf32, #tpu.memory_space<vmem>> -> memref<1x16x128xf32, #tpu.memory_space<vmem>>
      %dma_wait3A_1519 = tpu.memref_squeeze %dma_wait3A_1518 : memref<1x16x128xf32, #tpu.memory_space<vmem>> -> memref<16x128xf32, #tpu.memory_space<vmem>>
      %dma_wait3A_1520 = arith.constant 0 : i32
      %dma_wait3A_1521 = tpu.memref_slice %arg19[%add3A_802, %dma_wait3A_1520] : memref<2048x128xf32, #tpu.memory_space<vmem_shared>> -> memref<16x128xf32, #tpu.memory_space<vmem_shared>>
      %dma_wait3A_1522 = arith.constant 0 : i32
      %dma_wait3A_1523 = tpu.memref_slice %arg19[%add3A_802, %dma_wait3A_1522] : memref<2048x128xf32, #tpu.memory_space<vmem_shared>> -> memref<16x128xf32, #tpu.memory_space<vmem_shared>>
      %dma_wait3A_1524 = arith.constant 0 : i32
      %dma_wait3A_1525 = arith.constant 0 : i32
      %dma_wait3A_1526 = tpu.memref_slice %arg10[%run_scoped3A_803, %dma_wait3A_1524, %dma_wait3A_1525] : memref<2x64x128xf32, #tpu.memory_space<vmem>> -> memref<1x16x128xf32, #tpu.memory_space<vmem>>
      %dma_wait3A_1527 = tpu.memref_squeeze %dma_wait3A_1526 : memref<1x16x128xf32, #tpu.memory_space<vmem>> -> memref<16x128xf32, #tpu.memory_space<vmem>>
      tpu.wait_dma2 semaphore(%run_scoped3A_1504 : memref<!tpu.dma_semaphore, #tpu.memory_space<semaphore_mem>>) src(%dma_wait3A_1527 : memref<16x128xf32, #tpu.memory_space<vmem>>) dst(%dma_wait3A_1523 : memref<16x128xf32, #tpu.memory_space<vmem_shared>>)
      tpu.yield
    }) : () -> ()
    %run_scoped3A_804 = arith.constant 0 : i32
    "tpu.region"() ({
      %run_scoped3A_1504 = tpu.sem_alloc : memref<!tpu.dma_semaphore, #tpu.memory_space<semaphore_mem>>
      %dma_start3A_1505 = arith.constant 0 : i32
      %dma_start3A_1506 = arith.constant 0 : i32
      %dma_start3A_1507 = tpu.memref_slice %arg10[%run_scoped3A_804, %dma_start3A_1505, %dma_start3A_1506] : memref<2x64x128xf32, #tpu.memory_space<vmem>> -> memref<1x16x128xf32, #tpu.memory_space<vmem>>
      %dma_start3A_1508 = tpu.memref_squeeze %dma_start3A_1507 : memref<1x16x128xf32, #tpu.memory_space<vmem>> -> memref<16x128xf32, #tpu.memory_space<vmem>>
      %dma_start3A_1509 = arith.constant 0 : i32
      %dma_start3A_1510 = tpu.memref_slice %arg20[%add3A_802, %dma_start3A_1509] : memref<2048x128xf32, #tpu.memory_space<vmem_shared>> -> memref<16x128xf32, #tpu.memory_space<vmem_shared>>
      %dma_start3A_1511 = arith.constant 0 : i32
      %dma_start3A_1512 = tpu.memref_slice %arg20[%add3A_802, %dma_start3A_1511] : memref<2048x128xf32, #tpu.memory_space<vmem_shared>> -> memref<16x128xf32, #tpu.memory_space<vmem_shared>>
      %dma_start3A_1513 = arith.constant 0 : i32
      %dma_start3A_1514 = arith.constant 0 : i32
      %dma_start3A_1515 = tpu.memref_slice %arg10[%run_scoped3A_804, %dma_start3A_1513, %dma_start3A_1514] : memref<2x64x128xf32, #tpu.memory_space<vmem>> -> memref<1x16x128xf32, #tpu.memory_space<vmem>>
      %dma_start3A_1516 = tpu.memref_squeeze %dma_start3A_1515 : memref<1x16x128xf32, #tpu.memory_space<vmem>> -> memref<16x128xf32, #tpu.memory_space<vmem>>
      tpu.enqueue_dma source(%dma_start3A_1516 : memref<16x128xf32, #tpu.memory_space<vmem>>) target(%dma_start3A_1512 : memref<16x128xf32, #tpu.memory_space<vmem_shared>>) target_semaphore(%run_scoped3A_1504 : memref<!tpu.dma_semaphore, #tpu.memory_space<semaphore_mem>>)
      %dma_wait3A = arith.constant 0 : i32
      %dma_wait3A_1517 = arith.constant 0 : i32
      %dma_wait3A_1518 = tpu.memref_slice %arg10[%run_scoped3A_804, %dma_wait3A, %dma_wait3A_1517] : memref<2x64x128xf32, #tpu.memory_space<vmem>> -> memref<1x16x128xf32, #tpu.memory_space<vmem>>
      %dma_wait3A_1519 = tpu.memref_squeeze %dma_wait3A_1518 : memref<1x16x128xf32, #tpu.memory_space<vmem>> -> memref<16x128xf32, #tpu.memory_space<vmem>>
      %dma_wait3A_1520 = arith.constant 0 : i32
      %dma_wait3A_1521 = tpu.memref_slice %arg20[%add3A_802, %dma_wait3A_1520] : memref<2048x128xf32, #tpu.memory_space<vmem_shared>> -> memref<16x128xf32, #tpu.memory_space<vmem_shared>>
      %dma_wait3A_1522 = arith.constant 0 : i32
      %dma_wait3A_1523 = tpu.memref_slice %arg20[%add3A_802, %dma_wait3A_1522] : memref<2048x128xf32, #tpu.memory_space<vmem_shared>> -> memref<16x128xf32, #tpu.memory_space<vmem_shared>>
      %dma_wait3A_1524 = arith.constant 0 : i32
      %dma_wait3A_1525 = arith.constant 0 : i32
      %dma_wait3A_1526 = tpu.memref_slice %arg10[%run_scoped3A_804, %dma_wait3A_1524, %dma_wait3A_1525] : memref<2x64x128xf32, #tpu.memory_space<vmem>> -> memref<1x16x128xf32, #tpu.memory_space<vmem>>
      %dma_wait3A_1527 = tpu.memref_squeeze %dma_wait3A_1526 : memref<1x16x128xf32, #tpu.memory_space<vmem>> -> memref<16x128xf32, #tpu.memory_space<vmem>>
      tpu.wait_dma2 semaphore(%run_scoped3A_1504 : memref<!tpu.dma_semaphore, #tpu.memory_space<semaphore_mem>>) src(%dma_wait3A_1527 : memref<16x128xf32, #tpu.memory_space<vmem>>) dst(%dma_wait3A_1523 : memref<16x128xf32, #tpu.memory_space<vmem_shared>>)
      tpu.yield
    }) : () -> ()
    %mul3A_805 = arith.constant 128 : i32
    %mul3A_806 = arith.muli %arg1, %mul3A_805 : i32
    %add3A_807 = arith.constant 96 : i32
    %add3A_808 = arith.addi %mul3A_806, %add3A_807 : i32
    %run_scoped3A_809 = arith.constant 0 : i32
    "tpu.region"() ({
      %run_scoped3A_1504 = tpu.sem_alloc : memref<!tpu.dma_semaphore, #tpu.memory_space<semaphore_mem>>
      %dma_start3A_1505 = arith.constant 0 : i32
      %dma_start3A_1506 = arith.constant 0 : i32
      %dma_start3A_1507 = tpu.memref_slice %arg10[%run_scoped3A_809, %dma_start3A_1505, %dma_start3A_1506] : memref<2x64x128xf32, #tpu.memory_space<vmem>> -> memref<1x16x128xf32, #tpu.memory_space<vmem>>
      %dma_start3A_1508 = tpu.memref_squeeze %dma_start3A_1507 : memref<1x16x128xf32, #tpu.memory_space<vmem>> -> memref<16x128xf32, #tpu.memory_space<vmem>>
      %dma_start3A_1509 = arith.constant 0 : i32
      %dma_start3A_1510 = tpu.memref_slice %arg19[%add3A_808, %dma_start3A_1509] : memref<2048x128xf32, #tpu.memory_space<vmem_shared>> -> memref<16x128xf32, #tpu.memory_space<vmem_shared>>
      %dma_start3A_1511 = arith.constant 0 : i32
      %dma_start3A_1512 = tpu.memref_slice %arg19[%add3A_808, %dma_start3A_1511] : memref<2048x128xf32, #tpu.memory_space<vmem_shared>> -> memref<16x128xf32, #tpu.memory_space<vmem_shared>>
      %dma_start3A_1513 = arith.constant 0 : i32
      %dma_start3A_1514 = arith.constant 0 : i32
      %dma_start3A_1515 = tpu.memref_slice %arg10[%run_scoped3A_809, %dma_start3A_1513, %dma_start3A_1514] : memref<2x64x128xf32, #tpu.memory_space<vmem>> -> memref<1x16x128xf32, #tpu.memory_space<vmem>>
      %dma_start3A_1516 = tpu.memref_squeeze %dma_start3A_1515 : memref<1x16x128xf32, #tpu.memory_space<vmem>> -> memref<16x128xf32, #tpu.memory_space<vmem>>
      tpu.enqueue_dma source(%dma_start3A_1516 : memref<16x128xf32, #tpu.memory_space<vmem>>) target(%dma_start3A_1512 : memref<16x128xf32, #tpu.memory_space<vmem_shared>>) target_semaphore(%run_scoped3A_1504 : memref<!tpu.dma_semaphore, #tpu.memory_space<semaphore_mem>>)
      %dma_wait3A = arith.constant 0 : i32
      %dma_wait3A_1517 = arith.constant 0 : i32
      %dma_wait3A_1518 = tpu.memref_slice %arg10[%run_scoped3A_809, %dma_wait3A, %dma_wait3A_1517] : memref<2x64x128xf32, #tpu.memory_space<vmem>> -> memref<1x16x128xf32, #tpu.memory_space<vmem>>
      %dma_wait3A_1519 = tpu.memref_squeeze %dma_wait3A_1518 : memref<1x16x128xf32, #tpu.memory_space<vmem>> -> memref<16x128xf32, #tpu.memory_space<vmem>>
      %dma_wait3A_1520 = arith.constant 0 : i32
      %dma_wait3A_1521 = tpu.memref_slice %arg19[%add3A_808, %dma_wait3A_1520] : memref<2048x128xf32, #tpu.memory_space<vmem_shared>> -> memref<16x128xf32, #tpu.memory_space<vmem_shared>>
      %dma_wait3A_1522 = arith.constant 0 : i32
      %dma_wait3A_1523 = tpu.memref_slice %arg19[%add3A_808, %dma_wait3A_1522] : memref<2048x128xf32, #tpu.memory_space<vmem_shared>> -> memref<16x128xf32, #tpu.memory_space<vmem_shared>>
      %dma_wait3A_1524 = arith.constant 0 : i32
      %dma_wait3A_1525 = arith.constant 0 : i32
      %dma_wait3A_1526 = tpu.memref_slice %arg10[%run_scoped3A_809, %dma_wait3A_1524, %dma_wait3A_1525] : memref<2x64x128xf32, #tpu.memory_space<vmem>> -> memref<1x16x128xf32, #tpu.memory_space<vmem>>
      %dma_wait3A_1527 = tpu.memref_squeeze %dma_wait3A_1526 : memref<1x16x128xf32, #tpu.memory_space<vmem>> -> memref<16x128xf32, #tpu.memory_space<vmem>>
      tpu.wait_dma2 semaphore(%run_scoped3A_1504 : memref<!tpu.dma_semaphore, #tpu.memory_space<semaphore_mem>>) src(%dma_wait3A_1527 : memref<16x128xf32, #tpu.memory_space<vmem>>) dst(%dma_wait3A_1523 : memref<16x128xf32, #tpu.memory_space<vmem_shared>>)
      tpu.yield
    }) : () -> ()
    %run_scoped3A_810 = arith.constant 0 : i32
    "tpu.region"() ({
      %run_scoped3A_1504 = tpu.sem_alloc : memref<!tpu.dma_semaphore, #tpu.memory_space<semaphore_mem>>
      %dma_start3A_1505 = arith.constant 0 : i32
      %dma_start3A_1506 = arith.constant 0 : i32
      %dma_start3A_1507 = tpu.memref_slice %arg10[%run_scoped3A_810, %dma_start3A_1505, %dma_start3A_1506] : memref<2x64x128xf32, #tpu.memory_space<vmem>> -> memref<1x16x128xf32, #tpu.memory_space<vmem>>
      %dma_start3A_1508 = tpu.memref_squeeze %dma_start3A_1507 : memref<1x16x128xf32, #tpu.memory_space<vmem>> -> memref<16x128xf32, #tpu.memory_space<vmem>>
      %dma_start3A_1509 = arith.constant 0 : i32
      %dma_start3A_1510 = tpu.memref_slice %arg20[%add3A_808, %dma_start3A_1509] : memref<2048x128xf32, #tpu.memory_space<vmem_shared>> -> memref<16x128xf32, #tpu.memory_space<vmem_shared>>
      %dma_start3A_1511 = arith.constant 0 : i32
      %dma_start3A_1512 = tpu.memref_slice %arg20[%add3A_808, %dma_start3A_1511] : memref<2048x128xf32, #tpu.memory_space<vmem_shared>> -> memref<16x128xf32, #tpu.memory_space<vmem_shared>>
      %dma_start3A_1513 = arith.constant 0 : i32
      %dma_start3A_1514 = arith.constant 0 : i32
      %dma_start3A_1515 = tpu.memref_slice %arg10[%run_scoped3A_810, %dma_start3A_1513, %dma_start3A_1514] : memref<2x64x128xf32, #tpu.memory_space<vmem>> -> memref<1x16x128xf32, #tpu.memory_space<vmem>>
      %dma_start3A_1516 = tpu.memref_squeeze %dma_start3A_1515 : memref<1x16x128xf32, #tpu.memory_space<vmem>> -> memref<16x128xf32, #tpu.memory_space<vmem>>
      tpu.enqueue_dma source(%dma_start3A_1516 : memref<16x128xf32, #tpu.memory_space<vmem>>) target(%dma_start3A_1512 : memref<16x128xf32, #tpu.memory_space<vmem_shared>>) target_semaphore(%run_scoped3A_1504 : memref<!tpu.dma_semaphore, #tpu.memory_space<semaphore_mem>>)
      %dma_wait3A = arith.constant 0 : i32
      %dma_wait3A_1517 = arith.constant 0 : i32
      %dma_wait3A_1518 = tpu.memref_slice %arg10[%run_scoped3A_810, %dma_wait3A, %dma_wait3A_1517] : memref<2x64x128xf32, #tpu.memory_space<vmem>> -> memref<1x16x128xf32, #tpu.memory_space<vmem>>
      %dma_wait3A_1519 = tpu.memref_squeeze %dma_wait3A_1518 : memref<1x16x128xf32, #tpu.memory_space<vmem>> -> memref<16x128xf32, #tpu.memory_space<vmem>>
      %dma_wait3A_1520 = arith.constant 0 : i32
      %dma_wait3A_1521 = tpu.memref_slice %arg20[%add3A_808, %dma_wait3A_1520] : memref<2048x128xf32, #tpu.memory_space<vmem_shared>> -> memref<16x128xf32, #tpu.memory_space<vmem_shared>>
      %dma_wait3A_1522 = arith.constant 0 : i32
      %dma_wait3A_1523 = tpu.memref_slice %arg20[%add3A_808, %dma_wait3A_1522] : memref<2048x128xf32, #tpu.memory_space<vmem_shared>> -> memref<16x128xf32, #tpu.memory_space<vmem_shared>>
      %dma_wait3A_1524 = arith.constant 0 : i32
      %dma_wait3A_1525 = arith.constant 0 : i32
      %dma_wait3A_1526 = tpu.memref_slice %arg10[%run_scoped3A_810, %dma_wait3A_1524, %dma_wait3A_1525] : memref<2x64x128xf32, #tpu.memory_space<vmem>> -> memref<1x16x128xf32, #tpu.memory_space<vmem>>
      %dma_wait3A_1527 = tpu.memref_squeeze %dma_wait3A_1526 : memref<1x16x128xf32, #tpu.memory_space<vmem>> -> memref<16x128xf32, #tpu.memory_space<vmem>>
      tpu.wait_dma2 semaphore(%run_scoped3A_1504 : memref<!tpu.dma_semaphore, #tpu.memory_space<semaphore_mem>>) src(%dma_wait3A_1527 : memref<16x128xf32, #tpu.memory_space<vmem>>) dst(%dma_wait3A_1523 : memref<16x128xf32, #tpu.memory_space<vmem_shared>>)
      tpu.yield
    }) : () -> ()
    %mul3A_811 = arith.constant 128 : i32
    %mul3A_812 = arith.muli %arg1, %mul3A_811 : i32
    %add3A_813 = arith.constant 112 : i32
    %add3A_814 = arith.addi %mul3A_812, %add3A_813 : i32
    %run_scoped3A_815 = arith.constant 0 : i32
    "tpu.region"() ({
      %run_scoped3A_1504 = tpu.sem_alloc : memref<!tpu.dma_semaphore, #tpu.memory_space<semaphore_mem>>
      %dma_start3A_1505 = arith.constant 0 : i32
      %dma_start3A_1506 = arith.constant 0 : i32
      %dma_start3A_1507 = tpu.memref_slice %arg10[%run_scoped3A_815, %dma_start3A_1505, %dma_start3A_1506] : memref<2x64x128xf32, #tpu.memory_space<vmem>> -> memref<1x16x128xf32, #tpu.memory_space<vmem>>
      %dma_start3A_1508 = tpu.memref_squeeze %dma_start3A_1507 : memref<1x16x128xf32, #tpu.memory_space<vmem>> -> memref<16x128xf32, #tpu.memory_space<vmem>>
      %dma_start3A_1509 = arith.constant 0 : i32
      %dma_start3A_1510 = tpu.memref_slice %arg19[%add3A_814, %dma_start3A_1509] : memref<2048x128xf32, #tpu.memory_space<vmem_shared>> -> memref<16x128xf32, #tpu.memory_space<vmem_shared>>
      %dma_start3A_1511 = arith.constant 0 : i32
      %dma_start3A_1512 = tpu.memref_slice %arg19[%add3A_814, %dma_start3A_1511] : memref<2048x128xf32, #tpu.memory_space<vmem_shared>> -> memref<16x128xf32, #tpu.memory_space<vmem_shared>>
      %dma_start3A_1513 = arith.constant 0 : i32
      %dma_start3A_1514 = arith.constant 0 : i32
      %dma_start3A_1515 = tpu.memref_slice %arg10[%run_scoped3A_815, %dma_start3A_1513, %dma_start3A_1514] : memref<2x64x128xf32, #tpu.memory_space<vmem>> -> memref<1x16x128xf32, #tpu.memory_space<vmem>>
      %dma_start3A_1516 = tpu.memref_squeeze %dma_start3A_1515 : memref<1x16x128xf32, #tpu.memory_space<vmem>> -> memref<16x128xf32, #tpu.memory_space<vmem>>
      tpu.enqueue_dma source(%dma_start3A_1516 : memref<16x128xf32, #tpu.memory_space<vmem>>) target(%dma_start3A_1512 : memref<16x128xf32, #tpu.memory_space<vmem_shared>>) target_semaphore(%run_scoped3A_1504 : memref<!tpu.dma_semaphore, #tpu.memory_space<semaphore_mem>>)
      %dma_wait3A = arith.constant 0 : i32
      %dma_wait3A_1517 = arith.constant 0 : i32
      %dma_wait3A_1518 = tpu.memref_slice %arg10[%run_scoped3A_815, %dma_wait3A, %dma_wait3A_1517] : memref<2x64x128xf32, #tpu.memory_space<vmem>> -> memref<1x16x128xf32, #tpu.memory_space<vmem>>
      %dma_wait3A_1519 = tpu.memref_squeeze %dma_wait3A_1518 : memref<1x16x128xf32, #tpu.memory_space<vmem>> -> memref<16x128xf32, #tpu.memory_space<vmem>>
      %dma_wait3A_1520 = arith.constant 0 : i32
      %dma_wait3A_1521 = tpu.memref_slice %arg19[%add3A_814, %dma_wait3A_1520] : memref<2048x128xf32, #tpu.memory_space<vmem_shared>> -> memref<16x128xf32, #tpu.memory_space<vmem_shared>>
      %dma_wait3A_1522 = arith.constant 0 : i32
      %dma_wait3A_1523 = tpu.memref_slice %arg19[%add3A_814, %dma_wait3A_1522] : memref<2048x128xf32, #tpu.memory_space<vmem_shared>> -> memref<16x128xf32, #tpu.memory_space<vmem_shared>>
      %dma_wait3A_1524 = arith.constant 0 : i32
      %dma_wait3A_1525 = arith.constant 0 : i32
      %dma_wait3A_1526 = tpu.memref_slice %arg10[%run_scoped3A_815, %dma_wait3A_1524, %dma_wait3A_1525] : memref<2x64x128xf32, #tpu.memory_space<vmem>> -> memref<1x16x128xf32, #tpu.memory_space<vmem>>
      %dma_wait3A_1527 = tpu.memref_squeeze %dma_wait3A_1526 : memref<1x16x128xf32, #tpu.memory_space<vmem>> -> memref<16x128xf32, #tpu.memory_space<vmem>>
      tpu.wait_dma2 semaphore(%run_scoped3A_1504 : memref<!tpu.dma_semaphore, #tpu.memory_space<semaphore_mem>>) src(%dma_wait3A_1527 : memref<16x128xf32, #tpu.memory_space<vmem>>) dst(%dma_wait3A_1523 : memref<16x128xf32, #tpu.memory_space<vmem_shared>>)
      tpu.yield
    }) : () -> ()
    %run_scoped3A_816 = arith.constant 0 : i32
    "tpu.region"() ({
      %run_scoped3A_1504 = tpu.sem_alloc : memref<!tpu.dma_semaphore, #tpu.memory_space<semaphore_mem>>
      %dma_start3A_1505 = arith.constant 0 : i32
      %dma_start3A_1506 = arith.constant 0 : i32
      %dma_start3A_1507 = tpu.memref_slice %arg10[%run_scoped3A_816, %dma_start3A_1505, %dma_start3A_1506] : memref<2x64x128xf32, #tpu.memory_space<vmem>> -> memref<1x16x128xf32, #tpu.memory_space<vmem>>
      %dma_start3A_1508 = tpu.memref_squeeze %dma_start3A_1507 : memref<1x16x128xf32, #tpu.memory_space<vmem>> -> memref<16x128xf32, #tpu.memory_space<vmem>>
      %dma_start3A_1509 = arith.constant 0 : i32
      %dma_start3A_1510 = tpu.memref_slice %arg20[%add3A_814, %dma_start3A_1509] : memref<2048x128xf32, #tpu.memory_space<vmem_shared>> -> memref<16x128xf32, #tpu.memory_space<vmem_shared>>
      %dma_start3A_1511 = arith.constant 0 : i32
      %dma_start3A_1512 = tpu.memref_slice %arg20[%add3A_814, %dma_start3A_1511] : memref<2048x128xf32, #tpu.memory_space<vmem_shared>> -> memref<16x128xf32, #tpu.memory_space<vmem_shared>>
      %dma_start3A_1513 = arith.constant 0 : i32
      %dma_start3A_1514 = arith.constant 0 : i32
      %dma_start3A_1515 = tpu.memref_slice %arg10[%run_scoped3A_816, %dma_start3A_1513, %dma_start3A_1514] : memref<2x64x128xf32, #tpu.memory_space<vmem>> -> memref<1x16x128xf32, #tpu.memory_space<vmem>>
      %dma_start3A_1516 = tpu.memref_squeeze %dma_start3A_1515 : memref<1x16x128xf32, #tpu.memory_space<vmem>> -> memref<16x128xf32, #tpu.memory_space<vmem>>
      tpu.enqueue_dma source(%dma_start3A_1516 : memref<16x128xf32, #tpu.memory_space<vmem>>) target(%dma_start3A_1512 : memref<16x128xf32, #tpu.memory_space<vmem_shared>>) target_semaphore(%run_scoped3A_1504 : memref<!tpu.dma_semaphore, #tpu.memory_space<semaphore_mem>>)
      %dma_wait3A = arith.constant 0 : i32
      %dma_wait3A_1517 = arith.constant 0 : i32
      %dma_wait3A_1518 = tpu.memref_slice %arg10[%run_scoped3A_816, %dma_wait3A, %dma_wait3A_1517] : memref<2x64x128xf32, #tpu.memory_space<vmem>> -> memref<1x16x128xf32, #tpu.memory_space<vmem>>
      %dma_wait3A_1519 = tpu.memref_squeeze %dma_wait3A_1518 : memref<1x16x128xf32, #tpu.memory_space<vmem>> -> memref<16x128xf32, #tpu.memory_space<vmem>>
      %dma_wait3A_1520 = arith.constant 0 : i32
      %dma_wait3A_1521 = tpu.memref_slice %arg20[%add3A_814, %dma_wait3A_1520] : memref<2048x128xf32, #tpu.memory_space<vmem_shared>> -> memref<16x128xf32, #tpu.memory_space<vmem_shared>>
      %dma_wait3A_1522 = arith.constant 0 : i32
      %dma_wait3A_1523 = tpu.memref_slice %arg20[%add3A_814, %dma_wait3A_1522] : memref<2048x128xf32, #tpu.memory_space<vmem_shared>> -> memref<16x128xf32, #tpu.memory_space<vmem_shared>>
      %dma_wait3A_1524 = arith.constant 0 : i32
      %dma_wait3A_1525 = arith.constant 0 : i32
      %dma_wait3A_1526 = tpu.memref_slice %arg10[%run_scoped3A_816, %dma_wait3A_1524, %dma_wait3A_1525] : memref<2x64x128xf32, #tpu.memory_space<vmem>> -> memref<1x16x128xf32, #tpu.memory_space<vmem>>
      %dma_wait3A_1527 = tpu.memref_squeeze %dma_wait3A_1526 : memref<1x16x128xf32, #tpu.memory_space<vmem>> -> memref<16x128xf32, #tpu.memory_space<vmem>>
      tpu.wait_dma2 semaphore(%run_scoped3A_1504 : memref<!tpu.dma_semaphore, #tpu.memory_space<semaphore_mem>>) src(%dma_wait3A_1527 : memref<16x128xf32, #tpu.memory_space<vmem>>) dst(%dma_wait3A_1523 : memref<16x128xf32, #tpu.memory_space<vmem_shared>>)
      tpu.yield
    }) : () -> ()
    %broadcast_in_dim3A_817 = arith.constant 0 : i32
    %broadcast_in_dim3A_818 = vector.broadcast %broadcast_in_dim3A_817 : i32 to vector<16xi32>
    %swap3A_819 = arith.constant 0 : i32
    %swap3A_820 = arith.index_cast %swap3A_819 : i32 to index
    %swap3A_821 = arith.constant 0 : index
    %swap3A_822 = tpu.vector_load %arg18[%swap3A_820, %swap3A_821] {strides = array<i32>} : memref<2x16xi32, #tpu.memory_space<vmem>>, vector<16xi32>,
    tpu.vector_store %arg18[%swap3A_820, %swap3A_821], %broadcast_in_dim3A_818 {strides = array<i32>} : memref<2x16xi32, #tpu.memory_space<vmem>>, vector<16xi32>,
    %broadcast_in_dim3A_823 = arith.constant 0 : i32
    %broadcast_in_dim3A_824 = vector.broadcast %broadcast_in_dim3A_823 : i32 to vector<16xi32>
    %swap3A_825 = arith.constant 1 : i32
    %swap3A_826 = arith.index_cast %swap3A_825 : i32 to index
    %swap3A_827 = arith.constant 0 : index
    %swap3A_828 = tpu.vector_load %arg18[%swap3A_826, %swap3A_827] {strides = array<i32>} : memref<2x16xi32, #tpu.memory_space<vmem>>, vector<16xi32>,
    tpu.vector_store %arg18[%swap3A_826, %swap3A_827], %broadcast_in_dim3A_824 {strides = array<i32>} : memref<2x16xi32, #tpu.memory_space<vmem>>, vector<16xi32>,
    %barrier3A = arith.constant 0 : index
    tpu.barrier barrier_id(%barrier3A)
    %add3A_829 = arith.constant 0 : i32
    %add3A_830 = arith.addi %mul3A_0, %add3A_829 : i32
    %jit3A = arith.constant 8 : i32
    %div3A = arith.divsi %mul3A_0, %jit3A : i32
    %sign3A = arith.constant 0 : i32
    %sign3A_831 = arith.cmpi sgt, %mul3A_0, %sign3A : i32
    %sign3A_832 = arith.extui %sign3A_831 : i1 to i32
    %sign3A_833 = arith.constant 0 : i32
    %sign3A_834 = arith.cmpi slt, %mul3A_0, %sign3A_833 : i32
    %sign3A_835 = arith.extui %sign3A_834 : i1 to i32
    %sign3A_836 = arith.subi %sign3A_832, %sign3A_835 : i32
    %sign3A_837 = arith.constant 0 : i32
    %sign3A_838 = arith.cmpi sgt, %jit3A, %sign3A_837 : i32
    %sign3A_839 = arith.extui %sign3A_838 : i1 to i32
    %sign3A_840 = arith.constant 0 : i32
    %sign3A_841 = arith.cmpi slt, %jit3A, %sign3A_840 : i32
    %sign3A_842 = arith.extui %sign3A_841 : i1 to i32
    %sign3A_843 = arith.subi %sign3A_839, %sign3A_842 : i32
    %ne3A = arith.cmpi ne, %sign3A_836, %sign3A_843 : i32
    %rem3A = arith.remsi %mul3A_0, %jit3A : i32
    %ne3A_844 = arith.constant 0 : i32
    %ne3A_845 = arith.cmpi ne, %rem3A, %ne3A_844 : i32
    %and3A = arith.andi %ne3A, %ne3A_845 : i1
    %sub3A = arith.constant 1 : i32
    %sub3A_846 = arith.subi %div3A, %sub3A : i32
    %select_n3A = arith.select %and3A, %sub3A_846, %div3A : i32
    %add3A_847 = arith.constant 0 : i32
    %add3A_848 = arith.addi %select_n3A, %add3A_847 : i32
    %add3A_849 = arith.constant 0 : i32
    %add3A_850 = arith.addi %add3A_848, %add3A_849 : i32
    %dma_start3A = arith.constant 0 : i32
    %dma_start3A_851 = arith.constant 0 : i32
    %dma_start3A_852 = arith.constant 0 : i32
    %dma_start3A_853 = tpu.memref_slice %arg10[%dma_start3A, %dma_start3A_851, %dma_start3A_852] : memref<2x64x128xf32, #tpu.memory_space<vmem>> -> memref<1x8x128xf32, #tpu.memory_space<vmem>>
    %dma_start3A_854 = tpu.memref_squeeze %dma_start3A_853 : memref<1x8x128xf32, #tpu.memory_space<vmem>> -> memref<8x128xf32, #tpu.memory_space<vmem>>
    %dma_start3A_855 = arith.constant 0 : i32
    %dma_start3A_856 = arith.constant 0 : i32
    %dma_start3A_857 = tpu.memref_slice %arg2[%add3A_850, %arg0, %dma_start3A_855, %dma_start3A_856] : memref<16384x2x8x128xf32, #tpu.memory_space<hbm>> -> memref<1x1x8x128xf32, #tpu.memory_space<hbm>>
    %dma_start3A_858 = tpu.memref_squeeze %dma_start3A_857 : memref<1x1x8x128xf32, #tpu.memory_space<hbm>> -> memref<8x128xf32, #tpu.memory_space<hbm>>
    %dma_start3A_859 = arith.constant 0 : i32
    %dma_start3A_860 = arith.constant 0 : i32
    %dma_start3A_861 = tpu.memref_slice %arg10[%dma_start3A, %dma_start3A_859, %dma_start3A_860] : memref<2x64x128xf32, #tpu.memory_space<vmem>> -> memref<1x8x128xf32, #tpu.memory_space<vmem>>
    %dma_start3A_862 = tpu.memref_squeeze %dma_start3A_861 : memref<1x8x128xf32, #tpu.memory_space<vmem>> -> memref<8x128xf32, #tpu.memory_space<vmem>>
    %dma_start3A_863 = arith.constant 0 : i32
    %dma_start3A_864 = arith.constant 0 : i32
    %dma_start3A_865 = tpu.memref_slice %arg2[%add3A_850, %arg0, %dma_start3A_863, %dma_start3A_864] : memref<16384x2x8x128xf32, #tpu.memory_space<hbm>> -> memref<1x1x8x128xf32, #tpu.memory_space<hbm>>
    %dma_start3A_866 = tpu.memref_squeeze %dma_start3A_865 : memref<1x1x8x128xf32, #tpu.memory_space<hbm>> -> memref<8x128xf32, #tpu.memory_space<hbm>>
    tpu.enqueue_dma source(%dma_start3A_866 : memref<8x128xf32, #tpu.memory_space<hbm>>) target(%dma_start3A_862 : memref<8x128xf32, #tpu.memory_space<vmem>>) target_semaphore(%arg21 : memref<!tpu.dma_semaphore, #tpu.memory_space<semaphore_mem>>)
    %add3A_867 = arith.constant 0 : i32
    %add3A_868 = arith.addi %add3A_848, %add3A_867 : i32
    %dma_start3A_869 = arith.constant 0 : i32
    %dma_start3A_870 = arith.constant 0 : i32
    %dma_start3A_871 = arith.constant 0 : i32
    %dma_start3A_872 = tpu.memref_slice %arg11[%dma_start3A_869, %dma_start3A_870, %dma_start3A_871] : memref<2x64x128xf32, #tpu.memory_space<vmem>> -> memref<1x8x128xf32, #tpu.memory_space<vmem>>
    %dma_start3A_873 = tpu.memref_squeeze %dma_start3A_872 : memref<1x8x128xf32, #tpu.memory_space<vmem>> -> memref<8x128xf32, #tpu.memory_space<vmem>>
    %dma_start3A_874 = arith.constant 0 : i32
    %dma_start3A_875 = arith.constant 0 : i32
    %dma_start3A_876 = tpu.memref_slice %arg3[%add3A_868, %arg0, %dma_start3A_874, %dma_start3A_875] : memref<16384x2x8x128xf32, #tpu.memory_space<hbm>> -> memref<1x1x8x128xf32, #tpu.memory_space<hbm>>
    %dma_start3A_877 = tpu.memref_squeeze %dma_start3A_876 : memref<1x1x8x128xf32, #tpu.memory_space<hbm>> -> memref<8x128xf32, #tpu.memory_space<hbm>>
    %dma_start3A_878 = arith.constant 0 : i32
    %dma_start3A_879 = arith.constant 0 : i32
    %dma_start3A_880 = tpu.memref_slice %arg11[%dma_start3A_869, %dma_start3A_878, %dma_start3A_879] : memref<2x64x128xf32, #tpu.memory_space<vmem>> -> memref<1x8x128xf32, #tpu.memory_space<vmem>>
    %dma_start3A_881 = tpu.memref_squeeze %dma_start3A_880 : memref<1x8x128xf32, #tpu.memory_space<vmem>> -> memref<8x128xf32, #tpu.memory_space<vmem>>
    %dma_start3A_882 = arith.constant 0 : i32
    %dma_start3A_883 = arith.constant 0 : i32
    %dma_start3A_884 = tpu.memref_slice %arg3[%add3A_868, %arg0, %dma_start3A_882, %dma_start3A_883] : memref<16384x2x8x128xf32, #tpu.memory_space<hbm>> -> memref<1x1x8x128xf32, #tpu.memory_space<hbm>>
    %dma_start3A_885 = tpu.memref_squeeze %dma_start3A_884 : memref<1x1x8x128xf32, #tpu.memory_space<hbm>> -> memref<8x128xf32, #tpu.memory_space<hbm>>
    tpu.enqueue_dma source(%dma_start3A_885 : memref<8x128xf32, #tpu.memory_space<hbm>>) target(%dma_start3A_881 : memref<8x128xf32, #tpu.memory_space<vmem>>) target_semaphore(%arg21 : memref<!tpu.dma_semaphore, #tpu.memory_space<semaphore_mem>>)
    %add3A_886 = arith.constant 1 : i32
    %add3A_887 = arith.addi %add3A_848, %add3A_886 : i32
    %dma_start3A_888 = arith.constant 0 : i32
    %dma_start3A_889 = arith.constant 8 : i32
    %dma_start3A_890 = arith.constant 0 : i32
    %dma_start3A_891 = tpu.memref_slice %arg10[%dma_start3A_888, %dma_start3A_889, %dma_start3A_890] : memref<2x64x128xf32, #tpu.memory_space<vmem>> -> memref<1x8x128xf32, #tpu.memory_space<vmem>>
    %dma_start3A_892 = tpu.memref_squeeze %dma_start3A_891 : memref<1x8x128xf32, #tpu.memory_space<vmem>> -> memref<8x128xf32, #tpu.memory_space<vmem>>
    %dma_start3A_893 = arith.constant 0 : i32
    %dma_start3A_894 = arith.constant 0 : i32
    %dma_start3A_895 = tpu.memref_slice %arg2[%add3A_887, %arg0, %dma_start3A_893, %dma_start3A_894] : memref<16384x2x8x128xf32, #tpu.memory_space<hbm>> -> memref<1x1x8x128xf32, #tpu.memory_space<hbm>>
    %dma_start3A_896 = tpu.memref_squeeze %dma_start3A_895 : memref<1x1x8x128xf32, #tpu.memory_space<hbm>> -> memref<8x128xf32, #tpu.memory_space<hbm>>
    %dma_start3A_897 = arith.constant 8 : i32
    %dma_start3A_898 = arith.constant 0 : i32
    %dma_start3A_899 = tpu.memref_slice %arg10[%dma_start3A_888, %dma_start3A_897, %dma_start3A_898] : memref<2x64x128xf32, #tpu.memory_space<vmem>> -> memref<1x8x128xf32, #tpu.memory_space<vmem>>
    %dma_start3A_900 = tpu.memref_squeeze %dma_start3A_899 : memref<1x8x128xf32, #tpu.memory_space<vmem>> -> memref<8x128xf32, #tpu.memory_space<vmem>>
    %dma_start3A_901 = arith.constant 0 : i32
    %dma_start3A_902 = arith.constant 0 : i32
    %dma_start3A_903 = tpu.memref_slice %arg2[%add3A_887, %arg0, %dma_start3A_901, %dma_start3A_902] : memref<16384x2x8x128xf32, #tpu.memory_space<hbm>> -> memref<1x1x8x128xf32, #tpu.memory_space<hbm>>
    %dma_start3A_904 = tpu.memref_squeeze %dma_start3A_903 : memref<1x1x8x128xf32, #tpu.memory_space<hbm>> -> memref<8x128xf32, #tpu.memory_space<hbm>>
    tpu.enqueue_dma source(%dma_start3A_904 : memref<8x128xf32, #tpu.memory_space<hbm>>) target(%dma_start3A_900 : memref<8x128xf32, #tpu.memory_space<vmem>>) target_semaphore(%arg21 : memref<!tpu.dma_semaphore, #tpu.memory_space<semaphore_mem>>)
    %add3A_905 = arith.constant 1 : i32
    %add3A_906 = arith.addi %add3A_848, %add3A_905 : i32
    %dma_start3A_907 = arith.constant 0 : i32
    %dma_start3A_908 = arith.constant 8 : i32
    %dma_start3A_909 = arith.constant 0 : i32
    %dma_start3A_910 = tpu.memref_slice %arg11[%dma_start3A_907, %dma_start3A_908, %dma_start3A_909] : memref<2x64x128xf32, #tpu.memory_space<vmem>> -> memref<1x8x128xf32, #tpu.memory_space<vmem>>
    %dma_start3A_911 = tpu.memref_squeeze %dma_start3A_910 : memref<1x8x128xf32, #tpu.memory_space<vmem>> -> memref<8x128xf32, #tpu.memory_space<vmem>>
    %dma_start3A_912 = arith.constant 0 : i32
    %dma_start3A_913 = arith.constant 0 : i32
    %dma_start3A_914 = tpu.memref_slice %arg3[%add3A_906, %arg0, %dma_start3A_912, %dma_start3A_913] : memref<16384x2x8x128xf32, #tpu.memory_space<hbm>> -> memref<1x1x8x128xf32, #tpu.memory_space<hbm>>
    %dma_start3A_915 = tpu.memref_squeeze %dma_start3A_914 : memref<1x1x8x128xf32, #tpu.memory_space<hbm>> -> memref<8x128xf32, #tpu.memory_space<hbm>>
    %dma_start3A_916 = arith.constant 8 : i32
    %dma_start3A_917 = arith.constant 0 : i32
    %dma_start3A_918 = tpu.memref_slice %arg11[%dma_start3A_907, %dma_start3A_916, %dma_start3A_917] : memref<2x64x128xf32, #tpu.memory_space<vmem>> -> memref<1x8x128xf32, #tpu.memory_space<vmem>>
    %dma_start3A_919 = tpu.memref_squeeze %dma_start3A_918 : memref<1x8x128xf32, #tpu.memory_space<vmem>> -> memref<8x128xf32, #tpu.memory_space<vmem>>
    %dma_start3A_920 = arith.constant 0 : i32
    %dma_start3A_921 = arith.constant 0 : i32
    %dma_start3A_922 = tpu.memref_slice %arg3[%add3A_906, %arg0, %dma_start3A_920, %dma_start3A_921] : memref<16384x2x8x128xf32, #tpu.memory_space<hbm>> -> memref<1x1x8x128xf32, #tpu.memory_space<hbm>>
    %dma_start3A_923 = tpu.memref_squeeze %dma_start3A_922 : memref<1x1x8x128xf32, #tpu.memory_space<hbm>> -> memref<8x128xf32, #tpu.memory_space<hbm>>
    tpu.enqueue_dma source(%dma_start3A_923 : memref<8x128xf32, #tpu.memory_space<hbm>>) target(%dma_start3A_919 : memref<8x128xf32, #tpu.memory_space<vmem>>) target_semaphore(%arg21 : memref<!tpu.dma_semaphore, #tpu.memory_space<semaphore_mem>>)
    %add3A_924 = arith.constant 2 : i32
    %add3A_925 = arith.addi %add3A_848, %add3A_924 : i32
    %dma_start3A_926 = arith.constant 0 : i32
    %dma_start3A_927 = arith.constant 16 : i32
    %dma_start3A_928 = arith.constant 0 : i32
    %dma_start3A_929 = tpu.memref_slice %arg10[%dma_start3A_926, %dma_start3A_927, %dma_start3A_928] : memref<2x64x128xf32, #tpu.memory_space<vmem>> -> memref<1x8x128xf32, #tpu.memory_space<vmem>>
    %dma_start3A_930 = tpu.memref_squeeze %dma_start3A_929 : memref<1x8x128xf32, #tpu.memory_space<vmem>> -> memref<8x128xf32, #tpu.memory_space<vmem>>
    %dma_start3A_931 = arith.constant 0 : i32
    %dma_start3A_932 = arith.constant 0 : i32
    %dma_start3A_933 = tpu.memref_slice %arg2[%add3A_925, %arg0, %dma_start3A_931, %dma_start3A_932] : memref<16384x2x8x128xf32, #tpu.memory_space<hbm>> -> memref<1x1x8x128xf32, #tpu.memory_space<hbm>>
    %dma_start3A_934 = tpu.memref_squeeze %dma_start3A_933 : memref<1x1x8x128xf32, #tpu.memory_space<hbm>> -> memref<8x128xf32, #tpu.memory_space<hbm>>
    %dma_start3A_935 = arith.constant 16 : i32
    %dma_start3A_936 = arith.constant 0 : i32
    %dma_start3A_937 = tpu.memref_slice %arg10[%dma_start3A_926, %dma_start3A_935, %dma_start3A_936] : memref<2x64x128xf32, #tpu.memory_space<vmem>> -> memref<1x8x128xf32, #tpu.memory_space<vmem>>
    %dma_start3A_938 = tpu.memref_squeeze %dma_start3A_937 : memref<1x8x128xf32, #tpu.memory_space<vmem>> -> memref<8x128xf32, #tpu.memory_space<vmem>>
    %dma_start3A_939 = arith.constant 0 : i32
    %dma_start3A_940 = arith.constant 0 : i32
    %dma_start3A_941 = tpu.memref_slice %arg2[%add3A_925, %arg0, %dma_start3A_939, %dma_start3A_940] : memref<16384x2x8x128xf32, #tpu.memory_space<hbm>> -> memref<1x1x8x128xf32, #tpu.memory_space<hbm>>
    %dma_start3A_942 = tpu.memref_squeeze %dma_start3A_941 : memref<1x1x8x128xf32, #tpu.memory_space<hbm>> -> memref<8x128xf32, #tpu.memory_space<hbm>>
    tpu.enqueue_dma source(%dma_start3A_942 : memref<8x128xf32, #tpu.memory_space<hbm>>) target(%dma_start3A_938 : memref<8x128xf32, #tpu.memory_space<vmem>>) target_semaphore(%arg21 : memref<!tpu.dma_semaphore, #tpu.memory_space<semaphore_mem>>)
    %add3A_943 = arith.constant 2 : i32
    %add3A_944 = arith.addi %add3A_848, %add3A_943 : i32
    %dma_start3A_945 = arith.constant 0 : i32
    %dma_start3A_946 = arith.constant 16 : i32
    %dma_start3A_947 = arith.constant 0 : i32
    %dma_start3A_948 = tpu.memref_slice %arg11[%dma_start3A_945, %dma_start3A_946, %dma_start3A_947] : memref<2x64x128xf32, #tpu.memory_space<vmem>> -> memref<1x8x128xf32, #tpu.memory_space<vmem>>
    %dma_start3A_949 = tpu.memref_squeeze %dma_start3A_948 : memref<1x8x128xf32, #tpu.memory_space<vmem>> -> memref<8x128xf32, #tpu.memory_space<vmem>>
    %dma_start3A_950 = arith.constant 0 : i32
    %dma_start3A_951 = arith.constant 0 : i32
    %dma_start3A_952 = tpu.memref_slice %arg3[%add3A_944, %arg0, %dma_start3A_950, %dma_start3A_951] : memref<16384x2x8x128xf32, #tpu.memory_space<hbm>> -> memref<1x1x8x128xf32, #tpu.memory_space<hbm>>
    %dma_start3A_953 = tpu.memref_squeeze %dma_start3A_952 : memref<1x1x8x128xf32, #tpu.memory_space<hbm>> -> memref<8x128xf32, #tpu.memory_space<hbm>>
    %dma_start3A_954 = arith.constant 16 : i32
    %dma_start3A_955 = arith.constant 0 : i32
    %dma_start3A_956 = tpu.memref_slice %arg11[%dma_start3A_945, %dma_start3A_954, %dma_start3A_955] : memref<2x64x128xf32, #tpu.memory_space<vmem>> -> memref<1x8x128xf32, #tpu.memory_space<vmem>>
    %dma_start3A_957 = tpu.memref_squeeze %dma_start3A_956 : memref<1x8x128xf32, #tpu.memory_space<vmem>> -> memref<8x128xf32, #tpu.memory_space<vmem>>
    %dma_start3A_958 = arith.constant 0 : i32
    %dma_start3A_959 = arith.constant 0 : i32
    %dma_start3A_960 = tpu.memref_slice %arg3[%add3A_944, %arg0, %dma_start3A_958, %dma_start3A_959] : memref<16384x2x8x128xf32, #tpu.memory_space<hbm>> -> memref<1x1x8x128xf32, #tpu.memory_space<hbm>>
    %dma_start3A_961 = tpu.memref_squeeze %dma_start3A_960 : memref<1x1x8x128xf32, #tpu.memory_space<hbm>> -> memref<8x128xf32, #tpu.memory_space<hbm>>
    tpu.enqueue_dma source(%dma_start3A_961 : memref<8x128xf32, #tpu.memory_space<hbm>>) target(%dma_start3A_957 : memref<8x128xf32, #tpu.memory_space<vmem>>) target_semaphore(%arg21 : memref<!tpu.dma_semaphore, #tpu.memory_space<semaphore_mem>>)
    %add3A_962 = arith.constant 3 : i32
    %add3A_963 = arith.addi %add3A_848, %add3A_962 : i32
    %dma_start3A_964 = arith.constant 0 : i32
    %dma_start3A_965 = arith.constant 24 : i32
    %dma_start3A_966 = arith.constant 0 : i32
    %dma_start3A_967 = tpu.memref_slice %arg10[%dma_start3A_964, %dma_start3A_965, %dma_start3A_966] : memref<2x64x128xf32, #tpu.memory_space<vmem>> -> memref<1x8x128xf32, #tpu.memory_space<vmem>>
    %dma_start3A_968 = tpu.memref_squeeze %dma_start3A_967 : memref<1x8x128xf32, #tpu.memory_space<vmem>> -> memref<8x128xf32, #tpu.memory_space<vmem>>
    %dma_start3A_969 = arith.constant 0 : i32
    %dma_start3A_970 = arith.constant 0 : i32
    %dma_start3A_971 = tpu.memref_slice %arg2[%add3A_963, %arg0, %dma_start3A_969, %dma_start3A_970] : memref<16384x2x8x128xf32, #tpu.memory_space<hbm>> -> memref<1x1x8x128xf32, #tpu.memory_space<hbm>>
    %dma_start3A_972 = tpu.memref_squeeze %dma_start3A_971 : memref<1x1x8x128xf32, #tpu.memory_space<hbm>> -> memref<8x128xf32, #tpu.memory_space<hbm>>
    %dma_start3A_973 = arith.constant 24 : i32
    %dma_start3A_974 = arith.constant 0 : i32
    %dma_start3A_975 = tpu.memref_slice %arg10[%dma_start3A_964, %dma_start3A_973, %dma_start3A_974] : memref<2x64x128xf32, #tpu.memory_space<vmem>> -> memref<1x8x128xf32, #tpu.memory_space<vmem>>
    %dma_start3A_976 = tpu.memref_squeeze %dma_start3A_975 : memref<1x8x128xf32, #tpu.memory_space<vmem>> -> memref<8x128xf32, #tpu.memory_space<vmem>>
    %dma_start3A_977 = arith.constant 0 : i32
    %dma_start3A_978 = arith.constant 0 : i32
    %dma_start3A_979 = tpu.memref_slice %arg2[%add3A_963, %arg0, %dma_start3A_977, %dma_start3A_978] : memref<16384x2x8x128xf32, #tpu.memory_space<hbm>> -> memref<1x1x8x128xf32, #tpu.memory_space<hbm>>
    %dma_start3A_980 = tpu.memref_squeeze %dma_start3A_979 : memref<1x1x8x128xf32, #tpu.memory_space<hbm>> -> memref<8x128xf32, #tpu.memory_space<hbm>>
    tpu.enqueue_dma source(%dma_start3A_980 : memref<8x128xf32, #tpu.memory_space<hbm>>) target(%dma_start3A_976 : memref<8x128xf32, #tpu.memory_space<vmem>>) target_semaphore(%arg21 : memref<!tpu.dma_semaphore, #tpu.memory_space<semaphore_mem>>)
    %add3A_981 = arith.constant 3 : i32
    %add3A_982 = arith.addi %add3A_848, %add3A_981 : i32
    %dma_start3A_983 = arith.constant 0 : i32
    %dma_start3A_984 = arith.constant 24 : i32
    %dma_start3A_985 = arith.constant 0 : i32
    %dma_start3A_986 = tpu.memref_slice %arg11[%dma_start3A_983, %dma_start3A_984, %dma_start3A_985] : memref<2x64x128xf32, #tpu.memory_space<vmem>> -> memref<1x8x128xf32, #tpu.memory_space<vmem>>
    %dma_start3A_987 = tpu.memref_squeeze %dma_start3A_986 : memref<1x8x128xf32, #tpu.memory_space<vmem>> -> memref<8x128xf32, #tpu.memory_space<vmem>>
    %dma_start3A_988 = arith.constant 0 : i32
    %dma_start3A_989 = arith.constant 0 : i32
    %dma_start3A_990 = tpu.memref_slice %arg3[%add3A_982, %arg0, %dma_start3A_988, %dma_start3A_989] : memref<16384x2x8x128xf32, #tpu.memory_space<hbm>> -> memref<1x1x8x128xf32, #tpu.memory_space<hbm>>
    %dma_start3A_991 = tpu.memref_squeeze %dma_start3A_990 : memref<1x1x8x128xf32, #tpu.memory_space<hbm>> -> memref<8x128xf32, #tpu.memory_space<hbm>>
    %dma_start3A_992 = arith.constant 24 : i32
    %dma_start3A_993 = arith.constant 0 : i32
    %dma_start3A_994 = tpu.memref_slice %arg11[%dma_start3A_983, %dma_start3A_992, %dma_start3A_993] : memref<2x64x128xf32, #tpu.memory_space<vmem>> -> memref<1x8x128xf32, #tpu.memory_space<vmem>>
    %dma_start3A_995 = tpu.memref_squeeze %dma_start3A_994 : memref<1x8x128xf32, #tpu.memory_space<vmem>> -> memref<8x128xf32, #tpu.memory_space<vmem>>
    %dma_start3A_996 = arith.constant 0 : i32
    %dma_start3A_997 = arith.constant 0 : i32
    %dma_start3A_998 = tpu.memref_slice %arg3[%add3A_982, %arg0, %dma_start3A_996, %dma_start3A_997] : memref<16384x2x8x128xf32, #tpu.memory_space<hbm>> -> memref<1x1x8x128xf32, #tpu.memory_space<hbm>>
    %dma_start3A_999 = tpu.memref_squeeze %dma_start3A_998 : memref<1x1x8x128xf32, #tpu.memory_space<hbm>> -> memref<8x128xf32, #tpu.memory_space<hbm>>
    tpu.enqueue_dma source(%dma_start3A_999 : memref<8x128xf32, #tpu.memory_space<hbm>>) target(%dma_start3A_995 : memref<8x128xf32, #tpu.memory_space<vmem>>) target_semaphore(%arg21 : memref<!tpu.dma_semaphore, #tpu.memory_space<semaphore_mem>>)
    %add3A_1000 = arith.constant 4 : i32
    %add3A_1001 = arith.addi %add3A_848, %add3A_1000 : i32
    %dma_start3A_1002 = arith.constant 0 : i32
    %dma_start3A_1003 = arith.constant 32 : i32
    %dma_start3A_1004 = arith.constant 0 : i32
    %dma_start3A_1005 = tpu.memref_slice %arg10[%dma_start3A_1002, %dma_start3A_1003, %dma_start3A_1004] : memref<2x64x128xf32, #tpu.memory_space<vmem>> -> memref<1x8x128xf32, #tpu.memory_space<vmem>>
    %dma_start3A_1006 = tpu.memref_squeeze %dma_start3A_1005 : memref<1x8x128xf32, #tpu.memory_space<vmem>> -> memref<8x128xf32, #tpu.memory_space<vmem>>
    %dma_start3A_1007 = arith.constant 0 : i32
    %dma_start3A_1008 = arith.constant 0 : i32
    %dma_start3A_1009 = tpu.memref_slice %arg2[%add3A_1001, %arg0, %dma_start3A_1007, %dma_start3A_1008] : memref<16384x2x8x128xf32, #tpu.memory_space<hbm>> -> memref<1x1x8x128xf32, #tpu.memory_space<hbm>>
    %dma_start3A_1010 = tpu.memref_squeeze %dma_start3A_1009 : memref<1x1x8x128xf32, #tpu.memory_space<hbm>> -> memref<8x128xf32, #tpu.memory_space<hbm>>
    %dma_start3A_1011 = arith.constant 32 : i32
    %dma_start3A_1012 = arith.constant 0 : i32
    %dma_start3A_1013 = tpu.memref_slice %arg10[%dma_start3A_1002, %dma_start3A_1011, %dma_start3A_1012] : memref<2x64x128xf32, #tpu.memory_space<vmem>> -> memref<1x8x128xf32, #tpu.memory_space<vmem>>
    %dma_start3A_1014 = tpu.memref_squeeze %dma_start3A_1013 : memref<1x8x128xf32, #tpu.memory_space<vmem>> -> memref<8x128xf32, #tpu.memory_space<vmem>>
    %dma_start3A_1015 = arith.constant 0 : i32
    %dma_start3A_1016 = arith.constant 0 : i32
    %dma_start3A_1017 = tpu.memref_slice %arg2[%add3A_1001, %arg0, %dma_start3A_1015, %dma_start3A_1016] : memref<16384x2x8x128xf32, #tpu.memory_space<hbm>> -> memref<1x1x8x128xf32, #tpu.memory_space<hbm>>
    %dma_start3A_1018 = tpu.memref_squeeze %dma_start3A_1017 : memref<1x1x8x128xf32, #tpu.memory_space<hbm>> -> memref<8x128xf32, #tpu.memory_space<hbm>>
    tpu.enqueue_dma source(%dma_start3A_1018 : memref<8x128xf32, #tpu.memory_space<hbm>>) target(%dma_start3A_1014 : memref<8x128xf32, #tpu.memory_space<vmem>>) target_semaphore(%arg21 : memref<!tpu.dma_semaphore, #tpu.memory_space<semaphore_mem>>)
    %add3A_1019 = arith.constant 4 : i32
    %add3A_1020 = arith.addi %add3A_848, %add3A_1019 : i32
    %dma_start3A_1021 = arith.constant 0 : i32
    %dma_start3A_1022 = arith.constant 32 : i32
    %dma_start3A_1023 = arith.constant 0 : i32
    %dma_start3A_1024 = tpu.memref_slice %arg11[%dma_start3A_1021, %dma_start3A_1022, %dma_start3A_1023] : memref<2x64x128xf32, #tpu.memory_space<vmem>> -> memref<1x8x128xf32, #tpu.memory_space<vmem>>
    %dma_start3A_1025 = tpu.memref_squeeze %dma_start3A_1024 : memref<1x8x128xf32, #tpu.memory_space<vmem>> -> memref<8x128xf32, #tpu.memory_space<vmem>>
    %dma_start3A_1026 = arith.constant 0 : i32
    %dma_start3A_1027 = arith.constant 0 : i32
    %dma_start3A_1028 = tpu.memref_slice %arg3[%add3A_1020, %arg0, %dma_start3A_1026, %dma_start3A_1027] : memref<16384x2x8x128xf32, #tpu.memory_space<hbm>> -> memref<1x1x8x128xf32, #tpu.memory_space<hbm>>
    %dma_start3A_1029 = tpu.memref_squeeze %dma_start3A_1028 : memref<1x1x8x128xf32, #tpu.memory_space<hbm>> -> memref<8x128xf32, #tpu.memory_space<hbm>>
    %dma_start3A_1030 = arith.constant 32 : i32
    %dma_start3A_1031 = arith.constant 0 : i32
    %dma_start3A_1032 = tpu.memref_slice %arg11[%dma_start3A_1021, %dma_start3A_1030, %dma_start3A_1031] : memref<2x64x128xf32, #tpu.memory_space<vmem>> -> memref<1x8x128xf32, #tpu.memory_space<vmem>>
    %dma_start3A_1033 = tpu.memref_squeeze %dma_start3A_1032 : memref<1x8x128xf32, #tpu.memory_space<vmem>> -> memref<8x128xf32, #tpu.memory_space<vmem>>
    %dma_start3A_1034 = arith.constant 0 : i32
    %dma_start3A_1035 = arith.constant 0 : i32
    %dma_start3A_1036 = tpu.memref_slice %arg3[%add3A_1020, %arg0, %dma_start3A_1034, %dma_start3A_1035] : memref<16384x2x8x128xf32, #tpu.memory_space<hbm>> -> memref<1x1x8x128xf32, #tpu.memory_space<hbm>>
    %dma_start3A_1037 = tpu.memref_squeeze %dma_start3A_1036 : memref<1x1x8x128xf32, #tpu.memory_space<hbm>> -> memref<8x128xf32, #tpu.memory_space<hbm>>
    tpu.enqueue_dma source(%dma_start3A_1037 : memref<8x128xf32, #tpu.memory_space<hbm>>) target(%dma_start3A_1033 : memref<8x128xf32, #tpu.memory_space<vmem>>) target_semaphore(%arg21 : memref<!tpu.dma_semaphore, #tpu.memory_space<semaphore_mem>>)
    %add3A_1038 = arith.constant 5 : i32
    %add3A_1039 = arith.addi %add3A_848, %add3A_1038 : i32
    %dma_start3A_1040 = arith.constant 0 : i32
    %dma_start3A_1041 = arith.constant 40 : i32
    %dma_start3A_1042 = arith.constant 0 : i32
    %dma_start3A_1043 = tpu.memref_slice %arg10[%dma_start3A_1040, %dma_start3A_1041, %dma_start3A_1042] : memref<2x64x128xf32, #tpu.memory_space<vmem>> -> memref<1x8x128xf32, #tpu.memory_space<vmem>>
    %dma_start3A_1044 = tpu.memref_squeeze %dma_start3A_1043 : memref<1x8x128xf32, #tpu.memory_space<vmem>> -> memref<8x128xf32, #tpu.memory_space<vmem>>
    %dma_start3A_1045 = arith.constant 0 : i32
    %dma_start3A_1046 = arith.constant 0 : i32
    %dma_start3A_1047 = tpu.memref_slice %arg2[%add3A_1039, %arg0, %dma_start3A_1045, %dma_start3A_1046] : memref<16384x2x8x128xf32, #tpu.memory_space<hbm>> -> memref<1x1x8x128xf32, #tpu.memory_space<hbm>>
    %dma_start3A_1048 = tpu.memref_squeeze %dma_start3A_1047 : memref<1x1x8x128xf32, #tpu.memory_space<hbm>> -> memref<8x128xf32, #tpu.memory_space<hbm>>
    %dma_start3A_1049 = arith.constant 40 : i32
    %dma_start3A_1050 = arith.constant 0 : i32
    %dma_start3A_1051 = tpu.memref_slice %arg10[%dma_start3A_1040, %dma_start3A_1049, %dma_start3A_1050] : memref<2x64x128xf32, #tpu.memory_space<vmem>> -> memref<1x8x128xf32, #tpu.memory_space<vmem>>
    %dma_start3A_1052 = tpu.memref_squeeze %dma_start3A_1051 : memref<1x8x128xf32, #tpu.memory_space<vmem>> -> memref<8x128xf32, #tpu.memory_space<vmem>>
    %dma_start3A_1053 = arith.constant 0 : i32
    %dma_start3A_1054 = arith.constant 0 : i32
    %dma_start3A_1055 = tpu.memref_slice %arg2[%add3A_1039, %arg0, %dma_start3A_1053, %dma_start3A_1054] : memref<16384x2x8x128xf32, #tpu.memory_space<hbm>> -> memref<1x1x8x128xf32, #tpu.memory_space<hbm>>
    %dma_start3A_1056 = tpu.memref_squeeze %dma_start3A_1055 : memref<1x1x8x128xf32, #tpu.memory_space<hbm>> -> memref<8x128xf32, #tpu.memory_space<hbm>>
    tpu.enqueue_dma source(%dma_start3A_1056 : memref<8x128xf32, #tpu.memory_space<hbm>>) target(%dma_start3A_1052 : memref<8x128xf32, #tpu.memory_space<vmem>>) target_semaphore(%arg21 : memref<!tpu.dma_semaphore, #tpu.memory_space<semaphore_mem>>)
    %add3A_1057 = arith.constant 5 : i32
    %add3A_1058 = arith.addi %add3A_848, %add3A_1057 : i32
    %dma_start3A_1059 = arith.constant 0 : i32
    %dma_start3A_1060 = arith.constant 40 : i32
    %dma_start3A_1061 = arith.constant 0 : i32
    %dma_start3A_1062 = tpu.memref_slice %arg11[%dma_start3A_1059, %dma_start3A_1060, %dma_start3A_1061] : memref<2x64x128xf32, #tpu.memory_space<vmem>> -> memref<1x8x128xf32, #tpu.memory_space<vmem>>
    %dma_start3A_1063 = tpu.memref_squeeze %dma_start3A_1062 : memref<1x8x128xf32, #tpu.memory_space<vmem>> -> memref<8x128xf32, #tpu.memory_space<vmem>>
    %dma_start3A_1064 = arith.constant 0 : i32
    %dma_start3A_1065 = arith.constant 0 : i32
    %dma_start3A_1066 = tpu.memref_slice %arg3[%add3A_1058, %arg0, %dma_start3A_1064, %dma_start3A_1065] : memref<16384x2x8x128xf32, #tpu.memory_space<hbm>> -> memref<1x1x8x128xf32, #tpu.memory_space<hbm>>
    %dma_start3A_1067 = tpu.memref_squeeze %dma_start3A_1066 : memref<1x1x8x128xf32, #tpu.memory_space<hbm>> -> memref<8x128xf32, #tpu.memory_space<hbm>>
    %dma_start3A_1068 = arith.constant 40 : i32
    %dma_start3A_1069 = arith.constant 0 : i32
    %dma_start3A_1070 = tpu.memref_slice %arg11[%dma_start3A_1059, %dma_start3A_1068, %dma_start3A_1069] : memref<2x64x128xf32, #tpu.memory_space<vmem>> -> memref<1x8x128xf32, #tpu.memory_space<vmem>>
    %dma_start3A_1071 = tpu.memref_squeeze %dma_start3A_1070 : memref<1x8x128xf32, #tpu.memory_space<vmem>> -> memref<8x128xf32, #tpu.memory_space<vmem>>
    %dma_start3A_1072 = arith.constant 0 : i32
    %dma_start3A_1073 = arith.constant 0 : i32
    %dma_start3A_1074 = tpu.memref_slice %arg3[%add3A_1058, %arg0, %dma_start3A_1072, %dma_start3A_1073] : memref<16384x2x8x128xf32, #tpu.memory_space<hbm>> -> memref<1x1x8x128xf32, #tpu.memory_space<hbm>>
    %dma_start3A_1075 = tpu.memref_squeeze %dma_start3A_1074 : memref<1x1x8x128xf32, #tpu.memory_space<hbm>> -> memref<8x128xf32, #tpu.memory_space<hbm>>
    tpu.enqueue_dma source(%dma_start3A_1075 : memref<8x128xf32, #tpu.memory_space<hbm>>) target(%dma_start3A_1071 : memref<8x128xf32, #tpu.memory_space<vmem>>) target_semaphore(%arg21 : memref<!tpu.dma_semaphore, #tpu.memory_space<semaphore_mem>>)
    %add3A_1076 = arith.constant 6 : i32
    %add3A_1077 = arith.addi %add3A_848, %add3A_1076 : i32
    %dma_start3A_1078 = arith.constant 0 : i32
    %dma_start3A_1079 = arith.constant 48 : i32
    %dma_start3A_1080 = arith.constant 0 : i32
    %dma_start3A_1081 = tpu.memref_slice %arg10[%dma_start3A_1078, %dma_start3A_1079, %dma_start3A_1080] : memref<2x64x128xf32, #tpu.memory_space<vmem>> -> memref<1x8x128xf32, #tpu.memory_space<vmem>>
    %dma_start3A_1082 = tpu.memref_squeeze %dma_start3A_1081 : memref<1x8x128xf32, #tpu.memory_space<vmem>> -> memref<8x128xf32, #tpu.memory_space<vmem>>
    %dma_start3A_1083 = arith.constant 0 : i32
    %dma_start3A_1084 = arith.constant 0 : i32
    %dma_start3A_1085 = tpu.memref_slice %arg2[%add3A_1077, %arg0, %dma_start3A_1083, %dma_start3A_1084] : memref<16384x2x8x128xf32, #tpu.memory_space<hbm>> -> memref<1x1x8x128xf32, #tpu.memory_space<hbm>>
    %dma_start3A_1086 = tpu.memref_squeeze %dma_start3A_1085 : memref<1x1x8x128xf32, #tpu.memory_space<hbm>> -> memref<8x128xf32, #tpu.memory_space<hbm>>
    %dma_start3A_1087 = arith.constant 48 : i32
    %dma_start3A_1088 = arith.constant 0 : i32
    %dma_start3A_1089 = tpu.memref_slice %arg10[%dma_start3A_1078, %dma_start3A_1087, %dma_start3A_1088] : memref<2x64x128xf32, #tpu.memory_space<vmem>> -> memref<1x8x128xf32, #tpu.memory_space<vmem>>
    %dma_start3A_1090 = tpu.memref_squeeze %dma_start3A_1089 : memref<1x8x128xf32, #tpu.memory_space<vmem>> -> memref<8x128xf32, #tpu.memory_space<vmem>>
    %dma_start3A_1091 = arith.constant 0 : i32
    %dma_start3A_1092 = arith.constant 0 : i32
    %dma_start3A_1093 = tpu.memref_slice %arg2[%add3A_1077, %arg0, %dma_start3A_1091, %dma_start3A_1092] : memref<16384x2x8x128xf32, #tpu.memory_space<hbm>> -> memref<1x1x8x128xf32, #tpu.memory_space<hbm>>
    %dma_start3A_1094 = tpu.memref_squeeze %dma_start3A_1093 : memref<1x1x8x128xf32, #tpu.memory_space<hbm>> -> memref<8x128xf32, #tpu.memory_space<hbm>>
    tpu.enqueue_dma source(%dma_start3A_1094 : memref<8x128xf32, #tpu.memory_space<hbm>>) target(%dma_start3A_1090 : memref<8x128xf32, #tpu.memory_space<vmem>>) target_semaphore(%arg21 : memref<!tpu.dma_semaphore, #tpu.memory_space<semaphore_mem>>)
    %add3A_1095 = arith.constant 6 : i32
    %add3A_1096 = arith.addi %add3A_848, %add3A_1095 : i32
    %dma_start3A_1097 = arith.constant 0 : i32
    %dma_start3A_1098 = arith.constant 48 : i32
    %dma_start3A_1099 = arith.constant 0 : i32
    %dma_start3A_1100 = tpu.memref_slice %arg11[%dma_start3A_1097, %dma_start3A_1098, %dma_start3A_1099] : memref<2x64x128xf32, #tpu.memory_space<vmem>> -> memref<1x8x128xf32, #tpu.memory_space<vmem>>
    %dma_start3A_1101 = tpu.memref_squeeze %dma_start3A_1100 : memref<1x8x128xf32, #tpu.memory_space<vmem>> -> memref<8x128xf32, #tpu.memory_space<vmem>>
    %dma_start3A_1102 = arith.constant 0 : i32
    %dma_start3A_1103 = arith.constant 0 : i32
    %dma_start3A_1104 = tpu.memref_slice %arg3[%add3A_1096, %arg0, %dma_start3A_1102, %dma_start3A_1103] : memref<16384x2x8x128xf32, #tpu.memory_space<hbm>> -> memref<1x1x8x128xf32, #tpu.memory_space<hbm>>
    %dma_start3A_1105 = tpu.memref_squeeze %dma_start3A_1104 : memref<1x1x8x128xf32, #tpu.memory_space<hbm>> -> memref<8x128xf32, #tpu.memory_space<hbm>>
    %dma_start3A_1106 = arith.constant 48 : i32
    %dma_start3A_1107 = arith.constant 0 : i32
    %dma_start3A_1108 = tpu.memref_slice %arg11[%dma_start3A_1097, %dma_start3A_1106, %dma_start3A_1107] : memref<2x64x128xf32, #tpu.memory_space<vmem>> -> memref<1x8x128xf32, #tpu.memory_space<vmem>>
    %dma_start3A_1109 = tpu.memref_squeeze %dma_start3A_1108 : memref<1x8x128xf32, #tpu.memory_space<vmem>> -> memref<8x128xf32, #tpu.memory_space<vmem>>
    %dma_start3A_1110 = arith.constant 0 : i32
    %dma_start3A_1111 = arith.constant 0 : i32
    %dma_start3A_1112 = tpu.memref_slice %arg3[%add3A_1096, %arg0, %dma_start3A_1110, %dma_start3A_1111] : memref<16384x2x8x128xf32, #tpu.memory_space<hbm>> -> memref<1x1x8x128xf32, #tpu.memory_space<hbm>>
    %dma_start3A_1113 = tpu.memref_squeeze %dma_start3A_1112 : memref<1x1x8x128xf32, #tpu.memory_space<hbm>> -> memref<8x128xf32, #tpu.memory_space<hbm>>
    tpu.enqueue_dma source(%dma_start3A_1113 : memref<8x128xf32, #tpu.memory_space<hbm>>) target(%dma_start3A_1109 : memref<8x128xf32, #tpu.memory_space<vmem>>) target_semaphore(%arg21 : memref<!tpu.dma_semaphore, #tpu.memory_space<semaphore_mem>>)
    %add3A_1114 = arith.constant 7 : i32
    %add3A_1115 = arith.addi %add3A_848, %add3A_1114 : i32
    %dma_start3A_1116 = arith.constant 0 : i32
    %dma_start3A_1117 = arith.constant 56 : i32
    %dma_start3A_1118 = arith.constant 0 : i32
    %dma_start3A_1119 = tpu.memref_slice %arg10[%dma_start3A_1116, %dma_start3A_1117, %dma_start3A_1118] : memref<2x64x128xf32, #tpu.memory_space<vmem>> -> memref<1x8x128xf32, #tpu.memory_space<vmem>>
    %dma_start3A_1120 = tpu.memref_squeeze %dma_start3A_1119 : memref<1x8x128xf32, #tpu.memory_space<vmem>> -> memref<8x128xf32, #tpu.memory_space<vmem>>
    %dma_start3A_1121 = arith.constant 0 : i32
    %dma_start3A_1122 = arith.constant 0 : i32
    %dma_start3A_1123 = tpu.memref_slice %arg2[%add3A_1115, %arg0, %dma_start3A_1121, %dma_start3A_1122] : memref<16384x2x8x128xf32, #tpu.memory_space<hbm>> -> memref<1x1x8x128xf32, #tpu.memory_space<hbm>>
    %dma_start3A_1124 = tpu.memref_squeeze %dma_start3A_1123 : memref<1x1x8x128xf32, #tpu.memory_space<hbm>> -> memref<8x128xf32, #tpu.memory_space<hbm>>
    %dma_start3A_1125 = arith.constant 56 : i32
    %dma_start3A_1126 = arith.constant 0 : i32
    %dma_start3A_1127 = tpu.memref_slice %arg10[%dma_start3A_1116, %dma_start3A_1125, %dma_start3A_1126] : memref<2x64x128xf32, #tpu.memory_space<vmem>> -> memref<1x8x128xf32, #tpu.memory_space<vmem>>
    %dma_start3A_1128 = tpu.memref_squeeze %dma_start3A_1127 : memref<1x8x128xf32, #tpu.memory_space<vmem>> -> memref<8x128xf32, #tpu.memory_space<vmem>>
    %dma_start3A_1129 = arith.constant 0 : i32
    %dma_start3A_1130 = arith.constant 0 : i32
    %dma_start3A_1131 = tpu.memref_slice %arg2[%add3A_1115, %arg0, %dma_start3A_1129, %dma_start3A_1130] : memref<16384x2x8x128xf32, #tpu.memory_space<hbm>> -> memref<1x1x8x128xf32, #tpu.memory_space<hbm>>
    %dma_start3A_1132 = tpu.memref_squeeze %dma_start3A_1131 : memref<1x1x8x128xf32, #tpu.memory_space<hbm>> -> memref<8x128xf32, #tpu.memory_space<hbm>>
    tpu.enqueue_dma source(%dma_start3A_1132 : memref<8x128xf32, #tpu.memory_space<hbm>>) target(%dma_start3A_1128 : memref<8x128xf32, #tpu.memory_space<vmem>>) target_semaphore(%arg21 : memref<!tpu.dma_semaphore, #tpu.memory_space<semaphore_mem>>)
    %add3A_1133 = arith.constant 7 : i32
    %add3A_1134 = arith.addi %add3A_848, %add3A_1133 : i32
    %dma_start3A_1135 = arith.constant 0 : i32
    %dma_start3A_1136 = arith.constant 56 : i32
    %dma_start3A_1137 = arith.constant 0 : i32
    %dma_start3A_1138 = tpu.memref_slice %arg11[%dma_start3A_1135, %dma_start3A_1136, %dma_start3A_1137] : memref<2x64x128xf32, #tpu.memory_space<vmem>> -> memref<1x8x128xf32, #tpu.memory_space<vmem>>
    %dma_start3A_1139 = tpu.memref_squeeze %dma_start3A_1138 : memref<1x8x128xf32, #tpu.memory_space<vmem>> -> memref<8x128xf32, #tpu.memory_space<vmem>>
    %dma_start3A_1140 = arith.constant 0 : i32
    %dma_start3A_1141 = arith.constant 0 : i32
    %dma_start3A_1142 = tpu.memref_slice %arg3[%add3A_1134, %arg0, %dma_start3A_1140, %dma_start3A_1141] : memref<16384x2x8x128xf32, #tpu.memory_space<hbm>> -> memref<1x1x8x128xf32, #tpu.memory_space<hbm>>
    %dma_start3A_1143 = tpu.memref_squeeze %dma_start3A_1142 : memref<1x1x8x128xf32, #tpu.memory_space<hbm>> -> memref<8x128xf32, #tpu.memory_space<hbm>>
    %dma_start3A_1144 = arith.constant 56 : i32
    %dma_start3A_1145 = arith.constant 0 : i32
    %dma_start3A_1146 = tpu.memref_slice %arg11[%dma_start3A_1135, %dma_start3A_1144, %dma_start3A_1145] : memref<2x64x128xf32, #tpu.memory_space<vmem>> -> memref<1x8x128xf32, #tpu.memory_space<vmem>>
    %dma_start3A_1147 = tpu.memref_squeeze %dma_start3A_1146 : memref<1x8x128xf32, #tpu.memory_space<vmem>> -> memref<8x128xf32, #tpu.memory_space<vmem>>
    %dma_start3A_1148 = arith.constant 0 : i32
    %dma_start3A_1149 = arith.constant 0 : i32
    %dma_start3A_1150 = tpu.memref_slice %arg3[%add3A_1134, %arg0, %dma_start3A_1148, %dma_start3A_1149] : memref<16384x2x8x128xf32, #tpu.memory_space<hbm>> -> memref<1x1x8x128xf32, #tpu.memory_space<hbm>>
    %dma_start3A_1151 = tpu.memref_squeeze %dma_start3A_1150 : memref<1x1x8x128xf32, #tpu.memory_space<hbm>> -> memref<8x128xf32, #tpu.memory_space<hbm>>
    tpu.enqueue_dma source(%dma_start3A_1151 : memref<8x128xf32, #tpu.memory_space<hbm>>) target(%dma_start3A_1147 : memref<8x128xf32, #tpu.memory_space<vmem>>) target_semaphore(%arg21 : memref<!tpu.dma_semaphore, #tpu.memory_space<semaphore_mem>>)
    %dma_start3A_1152 = tpu.memref_slice %arg4[%add3A_830] : memref<131072xi32, #tpu.memory_space<hbm>> -> memref<64xi32, #tpu.memory_space<hbm>>
    %dma_start3A_1153 = tpu.memref_slice %arg4[%add3A_830] : memref<131072xi32, #tpu.memory_space<hbm>> -> memref<64xi32, #tpu.memory_space<hbm>>
    tpu.enqueue_dma source(%dma_start3A_1153 : memref<64xi32, #tpu.memory_space<hbm>>) target(%arg12 : memref<64xi32, #tpu.memory_space<vmem>>) target_semaphore(%arg21 : memref<!tpu.dma_semaphore, #tpu.memory_space<semaphore_mem>>)
    %dma_start3A_1154 = tpu.memref_slice %arg5[%add3A_830] : memref<131072xi32, #tpu.memory_space<hbm>> -> memref<64xi32, #tpu.memory_space<hbm>>
    %dma_start3A_1155 = tpu.memref_slice %arg5[%add3A_830] : memref<131072xi32, #tpu.memory_space<hbm>> -> memref<64xi32, #tpu.memory_space<hbm>>
    tpu.enqueue_dma source(%dma_start3A_1155 : memref<64xi32, #tpu.memory_space<hbm>>) target(%arg14 : memref<64xi32, #tpu.memory_space<vmem>>) target_semaphore(%arg21 : memref<!tpu.dma_semaphore, #tpu.memory_space<semaphore_mem>>)
    %add3A_1156 = arith.constant 64 : i32
    %add3A_1157 = arith.addi %mul3A_0, %add3A_1156 : i32
    %jit3A_1158 = arith.constant 8 : i32
    %div3A_1159 = arith.divsi %mul3A_0, %jit3A_1158 : i32
    %sign3A_1160 = arith.constant 0 : i32
    %sign3A_1161 = arith.cmpi sgt, %mul3A_0, %sign3A_1160 : i32
    %sign3A_1162 = arith.extui %sign3A_1161 : i1 to i32
    %sign3A_1163 = arith.constant 0 : i32
    %sign3A_1164 = arith.cmpi slt, %mul3A_0, %sign3A_1163 : i32
    %sign3A_1165 = arith.extui %sign3A_1164 : i1 to i32
    %sign3A_1166 = arith.subi %sign3A_1162, %sign3A_1165 : i32
    %sign3A_1167 = arith.constant 0 : i32
    %sign3A_1168 = arith.cmpi sgt, %jit3A_1158, %sign3A_1167 : i32
    %sign3A_1169 = arith.extui %sign3A_1168 : i1 to i32
    %sign3A_1170 = arith.constant 0 : i32
    %sign3A_1171 = arith.cmpi slt, %jit3A_1158, %sign3A_1170 : i32
    %sign3A_1172 = arith.extui %sign3A_1171 : i1 to i32
    %sign3A_1173 = arith.subi %sign3A_1169, %sign3A_1172 : i32
    %ne3A_1174 = arith.cmpi ne, %sign3A_1166, %sign3A_1173 : i32
    %rem3A_1175 = arith.remsi %mul3A_0, %jit3A_1158 : i32
    %ne3A_1176 = arith.constant 0 : i32
    %ne3A_1177 = arith.cmpi ne, %rem3A_1175, %ne3A_1176 : i32
    %and3A_1178 = arith.andi %ne3A_1174, %ne3A_1177 : i1
    %sub3A_1179 = arith.constant 1 : i32
    %sub3A_1180 = arith.subi %div3A_1159, %sub3A_1179 : i32
    %select_n3A_1181 = arith.select %and3A_1178, %sub3A_1180, %div3A_1159 : i32
    %add3A_1182 = arith.constant 8 : i32
    %add3A_1183 = arith.addi %select_n3A_1181, %add3A_1182 : i32
    %add3A_1184 = arith.constant 0 : i32
    %add3A_1185 = arith.addi %add3A_1183, %add3A_1184 : i32
    %dma_start3A_1186 = arith.constant 1 : i32
    %dma_start3A_1187 = arith.constant 0 : i32
    %dma_start3A_1188 = arith.constant 0 : i32
    %dma_start3A_1189 = tpu.memref_slice %arg10[%dma_start3A_1186, %dma_start3A_1187, %dma_start3A_1188] : memref<2x64x128xf32, #tpu.memory_space<vmem>> -> memref<1x8x128xf32, #tpu.memory_space<vmem>>
    %dma_start3A_1190 = tpu.memref_squeeze %dma_start3A_1189 : memref<1x8x128xf32, #tpu.memory_space<vmem>> -> memref<8x128xf32, #tpu.memory_space<vmem>>
    %dma_start3A_1191 = arith.constant 0 : i32
    %dma_start3A_1192 = arith.constant 0 : i32
    %dma_start3A_1193 = tpu.memref_slice %arg2[%add3A_1185, %arg0, %dma_start3A_1191, %dma_start3A_1192] : memref<16384x2x8x128xf32, #tpu.memory_space<hbm>> -> memref<1x1x8x128xf32, #tpu.memory_space<hbm>>
    %dma_start3A_1194 = tpu.memref_squeeze %dma_start3A_1193 : memref<1x1x8x128xf32, #tpu.memory_space<hbm>> -> memref<8x128xf32, #tpu.memory_space<hbm>>
    %dma_start3A_1195 = arith.constant 0 : i32
    %dma_start3A_1196 = arith.constant 0 : i32
    %dma_start3A_1197 = tpu.memref_slice %arg10[%dma_start3A_1186, %dma_start3A_1195, %dma_start3A_1196] : memref<2x64x128xf32, #tpu.memory_space<vmem>> -> memref<1x8x128xf32, #tpu.memory_space<vmem>>
    %dma_start3A_1198 = tpu.memref_squeeze %dma_start3A_1197 : memref<1x8x128xf32, #tpu.memory_space<vmem>> -> memref<8x128xf32, #tpu.memory_space<vmem>>
    %dma_start3A_1199 = arith.constant 0 : i32
    %dma_start3A_1200 = arith.constant 0 : i32
    %dma_start3A_1201 = tpu.memref_slice %arg2[%add3A_1185, %arg0, %dma_start3A_1199, %dma_start3A_1200] : memref<16384x2x8x128xf32, #tpu.memory_space<hbm>> -> memref<1x1x8x128xf32, #tpu.memory_space<hbm>>
    %dma_start3A_1202 = tpu.memref_squeeze %dma_start3A_1201 : memref<1x1x8x128xf32, #tpu.memory_space<hbm>> -> memref<8x128xf32, #tpu.memory_space<hbm>>
    tpu.enqueue_dma source(%dma_start3A_1202 : memref<8x128xf32, #tpu.memory_space<hbm>>) target(%dma_start3A_1198 : memref<8x128xf32, #tpu.memory_space<vmem>>) target_semaphore(%arg22 : memref<!tpu.dma_semaphore, #tpu.memory_space<semaphore_mem>>)
    %add3A_1203 = arith.constant 0 : i32
    %add3A_1204 = arith.addi %add3A_1183, %add3A_1203 : i32
    %dma_start3A_1205 = arith.constant 1 : i32
    %dma_start3A_1206 = arith.constant 0 : i32
    %dma_start3A_1207 = arith.constant 0 : i32
    %dma_start3A_1208 = tpu.memref_slice %arg11[%dma_start3A_1205, %dma_start3A_1206, %dma_start3A_1207] : memref<2x64x128xf32, #tpu.memory_space<vmem>> -> memref<1x8x128xf32, #tpu.memory_space<vmem>>
    %dma_start3A_1209 = tpu.memref_squeeze %dma_start3A_1208 : memref<1x8x128xf32, #tpu.memory_space<vmem>> -> memref<8x128xf32, #tpu.memory_space<vmem>>
    %dma_start3A_1210 = arith.constant 0 : i32
    %dma_start3A_1211 = arith.constant 0 : i32
    %dma_start3A_1212 = tpu.memref_slice %arg3[%add3A_1204, %arg0, %dma_start3A_1210, %dma_start3A_1211] : memref<16384x2x8x128xf32, #tpu.memory_space<hbm>> -> memref<1x1x8x128xf32, #tpu.memory_space<hbm>>
    %dma_start3A_1213 = tpu.memref_squeeze %dma_start3A_1212 : memref<1x1x8x128xf32, #tpu.memory_space<hbm>> -> memref<8x128xf32, #tpu.memory_space<hbm>>
    %dma_start3A_1214 = arith.constant 0 : i32
    %dma_start3A_1215 = arith.constant 0 : i32
    %dma_start3A_1216 = tpu.memref_slice %arg11[%dma_start3A_1205, %dma_start3A_1214, %dma_start3A_1215] : memref<2x64x128xf32, #tpu.memory_space<vmem>> -> memref<1x8x128xf32, #tpu.memory_space<vmem>>
    %dma_start3A_1217 = tpu.memref_squeeze %dma_start3A_1216 : memref<1x8x128xf32, #tpu.memory_space<vmem>> -> memref<8x128xf32, #tpu.memory_space<vmem>>
    %dma_start3A_1218 = arith.constant 0 : i32
    %dma_start3A_1219 = arith.constant 0 : i32
    %dma_start3A_1220 = tpu.memref_slice %arg3[%add3A_1204, %arg0, %dma_start3A_1218, %dma_start3A_1219] : memref<16384x2x8x128xf32, #tpu.memory_space<hbm>> -> memref<1x1x8x128xf32, #tpu.memory_space<hbm>>
    %dma_start3A_1221 = tpu.memref_squeeze %dma_start3A_1220 : memref<1x1x8x128xf32, #tpu.memory_space<hbm>> -> memref<8x128xf32, #tpu.memory_space<hbm>>
    tpu.enqueue_dma source(%dma_start3A_1221 : memref<8x128xf32, #tpu.memory_space<hbm>>) target(%dma_start3A_1217 : memref<8x128xf32, #tpu.memory_space<vmem>>) target_semaphore(%arg22 : memref<!tpu.dma_semaphore, #tpu.memory_space<semaphore_mem>>)
    %add3A_1222 = arith.constant 1 : i32
    %add3A_1223 = arith.addi %add3A_1183, %add3A_1222 : i32
    %dma_start3A_1224 = arith.constant 1 : i32
    %dma_start3A_1225 = arith.constant 8 : i32
    %dma_start3A_1226 = arith.constant 0 : i32
    %dma_start3A_1227 = tpu.memref_slice %arg10[%dma_start3A_1224, %dma_start3A_1225, %dma_start3A_1226] : memref<2x64x128xf32, #tpu.memory_space<vmem>> -> memref<1x8x128xf32, #tpu.memory_space<vmem>>
    %dma_start3A_1228 = tpu.memref_squeeze %dma_start3A_1227 : memref<1x8x128xf32, #tpu.memory_space<vmem>> -> memref<8x128xf32, #tpu.memory_space<vmem>>
    %dma_start3A_1229 = arith.constant 0 : i32
    %dma_start3A_1230 = arith.constant 0 : i32
    %dma_start3A_1231 = tpu.memref_slice %arg2[%add3A_1223, %arg0, %dma_start3A_1229, %dma_start3A_1230] : memref<16384x2x8x128xf32, #tpu.memory_space<hbm>> -> memref<1x1x8x128xf32, #tpu.memory_space<hbm>>
    %dma_start3A_1232 = tpu.memref_squeeze %dma_start3A_1231 : memref<1x1x8x128xf32, #tpu.memory_space<hbm>> -> memref<8x128xf32, #tpu.memory_space<hbm>>
    %dma_start3A_1233 = arith.constant 8 : i32
    %dma_start3A_1234 = arith.constant 0 : i32
    %dma_start3A_1235 = tpu.memref_slice %arg10[%dma_start3A_1224, %dma_start3A_1233, %dma_start3A_1234] : memref<2x64x128xf32, #tpu.memory_space<vmem>> -> memref<1x8x128xf32, #tpu.memory_space<vmem>>
    %dma_start3A_1236 = tpu.memref_squeeze %dma_start3A_1235 : memref<1x8x128xf32, #tpu.memory_space<vmem>> -> memref<8x128xf32, #tpu.memory_space<vmem>>
    %dma_start3A_1237 = arith.constant 0 : i32
    %dma_start3A_1238 = arith.constant 0 : i32
    %dma_start3A_1239 = tpu.memref_slice %arg2[%add3A_1223, %arg0, %dma_start3A_1237, %dma_start3A_1238] : memref<16384x2x8x128xf32, #tpu.memory_space<hbm>> -> memref<1x1x8x128xf32, #tpu.memory_space<hbm>>
    %dma_start3A_1240 = tpu.memref_squeeze %dma_start3A_1239 : memref<1x1x8x128xf32, #tpu.memory_space<hbm>> -> memref<8x128xf32, #tpu.memory_space<hbm>>
    tpu.enqueue_dma source(%dma_start3A_1240 : memref<8x128xf32, #tpu.memory_space<hbm>>) target(%dma_start3A_1236 : memref<8x128xf32, #tpu.memory_space<vmem>>) target_semaphore(%arg22 : memref<!tpu.dma_semaphore, #tpu.memory_space<semaphore_mem>>)
    %add3A_1241 = arith.constant 1 : i32
    %add3A_1242 = arith.addi %add3A_1183, %add3A_1241 : i32
    %dma_start3A_1243 = arith.constant 1 : i32
    %dma_start3A_1244 = arith.constant 8 : i32
    %dma_start3A_1245 = arith.constant 0 : i32
    %dma_start3A_1246 = tpu.memref_slice %arg11[%dma_start3A_1243, %dma_start3A_1244, %dma_start3A_1245] : memref<2x64x128xf32, #tpu.memory_space<vmem>> -> memref<1x8x128xf32, #tpu.memory_space<vmem>>
    %dma_start3A_1247 = tpu.memref_squeeze %dma_start3A_1246 : memref<1x8x128xf32, #tpu.memory_space<vmem>> -> memref<8x128xf32, #tpu.memory_space<vmem>>
    %dma_start3A_1248 = arith.constant 0 : i32
    %dma_start3A_1249 = arith.constant 0 : i32
    %dma_start3A_1250 = tpu.memref_slice %arg3[%add3A_1242, %arg0, %dma_start3A_1248, %dma_start3A_1249] : memref<16384x2x8x128xf32, #tpu.memory_space<hbm>> -> memref<1x1x8x128xf32, #tpu.memory_space<hbm>>
    %dma_start3A_1251 = tpu.memref_squeeze %dma_start3A_1250 : memref<1x1x8x128xf32, #tpu.memory_space<hbm>> -> memref<8x128xf32, #tpu.memory_space<hbm>>
    %dma_start3A_1252 = arith.constant 8 : i32
    %dma_start3A_1253 = arith.constant 0 : i32
    %dma_start3A_1254 = tpu.memref_slice %arg11[%dma_start3A_1243, %dma_start3A_1252, %dma_start3A_1253] : memref<2x64x128xf32, #tpu.memory_space<vmem>> -> memref<1x8x128xf32, #tpu.memory_space<vmem>>
    %dma_start3A_1255 = tpu.memref_squeeze %dma_start3A_1254 : memref<1x8x128xf32, #tpu.memory_space<vmem>> -> memref<8x128xf32, #tpu.memory_space<vmem>>
    %dma_start3A_1256 = arith.constant 0 : i32
    %dma_start3A_1257 = arith.constant 0 : i32
    %dma_start3A_1258 = tpu.memref_slice %arg3[%add3A_1242, %arg0, %dma_start3A_1256, %dma_start3A_1257] : memref<16384x2x8x128xf32, #tpu.memory_space<hbm>> -> memref<1x1x8x128xf32, #tpu.memory_space<hbm>>
    %dma_start3A_1259 = tpu.memref_squeeze %dma_start3A_1258 : memref<1x1x8x128xf32, #tpu.memory_space<hbm>> -> memref<8x128xf32, #tpu.memory_space<hbm>>
    tpu.enqueue_dma source(%dma_start3A_1259 : memref<8x128xf32, #tpu.memory_space<hbm>>) target(%dma_start3A_1255 : memref<8x128xf32, #tpu.memory_space<vmem>>) target_semaphore(%arg22 : memref<!tpu.dma_semaphore, #tpu.memory_space<semaphore_mem>>)
    %add3A_1260 = arith.constant 2 : i32
    %add3A_1261 = arith.addi %add3A_1183, %add3A_1260 : i32
    %dma_start3A_1262 = arith.constant 1 : i32
    %dma_start3A_1263 = arith.constant 16 : i32
    %dma_start3A_1264 = arith.constant 0 : i32
    %dma_start3A_1265 = tpu.memref_slice %arg10[%dma_start3A_1262, %dma_start3A_1263, %dma_start3A_1264] : memref<2x64x128xf32, #tpu.memory_space<vmem>> -> memref<1x8x128xf32, #tpu.memory_space<vmem>>
    %dma_start3A_1266 = tpu.memref_squeeze %dma_start3A_1265 : memref<1x8x128xf32, #tpu.memory_space<vmem>> -> memref<8x128xf32, #tpu.memory_space<vmem>>
    %dma_start3A_1267 = arith.constant 0 : i32
    %dma_start3A_1268 = arith.constant 0 : i32
    %dma_start3A_1269 = tpu.memref_slice %arg2[%add3A_1261, %arg0, %dma_start3A_1267, %dma_start3A_1268] : memref<16384x2x8x128xf32, #tpu.memory_space<hbm>> -> memref<1x1x8x128xf32, #tpu.memory_space<hbm>>
    %dma_start3A_1270 = tpu.memref_squeeze %dma_start3A_1269 : memref<1x1x8x128xf32, #tpu.memory_space<hbm>> -> memref<8x128xf32, #tpu.memory_space<hbm>>
    %dma_start3A_1271 = arith.constant 16 : i32
    %dma_start3A_1272 = arith.constant 0 : i32
    %dma_start3A_1273 = tpu.memref_slice %arg10[%dma_start3A_1262, %dma_start3A_1271, %dma_start3A_1272] : memref<2x64x128xf32, #tpu.memory_space<vmem>> -> memref<1x8x128xf32, #tpu.memory_space<vmem>>
    %dma_start3A_1274 = tpu.memref_squeeze %dma_start3A_1273 : memref<1x8x128xf32, #tpu.memory_space<vmem>> -> memref<8x128xf32, #tpu.memory_space<vmem>>
    %dma_start3A_1275 = arith.constant 0 : i32
    %dma_start3A_1276 = arith.constant 0 : i32
    %dma_start3A_1277 = tpu.memref_slice %arg2[%add3A_1261, %arg0, %dma_start3A_1275, %dma_start3A_1276] : memref<16384x2x8x128xf32, #tpu.memory_space<hbm>> -> memref<1x1x8x128xf32, #tpu.memory_space<hbm>>
    %dma_start3A_1278 = tpu.memref_squeeze %dma_start3A_1277 : memref<1x1x8x128xf32, #tpu.memory_space<hbm>> -> memref<8x128xf32, #tpu.memory_space<hbm>>
    tpu.enqueue_dma source(%dma_start3A_1278 : memref<8x128xf32, #tpu.memory_space<hbm>>) target(%dma_start3A_1274 : memref<8x128xf32, #tpu.memory_space<vmem>>) target_semaphore(%arg22 : memref<!tpu.dma_semaphore, #tpu.memory_space<semaphore_mem>>)
    %add3A_1279 = arith.constant 2 : i32
    %add3A_1280 = arith.addi %add3A_1183, %add3A_1279 : i32
    %dma_start3A_1281 = arith.constant 1 : i32
    %dma_start3A_1282 = arith.constant 16 : i32
    %dma_start3A_1283 = arith.constant 0 : i32
    %dma_start3A_1284 = tpu.memref_slice %arg11[%dma_start3A_1281, %dma_start3A_1282, %dma_start3A_1283] : memref<2x64x128xf32, #tpu.memory_space<vmem>> -> memref<1x8x128xf32, #tpu.memory_space<vmem>>
    %dma_start3A_1285 = tpu.memref_squeeze %dma_start3A_1284 : memref<1x8x128xf32, #tpu.memory_space<vmem>> -> memref<8x128xf32, #tpu.memory_space<vmem>>
    %dma_start3A_1286 = arith.constant 0 : i32
    %dma_start3A_1287 = arith.constant 0 : i32
    %dma_start3A_1288 = tpu.memref_slice %arg3[%add3A_1280, %arg0, %dma_start3A_1286, %dma_start3A_1287] : memref<16384x2x8x128xf32, #tpu.memory_space<hbm>> -> memref<1x1x8x128xf32, #tpu.memory_space<hbm>>
    %dma_start3A_1289 = tpu.memref_squeeze %dma_start3A_1288 : memref<1x1x8x128xf32, #tpu.memory_space<hbm>> -> memref<8x128xf32, #tpu.memory_space<hbm>>
    %dma_start3A_1290 = arith.constant 16 : i32
    %dma_start3A_1291 = arith.constant 0 : i32
    %dma_start3A_1292 = tpu.memref_slice %arg11[%dma_start3A_1281, %dma_start3A_1290, %dma_start3A_1291] : memref<2x64x128xf32, #tpu.memory_space<vmem>> -> memref<1x8x128xf32, #tpu.memory_space<vmem>>
    %dma_start3A_1293 = tpu.memref_squeeze %dma_start3A_1292 : memref<1x8x128xf32, #tpu.memory_space<vmem>> -> memref<8x128xf32, #tpu.memory_space<vmem>>
    %dma_start3A_1294 = arith.constant 0 : i32
    %dma_start3A_1295 = arith.constant 0 : i32
    %dma_start3A_1296 = tpu.memref_slice %arg3[%add3A_1280, %arg0, %dma_start3A_1294, %dma_start3A_1295] : memref<16384x2x8x128xf32, #tpu.memory_space<hbm>> -> memref<1x1x8x128xf32, #tpu.memory_space<hbm>>
    %dma_start3A_1297 = tpu.memref_squeeze %dma_start3A_1296 : memref<1x1x8x128xf32, #tpu.memory_space<hbm>> -> memref<8x128xf32, #tpu.memory_space<hbm>>
    tpu.enqueue_dma source(%dma_start3A_1297 : memref<8x128xf32, #tpu.memory_space<hbm>>) target(%dma_start3A_1293 : memref<8x128xf32, #tpu.memory_space<vmem>>) target_semaphore(%arg22 : memref<!tpu.dma_semaphore, #tpu.memory_space<semaphore_mem>>)
    %add3A_1298 = arith.constant 3 : i32
    %add3A_1299 = arith.addi %add3A_1183, %add3A_1298 : i32
    %dma_start3A_1300 = arith.constant 1 : i32
    %dma_start3A_1301 = arith.constant 24 : i32
    %dma_start3A_1302 = arith.constant 0 : i32
    %dma_start3A_1303 = tpu.memref_slice %arg10[%dma_start3A_1300, %dma_start3A_1301, %dma_start3A_1302] : memref<2x64x128xf32, #tpu.memory_space<vmem>> -> memref<1x8x128xf32, #tpu.memory_space<vmem>>
    %dma_start3A_1304 = tpu.memref_squeeze %dma_start3A_1303 : memref<1x8x128xf32, #tpu.memory_space<vmem>> -> memref<8x128xf32, #tpu.memory_space<vmem>>
    %dma_start3A_1305 = arith.constant 0 : i32
    %dma_start3A_1306 = arith.constant 0 : i32
    %dma_start3A_1307 = tpu.memref_slice %arg2[%add3A_1299, %arg0, %dma_start3A_1305, %dma_start3A_1306] : memref<16384x2x8x128xf32, #tpu.memory_space<hbm>> -> memref<1x1x8x128xf32, #tpu.memory_space<hbm>>
    %dma_start3A_1308 = tpu.memref_squeeze %dma_start3A_1307 : memref<1x1x8x128xf32, #tpu.memory_space<hbm>> -> memref<8x128xf32, #tpu.memory_space<hbm>>
    %dma_start3A_1309 = arith.constant 24 : i32
    %dma_start3A_1310 = arith.constant 0 : i32
    %dma_start3A_1311 = tpu.memref_slice %arg10[%dma_start3A_1300, %dma_start3A_1309, %dma_start3A_1310] : memref<2x64x128xf32, #tpu.memory_space<vmem>> -> memref<1x8x128xf32, #tpu.memory_space<vmem>>
    %dma_start3A_1312 = tpu.memref_squeeze %dma_start3A_1311 : memref<1x8x128xf32, #tpu.memory_space<vmem>> -> memref<8x128xf32, #tpu.memory_space<vmem>>
    %dma_start3A_1313 = arith.constant 0 : i32
    %dma_start3A_1314 = arith.constant 0 : i32
    %dma_start3A_1315 = tpu.memref_slice %arg2[%add3A_1299, %arg0, %dma_start3A_1313, %dma_start3A_1314] : memref<16384x2x8x128xf32, #tpu.memory_space<hbm>> -> memref<1x1x8x128xf32, #tpu.memory_space<hbm>>
    %dma_start3A_1316 = tpu.memref_squeeze %dma_start3A_1315 : memref<1x1x8x128xf32, #tpu.memory_space<hbm>> -> memref<8x128xf32, #tpu.memory_space<hbm>>
    tpu.enqueue_dma source(%dma_start3A_1316 : memref<8x128xf32, #tpu.memory_space<hbm>>) target(%dma_start3A_1312 : memref<8x128xf32, #tpu.memory_space<vmem>>) target_semaphore(%arg22 : memref<!tpu.dma_semaphore, #tpu.memory_space<semaphore_mem>>)
    %add3A_1317 = arith.constant 3 : i32
    %add3A_1318 = arith.addi %add3A_1183, %add3A_1317 : i32
    %dma_start3A_1319 = arith.constant 1 : i32
    %dma_start3A_1320 = arith.constant 24 : i32
    %dma_start3A_1321 = arith.constant 0 : i32
    %dma_start3A_1322 = tpu.memref_slice %arg11[%dma_start3A_1319, %dma_start3A_1320, %dma_start3A_1321] : memref<2x64x128xf32, #tpu.memory_space<vmem>> -> memref<1x8x128xf32, #tpu.memory_space<vmem>>
    %dma_start3A_1323 = tpu.memref_squeeze %dma_start3A_1322 : memref<1x8x128xf32, #tpu.memory_space<vmem>> -> memref<8x128xf32, #tpu.memory_space<vmem>>
    %dma_start3A_1324 = arith.constant 0 : i32
    %dma_start3A_1325 = arith.constant 0 : i32
    %dma_start3A_1326 = tpu.memref_slice %arg3[%add3A_1318, %arg0, %dma_start3A_1324, %dma_start3A_1325] : memref<16384x2x8x128xf32, #tpu.memory_space<hbm>> -> memref<1x1x8x128xf32, #tpu.memory_space<hbm>>
    %dma_start3A_1327 = tpu.memref_squeeze %dma_start3A_1326 : memref<1x1x8x128xf32, #tpu.memory_space<hbm>> -> memref<8x128xf32, #tpu.memory_space<hbm>>
    %dma_start3A_1328 = arith.constant 24 : i32
    %dma_start3A_1329 = arith.constant 0 : i32
    %dma_start3A_1330 = tpu.memref_slice %arg11[%dma_start3A_1319, %dma_start3A_1328, %dma_start3A_1329] : memref<2x64x128xf32, #tpu.memory_space<vmem>> -> memref<1x8x128xf32, #tpu.memory_space<vmem>>
    %dma_start3A_1331 = tpu.memref_squeeze %dma_start3A_1330 : memref<1x8x128xf32, #tpu.memory_space<vmem>> -> memref<8x128xf32, #tpu.memory_space<vmem>>
    %dma_start3A_1332 = arith.constant 0 : i32
    %dma_start3A_1333 = arith.constant 0 : i32
    %dma_start3A_1334 = tpu.memref_slice %arg3[%add3A_1318, %arg0, %dma_start3A_1332, %dma_start3A_1333] : memref<16384x2x8x128xf32, #tpu.memory_space<hbm>> -> memref<1x1x8x128xf32, #tpu.memory_space<hbm>>
    %dma_start3A_1335 = tpu.memref_squeeze %dma_start3A_1334 : memref<1x1x8x128xf32, #tpu.memory_space<hbm>> -> memref<8x128xf32, #tpu.memory_space<hbm>>
    tpu.enqueue_dma source(%dma_start3A_1335 : memref<8x128xf32, #tpu.memory_space<hbm>>) target(%dma_start3A_1331 : memref<8x128xf32, #tpu.memory_space<vmem>>) target_semaphore(%arg22 : memref<!tpu.dma_semaphore, #tpu.memory_space<semaphore_mem>>)
    %add3A_1336 = arith.constant 4 : i32
    %add3A_1337 = arith.addi %add3A_1183, %add3A_1336 : i32
    %dma_start3A_1338 = arith.constant 1 : i32
    %dma_start3A_1339 = arith.constant 32 : i32
    %dma_start3A_1340 = arith.constant 0 : i32
    %dma_start3A_1341 = tpu.memref_slice %arg10[%dma_start3A_1338, %dma_start3A_1339, %dma_start3A_1340] : memref<2x64x128xf32, #tpu.memory_space<vmem>> -> memref<1x8x128xf32, #tpu.memory_space<vmem>>
    %dma_start3A_1342 = tpu.memref_squeeze %dma_start3A_1341 : memref<1x8x128xf32, #tpu.memory_space<vmem>> -> memref<8x128xf32, #tpu.memory_space<vmem>>
    %dma_start3A_1343 = arith.constant 0 : i32
    %dma_start3A_1344 = arith.constant 0 : i32
    %dma_start3A_1345 = tpu.memref_slice %arg2[%add3A_1337, %arg0, %dma_start3A_1343, %dma_start3A_1344] : memref<16384x2x8x128xf32, #tpu.memory_space<hbm>> -> memref<1x1x8x128xf32, #tpu.memory_space<hbm>>
    %dma_start3A_1346 = tpu.memref_squeeze %dma_start3A_1345 : memref<1x1x8x128xf32, #tpu.memory_space<hbm>> -> memref<8x128xf32, #tpu.memory_space<hbm>>
    %dma_start3A_1347 = arith.constant 32 : i32
    %dma_start3A_1348 = arith.constant 0 : i32
    %dma_start3A_1349 = tpu.memref_slice %arg10[%dma_start3A_1338, %dma_start3A_1347, %dma_start3A_1348] : memref<2x64x128xf32, #tpu.memory_space<vmem>> -> memref<1x8x128xf32, #tpu.memory_space<vmem>>
    %dma_start3A_1350 = tpu.memref_squeeze %dma_start3A_1349 : memref<1x8x128xf32, #tpu.memory_space<vmem>> -> memref<8x128xf32, #tpu.memory_space<vmem>>
    %dma_start3A_1351 = arith.constant 0 : i32
    %dma_start3A_1352 = arith.constant 0 : i32
    %dma_start3A_1353 = tpu.memref_slice %arg2[%add3A_1337, %arg0, %dma_start3A_1351, %dma_start3A_1352] : memref<16384x2x8x128xf32, #tpu.memory_space<hbm>> -> memref<1x1x8x128xf32, #tpu.memory_space<hbm>>
    %dma_start3A_1354 = tpu.memref_squeeze %dma_start3A_1353 : memref<1x1x8x128xf32, #tpu.memory_space<hbm>> -> memref<8x128xf32, #tpu.memory_space<hbm>>
    tpu.enqueue_dma source(%dma_start3A_1354 : memref<8x128xf32, #tpu.memory_space<hbm>>) target(%dma_start3A_1350 : memref<8x128xf32, #tpu.memory_space<vmem>>) target_semaphore(%arg22 : memref<!tpu.dma_semaphore, #tpu.memory_space<semaphore_mem>>)
    %add3A_1355 = arith.constant 4 : i32
    %add3A_1356 = arith.addi %add3A_1183, %add3A_1355 : i32
    %dma_start3A_1357 = arith.constant 1 : i32
    %dma_start3A_1358 = arith.constant 32 : i32
    %dma_start3A_1359 = arith.constant 0 : i32
    %dma_start3A_1360 = tpu.memref_slice %arg11[%dma_start3A_1357, %dma_start3A_1358, %dma_start3A_1359] : memref<2x64x128xf32, #tpu.memory_space<vmem>> -> memref<1x8x128xf32, #tpu.memory_space<vmem>>
    %dma_start3A_1361 = tpu.memref_squeeze %dma_start3A_1360 : memref<1x8x128xf32, #tpu.memory_space<vmem>> -> memref<8x128xf32, #tpu.memory_space<vmem>>
    %dma_start3A_1362 = arith.constant 0 : i32
    %dma_start3A_1363 = arith.constant 0 : i32
    %dma_start3A_1364 = tpu.memref_slice %arg3[%add3A_1356, %arg0, %dma_start3A_1362, %dma_start3A_1363] : memref<16384x2x8x128xf32, #tpu.memory_space<hbm>> -> memref<1x1x8x128xf32, #tpu.memory_space<hbm>>
    %dma_start3A_1365 = tpu.memref_squeeze %dma_start3A_1364 : memref<1x1x8x128xf32, #tpu.memory_space<hbm>> -> memref<8x128xf32, #tpu.memory_space<hbm>>
    %dma_start3A_1366 = arith.constant 32 : i32
    %dma_start3A_1367 = arith.constant 0 : i32
    %dma_start3A_1368 = tpu.memref_slice %arg11[%dma_start3A_1357, %dma_start3A_1366, %dma_start3A_1367] : memref<2x64x128xf32, #tpu.memory_space<vmem>> -> memref<1x8x128xf32, #tpu.memory_space<vmem>>
    %dma_start3A_1369 = tpu.memref_squeeze %dma_start3A_1368 : memref<1x8x128xf32, #tpu.memory_space<vmem>> -> memref<8x128xf32, #tpu.memory_space<vmem>>
    %dma_start3A_1370 = arith.constant 0 : i32
    %dma_start3A_1371 = arith.constant 0 : i32
    %dma_start3A_1372 = tpu.memref_slice %arg3[%add3A_1356, %arg0, %dma_start3A_1370, %dma_start3A_1371] : memref<16384x2x8x128xf32, #tpu.memory_space<hbm>> -> memref<1x1x8x128xf32, #tpu.memory_space<hbm>>
    %dma_start3A_1373 = tpu.memref_squeeze %dma_start3A_1372 : memref<1x1x8x128xf32, #tpu.memory_space<hbm>> -> memref<8x128xf32, #tpu.memory_space<hbm>>
    tpu.enqueue_dma source(%dma_start3A_1373 : memref<8x128xf32, #tpu.memory_space<hbm>>) target(%dma_start3A_1369 : memref<8x128xf32, #tpu.memory_space<vmem>>) target_semaphore(%arg22 : memref<!tpu.dma_semaphore, #tpu.memory_space<semaphore_mem>>)
    %add3A_1374 = arith.constant 5 : i32
    %add3A_1375 = arith.addi %add3A_1183, %add3A_1374 : i32
    %dma_start3A_1376 = arith.constant 1 : i32
    %dma_start3A_1377 = arith.constant 40 : i32
    %dma_start3A_1378 = arith.constant 0 : i32
    %dma_start3A_1379 = tpu.memref_slice %arg10[%dma_start3A_1376, %dma_start3A_1377, %dma_start3A_1378] : memref<2x64x128xf32, #tpu.memory_space<vmem>> -> memref<1x8x128xf32, #tpu.memory_space<vmem>>
    %dma_start3A_1380 = tpu.memref_squeeze %dma_start3A_1379 : memref<1x8x128xf32, #tpu.memory_space<vmem>> -> memref<8x128xf32, #tpu.memory_space<vmem>>
    %dma_start3A_1381 = arith.constant 0 : i32
    %dma_start3A_1382 = arith.constant 0 : i32
    %dma_start3A_1383 = tpu.memref_slice %arg2[%add3A_1375, %arg0, %dma_start3A_1381, %dma_start3A_1382] : memref<16384x2x8x128xf32, #tpu.memory_space<hbm>> -> memref<1x1x8x128xf32, #tpu.memory_space<hbm>>
    %dma_start3A_1384 = tpu.memref_squeeze %dma_start3A_1383 : memref<1x1x8x128xf32, #tpu.memory_space<hbm>> -> memref<8x128xf32, #tpu.memory_space<hbm>>
    %dma_start3A_1385 = arith.constant 40 : i32
    %dma_start3A_1386 = arith.constant 0 : i32
    %dma_start3A_1387 = tpu.memref_slice %arg10[%dma_start3A_1376, %dma_start3A_1385, %dma_start3A_1386] : memref<2x64x128xf32, #tpu.memory_space<vmem>> -> memref<1x8x128xf32, #tpu.memory_space<vmem>>
    %dma_start3A_1388 = tpu.memref_squeeze %dma_start3A_1387 : memref<1x8x128xf32, #tpu.memory_space<vmem>> -> memref<8x128xf32, #tpu.memory_space<vmem>>
    %dma_start3A_1389 = arith.constant 0 : i32
    %dma_start3A_1390 = arith.constant 0 : i32
    %dma_start3A_1391 = tpu.memref_slice %arg2[%add3A_1375, %arg0, %dma_start3A_1389, %dma_start3A_1390] : memref<16384x2x8x128xf32, #tpu.memory_space<hbm>> -> memref<1x1x8x128xf32, #tpu.memory_space<hbm>>
    %dma_start3A_1392 = tpu.memref_squeeze %dma_start3A_1391 : memref<1x1x8x128xf32, #tpu.memory_space<hbm>> -> memref<8x128xf32, #tpu.memory_space<hbm>>
    tpu.enqueue_dma source(%dma_start3A_1392 : memref<8x128xf32, #tpu.memory_space<hbm>>) target(%dma_start3A_1388 : memref<8x128xf32, #tpu.memory_space<vmem>>) target_semaphore(%arg22 : memref<!tpu.dma_semaphore, #tpu.memory_space<semaphore_mem>>)
    %add3A_1393 = arith.constant 5 : i32
    %add3A_1394 = arith.addi %add3A_1183, %add3A_1393 : i32
    %dma_start3A_1395 = arith.constant 1 : i32
    %dma_start3A_1396 = arith.constant 40 : i32
    %dma_start3A_1397 = arith.constant 0 : i32
    %dma_start3A_1398 = tpu.memref_slice %arg11[%dma_start3A_1395, %dma_start3A_1396, %dma_start3A_1397] : memref<2x64x128xf32, #tpu.memory_space<vmem>> -> memref<1x8x128xf32, #tpu.memory_space<vmem>>
    %dma_start3A_1399 = tpu.memref_squeeze %dma_start3A_1398 : memref<1x8x128xf32, #tpu.memory_space<vmem>> -> memref<8x128xf32, #tpu.memory_space<vmem>>
    %dma_start3A_1400 = arith.constant 0 : i32
    %dma_start3A_1401 = arith.constant 0 : i32
    %dma_start3A_1402 = tpu.memref_slice %arg3[%add3A_1394, %arg0, %dma_start3A_1400, %dma_start3A_1401] : memref<16384x2x8x128xf32, #tpu.memory_space<hbm>> -> memref<1x1x8x128xf32, #tpu.memory_space<hbm>>
    %dma_start3A_1403 = tpu.memref_squeeze %dma_start3A_1402 : memref<1x1x8x128xf32, #tpu.memory_space<hbm>> -> memref<8x128xf32, #tpu.memory_space<hbm>>
    %dma_start3A_1404 = arith.constant 40 : i32
    %dma_start3A_1405 = arith.constant 0 : i32
    %dma_start3A_1406 = tpu.memref_slice %arg11[%dma_start3A_1395, %dma_start3A_1404, %dma_start3A_1405] : memref<2x64x128xf32, #tpu.memory_space<vmem>> -> memref<1x8x128xf32, #tpu.memory_space<vmem>>
    %dma_start3A_1407 = tpu.memref_squeeze %dma_start3A_1406 : memref<1x8x128xf32, #tpu.memory_space<vmem>> -> memref<8x128xf32, #tpu.memory_space<vmem>>
    %dma_start3A_1408 = arith.constant 0 : i32
    %dma_start3A_1409 = arith.constant 0 : i32
    %dma_start3A_1410 = tpu.memref_slice %arg3[%add3A_1394, %arg0, %dma_start3A_1408, %dma_start3A_1409] : memref<16384x2x8x128xf32, #tpu.memory_space<hbm>> -> memref<1x1x8x128xf32, #tpu.memory_space<hbm>>
    %dma_start3A_1411 = tpu.memref_squeeze %dma_start3A_1410 : memref<1x1x8x128xf32, #tpu.memory_space<hbm>> -> memref<8x128xf32, #tpu.memory_space<hbm>>
    tpu.enqueue_dma source(%dma_start3A_1411 : memref<8x128xf32, #tpu.memory_space<hbm>>) target(%dma_start3A_1407 : memref<8x128xf32, #tpu.memory_space<vmem>>) target_semaphore(%arg22 : memref<!tpu.dma_semaphore, #tpu.memory_space<semaphore_mem>>)
    %add3A_1412 = arith.constant 6 : i32
    %add3A_1413 = arith.addi %add3A_1183, %add3A_1412 : i32
    %dma_start3A_1414 = arith.constant 1 : i32
    %dma_start3A_1415 = arith.constant 48 : i32
    %dma_start3A_1416 = arith.constant 0 : i32
    %dma_start3A_1417 = tpu.memref_slice %arg10[%dma_start3A_1414, %dma_start3A_1415, %dma_start3A_1416] : memref<2x64x128xf32, #tpu.memory_space<vmem>> -> memref<1x8x128xf32, #tpu.memory_space<vmem>>
    %dma_start3A_1418 = tpu.memref_squeeze %dma_start3A_1417 : memref<1x8x128xf32, #tpu.memory_space<vmem>> -> memref<8x128xf32, #tpu.memory_space<vmem>>
    %dma_start3A_1419 = arith.constant 0 : i32
    %dma_start3A_1420 = arith.constant 0 : i32
    %dma_start3A_1421 = tpu.memref_slice %arg2[%add3A_1413, %arg0, %dma_start3A_1419, %dma_start3A_1420] : memref<16384x2x8x128xf32, #tpu.memory_space<hbm>> -> memref<1x1x8x128xf32, #tpu.memory_space<hbm>>
    %dma_start3A_1422 = tpu.memref_squeeze %dma_start3A_1421 : memref<1x1x8x128xf32, #tpu.memory_space<hbm>> -> memref<8x128xf32, #tpu.memory_space<hbm>>
    %dma_start3A_1423 = arith.constant 48 : i32
    %dma_start3A_1424 = arith.constant 0 : i32
    %dma_start3A_1425 = tpu.memref_slice %arg10[%dma_start3A_1414, %dma_start3A_1423, %dma_start3A_1424] : memref<2x64x128xf32, #tpu.memory_space<vmem>> -> memref<1x8x128xf32, #tpu.memory_space<vmem>>
    %dma_start3A_1426 = tpu.memref_squeeze %dma_start3A_1425 : memref<1x8x128xf32, #tpu.memory_space<vmem>> -> memref<8x128xf32, #tpu.memory_space<vmem>>
    %dma_start3A_1427 = arith.constant 0 : i32
    %dma_start3A_1428 = arith.constant 0 : i32
    %dma_start3A_1429 = tpu.memref_slice %arg2[%add3A_1413, %arg0, %dma_start3A_1427, %dma_start3A_1428] : memref<16384x2x8x128xf32, #tpu.memory_space<hbm>> -> memref<1x1x8x128xf32, #tpu.memory_space<hbm>>
    %dma_start3A_1430 = tpu.memref_squeeze %dma_start3A_1429 : memref<1x1x8x128xf32, #tpu.memory_space<hbm>> -> memref<8x128xf32, #tpu.memory_space<hbm>>
    tpu.enqueue_dma source(%dma_start3A_1430 : memref<8x128xf32, #tpu.memory_space<hbm>>) target(%dma_start3A_1426 : memref<8x128xf32, #tpu.memory_space<vmem>>) target_semaphore(%arg22 : memref<!tpu.dma_semaphore, #tpu.memory_space<semaphore_mem>>)
    %add3A_1431 = arith.constant 6 : i32
    %add3A_1432 = arith.addi %add3A_1183, %add3A_1431 : i32
    %dma_start3A_1433 = arith.constant 1 : i32
    %dma_start3A_1434 = arith.constant 48 : i32
    %dma_start3A_1435 = arith.constant 0 : i32
    %dma_start3A_1436 = tpu.memref_slice %arg11[%dma_start3A_1433, %dma_start3A_1434, %dma_start3A_1435] : memref<2x64x128xf32, #tpu.memory_space<vmem>> -> memref<1x8x128xf32, #tpu.memory_space<vmem>>
    %dma_start3A_1437 = tpu.memref_squeeze %dma_start3A_1436 : memref<1x8x128xf32, #tpu.memory_space<vmem>> -> memref<8x128xf32, #tpu.memory_space<vmem>>
    %dma_start3A_1438 = arith.constant 0 : i32
    %dma_start3A_1439 = arith.constant 0 : i32
    %dma_start3A_1440 = tpu.memref_slice %arg3[%add3A_1432, %arg0, %dma_start3A_1438, %dma_start3A_1439] : memref<16384x2x8x128xf32, #tpu.memory_space<hbm>> -> memref<1x1x8x128xf32, #tpu.memory_space<hbm>>
    %dma_start3A_1441 = tpu.memref_squeeze %dma_start3A_1440 : memref<1x1x8x128xf32, #tpu.memory_space<hbm>> -> memref<8x128xf32, #tpu.memory_space<hbm>>
    %dma_start3A_1442 = arith.constant 48 : i32
    %dma_start3A_1443 = arith.constant 0 : i32
    %dma_start3A_1444 = tpu.memref_slice %arg11[%dma_start3A_1433, %dma_start3A_1442, %dma_start3A_1443] : memref<2x64x128xf32, #tpu.memory_space<vmem>> -> memref<1x8x128xf32, #tpu.memory_space<vmem>>
    %dma_start3A_1445 = tpu.memref_squeeze %dma_start3A_1444 : memref<1x8x128xf32, #tpu.memory_space<vmem>> -> memref<8x128xf32, #tpu.memory_space<vmem>>
    %dma_start3A_1446 = arith.constant 0 : i32
    %dma_start3A_1447 = arith.constant 0 : i32
    %dma_start3A_1448 = tpu.memref_slice %arg3[%add3A_1432, %arg0, %dma_start3A_1446, %dma_start3A_1447] : memref<16384x2x8x128xf32, #tpu.memory_space<hbm>> -> memref<1x1x8x128xf32, #tpu.memory_space<hbm>>
    %dma_start3A_1449 = tpu.memref_squeeze %dma_start3A_1448 : memref<1x1x8x128xf32, #tpu.memory_space<hbm>> -> memref<8x128xf32, #tpu.memory_space<hbm>>
    tpu.enqueue_dma source(%dma_start3A_1449 : memref<8x128xf32, #tpu.memory_space<hbm>>) target(%dma_start3A_1445 : memref<8x128xf32, #tpu.memory_space<vmem>>) target_semaphore(%arg22 : memref<!tpu.dma_semaphore, #tpu.memory_space<semaphore_mem>>)
    %add3A_1450 = arith.constant 7 : i32
    %add3A_1451 = arith.addi %add3A_1183, %add3A_1450 : i32
    %dma_start3A_1452 = arith.constant 1 : i32
    %dma_start3A_1453 = arith.constant 56 : i32
    %dma_start3A_1454 = arith.constant 0 : i32
    %dma_start3A_1455 = tpu.memref_slice %arg10[%dma_start3A_1452, %dma_start3A_1453, %dma_start3A_1454] : memref<2x64x128xf32, #tpu.memory_space<vmem>> -> memref<1x8x128xf32, #tpu.memory_space<vmem>>
    %dma_start3A_1456 = tpu.memref_squeeze %dma_start3A_1455 : memref<1x8x128xf32, #tpu.memory_space<vmem>> -> memref<8x128xf32, #tpu.memory_space<vmem>>
    %dma_start3A_1457 = arith.constant 0 : i32
    %dma_start3A_1458 = arith.constant 0 : i32
    %dma_start3A_1459 = tpu.memref_slice %arg2[%add3A_1451, %arg0, %dma_start3A_1457, %dma_start3A_1458] : memref<16384x2x8x128xf32, #tpu.memory_space<hbm>> -> memref<1x1x8x128xf32, #tpu.memory_space<hbm>>
    %dma_start3A_1460 = tpu.memref_squeeze %dma_start3A_1459 : memref<1x1x8x128xf32, #tpu.memory_space<hbm>> -> memref<8x128xf32, #tpu.memory_space<hbm>>
    %dma_start3A_1461 = arith.constant 56 : i32
    %dma_start3A_1462 = arith.constant 0 : i32
    %dma_start3A_1463 = tpu.memref_slice %arg10[%dma_start3A_1452, %dma_start3A_1461, %dma_start3A_1462] : memref<2x64x128xf32, #tpu.memory_space<vmem>> -> memref<1x8x128xf32, #tpu.memory_space<vmem>>
    %dma_start3A_1464 = tpu.memref_squeeze %dma_start3A_1463 : memref<1x8x128xf32, #tpu.memory_space<vmem>> -> memref<8x128xf32, #tpu.memory_space<vmem>>
    %dma_start3A_1465 = arith.constant 0 : i32
    %dma_start3A_1466 = arith.constant 0 : i32
    %dma_start3A_1467 = tpu.memref_slice %arg2[%add3A_1451, %arg0, %dma_start3A_1465, %dma_start3A_1466] : memref<16384x2x8x128xf32, #tpu.memory_space<hbm>> -> memref<1x1x8x128xf32, #tpu.memory_space<hbm>>
    %dma_start3A_1468 = tpu.memref_squeeze %dma_start3A_1467 : memref<1x1x8x128xf32, #tpu.memory_space<hbm>> -> memref<8x128xf32, #tpu.memory_space<hbm>>
    tpu.enqueue_dma source(%dma_start3A_1468 : memref<8x128xf32, #tpu.memory_space<hbm>>) target(%dma_start3A_1464 : memref<8x128xf32, #tpu.memory_space<vmem>>) target_semaphore(%arg22 : memref<!tpu.dma_semaphore, #tpu.memory_space<semaphore_mem>>)
    %add3A_1469 = arith.constant 7 : i32
    %add3A_1470 = arith.addi %add3A_1183, %add3A_1469 : i32
    %dma_start3A_1471 = arith.constant 1 : i32
    %dma_start3A_1472 = arith.constant 56 : i32
    %dma_start3A_1473 = arith.constant 0 : i32
    %dma_start3A_1474 = tpu.memref_slice %arg11[%dma_start3A_1471, %dma_start3A_1472, %dma_start3A_1473] : memref<2x64x128xf32, #tpu.memory_space<vmem>> -> memref<1x8x128xf32, #tpu.memory_space<vmem>>
    %dma_start3A_1475 = tpu.memref_squeeze %dma_start3A_1474 : memref<1x8x128xf32, #tpu.memory_space<vmem>> -> memref<8x128xf32, #tpu.memory_space<vmem>>
    %dma_start3A_1476 = arith.constant 0 : i32
    %dma_start3A_1477 = arith.constant 0 : i32
    %dma_start3A_1478 = tpu.memref_slice %arg3[%add3A_1470, %arg0, %dma_start3A_1476, %dma_start3A_1477] : memref<16384x2x8x128xf32, #tpu.memory_space<hbm>> -> memref<1x1x8x128xf32, #tpu.memory_space<hbm>>
    %dma_start3A_1479 = tpu.memref_squeeze %dma_start3A_1478 : memref<1x1x8x128xf32, #tpu.memory_space<hbm>> -> memref<8x128xf32, #tpu.memory_space<hbm>>
    %dma_start3A_1480 = arith.constant 56 : i32
    %dma_start3A_1481 = arith.constant 0 : i32
    %dma_start3A_1482 = tpu.memref_slice %arg11[%dma_start3A_1471, %dma_start3A_1480, %dma_start3A_1481] : memref<2x64x128xf32, #tpu.memory_space<vmem>> -> memref<1x8x128xf32, #tpu.memory_space<vmem>>
    %dma_start3A_1483 = tpu.memref_squeeze %dma_start3A_1482 : memref<1x8x128xf32, #tpu.memory_space<vmem>> -> memref<8x128xf32, #tpu.memory_space<vmem>>
    %dma_start3A_1484 = arith.constant 0 : i32
    %dma_start3A_1485 = arith.constant 0 : i32
    %dma_start3A_1486 = tpu.memref_slice %arg3[%add3A_1470, %arg0, %dma_start3A_1484, %dma_start3A_1485] : memref<16384x2x8x128xf32, #tpu.memory_space<hbm>> -> memref<1x1x8x128xf32, #tpu.memory_space<hbm>>
    %dma_start3A_1487 = tpu.memref_squeeze %dma_start3A_1486 : memref<1x1x8x128xf32, #tpu.memory_space<hbm>> -> memref<8x128xf32, #tpu.memory_space<hbm>>
    tpu.enqueue_dma source(%dma_start3A_1487 : memref<8x128xf32, #tpu.memory_space<hbm>>) target(%dma_start3A_1483 : memref<8x128xf32, #tpu.memory_space<vmem>>) target_semaphore(%arg22 : memref<!tpu.dma_semaphore, #tpu.memory_space<semaphore_mem>>)
    %dma_start3A_1488 = tpu.memref_slice %arg4[%add3A_1157] : memref<131072xi32, #tpu.memory_space<hbm>> -> memref<64xi32, #tpu.memory_space<hbm>>
    %dma_start3A_1489 = tpu.memref_slice %arg4[%add3A_1157] : memref<131072xi32, #tpu.memory_space<hbm>> -> memref<64xi32, #tpu.memory_space<hbm>>
    tpu.enqueue_dma source(%dma_start3A_1489 : memref<64xi32, #tpu.memory_space<hbm>>) target(%arg13 : memref<64xi32, #tpu.memory_space<vmem>>) target_semaphore(%arg22 : memref<!tpu.dma_semaphore, #tpu.memory_space<semaphore_mem>>)
    %dma_start3A_1490 = tpu.memref_slice %arg5[%add3A_1157] : memref<131072xi32, #tpu.memory_space<hbm>> -> memref<64xi32, #tpu.memory_space<hbm>>
    %dma_start3A_1491 = tpu.memref_slice %arg5[%add3A_1157] : memref<131072xi32, #tpu.memory_space<hbm>> -> memref<64xi32, #tpu.memory_space<hbm>>
    tpu.enqueue_dma source(%dma_start3A_1491 : memref<64xi32, #tpu.memory_space<hbm>>) target(%arg15 : memref<64xi32, #tpu.memory_space<vmem>>) target_semaphore(%arg22 : memref<!tpu.dma_semaphore, #tpu.memory_space<semaphore_mem>>)
    %scan3A = arith.constant 0 : i32
    %scan3A_1492 = arith.constant 64 : i32
    %scan3A_1493 = arith.addi %scan3A, %scan3A_1492 : i32
    %scan3A_1494 = arith.constant 1 : i32
    scf.for %scan3A_1504 = %scan3A to %scan3A_1493 step %scan3A_1494  : i32 {
      %mul3A_1505 = arith.constant 2 : i32
      %mul3A_1506 = arith.muli %scan3A_1504, %mul3A_1505 : i32
      %add3A_1507 = arith.constant 0 : i32
      %add3A_1508 = arith.addi %add3A_1507, %mul3A_1506 : i32
      %add3A_1509 = arith.constant 0 : i32
      %add3A_1510 = arith.addi %add3A_1508, %add3A_1509 : i32
      %mul3A_1511 = arith.constant 64 : i32
      %mul3A_1512 = arith.muli %add3A_1510, %mul3A_1511 : i32
      %add3A_1513 = arith.addi %mul3A_0, %mul3A_1512 : i32
      %mul3A_1514 = arith.constant 64 : i32
      %mul3A_1515 = arith.muli %add3A_1510, %mul3A_1514 : i32
      %add3A_1516 = arith.addi %mul3A_0, %mul3A_1515 : i32
      %jit3A_1517 = arith.constant 8 : i32
      %div3A_1518 = arith.divsi %mul3A_0, %jit3A_1517 : i32
      %sign3A_1519 = arith.constant 0 : i32
      %sign3A_1520 = arith.cmpi sgt, %mul3A_0, %sign3A_1519 : i32
      %sign3A_1521 = arith.extui %sign3A_1520 : i1 to i32
      %sign3A_1522 = arith.constant 0 : i32
      %sign3A_1523 = arith.cmpi slt, %mul3A_0, %sign3A_1522 : i32
      %sign3A_1524 = arith.extui %sign3A_1523 : i1 to i32
      %sign3A_1525 = arith.subi %sign3A_1521, %sign3A_1524 : i32
      %sign3A_1526 = arith.constant 0 : i32
      %sign3A_1527 = arith.cmpi sgt, %jit3A_1517, %sign3A_1526 : i32
      %sign3A_1528 = arith.extui %sign3A_1527 : i1 to i32
      %sign3A_1529 = arith.constant 0 : i32
      %sign3A_1530 = arith.cmpi slt, %jit3A_1517, %sign3A_1529 : i32
      %sign3A_1531 = arith.extui %sign3A_1530 : i1 to i32
      %sign3A_1532 = arith.subi %sign3A_1528, %sign3A_1531 : i32
      %ne3A_1533 = arith.cmpi ne, %sign3A_1525, %sign3A_1532 : i32
      %rem3A_1534 = arith.remsi %mul3A_0, %jit3A_1517 : i32
      %ne3A_1535 = arith.constant 0 : i32
      %ne3A_1536 = arith.cmpi ne, %rem3A_1534, %ne3A_1535 : i32
      %and3A_1537 = arith.andi %ne3A_1533, %ne3A_1536 : i1
      %sub3A_1538 = arith.constant 1 : i32
      %sub3A_1539 = arith.subi %div3A_1518, %sub3A_1538 : i32
      %select_n3A_1540 = arith.select %and3A_1537, %sub3A_1539, %div3A_1518 : i32
      %mul3A_1541 = arith.constant 8 : i32
      %mul3A_1542 = arith.muli %add3A_1510, %mul3A_1541 : i32
      %add3A_1543 = arith.addi %select_n3A_1540, %mul3A_1542 : i32
      %add3A_1544 = arith.constant 0 : i32
      %add3A_1545 = arith.addi %add3A_1543, %add3A_1544 : i32
      %dma_wait3A = arith.constant 0 : i32
      %dma_wait3A_1546 = arith.constant 0 : i32
      %dma_wait3A_1547 = arith.constant 0 : i32
      %dma_wait3A_1548 = tpu.memref_slice %arg10[%dma_wait3A, %dma_wait3A_1546, %dma_wait3A_1547] : memref<2x64x128xf32, #tpu.memory_space<vmem>> -> memref<1x8x128xf32, #tpu.memory_space<vmem>>
      %dma_wait3A_1549 = tpu.memref_squeeze %dma_wait3A_1548 : memref<1x8x128xf32, #tpu.memory_space<vmem>> -> memref<8x128xf32, #tpu.memory_space<vmem>>
      %dma_wait3A_1550 = arith.constant 0 : i32
      %dma_wait3A_1551 = arith.constant 0 : i32
      %dma_wait3A_1552 = tpu.memref_slice %arg2[%add3A_1545, %arg0, %dma_wait3A_1550, %dma_wait3A_1551] : memref<16384x2x8x128xf32, #tpu.memory_space<hbm>> -> memref<1x1x8x128xf32, #tpu.memory_space<hbm>>
      %dma_wait3A_1553 = tpu.memref_squeeze %dma_wait3A_1552 : memref<1x1x8x128xf32, #tpu.memory_space<hbm>> -> memref<8x128xf32, #tpu.memory_space<hbm>>
      %dma_wait3A_1554 = arith.constant 0 : i32
      %dma_wait3A_1555 = arith.constant 0 : i32
      %dma_wait3A_1556 = tpu.memref_slice %arg10[%dma_wait3A, %dma_wait3A_1554, %dma_wait3A_1555] : memref<2x64x128xf32, #tpu.memory_space<vmem>> -> memref<1x8x128xf32, #tpu.memory_space<vmem>>
      %dma_wait3A_1557 = tpu.memref_squeeze %dma_wait3A_1556 : memref<1x8x128xf32, #tpu.memory_space<vmem>> -> memref<8x128xf32, #tpu.memory_space<vmem>>
      %dma_wait3A_1558 = arith.constant 0 : i32
      %dma_wait3A_1559 = arith.constant 0 : i32
      %dma_wait3A_1560 = tpu.memref_slice %arg2[%add3A_1545, %arg0, %dma_wait3A_1558, %dma_wait3A_1559] : memref<16384x2x8x128xf32, #tpu.memory_space<hbm>> -> memref<1x1x8x128xf32, #tpu.memory_space<hbm>>
      %dma_wait3A_1561 = tpu.memref_squeeze %dma_wait3A_1560 : memref<1x1x8x128xf32, #tpu.memory_space<hbm>> -> memref<8x128xf32, #tpu.memory_space<hbm>>
      tpu.wait_dma2 semaphore(%arg21 : memref<!tpu.dma_semaphore, #tpu.memory_space<semaphore_mem>>) src(%dma_wait3A_1561 : memref<8x128xf32, #tpu.memory_space<hbm>>) dst(%dma_wait3A_1557 : memref<8x128xf32, #tpu.memory_space<vmem>>)
      %add3A_1562 = arith.constant 0 : i32
      %add3A_1563 = arith.addi %add3A_1543, %add3A_1562 : i32
      %dma_wait3A_1564 = arith.constant 0 : i32
      %dma_wait3A_1565 = arith.constant 0 : i32
      %dma_wait3A_1566 = arith.constant 0 : i32
      %dma_wait3A_1567 = tpu.memref_slice %arg11[%dma_wait3A_1564, %dma_wait3A_1565, %dma_wait3A_1566] : memref<2x64x128xf32, #tpu.memory_space<vmem>> -> memref<1x8x128xf32, #tpu.memory_space<vmem>>
      %dma_wait3A_1568 = tpu.memref_squeeze %dma_wait3A_1567 : memref<1x8x128xf32, #tpu.memory_space<vmem>> -> memref<8x128xf32, #tpu.memory_space<vmem>>
      %dma_wait3A_1569 = arith.constant 0 : i32
      %dma_wait3A_1570 = arith.constant 0 : i32
      %dma_wait3A_1571 = tpu.memref_slice %arg3[%add3A_1563, %arg0, %dma_wait3A_1569, %dma_wait3A_1570] : memref<16384x2x8x128xf32, #tpu.memory_space<hbm>> -> memref<1x1x8x128xf32, #tpu.memory_space<hbm>>
      %dma_wait3A_1572 = tpu.memref_squeeze %dma_wait3A_1571 : memref<1x1x8x128xf32, #tpu.memory_space<hbm>> -> memref<8x128xf32, #tpu.memory_space<hbm>>
      %dma_wait3A_1573 = arith.constant 0 : i32
      %dma_wait3A_1574 = arith.constant 0 : i32
      %dma_wait3A_1575 = tpu.memref_slice %arg11[%dma_wait3A_1564, %dma_wait3A_1573, %dma_wait3A_1574] : memref<2x64x128xf32, #tpu.memory_space<vmem>> -> memref<1x8x128xf32, #tpu.memory_space<vmem>>
      %dma_wait3A_1576 = tpu.memref_squeeze %dma_wait3A_1575 : memref<1x8x128xf32, #tpu.memory_space<vmem>> -> memref<8x128xf32, #tpu.memory_space<vmem>>
      %dma_wait3A_1577 = arith.constant 0 : i32
      %dma_wait3A_1578 = arith.constant 0 : i32
      %dma_wait3A_1579 = tpu.memref_slice %arg3[%add3A_1563, %arg0, %dma_wait3A_1577, %dma_wait3A_1578] : memref<16384x2x8x128xf32, #tpu.memory_space<hbm>> -> memref<1x1x8x128xf32, #tpu.memory_space<hbm>>
      %dma_wait3A_1580 = tpu.memref_squeeze %dma_wait3A_1579 : memref<1x1x8x128xf32, #tpu.memory_space<hbm>> -> memref<8x128xf32, #tpu.memory_space<hbm>>
      tpu.wait_dma2 semaphore(%arg21 : memref<!tpu.dma_semaphore, #tpu.memory_space<semaphore_mem>>) src(%dma_wait3A_1580 : memref<8x128xf32, #tpu.memory_space<hbm>>) dst(%dma_wait3A_1576 : memref<8x128xf32, #tpu.memory_space<vmem>>)
      %add3A_1581 = arith.constant 1 : i32
      %add3A_1582 = arith.addi %add3A_1543, %add3A_1581 : i32
      %dma_wait3A_1583 = arith.constant 0 : i32
      %dma_wait3A_1584 = arith.constant 8 : i32
      %dma_wait3A_1585 = arith.constant 0 : i32
      %dma_wait3A_1586 = tpu.memref_slice %arg10[%dma_wait3A_1583, %dma_wait3A_1584, %dma_wait3A_1585] : memref<2x64x128xf32, #tpu.memory_space<vmem>> -> memref<1x8x128xf32, #tpu.memory_space<vmem>>
      %dma_wait3A_1587 = tpu.memref_squeeze %dma_wait3A_1586 : memref<1x8x128xf32, #tpu.memory_space<vmem>> -> memref<8x128xf32, #tpu.memory_space<vmem>>
      %dma_wait3A_1588 = arith.constant 0 : i32
      %dma_wait3A_1589 = arith.constant 0 : i32
      %dma_wait3A_1590 = tpu.memref_slice %arg2[%add3A_1582, %arg0, %dma_wait3A_1588, %dma_wait3A_1589] : memref<16384x2x8x128xf32, #tpu.memory_space<hbm>> -> memref<1x1x8x128xf32, #tpu.memory_space<hbm>>
      %dma_wait3A_1591 = tpu.memref_squeeze %dma_wait3A_1590 : memref<1x1x8x128xf32, #tpu.memory_space<hbm>> -> memref<8x128xf32, #tpu.memory_space<hbm>>
      %dma_wait3A_1592 = arith.constant 8 : i32
      %dma_wait3A_1593 = arith.constant 0 : i32
      %dma_wait3A_1594 = tpu.memref_slice %arg10[%dma_wait3A_1583, %dma_wait3A_1592, %dma_wait3A_1593] : memref<2x64x128xf32, #tpu.memory_space<vmem>> -> memref<1x8x128xf32, #tpu.memory_space<vmem>>
      %dma_wait3A_1595 = tpu.memref_squeeze %dma_wait3A_1594 : memref<1x8x128xf32, #tpu.memory_space<vmem>> -> memref<8x128xf32, #tpu.memory_space<vmem>>
      %dma_wait3A_1596 = arith.constant 0 : i32
      %dma_wait3A_1597 = arith.constant 0 : i32
      %dma_wait3A_1598 = tpu.memref_slice %arg2[%add3A_1582, %arg0, %dma_wait3A_1596, %dma_wait3A_1597] : memref<16384x2x8x128xf32, #tpu.memory_space<hbm>> -> memref<1x1x8x128xf32, #tpu.memory_space<hbm>>
      %dma_wait3A_1599 = tpu.memref_squeeze %dma_wait3A_1598 : memref<1x1x8x128xf32, #tpu.memory_space<hbm>> -> memref<8x128xf32, #tpu.memory_space<hbm>>
      tpu.wait_dma2 semaphore(%arg21 : memref<!tpu.dma_semaphore, #tpu.memory_space<semaphore_mem>>) src(%dma_wait3A_1599 : memref<8x128xf32, #tpu.memory_space<hbm>>) dst(%dma_wait3A_1595 : memref<8x128xf32, #tpu.memory_space<vmem>>)
      %add3A_1600 = arith.constant 1 : i32
      %add3A_1601 = arith.addi %add3A_1543, %add3A_1600 : i32
      %dma_wait3A_1602 = arith.constant 0 : i32
      %dma_wait3A_1603 = arith.constant 8 : i32
      %dma_wait3A_1604 = arith.constant 0 : i32
      %dma_wait3A_1605 = tpu.memref_slice %arg11[%dma_wait3A_1602, %dma_wait3A_1603, %dma_wait3A_1604] : memref<2x64x128xf32, #tpu.memory_space<vmem>> -> memref<1x8x128xf32, #tpu.memory_space<vmem>>
      %dma_wait3A_1606 = tpu.memref_squeeze %dma_wait3A_1605 : memref<1x8x128xf32, #tpu.memory_space<vmem>> -> memref<8x128xf32, #tpu.memory_space<vmem>>
      %dma_wait3A_1607 = arith.constant 0 : i32
      %dma_wait3A_1608 = arith.constant 0 : i32
      %dma_wait3A_1609 = tpu.memref_slice %arg3[%add3A_1601, %arg0, %dma_wait3A_1607, %dma_wait3A_1608] : memref<16384x2x8x128xf32, #tpu.memory_space<hbm>> -> memref<1x1x8x128xf32, #tpu.memory_space<hbm>>
      %dma_wait3A_1610 = tpu.memref_squeeze %dma_wait3A_1609 : memref<1x1x8x128xf32, #tpu.memory_space<hbm>> -> memref<8x128xf32, #tpu.memory_space<hbm>>
      %dma_wait3A_1611 = arith.constant 8 : i32
      %dma_wait3A_1612 = arith.constant 0 : i32
      %dma_wait3A_1613 = tpu.memref_slice %arg11[%dma_wait3A_1602, %dma_wait3A_1611, %dma_wait3A_1612] : memref<2x64x128xf32, #tpu.memory_space<vmem>> -> memref<1x8x128xf32, #tpu.memory_space<vmem>>
      %dma_wait3A_1614 = tpu.memref_squeeze %dma_wait3A_1613 : memref<1x8x128xf32, #tpu.memory_space<vmem>> -> memref<8x128xf32, #tpu.memory_space<vmem>>
      %dma_wait3A_1615 = arith.constant 0 : i32
      %dma_wait3A_1616 = arith.constant 0 : i32
      %dma_wait3A_1617 = tpu.memref_slice %arg3[%add3A_1601, %arg0, %dma_wait3A_1615, %dma_wait3A_1616] : memref<16384x2x8x128xf32, #tpu.memory_space<hbm>> -> memref<1x1x8x128xf32, #tpu.memory_space<hbm>>
      %dma_wait3A_1618 = tpu.memref_squeeze %dma_wait3A_1617 : memref<1x1x8x128xf32, #tpu.memory_space<hbm>> -> memref<8x128xf32, #tpu.memory_space<hbm>>
      tpu.wait_dma2 semaphore(%arg21 : memref<!tpu.dma_semaphore, #tpu.memory_space<semaphore_mem>>) src(%dma_wait3A_1618 : memref<8x128xf32, #tpu.memory_space<hbm>>) dst(%dma_wait3A_1614 : memref<8x128xf32, #tpu.memory_space<vmem>>)
      %add3A_1619 = arith.constant 2 : i32
      %add3A_1620 = arith.addi %add3A_1543, %add3A_1619 : i32
      %dma_wait3A_1621 = arith.constant 0 : i32
      %dma_wait3A_1622 = arith.constant 16 : i32
      %dma_wait3A_1623 = arith.constant 0 : i32
      %dma_wait3A_1624 = tpu.memref_slice %arg10[%dma_wait3A_1621, %dma_wait3A_1622, %dma_wait3A_1623] : memref<2x64x128xf32, #tpu.memory_space<vmem>> -> memref<1x8x128xf32, #tpu.memory_space<vmem>>
      %dma_wait3A_1625 = tpu.memref_squeeze %dma_wait3A_1624 : memref<1x8x128xf32, #tpu.memory_space<vmem>> -> memref<8x128xf32, #tpu.memory_space<vmem>>
      %dma_wait3A_1626 = arith.constant 0 : i32
      %dma_wait3A_1627 = arith.constant 0 : i32
      %dma_wait3A_1628 = tpu.memref_slice %arg2[%add3A_1620, %arg0, %dma_wait3A_1626, %dma_wait3A_1627] : memref<16384x2x8x128xf32, #tpu.memory_space<hbm>> -> memref<1x1x8x128xf32, #tpu.memory_space<hbm>>
      %dma_wait3A_1629 = tpu.memref_squeeze %dma_wait3A_1628 : memref<1x1x8x128xf32, #tpu.memory_space<hbm>> -> memref<8x128xf32, #tpu.memory_space<hbm>>
      %dma_wait3A_1630 = arith.constant 16 : i32
      %dma_wait3A_1631 = arith.constant 0 : i32
      %dma_wait3A_1632 = tpu.memref_slice %arg10[%dma_wait3A_1621, %dma_wait3A_1630, %dma_wait3A_1631] : memref<2x64x128xf32, #tpu.memory_space<vmem>> -> memref<1x8x128xf32, #tpu.memory_space<vmem>>
      %dma_wait3A_1633 = tpu.memref_squeeze %dma_wait3A_1632 : memref<1x8x128xf32, #tpu.memory_space<vmem>> -> memref<8x128xf32, #tpu.memory_space<vmem>>
      %dma_wait3A_1634 = arith.constant 0 : i32
      %dma_wait3A_1635 = arith.constant 0 : i32
      %dma_wait3A_1636 = tpu.memref_slice %arg2[%add3A_1620, %arg0, %dma_wait3A_1634, %dma_wait3A_1635] : memref<16384x2x8x128xf32, #tpu.memory_space<hbm>> -> memref<1x1x8x128xf32, #tpu.memory_space<hbm>>
      %dma_wait3A_1637 = tpu.memref_squeeze %dma_wait3A_1636 : memref<1x1x8x128xf32, #tpu.memory_space<hbm>> -> memref<8x128xf32, #tpu.memory_space<hbm>>
      tpu.wait_dma2 semaphore(%arg21 : memref<!tpu.dma_semaphore, #tpu.memory_space<semaphore_mem>>) src(%dma_wait3A_1637 : memref<8x128xf32, #tpu.memory_space<hbm>>) dst(%dma_wait3A_1633 : memref<8x128xf32, #tpu.memory_space<vmem>>)
      %add3A_1638 = arith.constant 2 : i32
      %add3A_1639 = arith.addi %add3A_1543, %add3A_1638 : i32
      %dma_wait3A_1640 = arith.constant 0 : i32
      %dma_wait3A_1641 = arith.constant 16 : i32
      %dma_wait3A_1642 = arith.constant 0 : i32
      %dma_wait3A_1643 = tpu.memref_slice %arg11[%dma_wait3A_1640, %dma_wait3A_1641, %dma_wait3A_1642] : memref<2x64x128xf32, #tpu.memory_space<vmem>> -> memref<1x8x128xf32, #tpu.memory_space<vmem>>
      %dma_wait3A_1644 = tpu.memref_squeeze %dma_wait3A_1643 : memref<1x8x128xf32, #tpu.memory_space<vmem>> -> memref<8x128xf32, #tpu.memory_space<vmem>>
      %dma_wait3A_1645 = arith.constant 0 : i32
      %dma_wait3A_1646 = arith.constant 0 : i32
      %dma_wait3A_1647 = tpu.memref_slice %arg3[%add3A_1639, %arg0, %dma_wait3A_1645, %dma_wait3A_1646] : memref<16384x2x8x128xf32, #tpu.memory_space<hbm>> -> memref<1x1x8x128xf32, #tpu.memory_space<hbm>>
      %dma_wait3A_1648 = tpu.memref_squeeze %dma_wait3A_1647 : memref<1x1x8x128xf32, #tpu.memory_space<hbm>> -> memref<8x128xf32, #tpu.memory_space<hbm>>
      %dma_wait3A_1649 = arith.constant 16 : i32
      %dma_wait3A_1650 = arith.constant 0 : i32
      %dma_wait3A_1651 = tpu.memref_slice %arg11[%dma_wait3A_1640, %dma_wait3A_1649, %dma_wait3A_1650] : memref<2x64x128xf32, #tpu.memory_space<vmem>> -> memref<1x8x128xf32, #tpu.memory_space<vmem>>
      %dma_wait3A_1652 = tpu.memref_squeeze %dma_wait3A_1651 : memref<1x8x128xf32, #tpu.memory_space<vmem>> -> memref<8x128xf32, #tpu.memory_space<vmem>>
      %dma_wait3A_1653 = arith.constant 0 : i32
      %dma_wait3A_1654 = arith.constant 0 : i32
      %dma_wait3A_1655 = tpu.memref_slice %arg3[%add3A_1639, %arg0, %dma_wait3A_1653, %dma_wait3A_1654] : memref<16384x2x8x128xf32, #tpu.memory_space<hbm>> -> memref<1x1x8x128xf32, #tpu.memory_space<hbm>>
      %dma_wait3A_1656 = tpu.memref_squeeze %dma_wait3A_1655 : memref<1x1x8x128xf32, #tpu.memory_space<hbm>> -> memref<8x128xf32, #tpu.memory_space<hbm>>
      tpu.wait_dma2 semaphore(%arg21 : memref<!tpu.dma_semaphore, #tpu.memory_space<semaphore_mem>>) src(%dma_wait3A_1656 : memref<8x128xf32, #tpu.memory_space<hbm>>) dst(%dma_wait3A_1652 : memref<8x128xf32, #tpu.memory_space<vmem>>)
      %add3A_1657 = arith.constant 3 : i32
      %add3A_1658 = arith.addi %add3A_1543, %add3A_1657 : i32
      %dma_wait3A_1659 = arith.constant 0 : i32
      %dma_wait3A_1660 = arith.constant 24 : i32
      %dma_wait3A_1661 = arith.constant 0 : i32
      %dma_wait3A_1662 = tpu.memref_slice %arg10[%dma_wait3A_1659, %dma_wait3A_1660, %dma_wait3A_1661] : memref<2x64x128xf32, #tpu.memory_space<vmem>> -> memref<1x8x128xf32, #tpu.memory_space<vmem>>
      %dma_wait3A_1663 = tpu.memref_squeeze %dma_wait3A_1662 : memref<1x8x128xf32, #tpu.memory_space<vmem>> -> memref<8x128xf32, #tpu.memory_space<vmem>>
      %dma_wait3A_1664 = arith.constant 0 : i32
      %dma_wait3A_1665 = arith.constant 0 : i32
      %dma_wait3A_1666 = tpu.memref_slice %arg2[%add3A_1658, %arg0, %dma_wait3A_1664, %dma_wait3A_1665] : memref<16384x2x8x128xf32, #tpu.memory_space<hbm>> -> memref<1x1x8x128xf32, #tpu.memory_space<hbm>>
      %dma_wait3A_1667 = tpu.memref_squeeze %dma_wait3A_1666 : memref<1x1x8x128xf32, #tpu.memory_space<hbm>> -> memref<8x128xf32, #tpu.memory_space<hbm>>
      %dma_wait3A_1668 = arith.constant 24 : i32
      %dma_wait3A_1669 = arith.constant 0 : i32
      %dma_wait3A_1670 = tpu.memref_slice %arg10[%dma_wait3A_1659, %dma_wait3A_1668, %dma_wait3A_1669] : memref<2x64x128xf32, #tpu.memory_space<vmem>> -> memref<1x8x128xf32, #tpu.memory_space<vmem>>
      %dma_wait3A_1671 = tpu.memref_squeeze %dma_wait3A_1670 : memref<1x8x128xf32, #tpu.memory_space<vmem>> -> memref<8x128xf32, #tpu.memory_space<vmem>>
      %dma_wait3A_1672 = arith.constant 0 : i32
      %dma_wait3A_1673 = arith.constant 0 : i32
      %dma_wait3A_1674 = tpu.memref_slice %arg2[%add3A_1658, %arg0, %dma_wait3A_1672, %dma_wait3A_1673] : memref<16384x2x8x128xf32, #tpu.memory_space<hbm>> -> memref<1x1x8x128xf32, #tpu.memory_space<hbm>>
      %dma_wait3A_1675 = tpu.memref_squeeze %dma_wait3A_1674 : memref<1x1x8x128xf32, #tpu.memory_space<hbm>> -> memref<8x128xf32, #tpu.memory_space<hbm>>
      tpu.wait_dma2 semaphore(%arg21 : memref<!tpu.dma_semaphore, #tpu.memory_space<semaphore_mem>>) src(%dma_wait3A_1675 : memref<8x128xf32, #tpu.memory_space<hbm>>) dst(%dma_wait3A_1671 : memref<8x128xf32, #tpu.memory_space<vmem>>)
      %add3A_1676 = arith.constant 3 : i32
      %add3A_1677 = arith.addi %add3A_1543, %add3A_1676 : i32
      %dma_wait3A_1678 = arith.constant 0 : i32
      %dma_wait3A_1679 = arith.constant 24 : i32
      %dma_wait3A_1680 = arith.constant 0 : i32
      %dma_wait3A_1681 = tpu.memref_slice %arg11[%dma_wait3A_1678, %dma_wait3A_1679, %dma_wait3A_1680] : memref<2x64x128xf32, #tpu.memory_space<vmem>> -> memref<1x8x128xf32, #tpu.memory_space<vmem>>
      %dma_wait3A_1682 = tpu.memref_squeeze %dma_wait3A_1681 : memref<1x8x128xf32, #tpu.memory_space<vmem>> -> memref<8x128xf32, #tpu.memory_space<vmem>>
      %dma_wait3A_1683 = arith.constant 0 : i32
      %dma_wait3A_1684 = arith.constant 0 : i32
      %dma_wait3A_1685 = tpu.memref_slice %arg3[%add3A_1677, %arg0, %dma_wait3A_1683, %dma_wait3A_1684] : memref<16384x2x8x128xf32, #tpu.memory_space<hbm>> -> memref<1x1x8x128xf32, #tpu.memory_space<hbm>>
      %dma_wait3A_1686 = tpu.memref_squeeze %dma_wait3A_1685 : memref<1x1x8x128xf32, #tpu.memory_space<hbm>> -> memref<8x128xf32, #tpu.memory_space<hbm>>
      %dma_wait3A_1687 = arith.constant 24 : i32
      %dma_wait3A_1688 = arith.constant 0 : i32
      %dma_wait3A_1689 = tpu.memref_slice %arg11[%dma_wait3A_1678, %dma_wait3A_1687, %dma_wait3A_1688] : memref<2x64x128xf32, #tpu.memory_space<vmem>> -> memref<1x8x128xf32, #tpu.memory_space<vmem>>
      %dma_wait3A_1690 = tpu.memref_squeeze %dma_wait3A_1689 : memref<1x8x128xf32, #tpu.memory_space<vmem>> -> memref<8x128xf32, #tpu.memory_space<vmem>>
      %dma_wait3A_1691 = arith.constant 0 : i32
      %dma_wait3A_1692 = arith.constant 0 : i32
      %dma_wait3A_1693 = tpu.memref_slice %arg3[%add3A_1677, %arg0, %dma_wait3A_1691, %dma_wait3A_1692] : memref<16384x2x8x128xf32, #tpu.memory_space<hbm>> -> memref<1x1x8x128xf32, #tpu.memory_space<hbm>>
      %dma_wait3A_1694 = tpu.memref_squeeze %dma_wait3A_1693 : memref<1x1x8x128xf32, #tpu.memory_space<hbm>> -> memref<8x128xf32, #tpu.memory_space<hbm>>
      tpu.wait_dma2 semaphore(%arg21 : memref<!tpu.dma_semaphore, #tpu.memory_space<semaphore_mem>>) src(%dma_wait3A_1694 : memref<8x128xf32, #tpu.memory_space<hbm>>) dst(%dma_wait3A_1690 : memref<8x128xf32, #tpu.memory_space<vmem>>)
      %add3A_1695 = arith.constant 4 : i32
      %add3A_1696 = arith.addi %add3A_1543, %add3A_1695 : i32
      %dma_wait3A_1697 = arith.constant 0 : i32
      %dma_wait3A_1698 = arith.constant 32 : i32
      %dma_wait3A_1699 = arith.constant 0 : i32
      %dma_wait3A_1700 = tpu.memref_slice %arg10[%dma_wait3A_1697, %dma_wait3A_1698, %dma_wait3A_1699] : memref<2x64x128xf32, #tpu.memory_space<vmem>> -> memref<1x8x128xf32, #tpu.memory_space<vmem>>
      %dma_wait3A_1701 = tpu.memref_squeeze %dma_wait3A_1700 : memref<1x8x128xf32, #tpu.memory_space<vmem>> -> memref<8x128xf32, #tpu.memory_space<vmem>>
      %dma_wait3A_1702 = arith.constant 0 : i32
      %dma_wait3A_1703 = arith.constant 0 : i32
      %dma_wait3A_1704 = tpu.memref_slice %arg2[%add3A_1696, %arg0, %dma_wait3A_1702, %dma_wait3A_1703] : memref<16384x2x8x128xf32, #tpu.memory_space<hbm>> -> memref<1x1x8x128xf32, #tpu.memory_space<hbm>>
      %dma_wait3A_1705 = tpu.memref_squeeze %dma_wait3A_1704 : memref<1x1x8x128xf32, #tpu.memory_space<hbm>> -> memref<8x128xf32, #tpu.memory_space<hbm>>
      %dma_wait3A_1706 = arith.constant 32 : i32
      %dma_wait3A_1707 = arith.constant 0 : i32
      %dma_wait3A_1708 = tpu.memref_slice %arg10[%dma_wait3A_1697, %dma_wait3A_1706, %dma_wait3A_1707] : memref<2x64x128xf32, #tpu.memory_space<vmem>> -> memref<1x8x128xf32, #tpu.memory_space<vmem>>
      %dma_wait3A_1709 = tpu.memref_squeeze %dma_wait3A_1708 : memref<1x8x128xf32, #tpu.memory_space<vmem>> -> memref<8x128xf32, #tpu.memory_space<vmem>>
      %dma_wait3A_1710 = arith.constant 0 : i32
      %dma_wait3A_1711 = arith.constant 0 : i32
      %dma_wait3A_1712 = tpu.memref_slice %arg2[%add3A_1696, %arg0, %dma_wait3A_1710, %dma_wait3A_1711] : memref<16384x2x8x128xf32, #tpu.memory_space<hbm>> -> memref<1x1x8x128xf32, #tpu.memory_space<hbm>>
      %dma_wait3A_1713 = tpu.memref_squeeze %dma_wait3A_1712 : memref<1x1x8x128xf32, #tpu.memory_space<hbm>> -> memref<8x128xf32, #tpu.memory_space<hbm>>
      tpu.wait_dma2 semaphore(%arg21 : memref<!tpu.dma_semaphore, #tpu.memory_space<semaphore_mem>>) src(%dma_wait3A_1713 : memref<8x128xf32, #tpu.memory_space<hbm>>) dst(%dma_wait3A_1709 : memref<8x128xf32, #tpu.memory_space<vmem>>)
      %add3A_1714 = arith.constant 4 : i32
      %add3A_1715 = arith.addi %add3A_1543, %add3A_1714 : i32
      %dma_wait3A_1716 = arith.constant 0 : i32
      %dma_wait3A_1717 = arith.constant 32 : i32
      %dma_wait3A_1718 = arith.constant 0 : i32
      %dma_wait3A_1719 = tpu.memref_slice %arg11[%dma_wait3A_1716, %dma_wait3A_1717, %dma_wait3A_1718] : memref<2x64x128xf32, #tpu.memory_space<vmem>> -> memref<1x8x128xf32, #tpu.memory_space<vmem>>
      %dma_wait3A_1720 = tpu.memref_squeeze %dma_wait3A_1719 : memref<1x8x128xf32, #tpu.memory_space<vmem>> -> memref<8x128xf32, #tpu.memory_space<vmem>>
      %dma_wait3A_1721 = arith.constant 0 : i32
      %dma_wait3A_1722 = arith.constant 0 : i32
      %dma_wait3A_1723 = tpu.memref_slice %arg3[%add3A_1715, %arg0, %dma_wait3A_1721, %dma_wait3A_1722] : memref<16384x2x8x128xf32, #tpu.memory_space<hbm>> -> memref<1x1x8x128xf32, #tpu.memory_space<hbm>>
      %dma_wait3A_1724 = tpu.memref_squeeze %dma_wait3A_1723 : memref<1x1x8x128xf32, #tpu.memory_space<hbm>> -> memref<8x128xf32, #tpu.memory_space<hbm>>
      %dma_wait3A_1725 = arith.constant 32 : i32
      %dma_wait3A_1726 = arith.constant 0 : i32
      %dma_wait3A_1727 = tpu.memref_slice %arg11[%dma_wait3A_1716, %dma_wait3A_1725, %dma_wait3A_1726] : memref<2x64x128xf32, #tpu.memory_space<vmem>> -> memref<1x8x128xf32, #tpu.memory_space<vmem>>
      %dma_wait3A_1728 = tpu.memref_squeeze %dma_wait3A_1727 : memref<1x8x128xf32, #tpu.memory_space<vmem>> -> memref<8x128xf32, #tpu.memory_space<vmem>>
      %dma_wait3A_1729 = arith.constant 0 : i32
      %dma_wait3A_1730 = arith.constant 0 : i32
      %dma_wait3A_1731 = tpu.memref_slice %arg3[%add3A_1715, %arg0, %dma_wait3A_1729, %dma_wait3A_1730] : memref<16384x2x8x128xf32, #tpu.memory_space<hbm>> -> memref<1x1x8x128xf32, #tpu.memory_space<hbm>>
      %dma_wait3A_1732 = tpu.memref_squeeze %dma_wait3A_1731 : memref<1x1x8x128xf32, #tpu.memory_space<hbm>> -> memref<8x128xf32, #tpu.memory_space<hbm>>
      tpu.wait_dma2 semaphore(%arg21 : memref<!tpu.dma_semaphore, #tpu.memory_space<semaphore_mem>>) src(%dma_wait3A_1732 : memref<8x128xf32, #tpu.memory_space<hbm>>) dst(%dma_wait3A_1728 : memref<8x128xf32, #tpu.memory_space<vmem>>)
      %add3A_1733 = arith.constant 5 : i32
      %add3A_1734 = arith.addi %add3A_1543, %add3A_1733 : i32
      %dma_wait3A_1735 = arith.constant 0 : i32
      %dma_wait3A_1736 = arith.constant 40 : i32
      %dma_wait3A_1737 = arith.constant 0 : i32
      %dma_wait3A_1738 = tpu.memref_slice %arg10[%dma_wait3A_1735, %dma_wait3A_1736, %dma_wait3A_1737] : memref<2x64x128xf32, #tpu.memory_space<vmem>> -> memref<1x8x128xf32, #tpu.memory_space<vmem>>
      %dma_wait3A_1739 = tpu.memref_squeeze %dma_wait3A_1738 : memref<1x8x128xf32, #tpu.memory_space<vmem>> -> memref<8x128xf32, #tpu.memory_space<vmem>>
      %dma_wait3A_1740 = arith.constant 0 : i32
      %dma_wait3A_1741 = arith.constant 0 : i32
      %dma_wait3A_1742 = tpu.memref_slice %arg2[%add3A_1734, %arg0, %dma_wait3A_1740, %dma_wait3A_1741] : memref<16384x2x8x128xf32, #tpu.memory_space<hbm>> -> memref<1x1x8x128xf32, #tpu.memory_space<hbm>>
      %dma_wait3A_1743 = tpu.memref_squeeze %dma_wait3A_1742 : memref<1x1x8x128xf32, #tpu.memory_space<hbm>> -> memref<8x128xf32, #tpu.memory_space<hbm>>
      %dma_wait3A_1744 = arith.constant 40 : i32
      %dma_wait3A_1745 = arith.constant 0 : i32
      %dma_wait3A_1746 = tpu.memref_slice %arg10[%dma_wait3A_1735, %dma_wait3A_1744, %dma_wait3A_1745] : memref<2x64x128xf32, #tpu.memory_space<vmem>> -> memref<1x8x128xf32, #tpu.memory_space<vmem>>
      %dma_wait3A_1747 = tpu.memref_squeeze %dma_wait3A_1746 : memref<1x8x128xf32, #tpu.memory_space<vmem>> -> memref<8x128xf32, #tpu.memory_space<vmem>>
      %dma_wait3A_1748 = arith.constant 0 : i32
      %dma_wait3A_1749 = arith.constant 0 : i32
      %dma_wait3A_1750 = tpu.memref_slice %arg2[%add3A_1734, %arg0, %dma_wait3A_1748, %dma_wait3A_1749] : memref<16384x2x8x128xf32, #tpu.memory_space<hbm>> -> memref<1x1x8x128xf32, #tpu.memory_space<hbm>>
      %dma_wait3A_1751 = tpu.memref_squeeze %dma_wait3A_1750 : memref<1x1x8x128xf32, #tpu.memory_space<hbm>> -> memref<8x128xf32, #tpu.memory_space<hbm>>
      tpu.wait_dma2 semaphore(%arg21 : memref<!tpu.dma_semaphore, #tpu.memory_space<semaphore_mem>>) src(%dma_wait3A_1751 : memref<8x128xf32, #tpu.memory_space<hbm>>) dst(%dma_wait3A_1747 : memref<8x128xf32, #tpu.memory_space<vmem>>)
      %add3A_1752 = arith.constant 5 : i32
      %add3A_1753 = arith.addi %add3A_1543, %add3A_1752 : i32
      %dma_wait3A_1754 = arith.constant 0 : i32
      %dma_wait3A_1755 = arith.constant 40 : i32
      %dma_wait3A_1756 = arith.constant 0 : i32
      %dma_wait3A_1757 = tpu.memref_slice %arg11[%dma_wait3A_1754, %dma_wait3A_1755, %dma_wait3A_1756] : memref<2x64x128xf32, #tpu.memory_space<vmem>> -> memref<1x8x128xf32, #tpu.memory_space<vmem>>
      %dma_wait3A_1758 = tpu.memref_squeeze %dma_wait3A_1757 : memref<1x8x128xf32, #tpu.memory_space<vmem>> -> memref<8x128xf32, #tpu.memory_space<vmem>>
      %dma_wait3A_1759 = arith.constant 0 : i32
      %dma_wait3A_1760 = arith.constant 0 : i32
      %dma_wait3A_1761 = tpu.memref_slice %arg3[%add3A_1753, %arg0, %dma_wait3A_1759, %dma_wait3A_1760] : memref<16384x2x8x128xf32, #tpu.memory_space<hbm>> -> memref<1x1x8x128xf32, #tpu.memory_space<hbm>>
      %dma_wait3A_1762 = tpu.memref_squeeze %dma_wait3A_1761 : memref<1x1x8x128xf32, #tpu.memory_space<hbm>> -> memref<8x128xf32, #tpu.memory_space<hbm>>
      %dma_wait3A_1763 = arith.constant 40 : i32
      %dma_wait3A_1764 = arith.constant 0 : i32
      %dma_wait3A_1765 = tpu.memref_slice %arg11[%dma_wait3A_1754, %dma_wait3A_1763, %dma_wait3A_1764] : memref<2x64x128xf32, #tpu.memory_space<vmem>> -> memref<1x8x128xf32, #tpu.memory_space<vmem>>
      %dma_wait3A_1766 = tpu.memref_squeeze %dma_wait3A_1765 : memref<1x8x128xf32, #tpu.memory_space<vmem>> -> memref<8x128xf32, #tpu.memory_space<vmem>>
      %dma_wait3A_1767 = arith.constant 0 : i32
      %dma_wait3A_1768 = arith.constant 0 : i32
      %dma_wait3A_1769 = tpu.memref_slice %arg3[%add3A_1753, %arg0, %dma_wait3A_1767, %dma_wait3A_1768] : memref<16384x2x8x128xf32, #tpu.memory_space<hbm>> -> memref<1x1x8x128xf32, #tpu.memory_space<hbm>>
      %dma_wait3A_1770 = tpu.memref_squeeze %dma_wait3A_1769 : memref<1x1x8x128xf32, #tpu.memory_space<hbm>> -> memref<8x128xf32, #tpu.memory_space<hbm>>
      tpu.wait_dma2 semaphore(%arg21 : memref<!tpu.dma_semaphore, #tpu.memory_space<semaphore_mem>>) src(%dma_wait3A_1770 : memref<8x128xf32, #tpu.memory_space<hbm>>) dst(%dma_wait3A_1766 : memref<8x128xf32, #tpu.memory_space<vmem>>)
      %add3A_1771 = arith.constant 6 : i32
      %add3A_1772 = arith.addi %add3A_1543, %add3A_1771 : i32
      %dma_wait3A_1773 = arith.constant 0 : i32
      %dma_wait3A_1774 = arith.constant 48 : i32
      %dma_wait3A_1775 = arith.constant 0 : i32
      %dma_wait3A_1776 = tpu.memref_slice %arg10[%dma_wait3A_1773, %dma_wait3A_1774, %dma_wait3A_1775] : memref<2x64x128xf32, #tpu.memory_space<vmem>> -> memref<1x8x128xf32, #tpu.memory_space<vmem>>
      %dma_wait3A_1777 = tpu.memref_squeeze %dma_wait3A_1776 : memref<1x8x128xf32, #tpu.memory_space<vmem>> -> memref<8x128xf32, #tpu.memory_space<vmem>>
      %dma_wait3A_1778 = arith.constant 0 : i32
      %dma_wait3A_1779 = arith.constant 0 : i32
      %dma_wait3A_1780 = tpu.memref_slice %arg2[%add3A_1772, %arg0, %dma_wait3A_1778, %dma_wait3A_1779] : memref<16384x2x8x128xf32, #tpu.memory_space<hbm>> -> memref<1x1x8x128xf32, #tpu.memory_space<hbm>>
      %dma_wait3A_1781 = tpu.memref_squeeze %dma_wait3A_1780 : memref<1x1x8x128xf32, #tpu.memory_space<hbm>> -> memref<8x128xf32, #tpu.memory_space<hbm>>
      %dma_wait3A_1782 = arith.constant 48 : i32
      %dma_wait3A_1783 = arith.constant 0 : i32
      %dma_wait3A_1784 = tpu.memref_slice %arg10[%dma_wait3A_1773, %dma_wait3A_1782, %dma_wait3A_1783] : memref<2x64x128xf32, #tpu.memory_space<vmem>> -> memref<1x8x128xf32, #tpu.memory_space<vmem>>
      %dma_wait3A_1785 = tpu.memref_squeeze %dma_wait3A_1784 : memref<1x8x128xf32, #tpu.memory_space<vmem>> -> memref<8x128xf32, #tpu.memory_space<vmem>>
      %dma_wait3A_1786 = arith.constant 0 : i32
      %dma_wait3A_1787 = arith.constant 0 : i32
      %dma_wait3A_1788 = tpu.memref_slice %arg2[%add3A_1772, %arg0, %dma_wait3A_1786, %dma_wait3A_1787] : memref<16384x2x8x128xf32, #tpu.memory_space<hbm>> -> memref<1x1x8x128xf32, #tpu.memory_space<hbm>>
      %dma_wait3A_1789 = tpu.memref_squeeze %dma_wait3A_1788 : memref<1x1x8x128xf32, #tpu.memory_space<hbm>> -> memref<8x128xf32, #tpu.memory_space<hbm>>
      tpu.wait_dma2 semaphore(%arg21 : memref<!tpu.dma_semaphore, #tpu.memory_space<semaphore_mem>>) src(%dma_wait3A_1789 : memref<8x128xf32, #tpu.memory_space<hbm>>) dst(%dma_wait3A_1785 : memref<8x128xf32, #tpu.memory_space<vmem>>)
      %add3A_1790 = arith.constant 6 : i32
      %add3A_1791 = arith.addi %add3A_1543, %add3A_1790 : i32
      %dma_wait3A_1792 = arith.constant 0 : i32
      %dma_wait3A_1793 = arith.constant 48 : i32
      %dma_wait3A_1794 = arith.constant 0 : i32
      %dma_wait3A_1795 = tpu.memref_slice %arg11[%dma_wait3A_1792, %dma_wait3A_1793, %dma_wait3A_1794] : memref<2x64x128xf32, #tpu.memory_space<vmem>> -> memref<1x8x128xf32, #tpu.memory_space<vmem>>
      %dma_wait3A_1796 = tpu.memref_squeeze %dma_wait3A_1795 : memref<1x8x128xf32, #tpu.memory_space<vmem>> -> memref<8x128xf32, #tpu.memory_space<vmem>>
      %dma_wait3A_1797 = arith.constant 0 : i32
      %dma_wait3A_1798 = arith.constant 0 : i32
      %dma_wait3A_1799 = tpu.memref_slice %arg3[%add3A_1791, %arg0, %dma_wait3A_1797, %dma_wait3A_1798] : memref<16384x2x8x128xf32, #tpu.memory_space<hbm>> -> memref<1x1x8x128xf32, #tpu.memory_space<hbm>>
      %dma_wait3A_1800 = tpu.memref_squeeze %dma_wait3A_1799 : memref<1x1x8x128xf32, #tpu.memory_space<hbm>> -> memref<8x128xf32, #tpu.memory_space<hbm>>
      %dma_wait3A_1801 = arith.constant 48 : i32
      %dma_wait3A_1802 = arith.constant 0 : i32
      %dma_wait3A_1803 = tpu.memref_slice %arg11[%dma_wait3A_1792, %dma_wait3A_1801, %dma_wait3A_1802] : memref<2x64x128xf32, #tpu.memory_space<vmem>> -> memref<1x8x128xf32, #tpu.memory_space<vmem>>
      %dma_wait3A_1804 = tpu.memref_squeeze %dma_wait3A_1803 : memref<1x8x128xf32, #tpu.memory_space<vmem>> -> memref<8x128xf32, #tpu.memory_space<vmem>>
      %dma_wait3A_1805 = arith.constant 0 : i32
      %dma_wait3A_1806 = arith.constant 0 : i32
      %dma_wait3A_1807 = tpu.memref_slice %arg3[%add3A_1791, %arg0, %dma_wait3A_1805, %dma_wait3A_1806] : memref<16384x2x8x128xf32, #tpu.memory_space<hbm>> -> memref<1x1x8x128xf32, #tpu.memory_space<hbm>>
      %dma_wait3A_1808 = tpu.memref_squeeze %dma_wait3A_1807 : memref<1x1x8x128xf32, #tpu.memory_space<hbm>> -> memref<8x128xf32, #tpu.memory_space<hbm>>
      tpu.wait_dma2 semaphore(%arg21 : memref<!tpu.dma_semaphore, #tpu.memory_space<semaphore_mem>>) src(%dma_wait3A_1808 : memref<8x128xf32, #tpu.memory_space<hbm>>) dst(%dma_wait3A_1804 : memref<8x128xf32, #tpu.memory_space<vmem>>)
      %add3A_1809 = arith.constant 7 : i32
      %add3A_1810 = arith.addi %add3A_1543, %add3A_1809 : i32
      %dma_wait3A_1811 = arith.constant 0 : i32
      %dma_wait3A_1812 = arith.constant 56 : i32
      %dma_wait3A_1813 = arith.constant 0 : i32
      %dma_wait3A_1814 = tpu.memref_slice %arg10[%dma_wait3A_1811, %dma_wait3A_1812, %dma_wait3A_1813] : memref<2x64x128xf32, #tpu.memory_space<vmem>> -> memref<1x8x128xf32, #tpu.memory_space<vmem>>
      %dma_wait3A_1815 = tpu.memref_squeeze %dma_wait3A_1814 : memref<1x8x128xf32, #tpu.memory_space<vmem>> -> memref<8x128xf32, #tpu.memory_space<vmem>>
      %dma_wait3A_1816 = arith.constant 0 : i32
      %dma_wait3A_1817 = arith.constant 0 : i32
      %dma_wait3A_1818 = tpu.memref_slice %arg2[%add3A_1810, %arg0, %dma_wait3A_1816, %dma_wait3A_1817] : memref<16384x2x8x128xf32, #tpu.memory_space<hbm>> -> memref<1x1x8x128xf32, #tpu.memory_space<hbm>>
      %dma_wait3A_1819 = tpu.memref_squeeze %dma_wait3A_1818 : memref<1x1x8x128xf32, #tpu.memory_space<hbm>> -> memref<8x128xf32, #tpu.memory_space<hbm>>
      %dma_wait3A_1820 = arith.constant 56 : i32
      %dma_wait3A_1821 = arith.constant 0 : i32
      %dma_wait3A_1822 = tpu.memref_slice %arg10[%dma_wait3A_1811, %dma_wait3A_1820, %dma_wait3A_1821] : memref<2x64x128xf32, #tpu.memory_space<vmem>> -> memref<1x8x128xf32, #tpu.memory_space<vmem>>
      %dma_wait3A_1823 = tpu.memref_squeeze %dma_wait3A_1822 : memref<1x8x128xf32, #tpu.memory_space<vmem>> -> memref<8x128xf32, #tpu.memory_space<vmem>>
      %dma_wait3A_1824 = arith.constant 0 : i32
      %dma_wait3A_1825 = arith.constant 0 : i32
      %dma_wait3A_1826 = tpu.memref_slice %arg2[%add3A_1810, %arg0, %dma_wait3A_1824, %dma_wait3A_1825] : memref<16384x2x8x128xf32, #tpu.memory_space<hbm>> -> memref<1x1x8x128xf32, #tpu.memory_space<hbm>>
      %dma_wait3A_1827 = tpu.memref_squeeze %dma_wait3A_1826 : memref<1x1x8x128xf32, #tpu.memory_space<hbm>> -> memref<8x128xf32, #tpu.memory_space<hbm>>
      tpu.wait_dma2 semaphore(%arg21 : memref<!tpu.dma_semaphore, #tpu.memory_space<semaphore_mem>>) src(%dma_wait3A_1827 : memref<8x128xf32, #tpu.memory_space<hbm>>) dst(%dma_wait3A_1823 : memref<8x128xf32, #tpu.memory_space<vmem>>)
      %add3A_1828 = arith.constant 7 : i32
      %add3A_1829 = arith.addi %add3A_1543, %add3A_1828 : i32
      %dma_wait3A_1830 = arith.constant 0 : i32
      %dma_wait3A_1831 = arith.constant 56 : i32
      %dma_wait3A_1832 = arith.constant 0 : i32
      %dma_wait3A_1833 = tpu.memref_slice %arg11[%dma_wait3A_1830, %dma_wait3A_1831, %dma_wait3A_1832] : memref<2x64x128xf32, #tpu.memory_space<vmem>> -> memref<1x8x128xf32, #tpu.memory_space<vmem>>
      %dma_wait3A_1834 = tpu.memref_squeeze %dma_wait3A_1833 : memref<1x8x128xf32, #tpu.memory_space<vmem>> -> memref<8x128xf32, #tpu.memory_space<vmem>>
      %dma_wait3A_1835 = arith.constant 0 : i32
      %dma_wait3A_1836 = arith.constant 0 : i32
      %dma_wait3A_1837 = tpu.memref_slice %arg3[%add3A_1829, %arg0, %dma_wait3A_1835, %dma_wait3A_1836] : memref<16384x2x8x128xf32, #tpu.memory_space<hbm>> -> memref<1x1x8x128xf32, #tpu.memory_space<hbm>>
      %dma_wait3A_1838 = tpu.memref_squeeze %dma_wait3A_1837 : memref<1x1x8x128xf32, #tpu.memory_space<hbm>> -> memref<8x128xf32, #tpu.memory_space<hbm>>
      %dma_wait3A_1839 = arith.constant 56 : i32
      %dma_wait3A_1840 = arith.constant 0 : i32
      %dma_wait3A_1841 = tpu.memref_slice %arg11[%dma_wait3A_1830, %dma_wait3A_1839, %dma_wait3A_1840] : memref<2x64x128xf32, #tpu.memory_space<vmem>> -> memref<1x8x128xf32, #tpu.memory_space<vmem>>
      %dma_wait3A_1842 = tpu.memref_squeeze %dma_wait3A_1841 : memref<1x8x128xf32, #tpu.memory_space<vmem>> -> memref<8x128xf32, #tpu.memory_space<vmem>>
      %dma_wait3A_1843 = arith.constant 0 : i32
      %dma_wait3A_1844 = arith.constant 0 : i32
      %dma_wait3A_1845 = tpu.memref_slice %arg3[%add3A_1829, %arg0, %dma_wait3A_1843, %dma_wait3A_1844] : memref<16384x2x8x128xf32, #tpu.memory_space<hbm>> -> memref<1x1x8x128xf32, #tpu.memory_space<hbm>>
      %dma_wait3A_1846 = tpu.memref_squeeze %dma_wait3A_1845 : memref<1x1x8x128xf32, #tpu.memory_space<hbm>> -> memref<8x128xf32, #tpu.memory_space<hbm>>
      tpu.wait_dma2 semaphore(%arg21 : memref<!tpu.dma_semaphore, #tpu.memory_space<semaphore_mem>>) src(%dma_wait3A_1846 : memref<8x128xf32, #tpu.memory_space<hbm>>) dst(%dma_wait3A_1842 : memref<8x128xf32, #tpu.memory_space<vmem>>)
      %dma_wait3A_1847 = tpu.memref_slice %arg4[%add3A_1516] : memref<131072xi32, #tpu.memory_space<hbm>> -> memref<64xi32, #tpu.memory_space<hbm>>
      %dma_wait3A_1848 = tpu.memref_slice %arg4[%add3A_1516] : memref<131072xi32, #tpu.memory_space<hbm>> -> memref<64xi32, #tpu.memory_space<hbm>>
      tpu.wait_dma2 semaphore(%arg21 : memref<!tpu.dma_semaphore, #tpu.memory_space<semaphore_mem>>) src(%dma_wait3A_1848 : memref<64xi32, #tpu.memory_space<hbm>>) dst(%arg12 : memref<64xi32, #tpu.memory_space<vmem>>)
      %dma_wait3A_1849 = tpu.memref_slice %arg5[%add3A_1516] : memref<131072xi32, #tpu.memory_space<hbm>> -> memref<64xi32, #tpu.memory_space<hbm>>
      %dma_wait3A_1850 = tpu.memref_slice %arg5[%add3A_1516] : memref<131072xi32, #tpu.memory_space<hbm>> -> memref<64xi32, #tpu.memory_space<hbm>>
      tpu.wait_dma2 semaphore(%arg21 : memref<!tpu.dma_semaphore, #tpu.memory_space<semaphore_mem>>) src(%dma_wait3A_1850 : memref<64xi32, #tpu.memory_space<hbm>>) dst(%arg14 : memref<64xi32, #tpu.memory_space<vmem>>)
      %get3A = arith.constant 0 : i32
      %get3A_1851 = arith.index_cast %get3A : i32 to index
      %get3A_1852 = arith.constant 0 : index
      %get3A_1853 = tpu.vector_load %arg18[%get3A_1851, %get3A_1852] {strides = array<i32>} : memref<2x16xi32, #tpu.memory_space<vmem>>, vector<16xi32>,
      %get3A_1854 = arith.constant 1 : i32
      %get3A_1855 = arith.index_cast %get3A_1854 : i32 to index
      %get3A_1856 = arith.constant 0 : index
      %get3A_1857 = tpu.vector_load %arg18[%get3A_1855, %get3A_1856] {strides = array<i32>} : memref<2x16xi32, #tpu.memory_space<vmem>>, vector<16xi32>,
      %get3A_1858 = arith.constant 0 : index
      %get3A_1859 = tpu.vector_load %arg12[%get3A_1858] {strides = array<i32>} : memref<64xi32, #tpu.memory_space<vmem>>, vector<16xi32>,
      %get3A_1860 = arith.constant 0 : index
      %get3A_1861 = tpu.vector_load %arg14[%get3A_1860] {strides = array<i32>} : memref<64xi32, #tpu.memory_space<vmem>>, vector<16xi32>,
      %mul3A_1862 = arith.constant 512 : i32
      %mul3A_1863 = vector.broadcast %mul3A_1862 : i32 to vector<16xi32>
      %mul3A_1864 = arith.muli %get3A_1861, %mul3A_1863 : vector<16xi32>
      %add3A_1865 = arith.addi %get3A_1859, %mul3A_1864 : vector<16xi32>
      %swap3A_1866 = arith.constant 0 : index
      %swap3A_1867 = tpu.vector_load %arg16[%swap3A_1866] {strides = array<i32>} : memref<64xi32, #tpu.memory_space<vmem>>, vector<16xi32>,
      tpu.vector_store %arg16[%swap3A_1866], %add3A_1865 {strides = array<i32>} : memref<64xi32, #tpu.memory_space<vmem>>, vector<16xi32>,
      %mul3A_1868 = arith.constant 1024 : i32
      %mul3A_1869 = vector.broadcast %mul3A_1868 : i32 to vector<16xi32>
      %mul3A_1870 = arith.muli %get3A_1861, %mul3A_1869 : vector<16xi32>
      %add3A_1871 = arith.addi %mul3A_1870, %get3A_1859 : vector<16xi32>
      %max3A = arith.maxsi %get3A_1853, %add3A_1871 : vector<16xi32>
      %max3A_1872 = arith.maxsi %get3A_1857, %get3A_1859 : vector<16xi32>
      %get3A_1873 = arith.constant 16 : index
      %get3A_1874 = tpu.vector_load %arg12[%get3A_1873] {strides = array<i32>} : memref<64xi32, #tpu.memory_space<vmem>>, vector<16xi32>,
      %get3A_1875 = arith.constant 16 : index
      %get3A_1876 = tpu.vector_load %arg14[%get3A_1875] {strides = array<i32>} : memref<64xi32, #tpu.memory_space<vmem>>, vector<16xi32>,
      %mul3A_1877 = arith.constant 512 : i32
      %mul3A_1878 = vector.broadcast %mul3A_1877 : i32 to vector<16xi32>
      %mul3A_1879 = arith.muli %get3A_1876, %mul3A_1878 : vector<16xi32>
      %add3A_1880 = arith.addi %get3A_1874, %mul3A_1879 : vector<16xi32>
      %swap3A_1881 = arith.constant 16 : index
      %swap3A_1882 = tpu.vector_load %arg16[%swap3A_1881] {strides = array<i32>} : memref<64xi32, #tpu.memory_space<vmem>>, vector<16xi32>,
      tpu.vector_store %arg16[%swap3A_1881], %add3A_1880 {strides = array<i32>} : memref<64xi32, #tpu.memory_space<vmem>>, vector<16xi32>,
      %mul3A_1883 = arith.constant 1024 : i32
      %mul3A_1884 = vector.broadcast %mul3A_1883 : i32 to vector<16xi32>
      %mul3A_1885 = arith.muli %get3A_1876, %mul3A_1884 : vector<16xi32>
      %add3A_1886 = arith.addi %mul3A_1885, %get3A_1874 : vector<16xi32>
      %max3A_1887 = arith.maxsi %max3A, %add3A_1886 : vector<16xi32>
      %max3A_1888 = arith.maxsi %max3A_1872, %get3A_1874 : vector<16xi32>
      %get3A_1889 = arith.constant 32 : index
      %get3A_1890 = tpu.vector_load %arg12[%get3A_1889] {strides = array<i32>} : memref<64xi32, #tpu.memory_space<vmem>>, vector<16xi32>,
      %get3A_1891 = arith.constant 32 : index
      %get3A_1892 = tpu.vector_load %arg14[%get3A_1891] {strides = array<i32>} : memref<64xi32, #tpu.memory_space<vmem>>, vector<16xi32>,
      %mul3A_1893 = arith.constant 512 : i32
      %mul3A_1894 = vector.broadcast %mul3A_1893 : i32 to vector<16xi32>
      %mul3A_1895 = arith.muli %get3A_1892, %mul3A_1894 : vector<16xi32>
      %add3A_1896 = arith.addi %get3A_1890, %mul3A_1895 : vector<16xi32>
      %swap3A_1897 = arith.constant 32 : index
      %swap3A_1898 = tpu.vector_load %arg16[%swap3A_1897] {strides = array<i32>} : memref<64xi32, #tpu.memory_space<vmem>>, vector<16xi32>,
      tpu.vector_store %arg16[%swap3A_1897], %add3A_1896 {strides = array<i32>} : memref<64xi32, #tpu.memory_space<vmem>>, vector<16xi32>,
      %mul3A_1899 = arith.constant 1024 : i32
      %mul3A_1900 = vector.broadcast %mul3A_1899 : i32 to vector<16xi32>
      %mul3A_1901 = arith.muli %get3A_1892, %mul3A_1900 : vector<16xi32>
      %add3A_1902 = arith.addi %mul3A_1901, %get3A_1890 : vector<16xi32>
      %max3A_1903 = arith.maxsi %max3A_1887, %add3A_1902 : vector<16xi32>
      %max3A_1904 = arith.maxsi %max3A_1888, %get3A_1890 : vector<16xi32>
      %get3A_1905 = arith.constant 48 : index
      %get3A_1906 = tpu.vector_load %arg12[%get3A_1905] {strides = array<i32>} : memref<64xi32, #tpu.memory_space<vmem>>, vector<16xi32>,
      %get3A_1907 = arith.constant 48 : index
      %get3A_1908 = tpu.vector_load %arg14[%get3A_1907] {strides = array<i32>} : memref<64xi32, #tpu.memory_space<vmem>>, vector<16xi32>,
      %mul3A_1909 = arith.constant 512 : i32
      %mul3A_1910 = vector.broadcast %mul3A_1909 : i32 to vector<16xi32>
      %mul3A_1911 = arith.muli %get3A_1908, %mul3A_1910 : vector<16xi32>
      %add3A_1912 = arith.addi %get3A_1906, %mul3A_1911 : vector<16xi32>
      %swap3A_1913 = arith.constant 48 : index
      %swap3A_1914 = tpu.vector_load %arg16[%swap3A_1913] {strides = array<i32>} : memref<64xi32, #tpu.memory_space<vmem>>, vector<16xi32>,
      tpu.vector_store %arg16[%swap3A_1913], %add3A_1912 {strides = array<i32>} : memref<64xi32, #tpu.memory_space<vmem>>, vector<16xi32>,
      %mul3A_1915 = arith.constant 1024 : i32
      %mul3A_1916 = vector.broadcast %mul3A_1915 : i32 to vector<16xi32>
      %mul3A_1917 = arith.muli %get3A_1908, %mul3A_1916 : vector<16xi32>
      %add3A_1918 = arith.addi %mul3A_1917, %get3A_1906 : vector<16xi32>
      %max3A_1919 = arith.maxsi %max3A_1903, %add3A_1918 : vector<16xi32>
      %max3A_1920 = arith.maxsi %max3A_1904, %get3A_1906 : vector<16xi32>
      %swap3A_1921 = arith.constant 0 : i32
      %swap3A_1922 = arith.index_cast %swap3A_1921 : i32 to index
      %swap3A_1923 = arith.constant 0 : index
      %swap3A_1924 = tpu.vector_load %arg18[%swap3A_1922, %swap3A_1923] {strides = array<i32>} : memref<2x16xi32, #tpu.memory_space<vmem>>, vector<16xi32>,
      tpu.vector_store %arg18[%swap3A_1922, %swap3A_1923], %max3A_1919 {strides = array<i32>} : memref<2x16xi32, #tpu.memory_space<vmem>>, vector<16xi32>,
      %swap3A_1925 = arith.constant 1 : i32
      %swap3A_1926 = arith.index_cast %swap3A_1925 : i32 to index
      %swap3A_1927 = arith.constant 0 : index
      %swap3A_1928 = tpu.vector_load %arg18[%swap3A_1926, %swap3A_1927] {strides = array<i32>} : memref<2x16xi32, #tpu.memory_space<vmem>>, vector<16xi32>,
      tpu.vector_store %arg18[%swap3A_1926, %swap3A_1927], %max3A_1920 {strides = array<i32>} : memref<2x16xi32, #tpu.memory_space<vmem>>, vector<16xi32>,
      %dma_start3A_1929 = arith.constant 0 : i32
      %dma_start3A_1930 = arith.constant 0 : i32
      %dma_start3A_1931 = arith.constant 0 : i32
      %dma_start3A_1932 = tpu.memref_slice %arg10[%dma_start3A_1929, %dma_start3A_1930, %dma_start3A_1931] : memref<2x64x128xf32, #tpu.memory_space<vmem>> -> memref<1x64x128xf32, #tpu.memory_space<vmem>>
      %dma_start3A_1933 = tpu.memref_squeeze %dma_start3A_1932 : memref<1x64x128xf32, #tpu.memory_space<vmem>> -> memref<64x128xf32, #tpu.memory_space<vmem>>
      %dma_start3A_1934 = arith.constant 0 : i32
      %dma_start3A_1935 = arith.constant 0 : i32
      %dma_start3A_1936 = tpu.memref_slice %arg19[%dma_start3A_1934, %dma_start3A_1935] : memref<2048x128xf32, #tpu.memory_space<vmem_shared>> -> memref<2048x128xf32, #tpu.memory_space<vmem_shared>>
      tpu.enqueue_indirect_dma source(%dma_start3A_1933 : memref<64x128xf32, #tpu.memory_space<vmem>>) target(%dma_start3A_1936 : memref<2048x128xf32, #tpu.memory_space<vmem_shared>>) offsets(%arg16 : memref<64xi32, #tpu.memory_space<vmem>>) semaphore(%arg23 : memref<!tpu.dma_semaphore, #tpu.memory_space<semaphore_mem>>) {add = true}
      %dma_start3A_1937 = arith.constant 0 : i32
      %dma_start3A_1938 = arith.constant 0 : i32
      %dma_start3A_1939 = arith.constant 0 : i32
      %dma_start3A_1940 = tpu.memref_slice %arg11[%dma_start3A_1937, %dma_start3A_1938, %dma_start3A_1939] : memref<2x64x128xf32, #tpu.memory_space<vmem>> -> memref<1x64x128xf32, #tpu.memory_space<vmem>>
      %dma_start3A_1941 = tpu.memref_squeeze %dma_start3A_1940 : memref<1x64x128xf32, #tpu.memory_space<vmem>> -> memref<64x128xf32, #tpu.memory_space<vmem>>
      %dma_start3A_1942 = arith.constant 0 : i32
      %dma_start3A_1943 = arith.constant 0 : i32
      %dma_start3A_1944 = tpu.memref_slice %arg20[%dma_start3A_1942, %dma_start3A_1943] : memref<2048x128xf32, #tpu.memory_space<vmem_shared>> -> memref<2048x128xf32, #tpu.memory_space<vmem_shared>>
      tpu.enqueue_indirect_dma source(%dma_start3A_1941 : memref<64x128xf32, #tpu.memory_space<vmem>>) target(%dma_start3A_1944 : memref<2048x128xf32, #tpu.memory_space<vmem_shared>>) offsets(%arg16 : memref<64xi32, #tpu.memory_space<vmem>>) semaphore(%arg23 : memref<!tpu.dma_semaphore, #tpu.memory_space<semaphore_mem>>) {add = true}
      %dma_wait3A_1945 = arith.constant 0 : i32
      %dma_wait3A_1946 = arith.constant 0 : i32
      %dma_wait3A_1947 = arith.constant 0 : i32
      %dma_wait3A_1948 = tpu.memref_slice %arg10[%dma_wait3A_1945, %dma_wait3A_1946, %dma_wait3A_1947] : memref<2x64x128xf32, #tpu.memory_space<vmem>> -> memref<1x64x128xf32, #tpu.memory_space<vmem>>
      %dma_wait3A_1949 = tpu.memref_squeeze %dma_wait3A_1948 : memref<1x64x128xf32, #tpu.memory_space<vmem>> -> memref<64x128xf32, #tpu.memory_space<vmem>>
      %dma_wait3A_1950 = arith.constant 0 : i32
      %dma_wait3A_1951 = arith.constant 0 : i32
      %dma_wait3A_1952 = tpu.memref_slice %arg19[%dma_wait3A_1950, %dma_wait3A_1951] : memref<2048x128xf32, #tpu.memory_space<vmem_shared>> -> memref<2048x128xf32, #tpu.memory_space<vmem_shared>>
      tpu.wait_indirect_dma semaphore(%arg23 : memref<!tpu.dma_semaphore, #tpu.memory_space<semaphore_mem>>) src(%dma_wait3A_1949 : memref<64x128xf32, #tpu.memory_space<vmem>>) dst(%dma_wait3A_1952 : memref<2048x128xf32, #tpu.memory_space<vmem_shared>>)
      %dma_wait3A_1953 = arith.constant 0 : i32
      %dma_wait3A_1954 = arith.constant 0 : i32
      %dma_wait3A_1955 = arith.constant 0 : i32
      %dma_wait3A_1956 = tpu.memref_slice %arg11[%dma_wait3A_1953, %dma_wait3A_1954, %dma_wait3A_1955] : memref<2x64x128xf32, #tpu.memory_space<vmem>> -> memref<1x64x128xf32, #tpu.memory_space<vmem>>
      %dma_wait3A_1957 = tpu.memref_squeeze %dma_wait3A_1956 : memref<1x64x128xf32, #tpu.memory_space<vmem>> -> memref<64x128xf32, #tpu.memory_space<vmem>>
      %dma_wait3A_1958 = arith.constant 0 : i32
      %dma_wait3A_1959 = arith.constant 0 : i32
      %dma_wait3A_1960 = tpu.memref_slice %arg20[%dma_wait3A_1958, %dma_wait3A_1959] : memref<2048x128xf32, #tpu.memory_space<vmem_shared>> -> memref<2048x128xf32, #tpu.memory_space<vmem_shared>>
      tpu.wait_indirect_dma semaphore(%arg23 : memref<!tpu.dma_semaphore, #tpu.memory_space<semaphore_mem>>) src(%dma_wait3A_1957 : memref<64x128xf32, #tpu.memory_space<vmem>>) dst(%dma_wait3A_1960 : memref<2048x128xf32, #tpu.memory_space<vmem_shared>>)
      %add3A_1961 = arith.constant 2 : i32
      %add3A_1962 = arith.addi %add3A_1510, %add3A_1961 : i32
      %lt3A = arith.constant 128 : i32
      %lt3A_1963 = arith.cmpi slt, %add3A_1962, %lt3A : i32
      %convert_element_type3A = arith.extui %lt3A_1963 : i1 to i32
      %cond3A = arith.constant 0 : i32
      %cond3A_1964 = arith.cmpi ne, %convert_element_type3A, %cond3A : i32
      scf.if %cond3A_1964 {
        %add3A_2427 = arith.constant 2 : i32
        %add3A_2428 = arith.addi %add3A_1510, %add3A_2427 : i32
        %mul3A_2429 = arith.constant 64 : i32
        %mul3A_2430 = arith.muli %add3A_2428, %mul3A_2429 : i32
        %add3A_2431 = arith.addi %mul3A_0, %mul3A_2430 : i32
        %jit3A_2432 = arith.constant 8 : i32
        %div3A_2433 = arith.divsi %mul3A_0, %jit3A_2432 : i32
        %sign3A_2434 = arith.constant 0 : i32
        %sign3A_2435 = arith.cmpi sgt, %mul3A_0, %sign3A_2434 : i32
        %sign3A_2436 = arith.extui %sign3A_2435 : i1 to i32
        %sign3A_2437 = arith.constant 0 : i32
        %sign3A_2438 = arith.cmpi slt, %mul3A_0, %sign3A_2437 : i32
        %sign3A_2439 = arith.extui %sign3A_2438 : i1 to i32
        %sign3A_2440 = arith.subi %sign3A_2436, %sign3A_2439 : i32
        %sign3A_2441 = arith.constant 0 : i32
        %sign3A_2442 = arith.cmpi sgt, %jit3A_2432, %sign3A_2441 : i32
        %sign3A_2443 = arith.extui %sign3A_2442 : i1 to i32
        %sign3A_2444 = arith.constant 0 : i32
        %sign3A_2445 = arith.cmpi slt, %jit3A_2432, %sign3A_2444 : i32
        %sign3A_2446 = arith.extui %sign3A_2445 : i1 to i32
        %sign3A_2447 = arith.subi %sign3A_2443, %sign3A_2446 : i32
        %ne3A_2448 = arith.cmpi ne, %sign3A_2440, %sign3A_2447 : i32
        %rem3A_2449 = arith.remsi %mul3A_0, %jit3A_2432 : i32
        %ne3A_2450 = arith.constant 0 : i32
        %ne3A_2451 = arith.cmpi ne, %rem3A_2449, %ne3A_2450 : i32
        %and3A_2452 = arith.andi %ne3A_2448, %ne3A_2451 : i1
        %sub3A_2453 = arith.constant 1 : i32
        %sub3A_2454 = arith.subi %div3A_2433, %sub3A_2453 : i32
        %select_n3A_2455 = arith.select %and3A_2452, %sub3A_2454, %div3A_2433 : i32
        %mul3A_2456 = arith.constant 8 : i32
        %mul3A_2457 = arith.muli %add3A_2428, %mul3A_2456 : i32
        %add3A_2458 = arith.addi %select_n3A_2455, %mul3A_2457 : i32
        %add3A_2459 = arith.constant 0 : i32
        %add3A_2460 = arith.addi %add3A_2458, %add3A_2459 : i32
        %dma_start3A_2461 = arith.constant 0 : i32
        %dma_start3A_2462 = arith.constant 0 : i32
        %dma_start3A_2463 = arith.constant 0 : i32
        %dma_start3A_2464 = tpu.memref_slice %arg10[%dma_start3A_2461, %dma_start3A_2462, %dma_start3A_2463] : memref<2x64x128xf32, #tpu.memory_space<vmem>> -> memref<1x8x128xf32, #tpu.memory_space<vmem>>
        %dma_start3A_2465 = tpu.memref_squeeze %dma_start3A_2464 : memref<1x8x128xf32, #tpu.memory_space<vmem>> -> memref<8x128xf32, #tpu.memory_space<vmem>>
        %dma_start3A_2466 = arith.constant 0 : i32
        %dma_start3A_2467 = arith.constant 0 : i32
        %dma_start3A_2468 = tpu.memref_slice %arg2[%add3A_2460, %arg0, %dma_start3A_2466, %dma_start3A_2467] : memref<16384x2x8x128xf32, #tpu.memory_space<hbm>> -> memref<1x1x8x128xf32, #tpu.memory_space<hbm>>
        %dma_start3A_2469 = tpu.memref_squeeze %dma_start3A_2468 : memref<1x1x8x128xf32, #tpu.memory_space<hbm>> -> memref<8x128xf32, #tpu.memory_space<hbm>>
        %dma_start3A_2470 = arith.constant 0 : i32
        %dma_start3A_2471 = arith.constant 0 : i32
        %dma_start3A_2472 = tpu.memref_slice %arg10[%dma_start3A_2461, %dma_start3A_2470, %dma_start3A_2471] : memref<2x64x128xf32, #tpu.memory_space<vmem>> -> memref<1x8x128xf32, #tpu.memory_space<vmem>>
        %dma_start3A_2473 = tpu.memref_squeeze %dma_start3A_2472 : memref<1x8x128xf32, #tpu.memory_space<vmem>> -> memref<8x128xf32, #tpu.memory_space<vmem>>
        %dma_start3A_2474 = arith.constant 0 : i32
        %dma_start3A_2475 = arith.constant 0 : i32
        %dma_start3A_2476 = tpu.memref_slice %arg2[%add3A_2460, %arg0, %dma_start3A_2474, %dma_start3A_2475] : memref<16384x2x8x128xf32, #tpu.memory_space<hbm>> -> memref<1x1x8x128xf32, #tpu.memory_space<hbm>>
        %dma_start3A_2477 = tpu.memref_squeeze %dma_start3A_2476 : memref<1x1x8x128xf32, #tpu.memory_space<hbm>> -> memref<8x128xf32, #tpu.memory_space<hbm>>
        tpu.enqueue_dma source(%dma_start3A_2477 : memref<8x128xf32, #tpu.memory_space<hbm>>) target(%dma_start3A_2473 : memref<8x128xf32, #tpu.memory_space<vmem>>) target_semaphore(%arg21 : memref<!tpu.dma_semaphore, #tpu.memory_space<semaphore_mem>>)
        %add3A_2478 = arith.constant 0 : i32
        %add3A_2479 = arith.addi %add3A_2458, %add3A_2478 : i32
        %dma_start3A_2480 = arith.constant 0 : i32
        %dma_start3A_2481 = arith.constant 0 : i32
        %dma_start3A_2482 = arith.constant 0 : i32
        %dma_start3A_2483 = tpu.memref_slice %arg11[%dma_start3A_2480, %dma_start3A_2481, %dma_start3A_2482] : memref<2x64x128xf32, #tpu.memory_space<vmem>> -> memref<1x8x128xf32, #tpu.memory_space<vmem>>
        %dma_start3A_2484 = tpu.memref_squeeze %dma_start3A_2483 : memref<1x8x128xf32, #tpu.memory_space<vmem>> -> memref<8x128xf32, #tpu.memory_space<vmem>>
        %dma_start3A_2485 = arith.constant 0 : i32
        %dma_start3A_2486 = arith.constant 0 : i32
        %dma_start3A_2487 = tpu.memref_slice %arg3[%add3A_2479, %arg0, %dma_start3A_2485, %dma_start3A_2486] : memref<16384x2x8x128xf32, #tpu.memory_space<hbm>> -> memref<1x1x8x128xf32, #tpu.memory_space<hbm>>
        %dma_start3A_2488 = tpu.memref_squeeze %dma_start3A_2487 : memref<1x1x8x128xf32, #tpu.memory_space<hbm>> -> memref<8x128xf32, #tpu.memory_space<hbm>>
        %dma_start3A_2489 = arith.constant 0 : i32
        %dma_start3A_2490 = arith.constant 0 : i32
        %dma_start3A_2491 = tpu.memref_slice %arg11[%dma_start3A_2480, %dma_start3A_2489, %dma_start3A_2490] : memref<2x64x128xf32, #tpu.memory_space<vmem>> -> memref<1x8x128xf32, #tpu.memory_space<vmem>>
        %dma_start3A_2492 = tpu.memref_squeeze %dma_start3A_2491 : memref<1x8x128xf32, #tpu.memory_space<vmem>> -> memref<8x128xf32, #tpu.memory_space<vmem>>
        %dma_start3A_2493 = arith.constant 0 : i32
        %dma_start3A_2494 = arith.constant 0 : i32
        %dma_start3A_2495 = tpu.memref_slice %arg3[%add3A_2479, %arg0, %dma_start3A_2493, %dma_start3A_2494] : memref<16384x2x8x128xf32, #tpu.memory_space<hbm>> -> memref<1x1x8x128xf32, #tpu.memory_space<hbm>>
        %dma_start3A_2496 = tpu.memref_squeeze %dma_start3A_2495 : memref<1x1x8x128xf32, #tpu.memory_space<hbm>> -> memref<8x128xf32, #tpu.memory_space<hbm>>
        tpu.enqueue_dma source(%dma_start3A_2496 : memref<8x128xf32, #tpu.memory_space<hbm>>) target(%dma_start3A_2492 : memref<8x128xf32, #tpu.memory_space<vmem>>) target_semaphore(%arg21 : memref<!tpu.dma_semaphore, #tpu.memory_space<semaphore_mem>>)
        %add3A_2497 = arith.constant 1 : i32
        %add3A_2498 = arith.addi %add3A_2458, %add3A_2497 : i32
        %dma_start3A_2499 = arith.constant 0 : i32
        %dma_start3A_2500 = arith.constant 8 : i32
        %dma_start3A_2501 = arith.constant 0 : i32
        %dma_start3A_2502 = tpu.memref_slice %arg10[%dma_start3A_2499, %dma_start3A_2500, %dma_start3A_2501] : memref<2x64x128xf32, #tpu.memory_space<vmem>> -> memref<1x8x128xf32, #tpu.memory_space<vmem>>
        %dma_start3A_2503 = tpu.memref_squeeze %dma_start3A_2502 : memref<1x8x128xf32, #tpu.memory_space<vmem>> -> memref<8x128xf32, #tpu.memory_space<vmem>>
        %dma_start3A_2504 = arith.constant 0 : i32
        %dma_start3A_2505 = arith.constant 0 : i32
        %dma_start3A_2506 = tpu.memref_slice %arg2[%add3A_2498, %arg0, %dma_start3A_2504, %dma_start3A_2505] : memref<16384x2x8x128xf32, #tpu.memory_space<hbm>> -> memref<1x1x8x128xf32, #tpu.memory_space<hbm>>
        %dma_start3A_2507 = tpu.memref_squeeze %dma_start3A_2506 : memref<1x1x8x128xf32, #tpu.memory_space<hbm>> -> memref<8x128xf32, #tpu.memory_space<hbm>>
        %dma_start3A_2508 = arith.constant 8 : i32
        %dma_start3A_2509 = arith.constant 0 : i32
        %dma_start3A_2510 = tpu.memref_slice %arg10[%dma_start3A_2499, %dma_start3A_2508, %dma_start3A_2509] : memref<2x64x128xf32, #tpu.memory_space<vmem>> -> memref<1x8x128xf32, #tpu.memory_space<vmem>>
        %dma_start3A_2511 = tpu.memref_squeeze %dma_start3A_2510 : memref<1x8x128xf32, #tpu.memory_space<vmem>> -> memref<8x128xf32, #tpu.memory_space<vmem>>
        %dma_start3A_2512 = arith.constant 0 : i32
        %dma_start3A_2513 = arith.constant 0 : i32
        %dma_start3A_2514 = tpu.memref_slice %arg2[%add3A_2498, %arg0, %dma_start3A_2512, %dma_start3A_2513] : memref<16384x2x8x128xf32, #tpu.memory_space<hbm>> -> memref<1x1x8x128xf32, #tpu.memory_space<hbm>>
        %dma_start3A_2515 = tpu.memref_squeeze %dma_start3A_2514 : memref<1x1x8x128xf32, #tpu.memory_space<hbm>> -> memref<8x128xf32, #tpu.memory_space<hbm>>
        tpu.enqueue_dma source(%dma_start3A_2515 : memref<8x128xf32, #tpu.memory_space<hbm>>) target(%dma_start3A_2511 : memref<8x128xf32, #tpu.memory_space<vmem>>) target_semaphore(%arg21 : memref<!tpu.dma_semaphore, #tpu.memory_space<semaphore_mem>>)
        %add3A_2516 = arith.constant 1 : i32
        %add3A_2517 = arith.addi %add3A_2458, %add3A_2516 : i32
        %dma_start3A_2518 = arith.constant 0 : i32
        %dma_start3A_2519 = arith.constant 8 : i32
        %dma_start3A_2520 = arith.constant 0 : i32
        %dma_start3A_2521 = tpu.memref_slice %arg11[%dma_start3A_2518, %dma_start3A_2519, %dma_start3A_2520] : memref<2x64x128xf32, #tpu.memory_space<vmem>> -> memref<1x8x128xf32, #tpu.memory_space<vmem>>
        %dma_start3A_2522 = tpu.memref_squeeze %dma_start3A_2521 : memref<1x8x128xf32, #tpu.memory_space<vmem>> -> memref<8x128xf32, #tpu.memory_space<vmem>>
        %dma_start3A_2523 = arith.constant 0 : i32
        %dma_start3A_2524 = arith.constant 0 : i32
        %dma_start3A_2525 = tpu.memref_slice %arg3[%add3A_2517, %arg0, %dma_start3A_2523, %dma_start3A_2524] : memref<16384x2x8x128xf32, #tpu.memory_space<hbm>> -> memref<1x1x8x128xf32, #tpu.memory_space<hbm>>
        %dma_start3A_2526 = tpu.memref_squeeze %dma_start3A_2525 : memref<1x1x8x128xf32, #tpu.memory_space<hbm>> -> memref<8x128xf32, #tpu.memory_space<hbm>>
        %dma_start3A_2527 = arith.constant 8 : i32
        %dma_start3A_2528 = arith.constant 0 : i32
        %dma_start3A_2529 = tpu.memref_slice %arg11[%dma_start3A_2518, %dma_start3A_2527, %dma_start3A_2528] : memref<2x64x128xf32, #tpu.memory_space<vmem>> -> memref<1x8x128xf32, #tpu.memory_space<vmem>>
        %dma_start3A_2530 = tpu.memref_squeeze %dma_start3A_2529 : memref<1x8x128xf32, #tpu.memory_space<vmem>> -> memref<8x128xf32, #tpu.memory_space<vmem>>
        %dma_start3A_2531 = arith.constant 0 : i32
        %dma_start3A_2532 = arith.constant 0 : i32
        %dma_start3A_2533 = tpu.memref_slice %arg3[%add3A_2517, %arg0, %dma_start3A_2531, %dma_start3A_2532] : memref<16384x2x8x128xf32, #tpu.memory_space<hbm>> -> memref<1x1x8x128xf32, #tpu.memory_space<hbm>>
        %dma_start3A_2534 = tpu.memref_squeeze %dma_start3A_2533 : memref<1x1x8x128xf32, #tpu.memory_space<hbm>> -> memref<8x128xf32, #tpu.memory_space<hbm>>
        tpu.enqueue_dma source(%dma_start3A_2534 : memref<8x128xf32, #tpu.memory_space<hbm>>) target(%dma_start3A_2530 : memref<8x128xf32, #tpu.memory_space<vmem>>) target_semaphore(%arg21 : memref<!tpu.dma_semaphore, #tpu.memory_space<semaphore_mem>>)
        %add3A_2535 = arith.constant 2 : i32
        %add3A_2536 = arith.addi %add3A_2458, %add3A_2535 : i32
        %dma_start3A_2537 = arith.constant 0 : i32
        %dma_start3A_2538 = arith.constant 16 : i32
        %dma_start3A_2539 = arith.constant 0 : i32
        %dma_start3A_2540 = tpu.memref_slice %arg10[%dma_start3A_2537, %dma_start3A_2538, %dma_start3A_2539] : memref<2x64x128xf32, #tpu.memory_space<vmem>> -> memref<1x8x128xf32, #tpu.memory_space<vmem>>
        %dma_start3A_2541 = tpu.memref_squeeze %dma_start3A_2540 : memref<1x8x128xf32, #tpu.memory_space<vmem>> -> memref<8x128xf32, #tpu.memory_space<vmem>>
        %dma_start3A_2542 = arith.constant 0 : i32
        %dma_start3A_2543 = arith.constant 0 : i32
        %dma_start3A_2544 = tpu.memref_slice %arg2[%add3A_2536, %arg0, %dma_start3A_2542, %dma_start3A_2543] : memref<16384x2x8x128xf32, #tpu.memory_space<hbm>> -> memref<1x1x8x128xf32, #tpu.memory_space<hbm>>
        %dma_start3A_2545 = tpu.memref_squeeze %dma_start3A_2544 : memref<1x1x8x128xf32, #tpu.memory_space<hbm>> -> memref<8x128xf32, #tpu.memory_space<hbm>>
        %dma_start3A_2546 = arith.constant 16 : i32
        %dma_start3A_2547 = arith.constant 0 : i32
        %dma_start3A_2548 = tpu.memref_slice %arg10[%dma_start3A_2537, %dma_start3A_2546, %dma_start3A_2547] : memref<2x64x128xf32, #tpu.memory_space<vmem>> -> memref<1x8x128xf32, #tpu.memory_space<vmem>>
        %dma_start3A_2549 = tpu.memref_squeeze %dma_start3A_2548 : memref<1x8x128xf32, #tpu.memory_space<vmem>> -> memref<8x128xf32, #tpu.memory_space<vmem>>
        %dma_start3A_2550 = arith.constant 0 : i32
        %dma_start3A_2551 = arith.constant 0 : i32
        %dma_start3A_2552 = tpu.memref_slice %arg2[%add3A_2536, %arg0, %dma_start3A_2550, %dma_start3A_2551] : memref<16384x2x8x128xf32, #tpu.memory_space<hbm>> -> memref<1x1x8x128xf32, #tpu.memory_space<hbm>>
        %dma_start3A_2553 = tpu.memref_squeeze %dma_start3A_2552 : memref<1x1x8x128xf32, #tpu.memory_space<hbm>> -> memref<8x128xf32, #tpu.memory_space<hbm>>
        tpu.enqueue_dma source(%dma_start3A_2553 : memref<8x128xf32, #tpu.memory_space<hbm>>) target(%dma_start3A_2549 : memref<8x128xf32, #tpu.memory_space<vmem>>) target_semaphore(%arg21 : memref<!tpu.dma_semaphore, #tpu.memory_space<semaphore_mem>>)
        %add3A_2554 = arith.constant 2 : i32
        %add3A_2555 = arith.addi %add3A_2458, %add3A_2554 : i32
        %dma_start3A_2556 = arith.constant 0 : i32
        %dma_start3A_2557 = arith.constant 16 : i32
        %dma_start3A_2558 = arith.constant 0 : i32
        %dma_start3A_2559 = tpu.memref_slice %arg11[%dma_start3A_2556, %dma_start3A_2557, %dma_start3A_2558] : memref<2x64x128xf32, #tpu.memory_space<vmem>> -> memref<1x8x128xf32, #tpu.memory_space<vmem>>
        %dma_start3A_2560 = tpu.memref_squeeze %dma_start3A_2559 : memref<1x8x128xf32, #tpu.memory_space<vmem>> -> memref<8x128xf32, #tpu.memory_space<vmem>>
        %dma_start3A_2561 = arith.constant 0 : i32
        %dma_start3A_2562 = arith.constant 0 : i32
        %dma_start3A_2563 = tpu.memref_slice %arg3[%add3A_2555, %arg0, %dma_start3A_2561, %dma_start3A_2562] : memref<16384x2x8x128xf32, #tpu.memory_space<hbm>> -> memref<1x1x8x128xf32, #tpu.memory_space<hbm>>
        %dma_start3A_2564 = tpu.memref_squeeze %dma_start3A_2563 : memref<1x1x8x128xf32, #tpu.memory_space<hbm>> -> memref<8x128xf32, #tpu.memory_space<hbm>>
        %dma_start3A_2565 = arith.constant 16 : i32
        %dma_start3A_2566 = arith.constant 0 : i32
        %dma_start3A_2567 = tpu.memref_slice %arg11[%dma_start3A_2556, %dma_start3A_2565, %dma_start3A_2566] : memref<2x64x128xf32, #tpu.memory_space<vmem>> -> memref<1x8x128xf32, #tpu.memory_space<vmem>>
        %dma_start3A_2568 = tpu.memref_squeeze %dma_start3A_2567 : memref<1x8x128xf32, #tpu.memory_space<vmem>> -> memref<8x128xf32, #tpu.memory_space<vmem>>
        %dma_start3A_2569 = arith.constant 0 : i32
        %dma_start3A_2570 = arith.constant 0 : i32
        %dma_start3A_2571 = tpu.memref_slice %arg3[%add3A_2555, %arg0, %dma_start3A_2569, %dma_start3A_2570] : memref<16384x2x8x128xf32, #tpu.memory_space<hbm>> -> memref<1x1x8x128xf32, #tpu.memory_space<hbm>>
        %dma_start3A_2572 = tpu.memref_squeeze %dma_start3A_2571 : memref<1x1x8x128xf32, #tpu.memory_space<hbm>> -> memref<8x128xf32, #tpu.memory_space<hbm>>
        tpu.enqueue_dma source(%dma_start3A_2572 : memref<8x128xf32, #tpu.memory_space<hbm>>) target(%dma_start3A_2568 : memref<8x128xf32, #tpu.memory_space<vmem>>) target_semaphore(%arg21 : memref<!tpu.dma_semaphore, #tpu.memory_space<semaphore_mem>>)
        %add3A_2573 = arith.constant 3 : i32
        %add3A_2574 = arith.addi %add3A_2458, %add3A_2573 : i32
        %dma_start3A_2575 = arith.constant 0 : i32
        %dma_start3A_2576 = arith.constant 24 : i32
        %dma_start3A_2577 = arith.constant 0 : i32
        %dma_start3A_2578 = tpu.memref_slice %arg10[%dma_start3A_2575, %dma_start3A_2576, %dma_start3A_2577] : memref<2x64x128xf32, #tpu.memory_space<vmem>> -> memref<1x8x128xf32, #tpu.memory_space<vmem>>
        %dma_start3A_2579 = tpu.memref_squeeze %dma_start3A_2578 : memref<1x8x128xf32, #tpu.memory_space<vmem>> -> memref<8x128xf32, #tpu.memory_space<vmem>>
        %dma_start3A_2580 = arith.constant 0 : i32
        %dma_start3A_2581 = arith.constant 0 : i32
        %dma_start3A_2582 = tpu.memref_slice %arg2[%add3A_2574, %arg0, %dma_start3A_2580, %dma_start3A_2581] : memref<16384x2x8x128xf32, #tpu.memory_space<hbm>> -> memref<1x1x8x128xf32, #tpu.memory_space<hbm>>
        %dma_start3A_2583 = tpu.memref_squeeze %dma_start3A_2582 : memref<1x1x8x128xf32, #tpu.memory_space<hbm>> -> memref<8x128xf32, #tpu.memory_space<hbm>>
        %dma_start3A_2584 = arith.constant 24 : i32
        %dma_start3A_2585 = arith.constant 0 : i32
        %dma_start3A_2586 = tpu.memref_slice %arg10[%dma_start3A_2575, %dma_start3A_2584, %dma_start3A_2585] : memref<2x64x128xf32, #tpu.memory_space<vmem>> -> memref<1x8x128xf32, #tpu.memory_space<vmem>>
        %dma_start3A_2587 = tpu.memref_squeeze %dma_start3A_2586 : memref<1x8x128xf32, #tpu.memory_space<vmem>> -> memref<8x128xf32, #tpu.memory_space<vmem>>
        %dma_start3A_2588 = arith.constant 0 : i32
        %dma_start3A_2589 = arith.constant 0 : i32
        %dma_start3A_2590 = tpu.memref_slice %arg2[%add3A_2574, %arg0, %dma_start3A_2588, %dma_start3A_2589] : memref<16384x2x8x128xf32, #tpu.memory_space<hbm>> -> memref<1x1x8x128xf32, #tpu.memory_space<hbm>>
        %dma_start3A_2591 = tpu.memref_squeeze %dma_start3A_2590 : memref<1x1x8x128xf32, #tpu.memory_space<hbm>> -> memref<8x128xf32, #tpu.memory_space<hbm>>
        tpu.enqueue_dma source(%dma_start3A_2591 : memref<8x128xf32, #tpu.memory_space<hbm>>) target(%dma_start3A_2587 : memref<8x128xf32, #tpu.memory_space<vmem>>) target_semaphore(%arg21 : memref<!tpu.dma_semaphore, #tpu.memory_space<semaphore_mem>>)
        %add3A_2592 = arith.constant 3 : i32
        %add3A_2593 = arith.addi %add3A_2458, %add3A_2592 : i32
        %dma_start3A_2594 = arith.constant 0 : i32
        %dma_start3A_2595 = arith.constant 24 : i32
        %dma_start3A_2596 = arith.constant 0 : i32
        %dma_start3A_2597 = tpu.memref_slice %arg11[%dma_start3A_2594, %dma_start3A_2595, %dma_start3A_2596] : memref<2x64x128xf32, #tpu.memory_space<vmem>> -> memref<1x8x128xf32, #tpu.memory_space<vmem>>
        %dma_start3A_2598 = tpu.memref_squeeze %dma_start3A_2597 : memref<1x8x128xf32, #tpu.memory_space<vmem>> -> memref<8x128xf32, #tpu.memory_space<vmem>>
        %dma_start3A_2599 = arith.constant 0 : i32
        %dma_start3A_2600 = arith.constant 0 : i32
        %dma_start3A_2601 = tpu.memref_slice %arg3[%add3A_2593, %arg0, %dma_start3A_2599, %dma_start3A_2600] : memref<16384x2x8x128xf32, #tpu.memory_space<hbm>> -> memref<1x1x8x128xf32, #tpu.memory_space<hbm>>
        %dma_start3A_2602 = tpu.memref_squeeze %dma_start3A_2601 : memref<1x1x8x128xf32, #tpu.memory_space<hbm>> -> memref<8x128xf32, #tpu.memory_space<hbm>>
        %dma_start3A_2603 = arith.constant 24 : i32
        %dma_start3A_2604 = arith.constant 0 : i32
        %dma_start3A_2605 = tpu.memref_slice %arg11[%dma_start3A_2594, %dma_start3A_2603, %dma_start3A_2604] : memref<2x64x128xf32, #tpu.memory_space<vmem>> -> memref<1x8x128xf32, #tpu.memory_space<vmem>>
        %dma_start3A_2606 = tpu.memref_squeeze %dma_start3A_2605 : memref<1x8x128xf32, #tpu.memory_space<vmem>> -> memref<8x128xf32, #tpu.memory_space<vmem>>
        %dma_start3A_2607 = arith.constant 0 : i32
        %dma_start3A_2608 = arith.constant 0 : i32
        %dma_start3A_2609 = tpu.memref_slice %arg3[%add3A_2593, %arg0, %dma_start3A_2607, %dma_start3A_2608] : memref<16384x2x8x128xf32, #tpu.memory_space<hbm>> -> memref<1x1x8x128xf32, #tpu.memory_space<hbm>>
        %dma_start3A_2610 = tpu.memref_squeeze %dma_start3A_2609 : memref<1x1x8x128xf32, #tpu.memory_space<hbm>> -> memref<8x128xf32, #tpu.memory_space<hbm>>
        tpu.enqueue_dma source(%dma_start3A_2610 : memref<8x128xf32, #tpu.memory_space<hbm>>) target(%dma_start3A_2606 : memref<8x128xf32, #tpu.memory_space<vmem>>) target_semaphore(%arg21 : memref<!tpu.dma_semaphore, #tpu.memory_space<semaphore_mem>>)
        %add3A_2611 = arith.constant 4 : i32
        %add3A_2612 = arith.addi %add3A_2458, %add3A_2611 : i32
        %dma_start3A_2613 = arith.constant 0 : i32
        %dma_start3A_2614 = arith.constant 32 : i32
        %dma_start3A_2615 = arith.constant 0 : i32
        %dma_start3A_2616 = tpu.memref_slice %arg10[%dma_start3A_2613, %dma_start3A_2614, %dma_start3A_2615] : memref<2x64x128xf32, #tpu.memory_space<vmem>> -> memref<1x8x128xf32, #tpu.memory_space<vmem>>
        %dma_start3A_2617 = tpu.memref_squeeze %dma_start3A_2616 : memref<1x8x128xf32, #tpu.memory_space<vmem>> -> memref<8x128xf32, #tpu.memory_space<vmem>>
        %dma_start3A_2618 = arith.constant 0 : i32
        %dma_start3A_2619 = arith.constant 0 : i32
        %dma_start3A_2620 = tpu.memref_slice %arg2[%add3A_2612, %arg0, %dma_start3A_2618, %dma_start3A_2619] : memref<16384x2x8x128xf32, #tpu.memory_space<hbm>> -> memref<1x1x8x128xf32, #tpu.memory_space<hbm>>
        %dma_start3A_2621 = tpu.memref_squeeze %dma_start3A_2620 : memref<1x1x8x128xf32, #tpu.memory_space<hbm>> -> memref<8x128xf32, #tpu.memory_space<hbm>>
        %dma_start3A_2622 = arith.constant 32 : i32
        %dma_start3A_2623 = arith.constant 0 : i32
        %dma_start3A_2624 = tpu.memref_slice %arg10[%dma_start3A_2613, %dma_start3A_2622, %dma_start3A_2623] : memref<2x64x128xf32, #tpu.memory_space<vmem>> -> memref<1x8x128xf32, #tpu.memory_space<vmem>>
        %dma_start3A_2625 = tpu.memref_squeeze %dma_start3A_2624 : memref<1x8x128xf32, #tpu.memory_space<vmem>> -> memref<8x128xf32, #tpu.memory_space<vmem>>
        %dma_start3A_2626 = arith.constant 0 : i32
        %dma_start3A_2627 = arith.constant 0 : i32
        %dma_start3A_2628 = tpu.memref_slice %arg2[%add3A_2612, %arg0, %dma_start3A_2626, %dma_start3A_2627] : memref<16384x2x8x128xf32, #tpu.memory_space<hbm>> -> memref<1x1x8x128xf32, #tpu.memory_space<hbm>>
        %dma_start3A_2629 = tpu.memref_squeeze %dma_start3A_2628 : memref<1x1x8x128xf32, #tpu.memory_space<hbm>> -> memref<8x128xf32, #tpu.memory_space<hbm>>
        tpu.enqueue_dma source(%dma_start3A_2629 : memref<8x128xf32, #tpu.memory_space<hbm>>) target(%dma_start3A_2625 : memref<8x128xf32, #tpu.memory_space<vmem>>) target_semaphore(%arg21 : memref<!tpu.dma_semaphore, #tpu.memory_space<semaphore_mem>>)
        %add3A_2630 = arith.constant 4 : i32
        %add3A_2631 = arith.addi %add3A_2458, %add3A_2630 : i32
        %dma_start3A_2632 = arith.constant 0 : i32
        %dma_start3A_2633 = arith.constant 32 : i32
        %dma_start3A_2634 = arith.constant 0 : i32
        %dma_start3A_2635 = tpu.memref_slice %arg11[%dma_start3A_2632, %dma_start3A_2633, %dma_start3A_2634] : memref<2x64x128xf32, #tpu.memory_space<vmem>> -> memref<1x8x128xf32, #tpu.memory_space<vmem>>
        %dma_start3A_2636 = tpu.memref_squeeze %dma_start3A_2635 : memref<1x8x128xf32, #tpu.memory_space<vmem>> -> memref<8x128xf32, #tpu.memory_space<vmem>>
        %dma_start3A_2637 = arith.constant 0 : i32
        %dma_start3A_2638 = arith.constant 0 : i32
        %dma_start3A_2639 = tpu.memref_slice %arg3[%add3A_2631, %arg0, %dma_start3A_2637, %dma_start3A_2638] : memref<16384x2x8x128xf32, #tpu.memory_space<hbm>> -> memref<1x1x8x128xf32, #tpu.memory_space<hbm>>
        %dma_start3A_2640 = tpu.memref_squeeze %dma_start3A_2639 : memref<1x1x8x128xf32, #tpu.memory_space<hbm>> -> memref<8x128xf32, #tpu.memory_space<hbm>>
        %dma_start3A_2641 = arith.constant 32 : i32
        %dma_start3A_2642 = arith.constant 0 : i32
        %dma_start3A_2643 = tpu.memref_slice %arg11[%dma_start3A_2632, %dma_start3A_2641, %dma_start3A_2642] : memref<2x64x128xf32, #tpu.memory_space<vmem>> -> memref<1x8x128xf32, #tpu.memory_space<vmem>>
        %dma_start3A_2644 = tpu.memref_squeeze %dma_start3A_2643 : memref<1x8x128xf32, #tpu.memory_space<vmem>> -> memref<8x128xf32, #tpu.memory_space<vmem>>
        %dma_start3A_2645 = arith.constant 0 : i32
        %dma_start3A_2646 = arith.constant 0 : i32
        %dma_start3A_2647 = tpu.memref_slice %arg3[%add3A_2631, %arg0, %dma_start3A_2645, %dma_start3A_2646] : memref<16384x2x8x128xf32, #tpu.memory_space<hbm>> -> memref<1x1x8x128xf32, #tpu.memory_space<hbm>>
        %dma_start3A_2648 = tpu.memref_squeeze %dma_start3A_2647 : memref<1x1x8x128xf32, #tpu.memory_space<hbm>> -> memref<8x128xf32, #tpu.memory_space<hbm>>
        tpu.enqueue_dma source(%dma_start3A_2648 : memref<8x128xf32, #tpu.memory_space<hbm>>) target(%dma_start3A_2644 : memref<8x128xf32, #tpu.memory_space<vmem>>) target_semaphore(%arg21 : memref<!tpu.dma_semaphore, #tpu.memory_space<semaphore_mem>>)
        %add3A_2649 = arith.constant 5 : i32
        %add3A_2650 = arith.addi %add3A_2458, %add3A_2649 : i32
        %dma_start3A_2651 = arith.constant 0 : i32
        %dma_start3A_2652 = arith.constant 40 : i32
        %dma_start3A_2653 = arith.constant 0 : i32
        %dma_start3A_2654 = tpu.memref_slice %arg10[%dma_start3A_2651, %dma_start3A_2652, %dma_start3A_2653] : memref<2x64x128xf32, #tpu.memory_space<vmem>> -> memref<1x8x128xf32, #tpu.memory_space<vmem>>
        %dma_start3A_2655 = tpu.memref_squeeze %dma_start3A_2654 : memref<1x8x128xf32, #tpu.memory_space<vmem>> -> memref<8x128xf32, #tpu.memory_space<vmem>>
        %dma_start3A_2656 = arith.constant 0 : i32
        %dma_start3A_2657 = arith.constant 0 : i32
        %dma_start3A_2658 = tpu.memref_slice %arg2[%add3A_2650, %arg0, %dma_start3A_2656, %dma_start3A_2657] : memref<16384x2x8x128xf32, #tpu.memory_space<hbm>> -> memref<1x1x8x128xf32, #tpu.memory_space<hbm>>
        %dma_start3A_2659 = tpu.memref_squeeze %dma_start3A_2658 : memref<1x1x8x128xf32, #tpu.memory_space<hbm>> -> memref<8x128xf32, #tpu.memory_space<hbm>>
        %dma_start3A_2660 = arith.constant 40 : i32
        %dma_start3A_2661 = arith.constant 0 : i32
        %dma_start3A_2662 = tpu.memref_slice %arg10[%dma_start3A_2651, %dma_start3A_2660, %dma_start3A_2661] : memref<2x64x128xf32, #tpu.memory_space<vmem>> -> memref<1x8x128xf32, #tpu.memory_space<vmem>>
        %dma_start3A_2663 = tpu.memref_squeeze %dma_start3A_2662 : memref<1x8x128xf32, #tpu.memory_space<vmem>> -> memref<8x128xf32, #tpu.memory_space<vmem>>
        %dma_start3A_2664 = arith.constant 0 : i32
        %dma_start3A_2665 = arith.constant 0 : i32
        %dma_start3A_2666 = tpu.memref_slice %arg2[%add3A_2650, %arg0, %dma_start3A_2664, %dma_start3A_2665] : memref<16384x2x8x128xf32, #tpu.memory_space<hbm>> -> memref<1x1x8x128xf32, #tpu.memory_space<hbm>>
        %dma_start3A_2667 = tpu.memref_squeeze %dma_start3A_2666 : memref<1x1x8x128xf32, #tpu.memory_space<hbm>> -> memref<8x128xf32, #tpu.memory_space<hbm>>
        tpu.enqueue_dma source(%dma_start3A_2667 : memref<8x128xf32, #tpu.memory_space<hbm>>) target(%dma_start3A_2663 : memref<8x128xf32, #tpu.memory_space<vmem>>) target_semaphore(%arg21 : memref<!tpu.dma_semaphore, #tpu.memory_space<semaphore_mem>>)
        %add3A_2668 = arith.constant 5 : i32
        %add3A_2669 = arith.addi %add3A_2458, %add3A_2668 : i32
        %dma_start3A_2670 = arith.constant 0 : i32
        %dma_start3A_2671 = arith.constant 40 : i32
        %dma_start3A_2672 = arith.constant 0 : i32
        %dma_start3A_2673 = tpu.memref_slice %arg11[%dma_start3A_2670, %dma_start3A_2671, %dma_start3A_2672] : memref<2x64x128xf32, #tpu.memory_space<vmem>> -> memref<1x8x128xf32, #tpu.memory_space<vmem>>
        %dma_start3A_2674 = tpu.memref_squeeze %dma_start3A_2673 : memref<1x8x128xf32, #tpu.memory_space<vmem>> -> memref<8x128xf32, #tpu.memory_space<vmem>>
        %dma_start3A_2675 = arith.constant 0 : i32
        %dma_start3A_2676 = arith.constant 0 : i32
        %dma_start3A_2677 = tpu.memref_slice %arg3[%add3A_2669, %arg0, %dma_start3A_2675, %dma_start3A_2676] : memref<16384x2x8x128xf32, #tpu.memory_space<hbm>> -> memref<1x1x8x128xf32, #tpu.memory_space<hbm>>
        %dma_start3A_2678 = tpu.memref_squeeze %dma_start3A_2677 : memref<1x1x8x128xf32, #tpu.memory_space<hbm>> -> memref<8x128xf32, #tpu.memory_space<hbm>>
        %dma_start3A_2679 = arith.constant 40 : i32
        %dma_start3A_2680 = arith.constant 0 : i32
        %dma_start3A_2681 = tpu.memref_slice %arg11[%dma_start3A_2670, %dma_start3A_2679, %dma_start3A_2680] : memref<2x64x128xf32, #tpu.memory_space<vmem>> -> memref<1x8x128xf32, #tpu.memory_space<vmem>>
        %dma_start3A_2682 = tpu.memref_squeeze %dma_start3A_2681 : memref<1x8x128xf32, #tpu.memory_space<vmem>> -> memref<8x128xf32, #tpu.memory_space<vmem>>
        %dma_start3A_2683 = arith.constant 0 : i32
        %dma_start3A_2684 = arith.constant 0 : i32
        %dma_start3A_2685 = tpu.memref_slice %arg3[%add3A_2669, %arg0, %dma_start3A_2683, %dma_start3A_2684] : memref<16384x2x8x128xf32, #tpu.memory_space<hbm>> -> memref<1x1x8x128xf32, #tpu.memory_space<hbm>>
        %dma_start3A_2686 = tpu.memref_squeeze %dma_start3A_2685 : memref<1x1x8x128xf32, #tpu.memory_space<hbm>> -> memref<8x128xf32, #tpu.memory_space<hbm>>
        tpu.enqueue_dma source(%dma_start3A_2686 : memref<8x128xf32, #tpu.memory_space<hbm>>) target(%dma_start3A_2682 : memref<8x128xf32, #tpu.memory_space<vmem>>) target_semaphore(%arg21 : memref<!tpu.dma_semaphore, #tpu.memory_space<semaphore_mem>>)
        %add3A_2687 = arith.constant 6 : i32
        %add3A_2688 = arith.addi %add3A_2458, %add3A_2687 : i32
        %dma_start3A_2689 = arith.constant 0 : i32
        %dma_start3A_2690 = arith.constant 48 : i32
        %dma_start3A_2691 = arith.constant 0 : i32
        %dma_start3A_2692 = tpu.memref_slice %arg10[%dma_start3A_2689, %dma_start3A_2690, %dma_start3A_2691] : memref<2x64x128xf32, #tpu.memory_space<vmem>> -> memref<1x8x128xf32, #tpu.memory_space<vmem>>
        %dma_start3A_2693 = tpu.memref_squeeze %dma_start3A_2692 : memref<1x8x128xf32, #tpu.memory_space<vmem>> -> memref<8x128xf32, #tpu.memory_space<vmem>>
        %dma_start3A_2694 = arith.constant 0 : i32
        %dma_start3A_2695 = arith.constant 0 : i32
        %dma_start3A_2696 = tpu.memref_slice %arg2[%add3A_2688, %arg0, %dma_start3A_2694, %dma_start3A_2695] : memref<16384x2x8x128xf32, #tpu.memory_space<hbm>> -> memref<1x1x8x128xf32, #tpu.memory_space<hbm>>
        %dma_start3A_2697 = tpu.memref_squeeze %dma_start3A_2696 : memref<1x1x8x128xf32, #tpu.memory_space<hbm>> -> memref<8x128xf32, #tpu.memory_space<hbm>>
        %dma_start3A_2698 = arith.constant 48 : i32
        %dma_start3A_2699 = arith.constant 0 : i32
        %dma_start3A_2700 = tpu.memref_slice %arg10[%dma_start3A_2689, %dma_start3A_2698, %dma_start3A_2699] : memref<2x64x128xf32, #tpu.memory_space<vmem>> -> memref<1x8x128xf32, #tpu.memory_space<vmem>>
        %dma_start3A_2701 = tpu.memref_squeeze %dma_start3A_2700 : memref<1x8x128xf32, #tpu.memory_space<vmem>> -> memref<8x128xf32, #tpu.memory_space<vmem>>
        %dma_start3A_2702 = arith.constant 0 : i32
        %dma_start3A_2703 = arith.constant 0 : i32
        %dma_start3A_2704 = tpu.memref_slice %arg2[%add3A_2688, %arg0, %dma_start3A_2702, %dma_start3A_2703] : memref<16384x2x8x128xf32, #tpu.memory_space<hbm>> -> memref<1x1x8x128xf32, #tpu.memory_space<hbm>>
        %dma_start3A_2705 = tpu.memref_squeeze %dma_start3A_2704 : memref<1x1x8x128xf32, #tpu.memory_space<hbm>> -> memref<8x128xf32, #tpu.memory_space<hbm>>
        tpu.enqueue_dma source(%dma_start3A_2705 : memref<8x128xf32, #tpu.memory_space<hbm>>) target(%dma_start3A_2701 : memref<8x128xf32, #tpu.memory_space<vmem>>) target_semaphore(%arg21 : memref<!tpu.dma_semaphore, #tpu.memory_space<semaphore_mem>>)
        %add3A_2706 = arith.constant 6 : i32
        %add3A_2707 = arith.addi %add3A_2458, %add3A_2706 : i32
        %dma_start3A_2708 = arith.constant 0 : i32
        %dma_start3A_2709 = arith.constant 48 : i32
        %dma_start3A_2710 = arith.constant 0 : i32
        %dma_start3A_2711 = tpu.memref_slice %arg11[%dma_start3A_2708, %dma_start3A_2709, %dma_start3A_2710] : memref<2x64x128xf32, #tpu.memory_space<vmem>> -> memref<1x8x128xf32, #tpu.memory_space<vmem>>
        %dma_start3A_2712 = tpu.memref_squeeze %dma_start3A_2711 : memref<1x8x128xf32, #tpu.memory_space<vmem>> -> memref<8x128xf32, #tpu.memory_space<vmem>>
        %dma_start3A_2713 = arith.constant 0 : i32
        %dma_start3A_2714 = arith.constant 0 : i32
        %dma_start3A_2715 = tpu.memref_slice %arg3[%add3A_2707, %arg0, %dma_start3A_2713, %dma_start3A_2714] : memref<16384x2x8x128xf32, #tpu.memory_space<hbm>> -> memref<1x1x8x128xf32, #tpu.memory_space<hbm>>
        %dma_start3A_2716 = tpu.memref_squeeze %dma_start3A_2715 : memref<1x1x8x128xf32, #tpu.memory_space<hbm>> -> memref<8x128xf32, #tpu.memory_space<hbm>>
        %dma_start3A_2717 = arith.constant 48 : i32
        %dma_start3A_2718 = arith.constant 0 : i32
        %dma_start3A_2719 = tpu.memref_slice %arg11[%dma_start3A_2708, %dma_start3A_2717, %dma_start3A_2718] : memref<2x64x128xf32, #tpu.memory_space<vmem>> -> memref<1x8x128xf32, #tpu.memory_space<vmem>>
        %dma_start3A_2720 = tpu.memref_squeeze %dma_start3A_2719 : memref<1x8x128xf32, #tpu.memory_space<vmem>> -> memref<8x128xf32, #tpu.memory_space<vmem>>
        %dma_start3A_2721 = arith.constant 0 : i32
        %dma_start3A_2722 = arith.constant 0 : i32
        %dma_start3A_2723 = tpu.memref_slice %arg3[%add3A_2707, %arg0, %dma_start3A_2721, %dma_start3A_2722] : memref<16384x2x8x128xf32, #tpu.memory_space<hbm>> -> memref<1x1x8x128xf32, #tpu.memory_space<hbm>>
        %dma_start3A_2724 = tpu.memref_squeeze %dma_start3A_2723 : memref<1x1x8x128xf32, #tpu.memory_space<hbm>> -> memref<8x128xf32, #tpu.memory_space<hbm>>
        tpu.enqueue_dma source(%dma_start3A_2724 : memref<8x128xf32, #tpu.memory_space<hbm>>) target(%dma_start3A_2720 : memref<8x128xf32, #tpu.memory_space<vmem>>) target_semaphore(%arg21 : memref<!tpu.dma_semaphore, #tpu.memory_space<semaphore_mem>>)
        %add3A_2725 = arith.constant 7 : i32
        %add3A_2726 = arith.addi %add3A_2458, %add3A_2725 : i32
        %dma_start3A_2727 = arith.constant 0 : i32
        %dma_start3A_2728 = arith.constant 56 : i32
        %dma_start3A_2729 = arith.constant 0 : i32
        %dma_start3A_2730 = tpu.memref_slice %arg10[%dma_start3A_2727, %dma_start3A_2728, %dma_start3A_2729] : memref<2x64x128xf32, #tpu.memory_space<vmem>> -> memref<1x8x128xf32, #tpu.memory_space<vmem>>
        %dma_start3A_2731 = tpu.memref_squeeze %dma_start3A_2730 : memref<1x8x128xf32, #tpu.memory_space<vmem>> -> memref<8x128xf32, #tpu.memory_space<vmem>>
        %dma_start3A_2732 = arith.constant 0 : i32
        %dma_start3A_2733 = arith.constant 0 : i32
        %dma_start3A_2734 = tpu.memref_slice %arg2[%add3A_2726, %arg0, %dma_start3A_2732, %dma_start3A_2733] : memref<16384x2x8x128xf32, #tpu.memory_space<hbm>> -> memref<1x1x8x128xf32, #tpu.memory_space<hbm>>
        %dma_start3A_2735 = tpu.memref_squeeze %dma_start3A_2734 : memref<1x1x8x128xf32, #tpu.memory_space<hbm>> -> memref<8x128xf32, #tpu.memory_space<hbm>>
        %dma_start3A_2736 = arith.constant 56 : i32
        %dma_start3A_2737 = arith.constant 0 : i32
        %dma_start3A_2738 = tpu.memref_slice %arg10[%dma_start3A_2727, %dma_start3A_2736, %dma_start3A_2737] : memref<2x64x128xf32, #tpu.memory_space<vmem>> -> memref<1x8x128xf32, #tpu.memory_space<vmem>>
        %dma_start3A_2739 = tpu.memref_squeeze %dma_start3A_2738 : memref<1x8x128xf32, #tpu.memory_space<vmem>> -> memref<8x128xf32, #tpu.memory_space<vmem>>
        %dma_start3A_2740 = arith.constant 0 : i32
        %dma_start3A_2741 = arith.constant 0 : i32
        %dma_start3A_2742 = tpu.memref_slice %arg2[%add3A_2726, %arg0, %dma_start3A_2740, %dma_start3A_2741] : memref<16384x2x8x128xf32, #tpu.memory_space<hbm>> -> memref<1x1x8x128xf32, #tpu.memory_space<hbm>>
        %dma_start3A_2743 = tpu.memref_squeeze %dma_start3A_2742 : memref<1x1x8x128xf32, #tpu.memory_space<hbm>> -> memref<8x128xf32, #tpu.memory_space<hbm>>
        tpu.enqueue_dma source(%dma_start3A_2743 : memref<8x128xf32, #tpu.memory_space<hbm>>) target(%dma_start3A_2739 : memref<8x128xf32, #tpu.memory_space<vmem>>) target_semaphore(%arg21 : memref<!tpu.dma_semaphore, #tpu.memory_space<semaphore_mem>>)
        %add3A_2744 = arith.constant 7 : i32
        %add3A_2745 = arith.addi %add3A_2458, %add3A_2744 : i32
        %dma_start3A_2746 = arith.constant 0 : i32
        %dma_start3A_2747 = arith.constant 56 : i32
        %dma_start3A_2748 = arith.constant 0 : i32
        %dma_start3A_2749 = tpu.memref_slice %arg11[%dma_start3A_2746, %dma_start3A_2747, %dma_start3A_2748] : memref<2x64x128xf32, #tpu.memory_space<vmem>> -> memref<1x8x128xf32, #tpu.memory_space<vmem>>
        %dma_start3A_2750 = tpu.memref_squeeze %dma_start3A_2749 : memref<1x8x128xf32, #tpu.memory_space<vmem>> -> memref<8x128xf32, #tpu.memory_space<vmem>>
        %dma_start3A_2751 = arith.constant 0 : i32
        %dma_start3A_2752 = arith.constant 0 : i32
        %dma_start3A_2753 = tpu.memref_slice %arg3[%add3A_2745, %arg0, %dma_start3A_2751, %dma_start3A_2752] : memref<16384x2x8x128xf32, #tpu.memory_space<hbm>> -> memref<1x1x8x128xf32, #tpu.memory_space<hbm>>
        %dma_start3A_2754 = tpu.memref_squeeze %dma_start3A_2753 : memref<1x1x8x128xf32, #tpu.memory_space<hbm>> -> memref<8x128xf32, #tpu.memory_space<hbm>>
        %dma_start3A_2755 = arith.constant 56 : i32
        %dma_start3A_2756 = arith.constant 0 : i32
        %dma_start3A_2757 = tpu.memref_slice %arg11[%dma_start3A_2746, %dma_start3A_2755, %dma_start3A_2756] : memref<2x64x128xf32, #tpu.memory_space<vmem>> -> memref<1x8x128xf32, #tpu.memory_space<vmem>>
        %dma_start3A_2758 = tpu.memref_squeeze %dma_start3A_2757 : memref<1x8x128xf32, #tpu.memory_space<vmem>> -> memref<8x128xf32, #tpu.memory_space<vmem>>
        %dma_start3A_2759 = arith.constant 0 : i32
        %dma_start3A_2760 = arith.constant 0 : i32
        %dma_start3A_2761 = tpu.memref_slice %arg3[%add3A_2745, %arg0, %dma_start3A_2759, %dma_start3A_2760] : memref<16384x2x8x128xf32, #tpu.memory_space<hbm>> -> memref<1x1x8x128xf32, #tpu.memory_space<hbm>>
        %dma_start3A_2762 = tpu.memref_squeeze %dma_start3A_2761 : memref<1x1x8x128xf32, #tpu.memory_space<hbm>> -> memref<8x128xf32, #tpu.memory_space<hbm>>
        tpu.enqueue_dma source(%dma_start3A_2762 : memref<8x128xf32, #tpu.memory_space<hbm>>) target(%dma_start3A_2758 : memref<8x128xf32, #tpu.memory_space<vmem>>) target_semaphore(%arg21 : memref<!tpu.dma_semaphore, #tpu.memory_space<semaphore_mem>>)
        %dma_start3A_2763 = tpu.memref_slice %arg4[%add3A_2431] : memref<131072xi32, #tpu.memory_space<hbm>> -> memref<64xi32, #tpu.memory_space<hbm>>
        %dma_start3A_2764 = tpu.memref_slice %arg4[%add3A_2431] : memref<131072xi32, #tpu.memory_space<hbm>> -> memref<64xi32, #tpu.memory_space<hbm>>
        tpu.enqueue_dma source(%dma_start3A_2764 : memref<64xi32, #tpu.memory_space<hbm>>) target(%arg12 : memref<64xi32, #tpu.memory_space<vmem>>) target_semaphore(%arg21 : memref<!tpu.dma_semaphore, #tpu.memory_space<semaphore_mem>>)
        %dma_start3A_2765 = tpu.memref_slice %arg5[%add3A_2431] : memref<131072xi32, #tpu.memory_space<hbm>> -> memref<64xi32, #tpu.memory_space<hbm>>
        %dma_start3A_2766 = tpu.memref_slice %arg5[%add3A_2431] : memref<131072xi32, #tpu.memory_space<hbm>> -> memref<64xi32, #tpu.memory_space<hbm>>
        tpu.enqueue_dma source(%dma_start3A_2766 : memref<64xi32, #tpu.memory_space<hbm>>) target(%arg14 : memref<64xi32, #tpu.memory_space<vmem>>) target_semaphore(%arg21 : memref<!tpu.dma_semaphore, #tpu.memory_space<semaphore_mem>>)
      } else {
      }
      %add3A_1965 = arith.constant 1 : i32
      %add3A_1966 = arith.addi %add3A_1508, %add3A_1965 : i32
      %mul3A_1967 = arith.constant 64 : i32
      %mul3A_1968 = arith.muli %add3A_1966, %mul3A_1967 : i32
      %add3A_1969 = arith.addi %mul3A_0, %mul3A_1968 : i32
      %mul3A_1970 = arith.constant 64 : i32
      %mul3A_1971 = arith.muli %add3A_1966, %mul3A_1970 : i32
      %add3A_1972 = arith.addi %mul3A_0, %mul3A_1971 : i32
      %jit3A_1973 = arith.constant 8 : i32
      %div3A_1974 = arith.divsi %mul3A_0, %jit3A_1973 : i32
      %sign3A_1975 = arith.constant 0 : i32
      %sign3A_1976 = arith.cmpi sgt, %mul3A_0, %sign3A_1975 : i32
      %sign3A_1977 = arith.extui %sign3A_1976 : i1 to i32
      %sign3A_1978 = arith.constant 0 : i32
      %sign3A_1979 = arith.cmpi slt, %mul3A_0, %sign3A_1978 : i32
      %sign3A_1980 = arith.extui %sign3A_1979 : i1 to i32
      %sign3A_1981 = arith.subi %sign3A_1977, %sign3A_1980 : i32
      %sign3A_1982 = arith.constant 0 : i32
      %sign3A_1983 = arith.cmpi sgt, %jit3A_1973, %sign3A_1982 : i32
      %sign3A_1984 = arith.extui %sign3A_1983 : i1 to i32
      %sign3A_1985 = arith.constant 0 : i32
      %sign3A_1986 = arith.cmpi slt, %jit3A_1973, %sign3A_1985 : i32
      %sign3A_1987 = arith.extui %sign3A_1986 : i1 to i32
      %sign3A_1988 = arith.subi %sign3A_1984, %sign3A_1987 : i32
      %ne3A_1989 = arith.cmpi ne, %sign3A_1981, %sign3A_1988 : i32
      %rem3A_1990 = arith.remsi %mul3A_0, %jit3A_1973 : i32
      %ne3A_1991 = arith.constant 0 : i32
      %ne3A_1992 = arith.cmpi ne, %rem3A_1990, %ne3A_1991 : i32
      %and3A_1993 = arith.andi %ne3A_1989, %ne3A_1992 : i1
      %sub3A_1994 = arith.constant 1 : i32
      %sub3A_1995 = arith.subi %div3A_1974, %sub3A_1994 : i32
      %select_n3A_1996 = arith.select %and3A_1993, %sub3A_1995, %div3A_1974 : i32
      %mul3A_1997 = arith.constant 8 : i32
      %mul3A_1998 = arith.muli %add3A_1966, %mul3A_1997 : i32
      %add3A_1999 = arith.addi %select_n3A_1996, %mul3A_1998 : i32
      %add3A_2000 = arith.constant 0 : i32
      %add3A_2001 = arith.addi %add3A_1999, %add3A_2000 : i32
      %dma_wait3A_2002 = arith.constant 1 : i32
      %dma_wait3A_2003 = arith.constant 0 : i32
      %dma_wait3A_2004 = arith.constant 0 : i32
      %dma_wait3A_2005 = tpu.memref_slice %arg10[%dma_wait3A_2002, %dma_wait3A_2003, %dma_wait3A_2004] : memref<2x64x128xf32, #tpu.memory_space<vmem>> -> memref<1x8x128xf32, #tpu.memory_space<vmem>>
      %dma_wait3A_2006 = tpu.memref_squeeze %dma_wait3A_2005 : memref<1x8x128xf32, #tpu.memory_space<vmem>> -> memref<8x128xf32, #tpu.memory_space<vmem>>
      %dma_wait3A_2007 = arith.constant 0 : i32
      %dma_wait3A_2008 = arith.constant 0 : i32
      %dma_wait3A_2009 = tpu.memref_slice %arg2[%add3A_2001, %arg0, %dma_wait3A_2007, %dma_wait3A_2008] : memref<16384x2x8x128xf32, #tpu.memory_space<hbm>> -> memref<1x1x8x128xf32, #tpu.memory_space<hbm>>
      %dma_wait3A_2010 = tpu.memref_squeeze %dma_wait3A_2009 : memref<1x1x8x128xf32, #tpu.memory_space<hbm>> -> memref<8x128xf32, #tpu.memory_space<hbm>>
      %dma_wait3A_2011 = arith.constant 0 : i32
      %dma_wait3A_2012 = arith.constant 0 : i32
      %dma_wait3A_2013 = tpu.memref_slice %arg10[%dma_wait3A_2002, %dma_wait3A_2011, %dma_wait3A_2012] : memref<2x64x128xf32, #tpu.memory_space<vmem>> -> memref<1x8x128xf32, #tpu.memory_space<vmem>>
      %dma_wait3A_2014 = tpu.memref_squeeze %dma_wait3A_2013 : memref<1x8x128xf32, #tpu.memory_space<vmem>> -> memref<8x128xf32, #tpu.memory_space<vmem>>
      %dma_wait3A_2015 = arith.constant 0 : i32
      %dma_wait3A_2016 = arith.constant 0 : i32
      %dma_wait3A_2017 = tpu.memref_slice %arg2[%add3A_2001, %arg0, %dma_wait3A_2015, %dma_wait3A_2016] : memref<16384x2x8x128xf32, #tpu.memory_space<hbm>> -> memref<1x1x8x128xf32, #tpu.memory_space<hbm>>
      %dma_wait3A_2018 = tpu.memref_squeeze %dma_wait3A_2017 : memref<1x1x8x128xf32, #tpu.memory_space<hbm>> -> memref<8x128xf32, #tpu.memory_space<hbm>>
      tpu.wait_dma2 semaphore(%arg22 : memref<!tpu.dma_semaphore, #tpu.memory_space<semaphore_mem>>) src(%dma_wait3A_2018 : memref<8x128xf32, #tpu.memory_space<hbm>>) dst(%dma_wait3A_2014 : memref<8x128xf32, #tpu.memory_space<vmem>>)
      %add3A_2019 = arith.constant 0 : i32
      %add3A_2020 = arith.addi %add3A_1999, %add3A_2019 : i32
      %dma_wait3A_2021 = arith.constant 1 : i32
      %dma_wait3A_2022 = arith.constant 0 : i32
      %dma_wait3A_2023 = arith.constant 0 : i32
      %dma_wait3A_2024 = tpu.memref_slice %arg11[%dma_wait3A_2021, %dma_wait3A_2022, %dma_wait3A_2023] : memref<2x64x128xf32, #tpu.memory_space<vmem>> -> memref<1x8x128xf32, #tpu.memory_space<vmem>>
      %dma_wait3A_2025 = tpu.memref_squeeze %dma_wait3A_2024 : memref<1x8x128xf32, #tpu.memory_space<vmem>> -> memref<8x128xf32, #tpu.memory_space<vmem>>
      %dma_wait3A_2026 = arith.constant 0 : i32
      %dma_wait3A_2027 = arith.constant 0 : i32
      %dma_wait3A_2028 = tpu.memref_slice %arg3[%add3A_2020, %arg0, %dma_wait3A_2026, %dma_wait3A_2027] : memref<16384x2x8x128xf32, #tpu.memory_space<hbm>> -> memref<1x1x8x128xf32, #tpu.memory_space<hbm>>
      %dma_wait3A_2029 = tpu.memref_squeeze %dma_wait3A_2028 : memref<1x1x8x128xf32, #tpu.memory_space<hbm>> -> memref<8x128xf32, #tpu.memory_space<hbm>>
      %dma_wait3A_2030 = arith.constant 0 : i32
      %dma_wait3A_2031 = arith.constant 0 : i32
      %dma_wait3A_2032 = tpu.memref_slice %arg11[%dma_wait3A_2021, %dma_wait3A_2030, %dma_wait3A_2031] : memref<2x64x128xf32, #tpu.memory_space<vmem>> -> memref<1x8x128xf32, #tpu.memory_space<vmem>>
      %dma_wait3A_2033 = tpu.memref_squeeze %dma_wait3A_2032 : memref<1x8x128xf32, #tpu.memory_space<vmem>> -> memref<8x128xf32, #tpu.memory_space<vmem>>
      %dma_wait3A_2034 = arith.constant 0 : i32
      %dma_wait3A_2035 = arith.constant 0 : i32
      %dma_wait3A_2036 = tpu.memref_slice %arg3[%add3A_2020, %arg0, %dma_wait3A_2034, %dma_wait3A_2035] : memref<16384x2x8x128xf32, #tpu.memory_space<hbm>> -> memref<1x1x8x128xf32, #tpu.memory_space<hbm>>
      %dma_wait3A_2037 = tpu.memref_squeeze %dma_wait3A_2036 : memref<1x1x8x128xf32, #tpu.memory_space<hbm>> -> memref<8x128xf32, #tpu.memory_space<hbm>>
      tpu.wait_dma2 semaphore(%arg22 : memref<!tpu.dma_semaphore, #tpu.memory_space<semaphore_mem>>) src(%dma_wait3A_2037 : memref<8x128xf32, #tpu.memory_space<hbm>>) dst(%dma_wait3A_2033 : memref<8x128xf32, #tpu.memory_space<vmem>>)
      %add3A_2038 = arith.constant 1 : i32
      %add3A_2039 = arith.addi %add3A_1999, %add3A_2038 : i32
      %dma_wait3A_2040 = arith.constant 1 : i32
      %dma_wait3A_2041 = arith.constant 8 : i32
      %dma_wait3A_2042 = arith.constant 0 : i32
      %dma_wait3A_2043 = tpu.memref_slice %arg10[%dma_wait3A_2040, %dma_wait3A_2041, %dma_wait3A_2042] : memref<2x64x128xf32, #tpu.memory_space<vmem>> -> memref<1x8x128xf32, #tpu.memory_space<vmem>>
      %dma_wait3A_2044 = tpu.memref_squeeze %dma_wait3A_2043 : memref<1x8x128xf32, #tpu.memory_space<vmem>> -> memref<8x128xf32, #tpu.memory_space<vmem>>
      %dma_wait3A_2045 = arith.constant 0 : i32
      %dma_wait3A_2046 = arith.constant 0 : i32
      %dma_wait3A_2047 = tpu.memref_slice %arg2[%add3A_2039, %arg0, %dma_wait3A_2045, %dma_wait3A_2046] : memref<16384x2x8x128xf32, #tpu.memory_space<hbm>> -> memref<1x1x8x128xf32, #tpu.memory_space<hbm>>
      %dma_wait3A_2048 = tpu.memref_squeeze %dma_wait3A_2047 : memref<1x1x8x128xf32, #tpu.memory_space<hbm>> -> memref<8x128xf32, #tpu.memory_space<hbm>>
      %dma_wait3A_2049 = arith.constant 8 : i32
      %dma_wait3A_2050 = arith.constant 0 : i32
      %dma_wait3A_2051 = tpu.memref_slice %arg10[%dma_wait3A_2040, %dma_wait3A_2049, %dma_wait3A_2050] : memref<2x64x128xf32, #tpu.memory_space<vmem>> -> memref<1x8x128xf32, #tpu.memory_space<vmem>>
      %dma_wait3A_2052 = tpu.memref_squeeze %dma_wait3A_2051 : memref<1x8x128xf32, #tpu.memory_space<vmem>> -> memref<8x128xf32, #tpu.memory_space<vmem>>
      %dma_wait3A_2053 = arith.constant 0 : i32
      %dma_wait3A_2054 = arith.constant 0 : i32
      %dma_wait3A_2055 = tpu.memref_slice %arg2[%add3A_2039, %arg0, %dma_wait3A_2053, %dma_wait3A_2054] : memref<16384x2x8x128xf32, #tpu.memory_space<hbm>> -> memref<1x1x8x128xf32, #tpu.memory_space<hbm>>
      %dma_wait3A_2056 = tpu.memref_squeeze %dma_wait3A_2055 : memref<1x1x8x128xf32, #tpu.memory_space<hbm>> -> memref<8x128xf32, #tpu.memory_space<hbm>>
      tpu.wait_dma2 semaphore(%arg22 : memref<!tpu.dma_semaphore, #tpu.memory_space<semaphore_mem>>) src(%dma_wait3A_2056 : memref<8x128xf32, #tpu.memory_space<hbm>>) dst(%dma_wait3A_2052 : memref<8x128xf32, #tpu.memory_space<vmem>>)
      %add3A_2057 = arith.constant 1 : i32
      %add3A_2058 = arith.addi %add3A_1999, %add3A_2057 : i32
      %dma_wait3A_2059 = arith.constant 1 : i32
      %dma_wait3A_2060 = arith.constant 8 : i32
      %dma_wait3A_2061 = arith.constant 0 : i32
      %dma_wait3A_2062 = tpu.memref_slice %arg11[%dma_wait3A_2059, %dma_wait3A_2060, %dma_wait3A_2061] : memref<2x64x128xf32, #tpu.memory_space<vmem>> -> memref<1x8x128xf32, #tpu.memory_space<vmem>>
      %dma_wait3A_2063 = tpu.memref_squeeze %dma_wait3A_2062 : memref<1x8x128xf32, #tpu.memory_space<vmem>> -> memref<8x128xf32, #tpu.memory_space<vmem>>
      %dma_wait3A_2064 = arith.constant 0 : i32
      %dma_wait3A_2065 = arith.constant 0 : i32
      %dma_wait3A_2066 = tpu.memref_slice %arg3[%add3A_2058, %arg0, %dma_wait3A_2064, %dma_wait3A_2065] : memref<16384x2x8x128xf32, #tpu.memory_space<hbm>> -> memref<1x1x8x128xf32, #tpu.memory_space<hbm>>
      %dma_wait3A_2067 = tpu.memref_squeeze %dma_wait3A_2066 : memref<1x1x8x128xf32, #tpu.memory_space<hbm>> -> memref<8x128xf32, #tpu.memory_space<hbm>>
      %dma_wait3A_2068 = arith.constant 8 : i32
      %dma_wait3A_2069 = arith.constant 0 : i32
      %dma_wait3A_2070 = tpu.memref_slice %arg11[%dma_wait3A_2059, %dma_wait3A_2068, %dma_wait3A_2069] : memref<2x64x128xf32, #tpu.memory_space<vmem>> -> memref<1x8x128xf32, #tpu.memory_space<vmem>>
      %dma_wait3A_2071 = tpu.memref_squeeze %dma_wait3A_2070 : memref<1x8x128xf32, #tpu.memory_space<vmem>> -> memref<8x128xf32, #tpu.memory_space<vmem>>
      %dma_wait3A_2072 = arith.constant 0 : i32
      %dma_wait3A_2073 = arith.constant 0 : i32
      %dma_wait3A_2074 = tpu.memref_slice %arg3[%add3A_2058, %arg0, %dma_wait3A_2072, %dma_wait3A_2073] : memref<16384x2x8x128xf32, #tpu.memory_space<hbm>> -> memref<1x1x8x128xf32, #tpu.memory_space<hbm>>
      %dma_wait3A_2075 = tpu.memref_squeeze %dma_wait3A_2074 : memref<1x1x8x128xf32, #tpu.memory_space<hbm>> -> memref<8x128xf32, #tpu.memory_space<hbm>>
      tpu.wait_dma2 semaphore(%arg22 : memref<!tpu.dma_semaphore, #tpu.memory_space<semaphore_mem>>) src(%dma_wait3A_2075 : memref<8x128xf32, #tpu.memory_space<hbm>>) dst(%dma_wait3A_2071 : memref<8x128xf32, #tpu.memory_space<vmem>>)
      %add3A_2076 = arith.constant 2 : i32
      %add3A_2077 = arith.addi %add3A_1999, %add3A_2076 : i32
      %dma_wait3A_2078 = arith.constant 1 : i32
      %dma_wait3A_2079 = arith.constant 16 : i32
      %dma_wait3A_2080 = arith.constant 0 : i32
      %dma_wait3A_2081 = tpu.memref_slice %arg10[%dma_wait3A_2078, %dma_wait3A_2079, %dma_wait3A_2080] : memref<2x64x128xf32, #tpu.memory_space<vmem>> -> memref<1x8x128xf32, #tpu.memory_space<vmem>>
      %dma_wait3A_2082 = tpu.memref_squeeze %dma_wait3A_2081 : memref<1x8x128xf32, #tpu.memory_space<vmem>> -> memref<8x128xf32, #tpu.memory_space<vmem>>
      %dma_wait3A_2083 = arith.constant 0 : i32
      %dma_wait3A_2084 = arith.constant 0 : i32
      %dma_wait3A_2085 = tpu.memref_slice %arg2[%add3A_2077, %arg0, %dma_wait3A_2083, %dma_wait3A_2084] : memref<16384x2x8x128xf32, #tpu.memory_space<hbm>> -> memref<1x1x8x128xf32, #tpu.memory_space<hbm>>
      %dma_wait3A_2086 = tpu.memref_squeeze %dma_wait3A_2085 : memref<1x1x8x128xf32, #tpu.memory_space<hbm>> -> memref<8x128xf32, #tpu.memory_space<hbm>>
      %dma_wait3A_2087 = arith.constant 16 : i32
      %dma_wait3A_2088 = arith.constant 0 : i32
      %dma_wait3A_2089 = tpu.memref_slice %arg10[%dma_wait3A_2078, %dma_wait3A_2087, %dma_wait3A_2088] : memref<2x64x128xf32, #tpu.memory_space<vmem>> -> memref<1x8x128xf32, #tpu.memory_space<vmem>>
      %dma_wait3A_2090 = tpu.memref_squeeze %dma_wait3A_2089 : memref<1x8x128xf32, #tpu.memory_space<vmem>> -> memref<8x128xf32, #tpu.memory_space<vmem>>
      %dma_wait3A_2091 = arith.constant 0 : i32
      %dma_wait3A_2092 = arith.constant 0 : i32
      %dma_wait3A_2093 = tpu.memref_slice %arg2[%add3A_2077, %arg0, %dma_wait3A_2091, %dma_wait3A_2092] : memref<16384x2x8x128xf32, #tpu.memory_space<hbm>> -> memref<1x1x8x128xf32, #tpu.memory_space<hbm>>
      %dma_wait3A_2094 = tpu.memref_squeeze %dma_wait3A_2093 : memref<1x1x8x128xf32, #tpu.memory_space<hbm>> -> memref<8x128xf32, #tpu.memory_space<hbm>>
      tpu.wait_dma2 semaphore(%arg22 : memref<!tpu.dma_semaphore, #tpu.memory_space<semaphore_mem>>) src(%dma_wait3A_2094 : memref<8x128xf32, #tpu.memory_space<hbm>>) dst(%dma_wait3A_2090 : memref<8x128xf32, #tpu.memory_space<vmem>>)
      %add3A_2095 = arith.constant 2 : i32
      %add3A_2096 = arith.addi %add3A_1999, %add3A_2095 : i32
      %dma_wait3A_2097 = arith.constant 1 : i32
      %dma_wait3A_2098 = arith.constant 16 : i32
      %dma_wait3A_2099 = arith.constant 0 : i32
      %dma_wait3A_2100 = tpu.memref_slice %arg11[%dma_wait3A_2097, %dma_wait3A_2098, %dma_wait3A_2099] : memref<2x64x128xf32, #tpu.memory_space<vmem>> -> memref<1x8x128xf32, #tpu.memory_space<vmem>>
      %dma_wait3A_2101 = tpu.memref_squeeze %dma_wait3A_2100 : memref<1x8x128xf32, #tpu.memory_space<vmem>> -> memref<8x128xf32, #tpu.memory_space<vmem>>
      %dma_wait3A_2102 = arith.constant 0 : i32
      %dma_wait3A_2103 = arith.constant 0 : i32
      %dma_wait3A_2104 = tpu.memref_slice %arg3[%add3A_2096, %arg0, %dma_wait3A_2102, %dma_wait3A_2103] : memref<16384x2x8x128xf32, #tpu.memory_space<hbm>> -> memref<1x1x8x128xf32, #tpu.memory_space<hbm>>
      %dma_wait3A_2105 = tpu.memref_squeeze %dma_wait3A_2104 : memref<1x1x8x128xf32, #tpu.memory_space<hbm>> -> memref<8x128xf32, #tpu.memory_space<hbm>>
      %dma_wait3A_2106 = arith.constant 16 : i32
      %dma_wait3A_2107 = arith.constant 0 : i32
      %dma_wait3A_2108 = tpu.memref_slice %arg11[%dma_wait3A_2097, %dma_wait3A_2106, %dma_wait3A_2107] : memref<2x64x128xf32, #tpu.memory_space<vmem>> -> memref<1x8x128xf32, #tpu.memory_space<vmem>>
      %dma_wait3A_2109 = tpu.memref_squeeze %dma_wait3A_2108 : memref<1x8x128xf32, #tpu.memory_space<vmem>> -> memref<8x128xf32, #tpu.memory_space<vmem>>
      %dma_wait3A_2110 = arith.constant 0 : i32
      %dma_wait3A_2111 = arith.constant 0 : i32
      %dma_wait3A_2112 = tpu.memref_slice %arg3[%add3A_2096, %arg0, %dma_wait3A_2110, %dma_wait3A_2111] : memref<16384x2x8x128xf32, #tpu.memory_space<hbm>> -> memref<1x1x8x128xf32, #tpu.memory_space<hbm>>
      %dma_wait3A_2113 = tpu.memref_squeeze %dma_wait3A_2112 : memref<1x1x8x128xf32, #tpu.memory_space<hbm>> -> memref<8x128xf32, #tpu.memory_space<hbm>>
      tpu.wait_dma2 semaphore(%arg22 : memref<!tpu.dma_semaphore, #tpu.memory_space<semaphore_mem>>) src(%dma_wait3A_2113 : memref<8x128xf32, #tpu.memory_space<hbm>>) dst(%dma_wait3A_2109 : memref<8x128xf32, #tpu.memory_space<vmem>>)
      %add3A_2114 = arith.constant 3 : i32
      %add3A_2115 = arith.addi %add3A_1999, %add3A_2114 : i32
      %dma_wait3A_2116 = arith.constant 1 : i32
      %dma_wait3A_2117 = arith.constant 24 : i32
      %dma_wait3A_2118 = arith.constant 0 : i32
      %dma_wait3A_2119 = tpu.memref_slice %arg10[%dma_wait3A_2116, %dma_wait3A_2117, %dma_wait3A_2118] : memref<2x64x128xf32, #tpu.memory_space<vmem>> -> memref<1x8x128xf32, #tpu.memory_space<vmem>>
      %dma_wait3A_2120 = tpu.memref_squeeze %dma_wait3A_2119 : memref<1x8x128xf32, #tpu.memory_space<vmem>> -> memref<8x128xf32, #tpu.memory_space<vmem>>
      %dma_wait3A_2121 = arith.constant 0 : i32
      %dma_wait3A_2122 = arith.constant 0 : i32
      %dma_wait3A_2123 = tpu.memref_slice %arg2[%add3A_2115, %arg0, %dma_wait3A_2121, %dma_wait3A_2122] : memref<16384x2x8x128xf32, #tpu.memory_space<hbm>> -> memref<1x1x8x128xf32, #tpu.memory_space<hbm>>
      %dma_wait3A_2124 = tpu.memref_squeeze %dma_wait3A_2123 : memref<1x1x8x128xf32, #tpu.memory_space<hbm>> -> memref<8x128xf32, #tpu.memory_space<hbm>>
      %dma_wait3A_2125 = arith.constant 24 : i32
      %dma_wait3A_2126 = arith.constant 0 : i32
      %dma_wait3A_2127 = tpu.memref_slice %arg10[%dma_wait3A_2116, %dma_wait3A_2125, %dma_wait3A_2126] : memref<2x64x128xf32, #tpu.memory_space<vmem>> -> memref<1x8x128xf32, #tpu.memory_space<vmem>>
      %dma_wait3A_2128 = tpu.memref_squeeze %dma_wait3A_2127 : memref<1x8x128xf32, #tpu.memory_space<vmem>> -> memref<8x128xf32, #tpu.memory_space<vmem>>
      %dma_wait3A_2129 = arith.constant 0 : i32
      %dma_wait3A_2130 = arith.constant 0 : i32
      %dma_wait3A_2131 = tpu.memref_slice %arg2[%add3A_2115, %arg0, %dma_wait3A_2129, %dma_wait3A_2130] : memref<16384x2x8x128xf32, #tpu.memory_space<hbm>> -> memref<1x1x8x128xf32, #tpu.memory_space<hbm>>
      %dma_wait3A_2132 = tpu.memref_squeeze %dma_wait3A_2131 : memref<1x1x8x128xf32, #tpu.memory_space<hbm>> -> memref<8x128xf32, #tpu.memory_space<hbm>>
      tpu.wait_dma2 semaphore(%arg22 : memref<!tpu.dma_semaphore, #tpu.memory_space<semaphore_mem>>) src(%dma_wait3A_2132 : memref<8x128xf32, #tpu.memory_space<hbm>>) dst(%dma_wait3A_2128 : memref<8x128xf32, #tpu.memory_space<vmem>>)
      %add3A_2133 = arith.constant 3 : i32
      %add3A_2134 = arith.addi %add3A_1999, %add3A_2133 : i32
      %dma_wait3A_2135 = arith.constant 1 : i32
      %dma_wait3A_2136 = arith.constant 24 : i32
      %dma_wait3A_2137 = arith.constant 0 : i32
      %dma_wait3A_2138 = tpu.memref_slice %arg11[%dma_wait3A_2135, %dma_wait3A_2136, %dma_wait3A_2137] : memref<2x64x128xf32, #tpu.memory_space<vmem>> -> memref<1x8x128xf32, #tpu.memory_space<vmem>>
      %dma_wait3A_2139 = tpu.memref_squeeze %dma_wait3A_2138 : memref<1x8x128xf32, #tpu.memory_space<vmem>> -> memref<8x128xf32, #tpu.memory_space<vmem>>
      %dma_wait3A_2140 = arith.constant 0 : i32
      %dma_wait3A_2141 = arith.constant 0 : i32
      %dma_wait3A_2142 = tpu.memref_slice %arg3[%add3A_2134, %arg0, %dma_wait3A_2140, %dma_wait3A_2141] : memref<16384x2x8x128xf32, #tpu.memory_space<hbm>> -> memref<1x1x8x128xf32, #tpu.memory_space<hbm>>
      %dma_wait3A_2143 = tpu.memref_squeeze %dma_wait3A_2142 : memref<1x1x8x128xf32, #tpu.memory_space<hbm>> -> memref<8x128xf32, #tpu.memory_space<hbm>>
      %dma_wait3A_2144 = arith.constant 24 : i32
      %dma_wait3A_2145 = arith.constant 0 : i32
      %dma_wait3A_2146 = tpu.memref_slice %arg11[%dma_wait3A_2135, %dma_wait3A_2144, %dma_wait3A_2145] : memref<2x64x128xf32, #tpu.memory_space<vmem>> -> memref<1x8x128xf32, #tpu.memory_space<vmem>>
      %dma_wait3A_2147 = tpu.memref_squeeze %dma_wait3A_2146 : memref<1x8x128xf32, #tpu.memory_space<vmem>> -> memref<8x128xf32, #tpu.memory_space<vmem>>
      %dma_wait3A_2148 = arith.constant 0 : i32
      %dma_wait3A_2149 = arith.constant 0 : i32
      %dma_wait3A_2150 = tpu.memref_slice %arg3[%add3A_2134, %arg0, %dma_wait3A_2148, %dma_wait3A_2149] : memref<16384x2x8x128xf32, #tpu.memory_space<hbm>> -> memref<1x1x8x128xf32, #tpu.memory_space<hbm>>
      %dma_wait3A_2151 = tpu.memref_squeeze %dma_wait3A_2150 : memref<1x1x8x128xf32, #tpu.memory_space<hbm>> -> memref<8x128xf32, #tpu.memory_space<hbm>>
      tpu.wait_dma2 semaphore(%arg22 : memref<!tpu.dma_semaphore, #tpu.memory_space<semaphore_mem>>) src(%dma_wait3A_2151 : memref<8x128xf32, #tpu.memory_space<hbm>>) dst(%dma_wait3A_2147 : memref<8x128xf32, #tpu.memory_space<vmem>>)
      %add3A_2152 = arith.constant 4 : i32
      %add3A_2153 = arith.addi %add3A_1999, %add3A_2152 : i32
      %dma_wait3A_2154 = arith.constant 1 : i32
      %dma_wait3A_2155 = arith.constant 32 : i32
      %dma_wait3A_2156 = arith.constant 0 : i32
      %dma_wait3A_2157 = tpu.memref_slice %arg10[%dma_wait3A_2154, %dma_wait3A_2155, %dma_wait3A_2156] : memref<2x64x128xf32, #tpu.memory_space<vmem>> -> memref<1x8x128xf32, #tpu.memory_space<vmem>>
      %dma_wait3A_2158 = tpu.memref_squeeze %dma_wait3A_2157 : memref<1x8x128xf32, #tpu.memory_space<vmem>> -> memref<8x128xf32, #tpu.memory_space<vmem>>
      %dma_wait3A_2159 = arith.constant 0 : i32
      %dma_wait3A_2160 = arith.constant 0 : i32
      %dma_wait3A_2161 = tpu.memref_slice %arg2[%add3A_2153, %arg0, %dma_wait3A_2159, %dma_wait3A_2160] : memref<16384x2x8x128xf32, #tpu.memory_space<hbm>> -> memref<1x1x8x128xf32, #tpu.memory_space<hbm>>
      %dma_wait3A_2162 = tpu.memref_squeeze %dma_wait3A_2161 : memref<1x1x8x128xf32, #tpu.memory_space<hbm>> -> memref<8x128xf32, #tpu.memory_space<hbm>>
      %dma_wait3A_2163 = arith.constant 32 : i32
      %dma_wait3A_2164 = arith.constant 0 : i32
      %dma_wait3A_2165 = tpu.memref_slice %arg10[%dma_wait3A_2154, %dma_wait3A_2163, %dma_wait3A_2164] : memref<2x64x128xf32, #tpu.memory_space<vmem>> -> memref<1x8x128xf32, #tpu.memory_space<vmem>>
      %dma_wait3A_2166 = tpu.memref_squeeze %dma_wait3A_2165 : memref<1x8x128xf32, #tpu.memory_space<vmem>> -> memref<8x128xf32, #tpu.memory_space<vmem>>
      %dma_wait3A_2167 = arith.constant 0 : i32
      %dma_wait3A_2168 = arith.constant 0 : i32
      %dma_wait3A_2169 = tpu.memref_slice %arg2[%add3A_2153, %arg0, %dma_wait3A_2167, %dma_wait3A_2168] : memref<16384x2x8x128xf32, #tpu.memory_space<hbm>> -> memref<1x1x8x128xf32, #tpu.memory_space<hbm>>
      %dma_wait3A_2170 = tpu.memref_squeeze %dma_wait3A_2169 : memref<1x1x8x128xf32, #tpu.memory_space<hbm>> -> memref<8x128xf32, #tpu.memory_space<hbm>>
      tpu.wait_dma2 semaphore(%arg22 : memref<!tpu.dma_semaphore, #tpu.memory_space<semaphore_mem>>) src(%dma_wait3A_2170 : memref<8x128xf32, #tpu.memory_space<hbm>>) dst(%dma_wait3A_2166 : memref<8x128xf32, #tpu.memory_space<vmem>>)
      %add3A_2171 = arith.constant 4 : i32
      %add3A_2172 = arith.addi %add3A_1999, %add3A_2171 : i32
      %dma_wait3A_2173 = arith.constant 1 : i32
      %dma_wait3A_2174 = arith.constant 32 : i32
      %dma_wait3A_2175 = arith.constant 0 : i32
      %dma_wait3A_2176 = tpu.memref_slice %arg11[%dma_wait3A_2173, %dma_wait3A_2174, %dma_wait3A_2175] : memref<2x64x128xf32, #tpu.memory_space<vmem>> -> memref<1x8x128xf32, #tpu.memory_space<vmem>>
      %dma_wait3A_2177 = tpu.memref_squeeze %dma_wait3A_2176 : memref<1x8x128xf32, #tpu.memory_space<vmem>> -> memref<8x128xf32, #tpu.memory_space<vmem>>
      %dma_wait3A_2178 = arith.constant 0 : i32
      %dma_wait3A_2179 = arith.constant 0 : i32
      %dma_wait3A_2180 = tpu.memref_slice %arg3[%add3A_2172, %arg0, %dma_wait3A_2178, %dma_wait3A_2179] : memref<16384x2x8x128xf32, #tpu.memory_space<hbm>> -> memref<1x1x8x128xf32, #tpu.memory_space<hbm>>
      %dma_wait3A_2181 = tpu.memref_squeeze %dma_wait3A_2180 : memref<1x1x8x128xf32, #tpu.memory_space<hbm>> -> memref<8x128xf32, #tpu.memory_space<hbm>>
      %dma_wait3A_2182 = arith.constant 32 : i32
      %dma_wait3A_2183 = arith.constant 0 : i32
      %dma_wait3A_2184 = tpu.memref_slice %arg11[%dma_wait3A_2173, %dma_wait3A_2182, %dma_wait3A_2183] : memref<2x64x128xf32, #tpu.memory_space<vmem>> -> memref<1x8x128xf32, #tpu.memory_space<vmem>>
      %dma_wait3A_2185 = tpu.memref_squeeze %dma_wait3A_2184 : memref<1x8x128xf32, #tpu.memory_space<vmem>> -> memref<8x128xf32, #tpu.memory_space<vmem>>
      %dma_wait3A_2186 = arith.constant 0 : i32
      %dma_wait3A_2187 = arith.constant 0 : i32
      %dma_wait3A_2188 = tpu.memref_slice %arg3[%add3A_2172, %arg0, %dma_wait3A_2186, %dma_wait3A_2187] : memref<16384x2x8x128xf32, #tpu.memory_space<hbm>> -> memref<1x1x8x128xf32, #tpu.memory_space<hbm>>
      %dma_wait3A_2189 = tpu.memref_squeeze %dma_wait3A_2188 : memref<1x1x8x128xf32, #tpu.memory_space<hbm>> -> memref<8x128xf32, #tpu.memory_space<hbm>>
      tpu.wait_dma2 semaphore(%arg22 : memref<!tpu.dma_semaphore, #tpu.memory_space<semaphore_mem>>) src(%dma_wait3A_2189 : memref<8x128xf32, #tpu.memory_space<hbm>>) dst(%dma_wait3A_2185 : memref<8x128xf32, #tpu.memory_space<vmem>>)
      %add3A_2190 = arith.constant 5 : i32
      %add3A_2191 = arith.addi %add3A_1999, %add3A_2190 : i32
      %dma_wait3A_2192 = arith.constant 1 : i32
      %dma_wait3A_2193 = arith.constant 40 : i32
      %dma_wait3A_2194 = arith.constant 0 : i32
      %dma_wait3A_2195 = tpu.memref_slice %arg10[%dma_wait3A_2192, %dma_wait3A_2193, %dma_wait3A_2194] : memref<2x64x128xf32, #tpu.memory_space<vmem>> -> memref<1x8x128xf32, #tpu.memory_space<vmem>>
      %dma_wait3A_2196 = tpu.memref_squeeze %dma_wait3A_2195 : memref<1x8x128xf32, #tpu.memory_space<vmem>> -> memref<8x128xf32, #tpu.memory_space<vmem>>
      %dma_wait3A_2197 = arith.constant 0 : i32
      %dma_wait3A_2198 = arith.constant 0 : i32
      %dma_wait3A_2199 = tpu.memref_slice %arg2[%add3A_2191, %arg0, %dma_wait3A_2197, %dma_wait3A_2198] : memref<16384x2x8x128xf32, #tpu.memory_space<hbm>> -> memref<1x1x8x128xf32, #tpu.memory_space<hbm>>
      %dma_wait3A_2200 = tpu.memref_squeeze %dma_wait3A_2199 : memref<1x1x8x128xf32, #tpu.memory_space<hbm>> -> memref<8x128xf32, #tpu.memory_space<hbm>>
      %dma_wait3A_2201 = arith.constant 40 : i32
      %dma_wait3A_2202 = arith.constant 0 : i32
      %dma_wait3A_2203 = tpu.memref_slice %arg10[%dma_wait3A_2192, %dma_wait3A_2201, %dma_wait3A_2202] : memref<2x64x128xf32, #tpu.memory_space<vmem>> -> memref<1x8x128xf32, #tpu.memory_space<vmem>>
      %dma_wait3A_2204 = tpu.memref_squeeze %dma_wait3A_2203 : memref<1x8x128xf32, #tpu.memory_space<vmem>> -> memref<8x128xf32, #tpu.memory_space<vmem>>
      %dma_wait3A_2205 = arith.constant 0 : i32
      %dma_wait3A_2206 = arith.constant 0 : i32
      %dma_wait3A_2207 = tpu.memref_slice %arg2[%add3A_2191, %arg0, %dma_wait3A_2205, %dma_wait3A_2206] : memref<16384x2x8x128xf32, #tpu.memory_space<hbm>> -> memref<1x1x8x128xf32, #tpu.memory_space<hbm>>
      %dma_wait3A_2208 = tpu.memref_squeeze %dma_wait3A_2207 : memref<1x1x8x128xf32, #tpu.memory_space<hbm>> -> memref<8x128xf32, #tpu.memory_space<hbm>>
      tpu.wait_dma2 semaphore(%arg22 : memref<!tpu.dma_semaphore, #tpu.memory_space<semaphore_mem>>) src(%dma_wait3A_2208 : memref<8x128xf32, #tpu.memory_space<hbm>>) dst(%dma_wait3A_2204 : memref<8x128xf32, #tpu.memory_space<vmem>>)
      %add3A_2209 = arith.constant 5 : i32
      %add3A_2210 = arith.addi %add3A_1999, %add3A_2209 : i32
      %dma_wait3A_2211 = arith.constant 1 : i32
      %dma_wait3A_2212 = arith.constant 40 : i32
      %dma_wait3A_2213 = arith.constant 0 : i32
      %dma_wait3A_2214 = tpu.memref_slice %arg11[%dma_wait3A_2211, %dma_wait3A_2212, %dma_wait3A_2213] : memref<2x64x128xf32, #tpu.memory_space<vmem>> -> memref<1x8x128xf32, #tpu.memory_space<vmem>>
      %dma_wait3A_2215 = tpu.memref_squeeze %dma_wait3A_2214 : memref<1x8x128xf32, #tpu.memory_space<vmem>> -> memref<8x128xf32, #tpu.memory_space<vmem>>
      %dma_wait3A_2216 = arith.constant 0 : i32
      %dma_wait3A_2217 = arith.constant 0 : i32
      %dma_wait3A_2218 = tpu.memref_slice %arg3[%add3A_2210, %arg0, %dma_wait3A_2216, %dma_wait3A_2217] : memref<16384x2x8x128xf32, #tpu.memory_space<hbm>> -> memref<1x1x8x128xf32, #tpu.memory_space<hbm>>
      %dma_wait3A_2219 = tpu.memref_squeeze %dma_wait3A_2218 : memref<1x1x8x128xf32, #tpu.memory_space<hbm>> -> memref<8x128xf32, #tpu.memory_space<hbm>>
      %dma_wait3A_2220 = arith.constant 40 : i32
      %dma_wait3A_2221 = arith.constant 0 : i32
      %dma_wait3A_2222 = tpu.memref_slice %arg11[%dma_wait3A_2211, %dma_wait3A_2220, %dma_wait3A_2221] : memref<2x64x128xf32, #tpu.memory_space<vmem>> -> memref<1x8x128xf32, #tpu.memory_space<vmem>>
      %dma_wait3A_2223 = tpu.memref_squeeze %dma_wait3A_2222 : memref<1x8x128xf32, #tpu.memory_space<vmem>> -> memref<8x128xf32, #tpu.memory_space<vmem>>
      %dma_wait3A_2224 = arith.constant 0 : i32
      %dma_wait3A_2225 = arith.constant 0 : i32
      %dma_wait3A_2226 = tpu.memref_slice %arg3[%add3A_2210, %arg0, %dma_wait3A_2224, %dma_wait3A_2225] : memref<16384x2x8x128xf32, #tpu.memory_space<hbm>> -> memref<1x1x8x128xf32, #tpu.memory_space<hbm>>
      %dma_wait3A_2227 = tpu.memref_squeeze %dma_wait3A_2226 : memref<1x1x8x128xf32, #tpu.memory_space<hbm>> -> memref<8x128xf32, #tpu.memory_space<hbm>>
      tpu.wait_dma2 semaphore(%arg22 : memref<!tpu.dma_semaphore, #tpu.memory_space<semaphore_mem>>) src(%dma_wait3A_2227 : memref<8x128xf32, #tpu.memory_space<hbm>>) dst(%dma_wait3A_2223 : memref<8x128xf32, #tpu.memory_space<vmem>>)
      %add3A_2228 = arith.constant 6 : i32
      %add3A_2229 = arith.addi %add3A_1999, %add3A_2228 : i32
      %dma_wait3A_2230 = arith.constant 1 : i32
      %dma_wait3A_2231 = arith.constant 48 : i32
      %dma_wait3A_2232 = arith.constant 0 : i32
      %dma_wait3A_2233 = tpu.memref_slice %arg10[%dma_wait3A_2230, %dma_wait3A_2231, %dma_wait3A_2232] : memref<2x64x128xf32, #tpu.memory_space<vmem>> -> memref<1x8x128xf32, #tpu.memory_space<vmem>>
      %dma_wait3A_2234 = tpu.memref_squeeze %dma_wait3A_2233 : memref<1x8x128xf32, #tpu.memory_space<vmem>> -> memref<8x128xf32, #tpu.memory_space<vmem>>
      %dma_wait3A_2235 = arith.constant 0 : i32
      %dma_wait3A_2236 = arith.constant 0 : i32
      %dma_wait3A_2237 = tpu.memref_slice %arg2[%add3A_2229, %arg0, %dma_wait3A_2235, %dma_wait3A_2236] : memref<16384x2x8x128xf32, #tpu.memory_space<hbm>> -> memref<1x1x8x128xf32, #tpu.memory_space<hbm>>
      %dma_wait3A_2238 = tpu.memref_squeeze %dma_wait3A_2237 : memref<1x1x8x128xf32, #tpu.memory_space<hbm>> -> memref<8x128xf32, #tpu.memory_space<hbm>>
      %dma_wait3A_2239 = arith.constant 48 : i32
      %dma_wait3A_2240 = arith.constant 0 : i32
      %dma_wait3A_2241 = tpu.memref_slice %arg10[%dma_wait3A_2230, %dma_wait3A_2239, %dma_wait3A_2240] : memref<2x64x128xf32, #tpu.memory_space<vmem>> -> memref<1x8x128xf32, #tpu.memory_space<vmem>>
      %dma_wait3A_2242 = tpu.memref_squeeze %dma_wait3A_2241 : memref<1x8x128xf32, #tpu.memory_space<vmem>> -> memref<8x128xf32, #tpu.memory_space<vmem>>
      %dma_wait3A_2243 = arith.constant 0 : i32
      %dma_wait3A_2244 = arith.constant 0 : i32
      %dma_wait3A_2245 = tpu.memref_slice %arg2[%add3A_2229, %arg0, %dma_wait3A_2243, %dma_wait3A_2244] : memref<16384x2x8x128xf32, #tpu.memory_space<hbm>> -> memref<1x1x8x128xf32, #tpu.memory_space<hbm>>
      %dma_wait3A_2246 = tpu.memref_squeeze %dma_wait3A_2245 : memref<1x1x8x128xf32, #tpu.memory_space<hbm>> -> memref<8x128xf32, #tpu.memory_space<hbm>>
      tpu.wait_dma2 semaphore(%arg22 : memref<!tpu.dma_semaphore, #tpu.memory_space<semaphore_mem>>) src(%dma_wait3A_2246 : memref<8x128xf32, #tpu.memory_space<hbm>>) dst(%dma_wait3A_2242 : memref<8x128xf32, #tpu.memory_space<vmem>>)
      %add3A_2247 = arith.constant 6 : i32
      %add3A_2248 = arith.addi %add3A_1999, %add3A_2247 : i32
      %dma_wait3A_2249 = arith.constant 1 : i32
      %dma_wait3A_2250 = arith.constant 48 : i32
      %dma_wait3A_2251 = arith.constant 0 : i32
      %dma_wait3A_2252 = tpu.memref_slice %arg11[%dma_wait3A_2249, %dma_wait3A_2250, %dma_wait3A_2251] : memref<2x64x128xf32, #tpu.memory_space<vmem>> -> memref<1x8x128xf32, #tpu.memory_space<vmem>>
      %dma_wait3A_2253 = tpu.memref_squeeze %dma_wait3A_2252 : memref<1x8x128xf32, #tpu.memory_space<vmem>> -> memref<8x128xf32, #tpu.memory_space<vmem>>
      %dma_wait3A_2254 = arith.constant 0 : i32
      %dma_wait3A_2255 = arith.constant 0 : i32
      %dma_wait3A_2256 = tpu.memref_slice %arg3[%add3A_2248, %arg0, %dma_wait3A_2254, %dma_wait3A_2255] : memref<16384x2x8x128xf32, #tpu.memory_space<hbm>> -> memref<1x1x8x128xf32, #tpu.memory_space<hbm>>
      %dma_wait3A_2257 = tpu.memref_squeeze %dma_wait3A_2256 : memref<1x1x8x128xf32, #tpu.memory_space<hbm>> -> memref<8x128xf32, #tpu.memory_space<hbm>>
      %dma_wait3A_2258 = arith.constant 48 : i32
      %dma_wait3A_2259 = arith.constant 0 : i32
      %dma_wait3A_2260 = tpu.memref_slice %arg11[%dma_wait3A_2249, %dma_wait3A_2258, %dma_wait3A_2259] : memref<2x64x128xf32, #tpu.memory_space<vmem>> -> memref<1x8x128xf32, #tpu.memory_space<vmem>>
      %dma_wait3A_2261 = tpu.memref_squeeze %dma_wait3A_2260 : memref<1x8x128xf32, #tpu.memory_space<vmem>> -> memref<8x128xf32, #tpu.memory_space<vmem>>
      %dma_wait3A_2262 = arith.constant 0 : i32
      %dma_wait3A_2263 = arith.constant 0 : i32
      %dma_wait3A_2264 = tpu.memref_slice %arg3[%add3A_2248, %arg0, %dma_wait3A_2262, %dma_wait3A_2263] : memref<16384x2x8x128xf32, #tpu.memory_space<hbm>> -> memref<1x1x8x128xf32, #tpu.memory_space<hbm>>
      %dma_wait3A_2265 = tpu.memref_squeeze %dma_wait3A_2264 : memref<1x1x8x128xf32, #tpu.memory_space<hbm>> -> memref<8x128xf32, #tpu.memory_space<hbm>>
      tpu.wait_dma2 semaphore(%arg22 : memref<!tpu.dma_semaphore, #tpu.memory_space<semaphore_mem>>) src(%dma_wait3A_2265 : memref<8x128xf32, #tpu.memory_space<hbm>>) dst(%dma_wait3A_2261 : memref<8x128xf32, #tpu.memory_space<vmem>>)
      %add3A_2266 = arith.constant 7 : i32
      %add3A_2267 = arith.addi %add3A_1999, %add3A_2266 : i32
      %dma_wait3A_2268 = arith.constant 1 : i32
      %dma_wait3A_2269 = arith.constant 56 : i32
      %dma_wait3A_2270 = arith.constant 0 : i32
      %dma_wait3A_2271 = tpu.memref_slice %arg10[%dma_wait3A_2268, %dma_wait3A_2269, %dma_wait3A_2270] : memref<2x64x128xf32, #tpu.memory_space<vmem>> -> memref<1x8x128xf32, #tpu.memory_space<vmem>>
      %dma_wait3A_2272 = tpu.memref_squeeze %dma_wait3A_2271 : memref<1x8x128xf32, #tpu.memory_space<vmem>> -> memref<8x128xf32, #tpu.memory_space<vmem>>
      %dma_wait3A_2273 = arith.constant 0 : i32
      %dma_wait3A_2274 = arith.constant 0 : i32
      %dma_wait3A_2275 = tpu.memref_slice %arg2[%add3A_2267, %arg0, %dma_wait3A_2273, %dma_wait3A_2274] : memref<16384x2x8x128xf32, #tpu.memory_space<hbm>> -> memref<1x1x8x128xf32, #tpu.memory_space<hbm>>
      %dma_wait3A_2276 = tpu.memref_squeeze %dma_wait3A_2275 : memref<1x1x8x128xf32, #tpu.memory_space<hbm>> -> memref<8x128xf32, #tpu.memory_space<hbm>>
      %dma_wait3A_2277 = arith.constant 56 : i32
      %dma_wait3A_2278 = arith.constant 0 : i32
      %dma_wait3A_2279 = tpu.memref_slice %arg10[%dma_wait3A_2268, %dma_wait3A_2277, %dma_wait3A_2278] : memref<2x64x128xf32, #tpu.memory_space<vmem>> -> memref<1x8x128xf32, #tpu.memory_space<vmem>>
      %dma_wait3A_2280 = tpu.memref_squeeze %dma_wait3A_2279 : memref<1x8x128xf32, #tpu.memory_space<vmem>> -> memref<8x128xf32, #tpu.memory_space<vmem>>
      %dma_wait3A_2281 = arith.constant 0 : i32
      %dma_wait3A_2282 = arith.constant 0 : i32
      %dma_wait3A_2283 = tpu.memref_slice %arg2[%add3A_2267, %arg0, %dma_wait3A_2281, %dma_wait3A_2282] : memref<16384x2x8x128xf32, #tpu.memory_space<hbm>> -> memref<1x1x8x128xf32, #tpu.memory_space<hbm>>
      %dma_wait3A_2284 = tpu.memref_squeeze %dma_wait3A_2283 : memref<1x1x8x128xf32, #tpu.memory_space<hbm>> -> memref<8x128xf32, #tpu.memory_space<hbm>>
      tpu.wait_dma2 semaphore(%arg22 : memref<!tpu.dma_semaphore, #tpu.memory_space<semaphore_mem>>) src(%dma_wait3A_2284 : memref<8x128xf32, #tpu.memory_space<hbm>>) dst(%dma_wait3A_2280 : memref<8x128xf32, #tpu.memory_space<vmem>>)
      %add3A_2285 = arith.constant 7 : i32
      %add3A_2286 = arith.addi %add3A_1999, %add3A_2285 : i32
      %dma_wait3A_2287 = arith.constant 1 : i32
      %dma_wait3A_2288 = arith.constant 56 : i32
      %dma_wait3A_2289 = arith.constant 0 : i32
      %dma_wait3A_2290 = tpu.memref_slice %arg11[%dma_wait3A_2287, %dma_wait3A_2288, %dma_wait3A_2289] : memref<2x64x128xf32, #tpu.memory_space<vmem>> -> memref<1x8x128xf32, #tpu.memory_space<vmem>>
      %dma_wait3A_2291 = tpu.memref_squeeze %dma_wait3A_2290 : memref<1x8x128xf32, #tpu.memory_space<vmem>> -> memref<8x128xf32, #tpu.memory_space<vmem>>
      %dma_wait3A_2292 = arith.constant 0 : i32
      %dma_wait3A_2293 = arith.constant 0 : i32
      %dma_wait3A_2294 = tpu.memref_slice %arg3[%add3A_2286, %arg0, %dma_wait3A_2292, %dma_wait3A_2293] : memref<16384x2x8x128xf32, #tpu.memory_space<hbm>> -> memref<1x1x8x128xf32, #tpu.memory_space<hbm>>
      %dma_wait3A_2295 = tpu.memref_squeeze %dma_wait3A_2294 : memref<1x1x8x128xf32, #tpu.memory_space<hbm>> -> memref<8x128xf32, #tpu.memory_space<hbm>>
      %dma_wait3A_2296 = arith.constant 56 : i32
      %dma_wait3A_2297 = arith.constant 0 : i32
      %dma_wait3A_2298 = tpu.memref_slice %arg11[%dma_wait3A_2287, %dma_wait3A_2296, %dma_wait3A_2297] : memref<2x64x128xf32, #tpu.memory_space<vmem>> -> memref<1x8x128xf32, #tpu.memory_space<vmem>>
      %dma_wait3A_2299 = tpu.memref_squeeze %dma_wait3A_2298 : memref<1x8x128xf32, #tpu.memory_space<vmem>> -> memref<8x128xf32, #tpu.memory_space<vmem>>
      %dma_wait3A_2300 = arith.constant 0 : i32
      %dma_wait3A_2301 = arith.constant 0 : i32
      %dma_wait3A_2302 = tpu.memref_slice %arg3[%add3A_2286, %arg0, %dma_wait3A_2300, %dma_wait3A_2301] : memref<16384x2x8x128xf32, #tpu.memory_space<hbm>> -> memref<1x1x8x128xf32, #tpu.memory_space<hbm>>
      %dma_wait3A_2303 = tpu.memref_squeeze %dma_wait3A_2302 : memref<1x1x8x128xf32, #tpu.memory_space<hbm>> -> memref<8x128xf32, #tpu.memory_space<hbm>>
      tpu.wait_dma2 semaphore(%arg22 : memref<!tpu.dma_semaphore, #tpu.memory_space<semaphore_mem>>) src(%dma_wait3A_2303 : memref<8x128xf32, #tpu.memory_space<hbm>>) dst(%dma_wait3A_2299 : memref<8x128xf32, #tpu.memory_space<vmem>>)
      %dma_wait3A_2304 = tpu.memref_slice %arg4[%add3A_1972] : memref<131072xi32, #tpu.memory_space<hbm>> -> memref<64xi32, #tpu.memory_space<hbm>>
      %dma_wait3A_2305 = tpu.memref_slice %arg4[%add3A_1972] : memref<131072xi32, #tpu.memory_space<hbm>> -> memref<64xi32, #tpu.memory_space<hbm>>
      tpu.wait_dma2 semaphore(%arg22 : memref<!tpu.dma_semaphore, #tpu.memory_space<semaphore_mem>>) src(%dma_wait3A_2305 : memref<64xi32, #tpu.memory_space<hbm>>) dst(%arg13 : memref<64xi32, #tpu.memory_space<vmem>>)
      %dma_wait3A_2306 = tpu.memref_slice %arg5[%add3A_1972] : memref<131072xi32, #tpu.memory_space<hbm>> -> memref<64xi32, #tpu.memory_space<hbm>>
      %dma_wait3A_2307 = tpu.memref_slice %arg5[%add3A_1972] : memref<131072xi32, #tpu.memory_space<hbm>> -> memref<64xi32, #tpu.memory_space<hbm>>
      tpu.wait_dma2 semaphore(%arg22 : memref<!tpu.dma_semaphore, #tpu.memory_space<semaphore_mem>>) src(%dma_wait3A_2307 : memref<64xi32, #tpu.memory_space<hbm>>) dst(%arg15 : memref<64xi32, #tpu.memory_space<vmem>>)
      %get3A_2308 = arith.constant 0 : i32
      %get3A_2309 = arith.index_cast %get3A_2308 : i32 to index
      %get3A_2310 = arith.constant 0 : index
      %get3A_2311 = tpu.vector_load %arg18[%get3A_2309, %get3A_2310] {strides = array<i32>} : memref<2x16xi32, #tpu.memory_space<vmem>>, vector<16xi32>,
      %get3A_2312 = arith.constant 1 : i32
      %get3A_2313 = arith.index_cast %get3A_2312 : i32 to index
      %get3A_2314 = arith.constant 0 : index
      %get3A_2315 = tpu.vector_load %arg18[%get3A_2313, %get3A_2314] {strides = array<i32>} : memref<2x16xi32, #tpu.memory_space<vmem>>, vector<16xi32>,
      %get3A_2316 = arith.constant 0 : index
      %get3A_2317 = tpu.vector_load %arg13[%get3A_2316] {strides = array<i32>} : memref<64xi32, #tpu.memory_space<vmem>>, vector<16xi32>,
      %get3A_2318 = arith.constant 0 : index
      %get3A_2319 = tpu.vector_load %arg15[%get3A_2318] {strides = array<i32>} : memref<64xi32, #tpu.memory_space<vmem>>, vector<16xi32>,
      %mul3A_2320 = arith.constant 512 : i32
      %mul3A_2321 = vector.broadcast %mul3A_2320 : i32 to vector<16xi32>
      %mul3A_2322 = arith.muli %get3A_2319, %mul3A_2321 : vector<16xi32>
      %add3A_2323 = arith.addi %get3A_2317, %mul3A_2322 : vector<16xi32>
      %swap3A_2324 = arith.constant 0 : index
      %swap3A_2325 = tpu.vector_load %arg17[%swap3A_2324] {strides = array<i32>} : memref<64xi32, #tpu.memory_space<vmem>>, vector<16xi32>,
      tpu.vector_store %arg17[%swap3A_2324], %add3A_2323 {strides = array<i32>} : memref<64xi32, #tpu.memory_space<vmem>>, vector<16xi32>,
      %mul3A_2326 = arith.constant 1024 : i32
      %mul3A_2327 = vector.broadcast %mul3A_2326 : i32 to vector<16xi32>
      %mul3A_2328 = arith.muli %get3A_2319, %mul3A_2327 : vector<16xi32>
      %add3A_2329 = arith.addi %mul3A_2328, %get3A_2317 : vector<16xi32>
      %max3A_2330 = arith.maxsi %get3A_2311, %add3A_2329 : vector<16xi32>
      %max3A_2331 = arith.maxsi %get3A_2315, %get3A_2317 : vector<16xi32>
      %get3A_2332 = arith.constant 16 : index
      %get3A_2333 = tpu.vector_load %arg13[%get3A_2332] {strides = array<i32>} : memref<64xi32, #tpu.memory_space<vmem>>, vector<16xi32>,
      %get3A_2334 = arith.constant 16 : index
      %get3A_2335 = tpu.vector_load %arg15[%get3A_2334] {strides = array<i32>} : memref<64xi32, #tpu.memory_space<vmem>>, vector<16xi32>,
      %mul3A_2336 = arith.constant 512 : i32
      %mul3A_2337 = vector.broadcast %mul3A_2336 : i32 to vector<16xi32>
      %mul3A_2338 = arith.muli %get3A_2335, %mul3A_2337 : vector<16xi32>
      %add3A_2339 = arith.addi %get3A_2333, %mul3A_2338 : vector<16xi32>
      %swap3A_2340 = arith.constant 16 : index
      %swap3A_2341 = tpu.vector_load %arg17[%swap3A_2340] {strides = array<i32>} : memref<64xi32, #tpu.memory_space<vmem>>, vector<16xi32>,
      tpu.vector_store %arg17[%swap3A_2340], %add3A_2339 {strides = array<i32>} : memref<64xi32, #tpu.memory_space<vmem>>, vector<16xi32>,
      %mul3A_2342 = arith.constant 1024 : i32
      %mul3A_2343 = vector.broadcast %mul3A_2342 : i32 to vector<16xi32>
      %mul3A_2344 = arith.muli %get3A_2335, %mul3A_2343 : vector<16xi32>
      %add3A_2345 = arith.addi %mul3A_2344, %get3A_2333 : vector<16xi32>
      %max3A_2346 = arith.maxsi %max3A_2330, %add3A_2345 : vector<16xi32>
      %max3A_2347 = arith.maxsi %max3A_2331, %get3A_2333 : vector<16xi32>
      %get3A_2348 = arith.constant 32 : index
      %get3A_2349 = tpu.vector_load %arg13[%get3A_2348] {strides = array<i32>} : memref<64xi32, #tpu.memory_space<vmem>>, vector<16xi32>,
      %get3A_2350 = arith.constant 32 : index
      %get3A_2351 = tpu.vector_load %arg15[%get3A_2350] {strides = array<i32>} : memref<64xi32, #tpu.memory_space<vmem>>, vector<16xi32>,
      %mul3A_2352 = arith.constant 512 : i32
      %mul3A_2353 = vector.broadcast %mul3A_2352 : i32 to vector<16xi32>
      %mul3A_2354 = arith.muli %get3A_2351, %mul3A_2353 : vector<16xi32>
      %add3A_2355 = arith.addi %get3A_2349, %mul3A_2354 : vector<16xi32>
      %swap3A_2356 = arith.constant 32 : index
      %swap3A_2357 = tpu.vector_load %arg17[%swap3A_2356] {strides = array<i32>} : memref<64xi32, #tpu.memory_space<vmem>>, vector<16xi32>,
      tpu.vector_store %arg17[%swap3A_2356], %add3A_2355 {strides = array<i32>} : memref<64xi32, #tpu.memory_space<vmem>>, vector<16xi32>,
      %mul3A_2358 = arith.constant 1024 : i32
      %mul3A_2359 = vector.broadcast %mul3A_2358 : i32 to vector<16xi32>
      %mul3A_2360 = arith.muli %get3A_2351, %mul3A_2359 : vector<16xi32>
      %add3A_2361 = arith.addi %mul3A_2360, %get3A_2349 : vector<16xi32>
      %max3A_2362 = arith.maxsi %max3A_2346, %add3A_2361 : vector<16xi32>
      %max3A_2363 = arith.maxsi %max3A_2347, %get3A_2349 : vector<16xi32>
      %get3A_2364 = arith.constant 48 : index
      %get3A_2365 = tpu.vector_load %arg13[%get3A_2364] {strides = array<i32>} : memref<64xi32, #tpu.memory_space<vmem>>, vector<16xi32>,
      %get3A_2366 = arith.constant 48 : index
      %get3A_2367 = tpu.vector_load %arg15[%get3A_2366] {strides = array<i32>} : memref<64xi32, #tpu.memory_space<vmem>>, vector<16xi32>,
      %mul3A_2368 = arith.constant 512 : i32
      %mul3A_2369 = vector.broadcast %mul3A_2368 : i32 to vector<16xi32>
      %mul3A_2370 = arith.muli %get3A_2367, %mul3A_2369 : vector<16xi32>
      %add3A_2371 = arith.addi %get3A_2365, %mul3A_2370 : vector<16xi32>
      %swap3A_2372 = arith.constant 48 : index
      %swap3A_2373 = tpu.vector_load %arg17[%swap3A_2372] {strides = array<i32>} : memref<64xi32, #tpu.memory_space<vmem>>, vector<16xi32>,
      tpu.vector_store %arg17[%swap3A_2372], %add3A_2371 {strides = array<i32>} : memref<64xi32, #tpu.memory_space<vmem>>, vector<16xi32>,
      %mul3A_2374 = arith.constant 1024 : i32
      %mul3A_2375 = vector.broadcast %mul3A_2374 : i32 to vector<16xi32>
      %mul3A_2376 = arith.muli %get3A_2367, %mul3A_2375 : vector<16xi32>
      %add3A_2377 = arith.addi %mul3A_2376, %get3A_2365 : vector<16xi32>
      %max3A_2378 = arith.maxsi %max3A_2362, %add3A_2377 : vector<16xi32>
      %max3A_2379 = arith.maxsi %max3A_2363, %get3A_2365 : vector<16xi32>
      %swap3A_2380 = arith.constant 0 : i32
      %swap3A_2381 = arith.index_cast %swap3A_2380 : i32 to index
      %swap3A_2382 = arith.constant 0 : index
      %swap3A_2383 = tpu.vector_load %arg18[%swap3A_2381, %swap3A_2382] {strides = array<i32>} : memref<2x16xi32, #tpu.memory_space<vmem>>, vector<16xi32>,
      tpu.vector_store %arg18[%swap3A_2381, %swap3A_2382], %max3A_2378 {strides = array<i32>} : memref<2x16xi32, #tpu.memory_space<vmem>>, vector<16xi32>,
      %swap3A_2384 = arith.constant 1 : i32
      %swap3A_2385 = arith.index_cast %swap3A_2384 : i32 to index
      %swap3A_2386 = arith.constant 0 : index
      %swap3A_2387 = tpu.vector_load %arg18[%swap3A_2385, %swap3A_2386] {strides = array<i32>} : memref<2x16xi32, #tpu.memory_space<vmem>>, vector<16xi32>,
      tpu.vector_store %arg18[%swap3A_2385, %swap3A_2386], %max3A_2379 {strides = array<i32>} : memref<2x16xi32, #tpu.memory_space<vmem>>, vector<16xi32>,
      %dma_start3A_2388 = arith.constant 1 : i32
      %dma_start3A_2389 = arith.constant 0 : i32
      %dma_start3A_2390 = arith.constant 0 : i32
      %dma_start3A_2391 = tpu.memref_slice %arg10[%dma_start3A_2388, %dma_start3A_2389, %dma_start3A_2390] : memref<2x64x128xf32, #tpu.memory_space<vmem>> -> memref<1x64x128xf32, #tpu.memory_space<vmem>>
      %dma_start3A_2392 = tpu.memref_squeeze %dma_start3A_2391 : memref<1x64x128xf32, #tpu.memory_space<vmem>> -> memref<64x128xf32, #tpu.memory_space<vmem>>
      %dma_start3A_2393 = arith.constant 0 : i32
      %dma_start3A_2394 = arith.constant 0 : i32
      %dma_start3A_2395 = tpu.memref_slice %arg19[%dma_start3A_2393, %dma_start3A_2394] : memref<2048x128xf32, #tpu.memory_space<vmem_shared>> -> memref<2048x128xf32, #tpu.memory_space<vmem_shared>>
      tpu.enqueue_indirect_dma source(%dma_start3A_2392 : memref<64x128xf32, #tpu.memory_space<vmem>>) target(%dma_start3A_2395 : memref<2048x128xf32, #tpu.memory_space<vmem_shared>>) offsets(%arg17 : memref<64xi32, #tpu.memory_space<vmem>>) semaphore(%arg24 : memref<!tpu.dma_semaphore, #tpu.memory_space<semaphore_mem>>) {add = true}
      %dma_start3A_2396 = arith.constant 1 : i32
      %dma_start3A_2397 = arith.constant 0 : i32
      %dma_start3A_2398 = arith.constant 0 : i32
      %dma_start3A_2399 = tpu.memref_slice %arg11[%dma_start3A_2396, %dma_start3A_2397, %dma_start3A_2398] : memref<2x64x128xf32, #tpu.memory_space<vmem>> -> memref<1x64x128xf32, #tpu.memory_space<vmem>>
      %dma_start3A_2400 = tpu.memref_squeeze %dma_start3A_2399 : memref<1x64x128xf32, #tpu.memory_space<vmem>> -> memref<64x128xf32, #tpu.memory_space<vmem>>
      %dma_start3A_2401 = arith.constant 0 : i32
      %dma_start3A_2402 = arith.constant 0 : i32
      %dma_start3A_2403 = tpu.memref_slice %arg20[%dma_start3A_2401, %dma_start3A_2402] : memref<2048x128xf32, #tpu.memory_space<vmem_shared>> -> memref<2048x128xf32, #tpu.memory_space<vmem_shared>>
      tpu.enqueue_indirect_dma source(%dma_start3A_2400 : memref<64x128xf32, #tpu.memory_space<vmem>>) target(%dma_start3A_2403 : memref<2048x128xf32, #tpu.memory_space<vmem_shared>>) offsets(%arg17 : memref<64xi32, #tpu.memory_space<vmem>>) semaphore(%arg24 : memref<!tpu.dma_semaphore, #tpu.memory_space<semaphore_mem>>) {add = true}
      %dma_wait3A_2404 = arith.constant 1 : i32
      %dma_wait3A_2405 = arith.constant 0 : i32
      %dma_wait3A_2406 = arith.constant 0 : i32
      %dma_wait3A_2407 = tpu.memref_slice %arg10[%dma_wait3A_2404, %dma_wait3A_2405, %dma_wait3A_2406] : memref<2x64x128xf32, #tpu.memory_space<vmem>> -> memref<1x64x128xf32, #tpu.memory_space<vmem>>
      %dma_wait3A_2408 = tpu.memref_squeeze %dma_wait3A_2407 : memref<1x64x128xf32, #tpu.memory_space<vmem>> -> memref<64x128xf32, #tpu.memory_space<vmem>>
      %dma_wait3A_2409 = arith.constant 0 : i32
      %dma_wait3A_2410 = arith.constant 0 : i32
      %dma_wait3A_2411 = tpu.memref_slice %arg19[%dma_wait3A_2409, %dma_wait3A_2410] : memref<2048x128xf32, #tpu.memory_space<vmem_shared>> -> memref<2048x128xf32, #tpu.memory_space<vmem_shared>>
      tpu.wait_indirect_dma semaphore(%arg24 : memref<!tpu.dma_semaphore, #tpu.memory_space<semaphore_mem>>) src(%dma_wait3A_2408 : memref<64x128xf32, #tpu.memory_space<vmem>>) dst(%dma_wait3A_2411 : memref<2048x128xf32, #tpu.memory_space<vmem_shared>>)
      %dma_wait3A_2412 = arith.constant 1 : i32
      %dma_wait3A_2413 = arith.constant 0 : i32
      %dma_wait3A_2414 = arith.constant 0 : i32
      %dma_wait3A_2415 = tpu.memref_slice %arg11[%dma_wait3A_2412, %dma_wait3A_2413, %dma_wait3A_2414] : memref<2x64x128xf32, #tpu.memory_space<vmem>> -> memref<1x64x128xf32, #tpu.memory_space<vmem>>
      %dma_wait3A_2416 = tpu.memref_squeeze %dma_wait3A_2415 : memref<1x64x128xf32, #tpu.memory_space<vmem>> -> memref<64x128xf32, #tpu.memory_space<vmem>>
      %dma_wait3A_2417 = arith.constant 0 : i32
      %dma_wait3A_2418 = arith.constant 0 : i32
      %dma_wait3A_2419 = tpu.memref_slice %arg20[%dma_wait3A_2417, %dma_wait3A_2418] : memref<2048x128xf32, #tpu.memory_space<vmem_shared>> -> memref<2048x128xf32, #tpu.memory_space<vmem_shared>>
      tpu.wait_indirect_dma semaphore(%arg24 : memref<!tpu.dma_semaphore, #tpu.memory_space<semaphore_mem>>) src(%dma_wait3A_2416 : memref<64x128xf32, #tpu.memory_space<vmem>>) dst(%dma_wait3A_2419 : memref<2048x128xf32, #tpu.memory_space<vmem_shared>>)
      %add3A_2420 = arith.constant 2 : i32
      %add3A_2421 = arith.addi %add3A_1966, %add3A_2420 : i32
      %lt3A_2422 = arith.constant 128 : i32
      %lt3A_2423 = arith.cmpi slt, %add3A_2421, %lt3A_2422 : i32
      %convert_element_type3A_2424 = arith.extui %lt3A_2423 : i1 to i32
      %cond3A_2425 = arith.constant 0 : i32
      %cond3A_2426 = arith.cmpi ne, %convert_element_type3A_2424, %cond3A_2425 : i32
      scf.if %cond3A_2426 {
        %add3A_2427 = arith.constant 2 : i32
        %add3A_2428 = arith.addi %add3A_1966, %add3A_2427 : i32
        %mul3A_2429 = arith.constant 64 : i32
        %mul3A_2430 = arith.muli %add3A_2428, %mul3A_2429 : i32
        %add3A_2431 = arith.addi %mul3A_0, %mul3A_2430 : i32
        %jit3A_2432 = arith.constant 8 : i32
        %div3A_2433 = arith.divsi %mul3A_0, %jit3A_2432 : i32
        %sign3A_2434 = arith.constant 0 : i32
        %sign3A_2435 = arith.cmpi sgt, %mul3A_0, %sign3A_2434 : i32
        %sign3A_2436 = arith.extui %sign3A_2435 : i1 to i32
        %sign3A_2437 = arith.constant 0 : i32
        %sign3A_2438 = arith.cmpi slt, %mul3A_0, %sign3A_2437 : i32
        %sign3A_2439 = arith.extui %sign3A_2438 : i1 to i32
        %sign3A_2440 = arith.subi %sign3A_2436, %sign3A_2439 : i32
        %sign3A_2441 = arith.constant 0 : i32
        %sign3A_2442 = arith.cmpi sgt, %jit3A_2432, %sign3A_2441 : i32
        %sign3A_2443 = arith.extui %sign3A_2442 : i1 to i32
        %sign3A_2444 = arith.constant 0 : i32
        %sign3A_2445 = arith.cmpi slt, %jit3A_2432, %sign3A_2444 : i32
        %sign3A_2446 = arith.extui %sign3A_2445 : i1 to i32
        %sign3A_2447 = arith.subi %sign3A_2443, %sign3A_2446 : i32
        %ne3A_2448 = arith.cmpi ne, %sign3A_2440, %sign3A_2447 : i32
        %rem3A_2449 = arith.remsi %mul3A_0, %jit3A_2432 : i32
        %ne3A_2450 = arith.constant 0 : i32
        %ne3A_2451 = arith.cmpi ne, %rem3A_2449, %ne3A_2450 : i32
        %and3A_2452 = arith.andi %ne3A_2448, %ne3A_2451 : i1
        %sub3A_2453 = arith.constant 1 : i32
        %sub3A_2454 = arith.subi %div3A_2433, %sub3A_2453 : i32
        %select_n3A_2455 = arith.select %and3A_2452, %sub3A_2454, %div3A_2433 : i32
        %mul3A_2456 = arith.constant 8 : i32
        %mul3A_2457 = arith.muli %add3A_2428, %mul3A_2456 : i32
        %add3A_2458 = arith.addi %select_n3A_2455, %mul3A_2457 : i32
        %add3A_2459 = arith.constant 0 : i32
        %add3A_2460 = arith.addi %add3A_2458, %add3A_2459 : i32
        %dma_start3A_2461 = arith.constant 1 : i32
        %dma_start3A_2462 = arith.constant 0 : i32
        %dma_start3A_2463 = arith.constant 0 : i32
        %dma_start3A_2464 = tpu.memref_slice %arg10[%dma_start3A_2461, %dma_start3A_2462, %dma_start3A_2463] : memref<2x64x128xf32, #tpu.memory_space<vmem>> -> memref<1x8x128xf32, #tpu.memory_space<vmem>>
        %dma_start3A_2465 = tpu.memref_squeeze %dma_start3A_2464 : memref<1x8x128xf32, #tpu.memory_space<vmem>> -> memref<8x128xf32, #tpu.memory_space<vmem>>
        %dma_start3A_2466 = arith.constant 0 : i32
        %dma_start3A_2467 = arith.constant 0 : i32
        %dma_start3A_2468 = tpu.memref_slice %arg2[%add3A_2460, %arg0, %dma_start3A_2466, %dma_start3A_2467] : memref<16384x2x8x128xf32, #tpu.memory_space<hbm>> -> memref<1x1x8x128xf32, #tpu.memory_space<hbm>>
        %dma_start3A_2469 = tpu.memref_squeeze %dma_start3A_2468 : memref<1x1x8x128xf32, #tpu.memory_space<hbm>> -> memref<8x128xf32, #tpu.memory_space<hbm>>
        %dma_start3A_2470 = arith.constant 0 : i32
        %dma_start3A_2471 = arith.constant 0 : i32
        %dma_start3A_2472 = tpu.memref_slice %arg10[%dma_start3A_2461, %dma_start3A_2470, %dma_start3A_2471] : memref<2x64x128xf32, #tpu.memory_space<vmem>> -> memref<1x8x128xf32, #tpu.memory_space<vmem>>
        %dma_start3A_2473 = tpu.memref_squeeze %dma_start3A_2472 : memref<1x8x128xf32, #tpu.memory_space<vmem>> -> memref<8x128xf32, #tpu.memory_space<vmem>>
        %dma_start3A_2474 = arith.constant 0 : i32
        %dma_start3A_2475 = arith.constant 0 : i32
        %dma_start3A_2476 = tpu.memref_slice %arg2[%add3A_2460, %arg0, %dma_start3A_2474, %dma_start3A_2475] : memref<16384x2x8x128xf32, #tpu.memory_space<hbm>> -> memref<1x1x8x128xf32, #tpu.memory_space<hbm>>
        %dma_start3A_2477 = tpu.memref_squeeze %dma_start3A_2476 : memref<1x1x8x128xf32, #tpu.memory_space<hbm>> -> memref<8x128xf32, #tpu.memory_space<hbm>>
        tpu.enqueue_dma source(%dma_start3A_2477 : memref<8x128xf32, #tpu.memory_space<hbm>>) target(%dma_start3A_2473 : memref<8x128xf32, #tpu.memory_space<vmem>>) target_semaphore(%arg22 : memref<!tpu.dma_semaphore, #tpu.memory_space<semaphore_mem>>)
        %add3A_2478 = arith.constant 0 : i32
        %add3A_2479 = arith.addi %add3A_2458, %add3A_2478 : i32
        %dma_start3A_2480 = arith.constant 1 : i32
        %dma_start3A_2481 = arith.constant 0 : i32
        %dma_start3A_2482 = arith.constant 0 : i32
        %dma_start3A_2483 = tpu.memref_slice %arg11[%dma_start3A_2480, %dma_start3A_2481, %dma_start3A_2482] : memref<2x64x128xf32, #tpu.memory_space<vmem>> -> memref<1x8x128xf32, #tpu.memory_space<vmem>>
        %dma_start3A_2484 = tpu.memref_squeeze %dma_start3A_2483 : memref<1x8x128xf32, #tpu.memory_space<vmem>> -> memref<8x128xf32, #tpu.memory_space<vmem>>
        %dma_start3A_2485 = arith.constant 0 : i32
        %dma_start3A_2486 = arith.constant 0 : i32
        %dma_start3A_2487 = tpu.memref_slice %arg3[%add3A_2479, %arg0, %dma_start3A_2485, %dma_start3A_2486] : memref<16384x2x8x128xf32, #tpu.memory_space<hbm>> -> memref<1x1x8x128xf32, #tpu.memory_space<hbm>>
        %dma_start3A_2488 = tpu.memref_squeeze %dma_start3A_2487 : memref<1x1x8x128xf32, #tpu.memory_space<hbm>> -> memref<8x128xf32, #tpu.memory_space<hbm>>
        %dma_start3A_2489 = arith.constant 0 : i32
        %dma_start3A_2490 = arith.constant 0 : i32
        %dma_start3A_2491 = tpu.memref_slice %arg11[%dma_start3A_2480, %dma_start3A_2489, %dma_start3A_2490] : memref<2x64x128xf32, #tpu.memory_space<vmem>> -> memref<1x8x128xf32, #tpu.memory_space<vmem>>
        %dma_start3A_2492 = tpu.memref_squeeze %dma_start3A_2491 : memref<1x8x128xf32, #tpu.memory_space<vmem>> -> memref<8x128xf32, #tpu.memory_space<vmem>>
        %dma_start3A_2493 = arith.constant 0 : i32
        %dma_start3A_2494 = arith.constant 0 : i32
        %dma_start3A_2495 = tpu.memref_slice %arg3[%add3A_2479, %arg0, %dma_start3A_2493, %dma_start3A_2494] : memref<16384x2x8x128xf32, #tpu.memory_space<hbm>> -> memref<1x1x8x128xf32, #tpu.memory_space<hbm>>
        %dma_start3A_2496 = tpu.memref_squeeze %dma_start3A_2495 : memref<1x1x8x128xf32, #tpu.memory_space<hbm>> -> memref<8x128xf32, #tpu.memory_space<hbm>>
        tpu.enqueue_dma source(%dma_start3A_2496 : memref<8x128xf32, #tpu.memory_space<hbm>>) target(%dma_start3A_2492 : memref<8x128xf32, #tpu.memory_space<vmem>>) target_semaphore(%arg22 : memref<!tpu.dma_semaphore, #tpu.memory_space<semaphore_mem>>)
        %add3A_2497 = arith.constant 1 : i32
        %add3A_2498 = arith.addi %add3A_2458, %add3A_2497 : i32
        %dma_start3A_2499 = arith.constant 1 : i32
        %dma_start3A_2500 = arith.constant 8 : i32
        %dma_start3A_2501 = arith.constant 0 : i32
        %dma_start3A_2502 = tpu.memref_slice %arg10[%dma_start3A_2499, %dma_start3A_2500, %dma_start3A_2501] : memref<2x64x128xf32, #tpu.memory_space<vmem>> -> memref<1x8x128xf32, #tpu.memory_space<vmem>>
        %dma_start3A_2503 = tpu.memref_squeeze %dma_start3A_2502 : memref<1x8x128xf32, #tpu.memory_space<vmem>> -> memref<8x128xf32, #tpu.memory_space<vmem>>
        %dma_start3A_2504 = arith.constant 0 : i32
        %dma_start3A_2505 = arith.constant 0 : i32
        %dma_start3A_2506 = tpu.memref_slice %arg2[%add3A_2498, %arg0, %dma_start3A_2504, %dma_start3A_2505] : memref<16384x2x8x128xf32, #tpu.memory_space<hbm>> -> memref<1x1x8x128xf32, #tpu.memory_space<hbm>>
        %dma_start3A_2507 = tpu.memref_squeeze %dma_start3A_2506 : memref<1x1x8x128xf32, #tpu.memory_space<hbm>> -> memref<8x128xf32, #tpu.memory_space<hbm>>
        %dma_start3A_2508 = arith.constant 8 : i32
        %dma_start3A_2509 = arith.constant 0 : i32
        %dma_start3A_2510 = tpu.memref_slice %arg10[%dma_start3A_2499, %dma_start3A_2508, %dma_start3A_2509] : memref<2x64x128xf32, #tpu.memory_space<vmem>> -> memref<1x8x128xf32, #tpu.memory_space<vmem>>
        %dma_start3A_2511 = tpu.memref_squeeze %dma_start3A_2510 : memref<1x8x128xf32, #tpu.memory_space<vmem>> -> memref<8x128xf32, #tpu.memory_space<vmem>>
        %dma_start3A_2512 = arith.constant 0 : i32
        %dma_start3A_2513 = arith.constant 0 : i32
        %dma_start3A_2514 = tpu.memref_slice %arg2[%add3A_2498, %arg0, %dma_start3A_2512, %dma_start3A_2513] : memref<16384x2x8x128xf32, #tpu.memory_space<hbm>> -> memref<1x1x8x128xf32, #tpu.memory_space<hbm>>
        %dma_start3A_2515 = tpu.memref_squeeze %dma_start3A_2514 : memref<1x1x8x128xf32, #tpu.memory_space<hbm>> -> memref<8x128xf32, #tpu.memory_space<hbm>>
        tpu.enqueue_dma source(%dma_start3A_2515 : memref<8x128xf32, #tpu.memory_space<hbm>>) target(%dma_start3A_2511 : memref<8x128xf32, #tpu.memory_space<vmem>>) target_semaphore(%arg22 : memref<!tpu.dma_semaphore, #tpu.memory_space<semaphore_mem>>)
        %add3A_2516 = arith.constant 1 : i32
        %add3A_2517 = arith.addi %add3A_2458, %add3A_2516 : i32
        %dma_start3A_2518 = arith.constant 1 : i32
        %dma_start3A_2519 = arith.constant 8 : i32
        %dma_start3A_2520 = arith.constant 0 : i32
        %dma_start3A_2521 = tpu.memref_slice %arg11[%dma_start3A_2518, %dma_start3A_2519, %dma_start3A_2520] : memref<2x64x128xf32, #tpu.memory_space<vmem>> -> memref<1x8x128xf32, #tpu.memory_space<vmem>>
        %dma_start3A_2522 = tpu.memref_squeeze %dma_start3A_2521 : memref<1x8x128xf32, #tpu.memory_space<vmem>> -> memref<8x128xf32, #tpu.memory_space<vmem>>
        %dma_start3A_2523 = arith.constant 0 : i32
        %dma_start3A_2524 = arith.constant 0 : i32
        %dma_start3A_2525 = tpu.memref_slice %arg3[%add3A_2517, %arg0, %dma_start3A_2523, %dma_start3A_2524] : memref<16384x2x8x128xf32, #tpu.memory_space<hbm>> -> memref<1x1x8x128xf32, #tpu.memory_space<hbm>>
        %dma_start3A_2526 = tpu.memref_squeeze %dma_start3A_2525 : memref<1x1x8x128xf32, #tpu.memory_space<hbm>> -> memref<8x128xf32, #tpu.memory_space<hbm>>
        %dma_start3A_2527 = arith.constant 8 : i32
        %dma_start3A_2528 = arith.constant 0 : i32
        %dma_start3A_2529 = tpu.memref_slice %arg11[%dma_start3A_2518, %dma_start3A_2527, %dma_start3A_2528] : memref<2x64x128xf32, #tpu.memory_space<vmem>> -> memref<1x8x128xf32, #tpu.memory_space<vmem>>
        %dma_start3A_2530 = tpu.memref_squeeze %dma_start3A_2529 : memref<1x8x128xf32, #tpu.memory_space<vmem>> -> memref<8x128xf32, #tpu.memory_space<vmem>>
        %dma_start3A_2531 = arith.constant 0 : i32
        %dma_start3A_2532 = arith.constant 0 : i32
        %dma_start3A_2533 = tpu.memref_slice %arg3[%add3A_2517, %arg0, %dma_start3A_2531, %dma_start3A_2532] : memref<16384x2x8x128xf32, #tpu.memory_space<hbm>> -> memref<1x1x8x128xf32, #tpu.memory_space<hbm>>
        %dma_start3A_2534 = tpu.memref_squeeze %dma_start3A_2533 : memref<1x1x8x128xf32, #tpu.memory_space<hbm>> -> memref<8x128xf32, #tpu.memory_space<hbm>>
        tpu.enqueue_dma source(%dma_start3A_2534 : memref<8x128xf32, #tpu.memory_space<hbm>>) target(%dma_start3A_2530 : memref<8x128xf32, #tpu.memory_space<vmem>>) target_semaphore(%arg22 : memref<!tpu.dma_semaphore, #tpu.memory_space<semaphore_mem>>)
        %add3A_2535 = arith.constant 2 : i32
        %add3A_2536 = arith.addi %add3A_2458, %add3A_2535 : i32
        %dma_start3A_2537 = arith.constant 1 : i32
        %dma_start3A_2538 = arith.constant 16 : i32
        %dma_start3A_2539 = arith.constant 0 : i32
        %dma_start3A_2540 = tpu.memref_slice %arg10[%dma_start3A_2537, %dma_start3A_2538, %dma_start3A_2539] : memref<2x64x128xf32, #tpu.memory_space<vmem>> -> memref<1x8x128xf32, #tpu.memory_space<vmem>>
        %dma_start3A_2541 = tpu.memref_squeeze %dma_start3A_2540 : memref<1x8x128xf32, #tpu.memory_space<vmem>> -> memref<8x128xf32, #tpu.memory_space<vmem>>
        %dma_start3A_2542 = arith.constant 0 : i32
        %dma_start3A_2543 = arith.constant 0 : i32
        %dma_start3A_2544 = tpu.memref_slice %arg2[%add3A_2536, %arg0, %dma_start3A_2542, %dma_start3A_2543] : memref<16384x2x8x128xf32, #tpu.memory_space<hbm>> -> memref<1x1x8x128xf32, #tpu.memory_space<hbm>>
        %dma_start3A_2545 = tpu.memref_squeeze %dma_start3A_2544 : memref<1x1x8x128xf32, #tpu.memory_space<hbm>> -> memref<8x128xf32, #tpu.memory_space<hbm>>
        %dma_start3A_2546 = arith.constant 16 : i32
        %dma_start3A_2547 = arith.constant 0 : i32
        %dma_start3A_2548 = tpu.memref_slice %arg10[%dma_start3A_2537, %dma_start3A_2546, %dma_start3A_2547] : memref<2x64x128xf32, #tpu.memory_space<vmem>> -> memref<1x8x128xf32, #tpu.memory_space<vmem>>
        %dma_start3A_2549 = tpu.memref_squeeze %dma_start3A_2548 : memref<1x8x128xf32, #tpu.memory_space<vmem>> -> memref<8x128xf32, #tpu.memory_space<vmem>>
        %dma_start3A_2550 = arith.constant 0 : i32
        %dma_start3A_2551 = arith.constant 0 : i32
        %dma_start3A_2552 = tpu.memref_slice %arg2[%add3A_2536, %arg0, %dma_start3A_2550, %dma_start3A_2551] : memref<16384x2x8x128xf32, #tpu.memory_space<hbm>> -> memref<1x1x8x128xf32, #tpu.memory_space<hbm>>
        %dma_start3A_2553 = tpu.memref_squeeze %dma_start3A_2552 : memref<1x1x8x128xf32, #tpu.memory_space<hbm>> -> memref<8x128xf32, #tpu.memory_space<hbm>>
        tpu.enqueue_dma source(%dma_start3A_2553 : memref<8x128xf32, #tpu.memory_space<hbm>>) target(%dma_start3A_2549 : memref<8x128xf32, #tpu.memory_space<vmem>>) target_semaphore(%arg22 : memref<!tpu.dma_semaphore, #tpu.memory_space<semaphore_mem>>)
        %add3A_2554 = arith.constant 2 : i32
        %add3A_2555 = arith.addi %add3A_2458, %add3A_2554 : i32
        %dma_start3A_2556 = arith.constant 1 : i32
        %dma_start3A_2557 = arith.constant 16 : i32
        %dma_start3A_2558 = arith.constant 0 : i32
        %dma_start3A_2559 = tpu.memref_slice %arg11[%dma_start3A_2556, %dma_start3A_2557, %dma_start3A_2558] : memref<2x64x128xf32, #tpu.memory_space<vmem>> -> memref<1x8x128xf32, #tpu.memory_space<vmem>>
        %dma_start3A_2560 = tpu.memref_squeeze %dma_start3A_2559 : memref<1x8x128xf32, #tpu.memory_space<vmem>> -> memref<8x128xf32, #tpu.memory_space<vmem>>
        %dma_start3A_2561 = arith.constant 0 : i32
        %dma_start3A_2562 = arith.constant 0 : i32
        %dma_start3A_2563 = tpu.memref_slice %arg3[%add3A_2555, %arg0, %dma_start3A_2561, %dma_start3A_2562] : memref<16384x2x8x128xf32, #tpu.memory_space<hbm>> -> memref<1x1x8x128xf32, #tpu.memory_space<hbm>>
        %dma_start3A_2564 = tpu.memref_squeeze %dma_start3A_2563 : memref<1x1x8x128xf32, #tpu.memory_space<hbm>> -> memref<8x128xf32, #tpu.memory_space<hbm>>
        %dma_start3A_2565 = arith.constant 16 : i32
        %dma_start3A_2566 = arith.constant 0 : i32
        %dma_start3A_2567 = tpu.memref_slice %arg11[%dma_start3A_2556, %dma_start3A_2565, %dma_start3A_2566] : memref<2x64x128xf32, #tpu.memory_space<vmem>> -> memref<1x8x128xf32, #tpu.memory_space<vmem>>
        %dma_start3A_2568 = tpu.memref_squeeze %dma_start3A_2567 : memref<1x8x128xf32, #tpu.memory_space<vmem>> -> memref<8x128xf32, #tpu.memory_space<vmem>>
        %dma_start3A_2569 = arith.constant 0 : i32
        %dma_start3A_2570 = arith.constant 0 : i32
        %dma_start3A_2571 = tpu.memref_slice %arg3[%add3A_2555, %arg0, %dma_start3A_2569, %dma_start3A_2570] : memref<16384x2x8x128xf32, #tpu.memory_space<hbm>> -> memref<1x1x8x128xf32, #tpu.memory_space<hbm>>
        %dma_start3A_2572 = tpu.memref_squeeze %dma_start3A_2571 : memref<1x1x8x128xf32, #tpu.memory_space<hbm>> -> memref<8x128xf32, #tpu.memory_space<hbm>>
        tpu.enqueue_dma source(%dma_start3A_2572 : memref<8x128xf32, #tpu.memory_space<hbm>>) target(%dma_start3A_2568 : memref<8x128xf32, #tpu.memory_space<vmem>>) target_semaphore(%arg22 : memref<!tpu.dma_semaphore, #tpu.memory_space<semaphore_mem>>)
        %add3A_2573 = arith.constant 3 : i32
        %add3A_2574 = arith.addi %add3A_2458, %add3A_2573 : i32
        %dma_start3A_2575 = arith.constant 1 : i32
        %dma_start3A_2576 = arith.constant 24 : i32
        %dma_start3A_2577 = arith.constant 0 : i32
        %dma_start3A_2578 = tpu.memref_slice %arg10[%dma_start3A_2575, %dma_start3A_2576, %dma_start3A_2577] : memref<2x64x128xf32, #tpu.memory_space<vmem>> -> memref<1x8x128xf32, #tpu.memory_space<vmem>>
        %dma_start3A_2579 = tpu.memref_squeeze %dma_start3A_2578 : memref<1x8x128xf32, #tpu.memory_space<vmem>> -> memref<8x128xf32, #tpu.memory_space<vmem>>
        %dma_start3A_2580 = arith.constant 0 : i32
        %dma_start3A_2581 = arith.constant 0 : i32
        %dma_start3A_2582 = tpu.memref_slice %arg2[%add3A_2574, %arg0, %dma_start3A_2580, %dma_start3A_2581] : memref<16384x2x8x128xf32, #tpu.memory_space<hbm>> -> memref<1x1x8x128xf32, #tpu.memory_space<hbm>>
        %dma_start3A_2583 = tpu.memref_squeeze %dma_start3A_2582 : memref<1x1x8x128xf32, #tpu.memory_space<hbm>> -> memref<8x128xf32, #tpu.memory_space<hbm>>
        %dma_start3A_2584 = arith.constant 24 : i32
        %dma_start3A_2585 = arith.constant 0 : i32
        %dma_start3A_2586 = tpu.memref_slice %arg10[%dma_start3A_2575, %dma_start3A_2584, %dma_start3A_2585] : memref<2x64x128xf32, #tpu.memory_space<vmem>> -> memref<1x8x128xf32, #tpu.memory_space<vmem>>
        %dma_start3A_2587 = tpu.memref_squeeze %dma_start3A_2586 : memref<1x8x128xf32, #tpu.memory_space<vmem>> -> memref<8x128xf32, #tpu.memory_space<vmem>>
        %dma_start3A_2588 = arith.constant 0 : i32
        %dma_start3A_2589 = arith.constant 0 : i32
        %dma_start3A_2590 = tpu.memref_slice %arg2[%add3A_2574, %arg0, %dma_start3A_2588, %dma_start3A_2589] : memref<16384x2x8x128xf32, #tpu.memory_space<hbm>> -> memref<1x1x8x128xf32, #tpu.memory_space<hbm>>
        %dma_start3A_2591 = tpu.memref_squeeze %dma_start3A_2590 : memref<1x1x8x128xf32, #tpu.memory_space<hbm>> -> memref<8x128xf32, #tpu.memory_space<hbm>>
        tpu.enqueue_dma source(%dma_start3A_2591 : memref<8x128xf32, #tpu.memory_space<hbm>>) target(%dma_start3A_2587 : memref<8x128xf32, #tpu.memory_space<vmem>>) target_semaphore(%arg22 : memref<!tpu.dma_semaphore, #tpu.memory_space<semaphore_mem>>)
        %add3A_2592 = arith.constant 3 : i32
        %add3A_2593 = arith.addi %add3A_2458, %add3A_2592 : i32
        %dma_start3A_2594 = arith.constant 1 : i32
        %dma_start3A_2595 = arith.constant 24 : i32
        %dma_start3A_2596 = arith.constant 0 : i32
        %dma_start3A_2597 = tpu.memref_slice %arg11[%dma_start3A_2594, %dma_start3A_2595, %dma_start3A_2596] : memref<2x64x128xf32, #tpu.memory_space<vmem>> -> memref<1x8x128xf32, #tpu.memory_space<vmem>>
        %dma_start3A_2598 = tpu.memref_squeeze %dma_start3A_2597 : memref<1x8x128xf32, #tpu.memory_space<vmem>> -> memref<8x128xf32, #tpu.memory_space<vmem>>
        %dma_start3A_2599 = arith.constant 0 : i32
        %dma_start3A_2600 = arith.constant 0 : i32
        %dma_start3A_2601 = tpu.memref_slice %arg3[%add3A_2593, %arg0, %dma_start3A_2599, %dma_start3A_2600] : memref<16384x2x8x128xf32, #tpu.memory_space<hbm>> -> memref<1x1x8x128xf32, #tpu.memory_space<hbm>>
        %dma_start3A_2602 = tpu.memref_squeeze %dma_start3A_2601 : memref<1x1x8x128xf32, #tpu.memory_space<hbm>> -> memref<8x128xf32, #tpu.memory_space<hbm>>
        %dma_start3A_2603 = arith.constant 24 : i32
        %dma_start3A_2604 = arith.constant 0 : i32
        %dma_start3A_2605 = tpu.memref_slice %arg11[%dma_start3A_2594, %dma_start3A_2603, %dma_start3A_2604] : memref<2x64x128xf32, #tpu.memory_space<vmem>> -> memref<1x8x128xf32, #tpu.memory_space<vmem>>
        %dma_start3A_2606 = tpu.memref_squeeze %dma_start3A_2605 : memref<1x8x128xf32, #tpu.memory_space<vmem>> -> memref<8x128xf32, #tpu.memory_space<vmem>>
        %dma_start3A_2607 = arith.constant 0 : i32
        %dma_start3A_2608 = arith.constant 0 : i32
        %dma_start3A_2609 = tpu.memref_slice %arg3[%add3A_2593, %arg0, %dma_start3A_2607, %dma_start3A_2608] : memref<16384x2x8x128xf32, #tpu.memory_space<hbm>> -> memref<1x1x8x128xf32, #tpu.memory_space<hbm>>
        %dma_start3A_2610 = tpu.memref_squeeze %dma_start3A_2609 : memref<1x1x8x128xf32, #tpu.memory_space<hbm>> -> memref<8x128xf32, #tpu.memory_space<hbm>>
        tpu.enqueue_dma source(%dma_start3A_2610 : memref<8x128xf32, #tpu.memory_space<hbm>>) target(%dma_start3A_2606 : memref<8x128xf32, #tpu.memory_space<vmem>>) target_semaphore(%arg22 : memref<!tpu.dma_semaphore, #tpu.memory_space<semaphore_mem>>)
        %add3A_2611 = arith.constant 4 : i32
        %add3A_2612 = arith.addi %add3A_2458, %add3A_2611 : i32
        %dma_start3A_2613 = arith.constant 1 : i32
        %dma_start3A_2614 = arith.constant 32 : i32
        %dma_start3A_2615 = arith.constant 0 : i32
        %dma_start3A_2616 = tpu.memref_slice %arg10[%dma_start3A_2613, %dma_start3A_2614, %dma_start3A_2615] : memref<2x64x128xf32, #tpu.memory_space<vmem>> -> memref<1x8x128xf32, #tpu.memory_space<vmem>>
        %dma_start3A_2617 = tpu.memref_squeeze %dma_start3A_2616 : memref<1x8x128xf32, #tpu.memory_space<vmem>> -> memref<8x128xf32, #tpu.memory_space<vmem>>
        %dma_start3A_2618 = arith.constant 0 : i32
        %dma_start3A_2619 = arith.constant 0 : i32
        %dma_start3A_2620 = tpu.memref_slice %arg2[%add3A_2612, %arg0, %dma_start3A_2618, %dma_start3A_2619] : memref<16384x2x8x128xf32, #tpu.memory_space<hbm>> -> memref<1x1x8x128xf32, #tpu.memory_space<hbm>>
        %dma_start3A_2621 = tpu.memref_squeeze %dma_start3A_2620 : memref<1x1x8x128xf32, #tpu.memory_space<hbm>> -> memref<8x128xf32, #tpu.memory_space<hbm>>
        %dma_start3A_2622 = arith.constant 32 : i32
        %dma_start3A_2623 = arith.constant 0 : i32
        %dma_start3A_2624 = tpu.memref_slice %arg10[%dma_start3A_2613, %dma_start3A_2622, %dma_start3A_2623] : memref<2x64x128xf32, #tpu.memory_space<vmem>> -> memref<1x8x128xf32, #tpu.memory_space<vmem>>
        %dma_start3A_2625 = tpu.memref_squeeze %dma_start3A_2624 : memref<1x8x128xf32, #tpu.memory_space<vmem>> -> memref<8x128xf32, #tpu.memory_space<vmem>>
        %dma_start3A_2626 = arith.constant 0 : i32
        %dma_start3A_2627 = arith.constant 0 : i32
        %dma_start3A_2628 = tpu.memref_slice %arg2[%add3A_2612, %arg0, %dma_start3A_2626, %dma_start3A_2627] : memref<16384x2x8x128xf32, #tpu.memory_space<hbm>> -> memref<1x1x8x128xf32, #tpu.memory_space<hbm>>
        %dma_start3A_2629 = tpu.memref_squeeze %dma_start3A_2628 : memref<1x1x8x128xf32, #tpu.memory_space<hbm>> -> memref<8x128xf32, #tpu.memory_space<hbm>>
        tpu.enqueue_dma source(%dma_start3A_2629 : memref<8x128xf32, #tpu.memory_space<hbm>>) target(%dma_start3A_2625 : memref<8x128xf32, #tpu.memory_space<vmem>>) target_semaphore(%arg22 : memref<!tpu.dma_semaphore, #tpu.memory_space<semaphore_mem>>)
        %add3A_2630 = arith.constant 4 : i32
        %add3A_2631 = arith.addi %add3A_2458, %add3A_2630 : i32
        %dma_start3A_2632 = arith.constant 1 : i32
        %dma_start3A_2633 = arith.constant 32 : i32
        %dma_start3A_2634 = arith.constant 0 : i32
        %dma_start3A_2635 = tpu.memref_slice %arg11[%dma_start3A_2632, %dma_start3A_2633, %dma_start3A_2634] : memref<2x64x128xf32, #tpu.memory_space<vmem>> -> memref<1x8x128xf32, #tpu.memory_space<vmem>>
        %dma_start3A_2636 = tpu.memref_squeeze %dma_start3A_2635 : memref<1x8x128xf32, #tpu.memory_space<vmem>> -> memref<8x128xf32, #tpu.memory_space<vmem>>
        %dma_start3A_2637 = arith.constant 0 : i32
        %dma_start3A_2638 = arith.constant 0 : i32
        %dma_start3A_2639 = tpu.memref_slice %arg3[%add3A_2631, %arg0, %dma_start3A_2637, %dma_start3A_2638] : memref<16384x2x8x128xf32, #tpu.memory_space<hbm>> -> memref<1x1x8x128xf32, #tpu.memory_space<hbm>>
        %dma_start3A_2640 = tpu.memref_squeeze %dma_start3A_2639 : memref<1x1x8x128xf32, #tpu.memory_space<hbm>> -> memref<8x128xf32, #tpu.memory_space<hbm>>
        %dma_start3A_2641 = arith.constant 32 : i32
        %dma_start3A_2642 = arith.constant 0 : i32
        %dma_start3A_2643 = tpu.memref_slice %arg11[%dma_start3A_2632, %dma_start3A_2641, %dma_start3A_2642] : memref<2x64x128xf32, #tpu.memory_space<vmem>> -> memref<1x8x128xf32, #tpu.memory_space<vmem>>
        %dma_start3A_2644 = tpu.memref_squeeze %dma_start3A_2643 : memref<1x8x128xf32, #tpu.memory_space<vmem>> -> memref<8x128xf32, #tpu.memory_space<vmem>>
        %dma_start3A_2645 = arith.constant 0 : i32
        %dma_start3A_2646 = arith.constant 0 : i32
        %dma_start3A_2647 = tpu.memref_slice %arg3[%add3A_2631, %arg0, %dma_start3A_2645, %dma_start3A_2646] : memref<16384x2x8x128xf32, #tpu.memory_space<hbm>> -> memref<1x1x8x128xf32, #tpu.memory_space<hbm>>
        %dma_start3A_2648 = tpu.memref_squeeze %dma_start3A_2647 : memref<1x1x8x128xf32, #tpu.memory_space<hbm>> -> memref<8x128xf32, #tpu.memory_space<hbm>>
        tpu.enqueue_dma source(%dma_start3A_2648 : memref<8x128xf32, #tpu.memory_space<hbm>>) target(%dma_start3A_2644 : memref<8x128xf32, #tpu.memory_space<vmem>>) target_semaphore(%arg22 : memref<!tpu.dma_semaphore, #tpu.memory_space<semaphore_mem>>)
        %add3A_2649 = arith.constant 5 : i32
        %add3A_2650 = arith.addi %add3A_2458, %add3A_2649 : i32
        %dma_start3A_2651 = arith.constant 1 : i32
        %dma_start3A_2652 = arith.constant 40 : i32
        %dma_start3A_2653 = arith.constant 0 : i32
        %dma_start3A_2654 = tpu.memref_slice %arg10[%dma_start3A_2651, %dma_start3A_2652, %dma_start3A_2653] : memref<2x64x128xf32, #tpu.memory_space<vmem>> -> memref<1x8x128xf32, #tpu.memory_space<vmem>>
        %dma_start3A_2655 = tpu.memref_squeeze %dma_start3A_2654 : memref<1x8x128xf32, #tpu.memory_space<vmem>> -> memref<8x128xf32, #tpu.memory_space<vmem>>
        %dma_start3A_2656 = arith.constant 0 : i32
        %dma_start3A_2657 = arith.constant 0 : i32
        %dma_start3A_2658 = tpu.memref_slice %arg2[%add3A_2650, %arg0, %dma_start3A_2656, %dma_start3A_2657] : memref<16384x2x8x128xf32, #tpu.memory_space<hbm>> -> memref<1x1x8x128xf32, #tpu.memory_space<hbm>>
        %dma_start3A_2659 = tpu.memref_squeeze %dma_start3A_2658 : memref<1x1x8x128xf32, #tpu.memory_space<hbm>> -> memref<8x128xf32, #tpu.memory_space<hbm>>
        %dma_start3A_2660 = arith.constant 40 : i32
        %dma_start3A_2661 = arith.constant 0 : i32
        %dma_start3A_2662 = tpu.memref_slice %arg10[%dma_start3A_2651, %dma_start3A_2660, %dma_start3A_2661] : memref<2x64x128xf32, #tpu.memory_space<vmem>> -> memref<1x8x128xf32, #tpu.memory_space<vmem>>
        %dma_start3A_2663 = tpu.memref_squeeze %dma_start3A_2662 : memref<1x8x128xf32, #tpu.memory_space<vmem>> -> memref<8x128xf32, #tpu.memory_space<vmem>>
        %dma_start3A_2664 = arith.constant 0 : i32
        %dma_start3A_2665 = arith.constant 0 : i32
        %dma_start3A_2666 = tpu.memref_slice %arg2[%add3A_2650, %arg0, %dma_start3A_2664, %dma_start3A_2665] : memref<16384x2x8x128xf32, #tpu.memory_space<hbm>> -> memref<1x1x8x128xf32, #tpu.memory_space<hbm>>
        %dma_start3A_2667 = tpu.memref_squeeze %dma_start3A_2666 : memref<1x1x8x128xf32, #tpu.memory_space<hbm>> -> memref<8x128xf32, #tpu.memory_space<hbm>>
        tpu.enqueue_dma source(%dma_start3A_2667 : memref<8x128xf32, #tpu.memory_space<hbm>>) target(%dma_start3A_2663 : memref<8x128xf32, #tpu.memory_space<vmem>>) target_semaphore(%arg22 : memref<!tpu.dma_semaphore, #tpu.memory_space<semaphore_mem>>)
        %add3A_2668 = arith.constant 5 : i32
        %add3A_2669 = arith.addi %add3A_2458, %add3A_2668 : i32
        %dma_start3A_2670 = arith.constant 1 : i32
        %dma_start3A_2671 = arith.constant 40 : i32
        %dma_start3A_2672 = arith.constant 0 : i32
        %dma_start3A_2673 = tpu.memref_slice %arg11[%dma_start3A_2670, %dma_start3A_2671, %dma_start3A_2672] : memref<2x64x128xf32, #tpu.memory_space<vmem>> -> memref<1x8x128xf32, #tpu.memory_space<vmem>>
        %dma_start3A_2674 = tpu.memref_squeeze %dma_start3A_2673 : memref<1x8x128xf32, #tpu.memory_space<vmem>> -> memref<8x128xf32, #tpu.memory_space<vmem>>
        %dma_start3A_2675 = arith.constant 0 : i32
        %dma_start3A_2676 = arith.constant 0 : i32
        %dma_start3A_2677 = tpu.memref_slice %arg3[%add3A_2669, %arg0, %dma_start3A_2675, %dma_start3A_2676] : memref<16384x2x8x128xf32, #tpu.memory_space<hbm>> -> memref<1x1x8x128xf32, #tpu.memory_space<hbm>>
        %dma_start3A_2678 = tpu.memref_squeeze %dma_start3A_2677 : memref<1x1x8x128xf32, #tpu.memory_space<hbm>> -> memref<8x128xf32, #tpu.memory_space<hbm>>
        %dma_start3A_2679 = arith.constant 40 : i32
        %dma_start3A_2680 = arith.constant 0 : i32
        %dma_start3A_2681 = tpu.memref_slice %arg11[%dma_start3A_2670, %dma_start3A_2679, %dma_start3A_2680] : memref<2x64x128xf32, #tpu.memory_space<vmem>> -> memref<1x8x128xf32, #tpu.memory_space<vmem>>
        %dma_start3A_2682 = tpu.memref_squeeze %dma_start3A_2681 : memref<1x8x128xf32, #tpu.memory_space<vmem>> -> memref<8x128xf32, #tpu.memory_space<vmem>>
        %dma_start3A_2683 = arith.constant 0 : i32
        %dma_start3A_2684 = arith.constant 0 : i32
        %dma_start3A_2685 = tpu.memref_slice %arg3[%add3A_2669, %arg0, %dma_start3A_2683, %dma_start3A_2684] : memref<16384x2x8x128xf32, #tpu.memory_space<hbm>> -> memref<1x1x8x128xf32, #tpu.memory_space<hbm>>
        %dma_start3A_2686 = tpu.memref_squeeze %dma_start3A_2685 : memref<1x1x8x128xf32, #tpu.memory_space<hbm>> -> memref<8x128xf32, #tpu.memory_space<hbm>>
        tpu.enqueue_dma source(%dma_start3A_2686 : memref<8x128xf32, #tpu.memory_space<hbm>>) target(%dma_start3A_2682 : memref<8x128xf32, #tpu.memory_space<vmem>>) target_semaphore(%arg22 : memref<!tpu.dma_semaphore, #tpu.memory_space<semaphore_mem>>)
        %add3A_2687 = arith.constant 6 : i32
        %add3A_2688 = arith.addi %add3A_2458, %add3A_2687 : i32
        %dma_start3A_2689 = arith.constant 1 : i32
        %dma_start3A_2690 = arith.constant 48 : i32
        %dma_start3A_2691 = arith.constant 0 : i32
        %dma_start3A_2692 = tpu.memref_slice %arg10[%dma_start3A_2689, %dma_start3A_2690, %dma_start3A_2691] : memref<2x64x128xf32, #tpu.memory_space<vmem>> -> memref<1x8x128xf32, #tpu.memory_space<vmem>>
        %dma_start3A_2693 = tpu.memref_squeeze %dma_start3A_2692 : memref<1x8x128xf32, #tpu.memory_space<vmem>> -> memref<8x128xf32, #tpu.memory_space<vmem>>
        %dma_start3A_2694 = arith.constant 0 : i32
        %dma_start3A_2695 = arith.constant 0 : i32
        %dma_start3A_2696 = tpu.memref_slice %arg2[%add3A_2688, %arg0, %dma_start3A_2694, %dma_start3A_2695] : memref<16384x2x8x128xf32, #tpu.memory_space<hbm>> -> memref<1x1x8x128xf32, #tpu.memory_space<hbm>>
        %dma_start3A_2697 = tpu.memref_squeeze %dma_start3A_2696 : memref<1x1x8x128xf32, #tpu.memory_space<hbm>> -> memref<8x128xf32, #tpu.memory_space<hbm>>
        %dma_start3A_2698 = arith.constant 48 : i32
        %dma_start3A_2699 = arith.constant 0 : i32
        %dma_start3A_2700 = tpu.memref_slice %arg10[%dma_start3A_2689, %dma_start3A_2698, %dma_start3A_2699] : memref<2x64x128xf32, #tpu.memory_space<vmem>> -> memref<1x8x128xf32, #tpu.memory_space<vmem>>
        %dma_start3A_2701 = tpu.memref_squeeze %dma_start3A_2700 : memref<1x8x128xf32, #tpu.memory_space<vmem>> -> memref<8x128xf32, #tpu.memory_space<vmem>>
        %dma_start3A_2702 = arith.constant 0 : i32
        %dma_start3A_2703 = arith.constant 0 : i32
        %dma_start3A_2704 = tpu.memref_slice %arg2[%add3A_2688, %arg0, %dma_start3A_2702, %dma_start3A_2703] : memref<16384x2x8x128xf32, #tpu.memory_space<hbm>> -> memref<1x1x8x128xf32, #tpu.memory_space<hbm>>
        %dma_start3A_2705 = tpu.memref_squeeze %dma_start3A_2704 : memref<1x1x8x128xf32, #tpu.memory_space<hbm>> -> memref<8x128xf32, #tpu.memory_space<hbm>>
        tpu.enqueue_dma source(%dma_start3A_2705 : memref<8x128xf32, #tpu.memory_space<hbm>>) target(%dma_start3A_2701 : memref<8x128xf32, #tpu.memory_space<vmem>>) target_semaphore(%arg22 : memref<!tpu.dma_semaphore, #tpu.memory_space<semaphore_mem>>)
        %add3A_2706 = arith.constant 6 : i32
        %add3A_2707 = arith.addi %add3A_2458, %add3A_2706 : i32
        %dma_start3A_2708 = arith.constant 1 : i32
        %dma_start3A_2709 = arith.constant 48 : i32
        %dma_start3A_2710 = arith.constant 0 : i32
        %dma_start3A_2711 = tpu.memref_slice %arg11[%dma_start3A_2708, %dma_start3A_2709, %dma_start3A_2710] : memref<2x64x128xf32, #tpu.memory_space<vmem>> -> memref<1x8x128xf32, #tpu.memory_space<vmem>>
        %dma_start3A_2712 = tpu.memref_squeeze %dma_start3A_2711 : memref<1x8x128xf32, #tpu.memory_space<vmem>> -> memref<8x128xf32, #tpu.memory_space<vmem>>
        %dma_start3A_2713 = arith.constant 0 : i32
        %dma_start3A_2714 = arith.constant 0 : i32
        %dma_start3A_2715 = tpu.memref_slice %arg3[%add3A_2707, %arg0, %dma_start3A_2713, %dma_start3A_2714] : memref<16384x2x8x128xf32, #tpu.memory_space<hbm>> -> memref<1x1x8x128xf32, #tpu.memory_space<hbm>>
        %dma_start3A_2716 = tpu.memref_squeeze %dma_start3A_2715 : memref<1x1x8x128xf32, #tpu.memory_space<hbm>> -> memref<8x128xf32, #tpu.memory_space<hbm>>
        %dma_start3A_2717 = arith.constant 48 : i32
        %dma_start3A_2718 = arith.constant 0 : i32
        %dma_start3A_2719 = tpu.memref_slice %arg11[%dma_start3A_2708, %dma_start3A_2717, %dma_start3A_2718] : memref<2x64x128xf32, #tpu.memory_space<vmem>> -> memref<1x8x128xf32, #tpu.memory_space<vmem>>
        %dma_start3A_2720 = tpu.memref_squeeze %dma_start3A_2719 : memref<1x8x128xf32, #tpu.memory_space<vmem>> -> memref<8x128xf32, #tpu.memory_space<vmem>>
        %dma_start3A_2721 = arith.constant 0 : i32
        %dma_start3A_2722 = arith.constant 0 : i32
        %dma_start3A_2723 = tpu.memref_slice %arg3[%add3A_2707, %arg0, %dma_start3A_2721, %dma_start3A_2722] : memref<16384x2x8x128xf32, #tpu.memory_space<hbm>> -> memref<1x1x8x128xf32, #tpu.memory_space<hbm>>
        %dma_start3A_2724 = tpu.memref_squeeze %dma_start3A_2723 : memref<1x1x8x128xf32, #tpu.memory_space<hbm>> -> memref<8x128xf32, #tpu.memory_space<hbm>>
        tpu.enqueue_dma source(%dma_start3A_2724 : memref<8x128xf32, #tpu.memory_space<hbm>>) target(%dma_start3A_2720 : memref<8x128xf32, #tpu.memory_space<vmem>>) target_semaphore(%arg22 : memref<!tpu.dma_semaphore, #tpu.memory_space<semaphore_mem>>)
        %add3A_2725 = arith.constant 7 : i32
        %add3A_2726 = arith.addi %add3A_2458, %add3A_2725 : i32
        %dma_start3A_2727 = arith.constant 1 : i32
        %dma_start3A_2728 = arith.constant 56 : i32
        %dma_start3A_2729 = arith.constant 0 : i32
        %dma_start3A_2730 = tpu.memref_slice %arg10[%dma_start3A_2727, %dma_start3A_2728, %dma_start3A_2729] : memref<2x64x128xf32, #tpu.memory_space<vmem>> -> memref<1x8x128xf32, #tpu.memory_space<vmem>>
        %dma_start3A_2731 = tpu.memref_squeeze %dma_start3A_2730 : memref<1x8x128xf32, #tpu.memory_space<vmem>> -> memref<8x128xf32, #tpu.memory_space<vmem>>
        %dma_start3A_2732 = arith.constant 0 : i32
        %dma_start3A_2733 = arith.constant 0 : i32
        %dma_start3A_2734 = tpu.memref_slice %arg2[%add3A_2726, %arg0, %dma_start3A_2732, %dma_start3A_2733] : memref<16384x2x8x128xf32, #tpu.memory_space<hbm>> -> memref<1x1x8x128xf32, #tpu.memory_space<hbm>>
        %dma_start3A_2735 = tpu.memref_squeeze %dma_start3A_2734 : memref<1x1x8x128xf32, #tpu.memory_space<hbm>> -> memref<8x128xf32, #tpu.memory_space<hbm>>
        %dma_start3A_2736 = arith.constant 56 : i32
        %dma_start3A_2737 = arith.constant 0 : i32
        %dma_start3A_2738 = tpu.memref_slice %arg10[%dma_start3A_2727, %dma_start3A_2736, %dma_start3A_2737] : memref<2x64x128xf32, #tpu.memory_space<vmem>> -> memref<1x8x128xf32, #tpu.memory_space<vmem>>
        %dma_start3A_2739 = tpu.memref_squeeze %dma_start3A_2738 : memref<1x8x128xf32, #tpu.memory_space<vmem>> -> memref<8x128xf32, #tpu.memory_space<vmem>>
        %dma_start3A_2740 = arith.constant 0 : i32
        %dma_start3A_2741 = arith.constant 0 : i32
        %dma_start3A_2742 = tpu.memref_slice %arg2[%add3A_2726, %arg0, %dma_start3A_2740, %dma_start3A_2741] : memref<16384x2x8x128xf32, #tpu.memory_space<hbm>> -> memref<1x1x8x128xf32, #tpu.memory_space<hbm>>
        %dma_start3A_2743 = tpu.memref_squeeze %dma_start3A_2742 : memref<1x1x8x128xf32, #tpu.memory_space<hbm>> -> memref<8x128xf32, #tpu.memory_space<hbm>>
        tpu.enqueue_dma source(%dma_start3A_2743 : memref<8x128xf32, #tpu.memory_space<hbm>>) target(%dma_start3A_2739 : memref<8x128xf32, #tpu.memory_space<vmem>>) target_semaphore(%arg22 : memref<!tpu.dma_semaphore, #tpu.memory_space<semaphore_mem>>)
        %add3A_2744 = arith.constant 7 : i32
        %add3A_2745 = arith.addi %add3A_2458, %add3A_2744 : i32
        %dma_start3A_2746 = arith.constant 1 : i32
        %dma_start3A_2747 = arith.constant 56 : i32
        %dma_start3A_2748 = arith.constant 0 : i32
        %dma_start3A_2749 = tpu.memref_slice %arg11[%dma_start3A_2746, %dma_start3A_2747, %dma_start3A_2748] : memref<2x64x128xf32, #tpu.memory_space<vmem>> -> memref<1x8x128xf32, #tpu.memory_space<vmem>>
        %dma_start3A_2750 = tpu.memref_squeeze %dma_start3A_2749 : memref<1x8x128xf32, #tpu.memory_space<vmem>> -> memref<8x128xf32, #tpu.memory_space<vmem>>
        %dma_start3A_2751 = arith.constant 0 : i32
        %dma_start3A_2752 = arith.constant 0 : i32
        %dma_start3A_2753 = tpu.memref_slice %arg3[%add3A_2745, %arg0, %dma_start3A_2751, %dma_start3A_2752] : memref<16384x2x8x128xf32, #tpu.memory_space<hbm>> -> memref<1x1x8x128xf32, #tpu.memory_space<hbm>>
        %dma_start3A_2754 = tpu.memref_squeeze %dma_start3A_2753 : memref<1x1x8x128xf32, #tpu.memory_space<hbm>> -> memref<8x128xf32, #tpu.memory_space<hbm>>
        %dma_start3A_2755 = arith.constant 56 : i32
        %dma_start3A_2756 = arith.constant 0 : i32
        %dma_start3A_2757 = tpu.memref_slice %arg11[%dma_start3A_2746, %dma_start3A_2755, %dma_start3A_2756] : memref<2x64x128xf32, #tpu.memory_space<vmem>> -> memref<1x8x128xf32, #tpu.memory_space<vmem>>
        %dma_start3A_2758 = tpu.memref_squeeze %dma_start3A_2757 : memref<1x8x128xf32, #tpu.memory_space<vmem>> -> memref<8x128xf32, #tpu.memory_space<vmem>>
        %dma_start3A_2759 = arith.constant 0 : i32
        %dma_start3A_2760 = arith.constant 0 : i32
        %dma_start3A_2761 = tpu.memref_slice %arg3[%add3A_2745, %arg0, %dma_start3A_2759, %dma_start3A_2760] : memref<16384x2x8x128xf32, #tpu.memory_space<hbm>> -> memref<1x1x8x128xf32, #tpu.memory_space<hbm>>
        %dma_start3A_2762 = tpu.memref_squeeze %dma_start3A_2761 : memref<1x1x8x128xf32, #tpu.memory_space<hbm>> -> memref<8x128xf32, #tpu.memory_space<hbm>>
        tpu.enqueue_dma source(%dma_start3A_2762 : memref<8x128xf32, #tpu.memory_space<hbm>>) target(%dma_start3A_2758 : memref<8x128xf32, #tpu.memory_space<vmem>>) target_semaphore(%arg22 : memref<!tpu.dma_semaphore, #tpu.memory_space<semaphore_mem>>)
        %dma_start3A_2763 = tpu.memref_slice %arg4[%add3A_2431] : memref<131072xi32, #tpu.memory_space<hbm>> -> memref<64xi32, #tpu.memory_space<hbm>>
        %dma_start3A_2764 = tpu.memref_slice %arg4[%add3A_2431] : memref<131072xi32, #tpu.memory_space<hbm>> -> memref<64xi32, #tpu.memory_space<hbm>>
        tpu.enqueue_dma source(%dma_start3A_2764 : memref<64xi32, #tpu.memory_space<hbm>>) target(%arg13 : memref<64xi32, #tpu.memory_space<vmem>>) target_semaphore(%arg22 : memref<!tpu.dma_semaphore, #tpu.memory_space<semaphore_mem>>)
        %dma_start3A_2765 = tpu.memref_slice %arg5[%add3A_2431] : memref<131072xi32, #tpu.memory_space<hbm>> -> memref<64xi32, #tpu.memory_space<hbm>>
        %dma_start3A_2766 = tpu.memref_slice %arg5[%add3A_2431] : memref<131072xi32, #tpu.memory_space<hbm>> -> memref<64xi32, #tpu.memory_space<hbm>>
        tpu.enqueue_dma source(%dma_start3A_2766 : memref<64xi32, #tpu.memory_space<hbm>>) target(%arg15 : memref<64xi32, #tpu.memory_space<vmem>>) target_semaphore(%arg22 : memref<!tpu.dma_semaphore, #tpu.memory_space<semaphore_mem>>)
      } else {
      }
    }
    %scan3A_1495 = arith.constant 64 : i32
    %mul3A_1496 = arith.constant 2 : i32
    %mul3A_1497 = arith.muli %arg1, %mul3A_1496 : i32
    %add3A_1498 = arith.addi %mul3A_1497, %arg0 : i32
    %run_scoped3A_1499 = arith.constant 0 : i32
    "tpu.region"() ({
      %run_scoped3A_1504 = tpu.sem_alloc : memref<!tpu.dma_semaphore, #tpu.memory_space<semaphore_mem>>
      %dma_start3A_1505 = arith.constant 0 : i32
      %dma_start3A_1506 = tpu.memref_slice %arg18[%run_scoped3A_1499, %dma_start3A_1505] : memref<2x16xi32, #tpu.memory_space<vmem>> -> memref<1x16xi32, #tpu.memory_space<vmem>>
      %dma_start3A_1507 = tpu.memref_squeeze %dma_start3A_1506 : memref<1x16xi32, #tpu.memory_space<vmem>> -> memref<16xi32, #tpu.memory_space<vmem>>
      %dma_start3A_1508 = arith.constant 0 : i32
      %dma_start3A_1509 = tpu.memref_slice %arg8[%add3A_1498, %dma_start3A_1508] : memref<32x16xi32, #tpu.memory_space<hbm>> -> memref<1x16xi32, #tpu.memory_space<hbm>>
      %dma_start3A_1510 = tpu.memref_squeeze %dma_start3A_1509 : memref<1x16xi32, #tpu.memory_space<hbm>> -> memref<16xi32, #tpu.memory_space<hbm>>
      %dma_start3A_1511 = arith.constant 0 : i32
      %dma_start3A_1512 = tpu.memref_slice %arg8[%add3A_1498, %dma_start3A_1511] : memref<32x16xi32, #tpu.memory_space<hbm>> -> memref<1x16xi32, #tpu.memory_space<hbm>>
      %dma_start3A_1513 = tpu.memref_squeeze %dma_start3A_1512 : memref<1x16xi32, #tpu.memory_space<hbm>> -> memref<16xi32, #tpu.memory_space<hbm>>
      %dma_start3A_1514 = arith.constant 0 : i32
      %dma_start3A_1515 = tpu.memref_slice %arg18[%run_scoped3A_1499, %dma_start3A_1514] : memref<2x16xi32, #tpu.memory_space<vmem>> -> memref<1x16xi32, #tpu.memory_space<vmem>>
      %dma_start3A_1516 = tpu.memref_squeeze %dma_start3A_1515 : memref<1x16xi32, #tpu.memory_space<vmem>> -> memref<16xi32, #tpu.memory_space<vmem>>
      tpu.enqueue_dma source(%dma_start3A_1516 : memref<16xi32, #tpu.memory_space<vmem>>) target(%dma_start3A_1513 : memref<16xi32, #tpu.memory_space<hbm>>) target_semaphore(%run_scoped3A_1504 : memref<!tpu.dma_semaphore, #tpu.memory_space<semaphore_mem>>)
      %dma_wait3A = arith.constant 0 : i32
      %dma_wait3A_1517 = tpu.memref_slice %arg18[%run_scoped3A_1499, %dma_wait3A] : memref<2x16xi32, #tpu.memory_space<vmem>> -> memref<1x16xi32, #tpu.memory_space<vmem>>
      %dma_wait3A_1518 = tpu.memref_squeeze %dma_wait3A_1517 : memref<1x16xi32, #tpu.memory_space<vmem>> -> memref<16xi32, #tpu.memory_space<vmem>>
      %dma_wait3A_1519 = arith.constant 0 : i32
      %dma_wait3A_1520 = tpu.memref_slice %arg8[%add3A_1498, %dma_wait3A_1519] : memref<32x16xi32, #tpu.memory_space<hbm>> -> memref<1x16xi32, #tpu.memory_space<hbm>>
      %dma_wait3A_1521 = tpu.memref_squeeze %dma_wait3A_1520 : memref<1x16xi32, #tpu.memory_space<hbm>> -> memref<16xi32, #tpu.memory_space<hbm>>
      %dma_wait3A_1522 = arith.constant 0 : i32
      %dma_wait3A_1523 = tpu.memref_slice %arg8[%add3A_1498, %dma_wait3A_1522] : memref<32x16xi32, #tpu.memory_space<hbm>> -> memref<1x16xi32, #tpu.memory_space<hbm>>
      %dma_wait3A_1524 = tpu.memref_squeeze %dma_wait3A_1523 : memref<1x16xi32, #tpu.memory_space<hbm>> -> memref<16xi32, #tpu.memory_space<hbm>>
      %dma_wait3A_1525 = arith.constant 0 : i32
      %dma_wait3A_1526 = tpu.memref_slice %arg18[%run_scoped3A_1499, %dma_wait3A_1525] : memref<2x16xi32, #tpu.memory_space<vmem>> -> memref<1x16xi32, #tpu.memory_space<vmem>>
      %dma_wait3A_1527 = tpu.memref_squeeze %dma_wait3A_1526 : memref<1x16xi32, #tpu.memory_space<vmem>> -> memref<16xi32, #tpu.memory_space<vmem>>
      tpu.wait_dma2 semaphore(%run_scoped3A_1504 : memref<!tpu.dma_semaphore, #tpu.memory_space<semaphore_mem>>) src(%dma_wait3A_1527 : memref<16xi32, #tpu.memory_space<vmem>>) dst(%dma_wait3A_1524 : memref<16xi32, #tpu.memory_space<hbm>>)
      tpu.yield
    }) : () -> ()
    %run_scoped3A_1500 = arith.constant 1 : i32
    "tpu.region"() ({
      %run_scoped3A_1504 = tpu.sem_alloc : memref<!tpu.dma_semaphore, #tpu.memory_space<semaphore_mem>>
      %dma_start3A_1505 = arith.constant 0 : i32
      %dma_start3A_1506 = tpu.memref_slice %arg18[%run_scoped3A_1500, %dma_start3A_1505] : memref<2x16xi32, #tpu.memory_space<vmem>> -> memref<1x16xi32, #tpu.memory_space<vmem>>
      %dma_start3A_1507 = tpu.memref_squeeze %dma_start3A_1506 : memref<1x16xi32, #tpu.memory_space<vmem>> -> memref<16xi32, #tpu.memory_space<vmem>>
      %dma_start3A_1508 = arith.constant 0 : i32
      %dma_start3A_1509 = tpu.memref_slice %arg9[%add3A_1498, %dma_start3A_1508] : memref<32x16xi32, #tpu.memory_space<hbm>> -> memref<1x16xi32, #tpu.memory_space<hbm>>
      %dma_start3A_1510 = tpu.memref_squeeze %dma_start3A_1509 : memref<1x16xi32, #tpu.memory_space<hbm>> -> memref<16xi32, #tpu.memory_space<hbm>>
      %dma_start3A_1511 = arith.constant 0 : i32
      %dma_start3A_1512 = tpu.memref_slice %arg9[%add3A_1498, %dma_start3A_1511] : memref<32x16xi32, #tpu.memory_space<hbm>> -> memref<1x16xi32, #tpu.memory_space<hbm>>
      %dma_start3A_1513 = tpu.memref_squeeze %dma_start3A_1512 : memref<1x16xi32, #tpu.memory_space<hbm>> -> memref<16xi32, #tpu.memory_space<hbm>>
      %dma_start3A_1514 = arith.constant 0 : i32
      %dma_start3A_1515 = tpu.memref_slice %arg18[%run_scoped3A_1500, %dma_start3A_1514] : memref<2x16xi32, #tpu.memory_space<vmem>> -> memref<1x16xi32, #tpu.memory_space<vmem>>
      %dma_start3A_1516 = tpu.memref_squeeze %dma_start3A_1515 : memref<1x16xi32, #tpu.memory_space<vmem>> -> memref<16xi32, #tpu.memory_space<vmem>>
      tpu.enqueue_dma source(%dma_start3A_1516 : memref<16xi32, #tpu.memory_space<vmem>>) target(%dma_start3A_1513 : memref<16xi32, #tpu.memory_space<hbm>>) target_semaphore(%run_scoped3A_1504 : memref<!tpu.dma_semaphore, #tpu.memory_space<semaphore_mem>>)
      %dma_wait3A = arith.constant 0 : i32
      %dma_wait3A_1517 = tpu.memref_slice %arg18[%run_scoped3A_1500, %dma_wait3A] : memref<2x16xi32, #tpu.memory_space<vmem>> -> memref<1x16xi32, #tpu.memory_space<vmem>>
      %dma_wait3A_1518 = tpu.memref_squeeze %dma_wait3A_1517 : memref<1x16xi32, #tpu.memory_space<vmem>> -> memref<16xi32, #tpu.memory_space<vmem>>
      %dma_wait3A_1519 = arith.constant 0 : i32
      %dma_wait3A_1520 = tpu.memref_slice %arg9[%add3A_1498, %dma_wait3A_1519] : memref<32x16xi32, #tpu.memory_space<hbm>> -> memref<1x16xi32, #tpu.memory_space<hbm>>
      %dma_wait3A_1521 = tpu.memref_squeeze %dma_wait3A_1520 : memref<1x16xi32, #tpu.memory_space<hbm>> -> memref<16xi32, #tpu.memory_space<hbm>>
      %dma_wait3A_1522 = arith.constant 0 : i32
      %dma_wait3A_1523 = tpu.memref_slice %arg9[%add3A_1498, %dma_wait3A_1522] : memref<32x16xi32, #tpu.memory_space<hbm>> -> memref<1x16xi32, #tpu.memory_space<hbm>>
      %dma_wait3A_1524 = tpu.memref_squeeze %dma_wait3A_1523 : memref<1x16xi32, #tpu.memory_space<hbm>> -> memref<16xi32, #tpu.memory_space<hbm>>
      %dma_wait3A_1525 = arith.constant 0 : i32
      %dma_wait3A_1526 = tpu.memref_slice %arg18[%run_scoped3A_1500, %dma_wait3A_1525] : memref<2x16xi32, #tpu.memory_space<vmem>> -> memref<1x16xi32, #tpu.memory_space<vmem>>
      %dma_wait3A_1527 = tpu.memref_squeeze %dma_wait3A_1526 : memref<1x16xi32, #tpu.memory_space<vmem>> -> memref<16xi32, #tpu.memory_space<vmem>>
      tpu.wait_dma2 semaphore(%run_scoped3A_1504 : memref<!tpu.dma_semaphore, #tpu.memory_space<semaphore_mem>>) src(%dma_wait3A_1527 : memref<16xi32, #tpu.memory_space<vmem>>) dst(%dma_wait3A_1524 : memref<16xi32, #tpu.memory_space<hbm>>)
      tpu.yield
    }) : () -> ()
    %barrier3A_1501 = arith.constant 0 : index
    tpu.barrier barrier_id(%barrier3A_1501)
    %mul3A_1502 = arith.constant 128 : i32
    %mul3A_1503 = arith.muli %arg1, %mul3A_1502 : i32
    "tpu.region"() ({
      %run_scoped3A_1504 = tpu.sem_alloc : memref<!tpu.dma_semaphore, #tpu.memory_space<semaphore_mem>>
      %dma_start3A_1505 = arith.constant 0 : i32
      %dma_start3A_1506 = tpu.memref_slice %arg6[%arg0, %mul3A_1503, %dma_start3A_1505] : memref<2x2048x128xf32, #tpu.memory_space<hbm>> -> memref<1x128x128xf32, #tpu.memory_space<hbm>>
      %dma_start3A_1507 = tpu.memref_squeeze %dma_start3A_1506 : memref<1x128x128xf32, #tpu.memory_space<hbm>> -> memref<128x128xf32, #tpu.memory_space<hbm>>
      %dma_start3A_1508 = arith.constant 0 : i32
      %dma_start3A_1509 = tpu.memref_slice %arg19[%mul3A_1503, %dma_start3A_1508] : memref<2048x128xf32, #tpu.memory_space<vmem_shared>> -> memref<128x128xf32, #tpu.memory_space<vmem_shared>>
      tpu.enqueue_dma source(%dma_start3A_1509 : memref<128x128xf32, #tpu.memory_space<vmem_shared>>) target(%dma_start3A_1507 : memref<128x128xf32, #tpu.memory_space<hbm>>) target_semaphore(%run_scoped3A_1504 : memref<!tpu.dma_semaphore, #tpu.memory_space<semaphore_mem>>)
      %dma_wait3A = arith.constant 0 : i32
      %dma_wait3A_1510 = tpu.memref_slice %arg6[%arg0, %mul3A_1503, %dma_wait3A] : memref<2x2048x128xf32, #tpu.memory_space<hbm>> -> memref<1x128x128xf32, #tpu.memory_space<hbm>>
      %dma_wait3A_1511 = tpu.memref_squeeze %dma_wait3A_1510 : memref<1x128x128xf32, #tpu.memory_space<hbm>> -> memref<128x128xf32, #tpu.memory_space<hbm>>
      %dma_wait3A_1512 = arith.constant 0 : i32
      %dma_wait3A_1513 = tpu.memref_slice %arg19[%mul3A_1503, %dma_wait3A_1512] : memref<2048x128xf32, #tpu.memory_space<vmem_shared>> -> memref<128x128xf32, #tpu.memory_space<vmem_shared>>
      tpu.wait_dma2 semaphore(%run_scoped3A_1504 : memref<!tpu.dma_semaphore, #tpu.memory_space<semaphore_mem>>) src(%dma_wait3A_1513 : memref<128x128xf32, #tpu.memory_space<vmem_shared>>) dst(%dma_wait3A_1511 : memref<128x128xf32, #tpu.memory_space<hbm>>)
      tpu.yield
    }) : () -> ()
    "tpu.region"() ({
      %run_scoped3A_1504 = tpu.sem_alloc : memref<!tpu.dma_semaphore, #tpu.memory_space<semaphore_mem>>
      %dma_start3A_1505 = arith.constant 0 : i32
      %dma_start3A_1506 = tpu.memref_slice %arg7[%arg0, %mul3A_1503, %dma_start3A_1505] : memref<2x2048x128xf32, #tpu.memory_space<hbm>> -> memref<1x128x128xf32, #tpu.memory_space<hbm>>
      %dma_start3A_1507 = tpu.memref_squeeze %dma_start3A_1506 : memref<1x128x128xf32, #tpu.memory_space<hbm>> -> memref<128x128xf32, #tpu.memory_space<hbm>>
      %dma_start3A_1508 = arith.constant 0 : i32
      %dma_start3A_1509 = tpu.memref_slice %arg20[%mul3A_1503, %dma_start3A_1508] : memref<2048x128xf32, #tpu.memory_space<vmem_shared>> -> memref<128x128xf32, #tpu.memory_space<vmem_shared>>
      tpu.enqueue_dma source(%dma_start3A_1509 : memref<128x128xf32, #tpu.memory_space<vmem_shared>>) target(%dma_start3A_1507 : memref<128x128xf32, #tpu.memory_space<hbm>>) target_semaphore(%run_scoped3A_1504 : memref<!tpu.dma_semaphore, #tpu.memory_space<semaphore_mem>>)
      %dma_wait3A = arith.constant 0 : i32
      %dma_wait3A_1510 = tpu.memref_slice %arg7[%arg0, %mul3A_1503, %dma_wait3A] : memref<2x2048x128xf32, #tpu.memory_space<hbm>> -> memref<1x128x128xf32, #tpu.memory_space<hbm>>
      %dma_wait3A_1511 = tpu.memref_squeeze %dma_wait3A_1510 : memref<1x128x128xf32, #tpu.memory_space<hbm>> -> memref<128x128xf32, #tpu.memory_space<hbm>>
      %dma_wait3A_1512 = arith.constant 0 : i32
      %dma_wait3A_1513 = tpu.memref_slice %arg20[%mul3A_1503, %dma_wait3A_1512] : memref<2048x128xf32, #tpu.memory_space<vmem_shared>> -> memref<128x128xf32, #tpu.memory_space<vmem_shared>>
      tpu.wait_dma2 semaphore(%run_scoped3A_1504 : memref<!tpu.dma_semaphore, #tpu.memory_space<semaphore_mem>>) src(%dma_wait3A_1513 : memref<128x128xf32, #tpu.memory_space<vmem_shared>>) dst(%dma_wait3A_1511 : memref<128x128xf32, #tpu.memory_space<hbm>>)
      tpu.yield
    }) : () -> ()
    return
  }
}

module attributes {stable_mosaic.version = 14 : i64} {
  func.func @_tc_point_body(%arg0: i32, %arg1: memref<2048x256xf32, #tpu.memory_space<vmem>>, %arg2: memref<2048x256xf32, #tpu.memory_space<vmem>>, %arg3: memref<1x1x1xf32, #tpu.memory_space<smem>>) attributes {dimension_semantics = [#tpu.dimension_semantics<arbitrary>], iteration_bounds = array<i64: 64>, scalar_prefetch = 0 : i64, scratch_operands = 0 : i64, tpu.core_type = #tpu.core_type<tc>, window_params = [{transform_indices = @transform_0, window_bounds = array<i64: 2048, 256>}, {transform_indices = @transform_1, window_bounds = array<i64: 2048, 256>}, {transform_indices = @transform_2, window_bounds = array<i64: 1, 1, 1>}]} {
    %get3A = arith.constant 0 : index
    %get3A_0 = arith.constant 0 : index
    %get3A_1 = vector.load %arg1[%get3A, %get3A_0] : memref<2048x256xf32, #tpu.memory_space<vmem>>, vector<2048x256xf32>
    %get3A_2 = arith.constant 0 : index
    %get3A_3 = arith.constant 0 : index
    %get3A_4 = vector.load %arg2[%get3A_2, %get3A_3] : memref<2048x256xf32, #tpu.memory_space<vmem>>, vector<2048x256xf32>
    %mul3A = arith.mulf %get3A_1, %get3A_4 : vector<2048x256xf32>
    %reduce_sum3A = arith.constant dense<0.000000e+00> : vector<2048xf32>
    %reduce_sum3A_5 = vector.multi_reduction <add>, %mul3A, %reduce_sum3A [1] : vector<2048x256xf32> to vector<2048xf32>
    %mul3A_6 = arith.mulf %get3A_1, %get3A_1 : vector<2048x256xf32>
    %reduce_sum3A_7 = arith.constant dense<0.000000e+00> : vector<2048xf32>
    %reduce_sum3A_8 = vector.multi_reduction <add>, %mul3A_6, %reduce_sum3A_7 [1] : vector<2048x256xf32> to vector<2048xf32>
    %sqrt3A = math.sqrt %reduce_sum3A_8 : vector<2048xf32>
    %max3A = arith.constant 9.99999993E-9 : f32
    %max3A_9 = vector.broadcast %max3A : f32 to vector<2048xf32>
    %max3A_10 = arith.maximumf %sqrt3A, %max3A_9 : vector<2048xf32>
    %mul3A_11 = arith.mulf %get3A_4, %get3A_4 : vector<2048x256xf32>
    %reduce_sum3A_12 = arith.constant dense<0.000000e+00> : vector<2048xf32>
    %reduce_sum3A_13 = vector.multi_reduction <add>, %mul3A_11, %reduce_sum3A_12 [1] : vector<2048x256xf32> to vector<2048xf32>
    %sqrt3A_14 = math.sqrt %reduce_sum3A_13 : vector<2048xf32>
    %max3A_15 = arith.constant 9.99999993E-9 : f32
    %max3A_16 = vector.broadcast %max3A_15 : f32 to vector<2048xf32>
    %max3A_17 = arith.maximumf %sqrt3A_14, %max3A_16 : vector<2048xf32>
    %mul3A_18 = arith.mulf %max3A_10, %max3A_17 : vector<2048xf32>
    %div3A = arith.divf %reduce_sum3A_5, %mul3A_18 : vector<2048xf32>
    %reduce_sum3A_19 = vector.shape_cast %div3A : vector<2048xf32> to vector<1x2048xf32>
    %reduce_sum3A_20 = arith.constant dense<0.000000e+00> : vector<1xf32>
    %reduce_sum3A_21 = vector.multi_reduction <add>, %reduce_sum3A_19, %reduce_sum3A_20 [1] : vector<1x2048xf32> to vector<1xf32>
    %reduce_sum3A_22 = vector.shape_cast %reduce_sum3A_21 : vector<1xf32> to vector<1x1xf32>
    %reduce_sum3A_23 = vector.extract %reduce_sum3A_22[0, 0] : f32 from vector<1x1xf32>
    %swap3A = arith.constant 0 : index
    %swap3A_24 = arith.constant 0 : index
    %swap3A_25 = arith.constant 0 : index
    %swap3A_26 = memref.load %arg3[%swap3A, %swap3A_24, %swap3A_25] : memref<1x1x1xf32, #tpu.memory_space<smem>>
    memref.store %reduce_sum3A_23, %arg3[%swap3A, %swap3A_24, %swap3A_25] : memref<1x1x1xf32, #tpu.memory_space<smem>>
    return
  }
  func.func @transform_0(%arg0: i32) -> (i32, i32) {
    %c0_i32 = arith.constant 0 : i32
    %c0_i32_0 = arith.constant 0 : i32
    return %arg0, %c0_i32 : i32, i32
  }
  func.func @transform_1(%arg0: i32) -> (i32, i32) {
    %c0_i32 = arith.constant 0 : i32
    %c0_i32_0 = arith.constant 0 : i32
    return %arg0, %c0_i32 : i32, i32
  }
  func.func @transform_2(%arg0: i32) -> (i32, i32, i32) {
    %c0_i32 = arith.constant 0 : i32
    %c0_i32_0 = arith.constant 0 : i32
    %c0_i32_1 = arith.constant 0 : i32
    return %arg0, %c0_i32, %c0_i32_0 : i32, i32, i32
  }
}

module attributes {stable_mosaic.version = 14 : i64} {
  func.func @_tc_body(%arg0: memref<2x2048x128xf32, #tpu.memory_space<vmem>>, %arg1: memref<2x2048x128xf32, #tpu.memory_space<vmem>>, %arg2: memref<64x1x1xf32, #tpu.memory_space<vmem>>, %arg3: memref<32x16xi32, #tpu.memory_space<vmem>>, %arg4: memref<32x16xi32, #tpu.memory_space<vmem>>, %arg5: memref<1x1xf32, #tpu.memory_space<smem>>) attributes {dimension_semantics = [], scalar_prefetch = 0 : i64, scratch_operands = 0 : i64, tpu.core_type = #tpu.core_type<tc>} {
    %get3A = arith.constant 0 : index
    %get3A_0 = arith.constant 0 : index
    %get3A_1 = arith.constant 0 : index
    %get3A_2 = vector.load %arg2[%get3A, %get3A_0, %get3A_1] : memref<64x1x1xf32, #tpu.memory_space<vmem>>, vector<64x1x1xf32>
    %reduce_sum3A = vector.shape_cast %get3A_2 : vector<64x1x1xf32> to vector<1x64x1x1xf32>
    %reduce_sum3A_3 = arith.constant dense<0.000000e+00> : vector<1xf32>
    %reduce_sum3A_4 = vector.multi_reduction <add>, %reduce_sum3A, %reduce_sum3A_3 [1, 2, 3] : vector<1x64x1x1xf32> to vector<1xf32>
    %reduce_sum3A_5 = vector.shape_cast %reduce_sum3A_4 : vector<1xf32> to vector<1x1x1x1xf32>
    %reduce_sum3A_6 = vector.extract %reduce_sum3A_5[0, 0, 0, 0] : f32 from vector<1x1x1x1xf32>
    %get3A_7 = arith.constant 0 : index
    %get3A_8 = arith.constant 0 : index
    %get3A_9 = arith.constant 0 : index
    %get3A_10 = vector.load %arg0[%get3A_7, %get3A_8, %get3A_9] : memref<2x2048x128xf32, #tpu.memory_space<vmem>>, vector<1x2048x128xf32>
    %get3A_11 = vector.shape_cast %get3A_10 : vector<1x2048x128xf32> to vector<2048x128xf32>
    %get3A_12 = arith.constant 0 : index
    %get3A_13 = arith.constant 0 : index
    %get3A_14 = arith.constant 0 : index
    %get3A_15 = vector.load %arg1[%get3A_12, %get3A_13, %get3A_14] : memref<2x2048x128xf32, #tpu.memory_space<vmem>>, vector<1x2048x128xf32>
    %get3A_16 = vector.shape_cast %get3A_15 : vector<1x2048x128xf32> to vector<2048x128xf32>
    %mul3A = arith.mulf %get3A_11, %get3A_16 : vector<2048x128xf32>
    %reduce_sum3A_17 = arith.constant dense<0.000000e+00> : vector<2048xf32>
    %reduce_sum3A_18 = vector.multi_reduction <add>, %mul3A, %reduce_sum3A_17 [1] : vector<2048x128xf32> to vector<2048xf32>
    %get3A_19 = arith.constant 1 : index
    %get3A_20 = arith.constant 0 : index
    %get3A_21 = arith.constant 0 : index
    %get3A_22 = vector.load %arg0[%get3A_19, %get3A_20, %get3A_21] : memref<2x2048x128xf32, #tpu.memory_space<vmem>>, vector<1x2048x128xf32>
    %get3A_23 = vector.shape_cast %get3A_22 : vector<1x2048x128xf32> to vector<2048x128xf32>
    %get3A_24 = arith.constant 1 : index
    %get3A_25 = arith.constant 0 : index
    %get3A_26 = arith.constant 0 : index
    %get3A_27 = vector.load %arg1[%get3A_24, %get3A_25, %get3A_26] : memref<2x2048x128xf32, #tpu.memory_space<vmem>>, vector<1x2048x128xf32>
    %get3A_28 = vector.shape_cast %get3A_27 : vector<1x2048x128xf32> to vector<2048x128xf32>
    %mul3A_29 = arith.mulf %get3A_23, %get3A_28 : vector<2048x128xf32>
    %reduce_sum3A_30 = arith.constant dense<0.000000e+00> : vector<2048xf32>
    %reduce_sum3A_31 = vector.multi_reduction <add>, %mul3A_29, %reduce_sum3A_30 [1] : vector<2048x128xf32> to vector<2048xf32>
    %add3A = arith.addf %reduce_sum3A_18, %reduce_sum3A_31 : vector<2048xf32>
    %get3A_32 = arith.constant 0 : index
    %get3A_33 = arith.constant 0 : index
    %get3A_34 = arith.constant 0 : index
    %get3A_35 = vector.load %arg0[%get3A_32, %get3A_33, %get3A_34] : memref<2x2048x128xf32, #tpu.memory_space<vmem>>, vector<1x2048x128xf32>
    %get3A_36 = vector.shape_cast %get3A_35 : vector<1x2048x128xf32> to vector<2048x128xf32>
    %get3A_37 = arith.constant 0 : index
    %get3A_38 = arith.constant 0 : index
    %get3A_39 = arith.constant 0 : index
    %get3A_40 = vector.load %arg0[%get3A_37, %get3A_38, %get3A_39] : memref<2x2048x128xf32, #tpu.memory_space<vmem>>, vector<1x2048x128xf32>
    %get3A_41 = vector.shape_cast %get3A_40 : vector<1x2048x128xf32> to vector<2048x128xf32>
    %mul3A_42 = arith.mulf %get3A_36, %get3A_41 : vector<2048x128xf32>
    %reduce_sum3A_43 = arith.constant dense<0.000000e+00> : vector<2048xf32>
    %reduce_sum3A_44 = vector.multi_reduction <add>, %mul3A_42, %reduce_sum3A_43 [1] : vector<2048x128xf32> to vector<2048xf32>
    %get3A_45 = arith.constant 1 : index
    %get3A_46 = arith.constant 0 : index
    %get3A_47 = arith.constant 0 : index
    %get3A_48 = vector.load %arg0[%get3A_45, %get3A_46, %get3A_47] : memref<2x2048x128xf32, #tpu.memory_space<vmem>>, vector<1x2048x128xf32>
    %get3A_49 = vector.shape_cast %get3A_48 : vector<1x2048x128xf32> to vector<2048x128xf32>
    %get3A_50 = arith.constant 1 : index
    %get3A_51 = arith.constant 0 : index
    %get3A_52 = arith.constant 0 : index
    %get3A_53 = vector.load %arg0[%get3A_50, %get3A_51, %get3A_52] : memref<2x2048x128xf32, #tpu.memory_space<vmem>>, vector<1x2048x128xf32>
    %get3A_54 = vector.shape_cast %get3A_53 : vector<1x2048x128xf32> to vector<2048x128xf32>
    %mul3A_55 = arith.mulf %get3A_49, %get3A_54 : vector<2048x128xf32>
    %reduce_sum3A_56 = arith.constant dense<0.000000e+00> : vector<2048xf32>
    %reduce_sum3A_57 = vector.multi_reduction <add>, %mul3A_55, %reduce_sum3A_56 [1] : vector<2048x128xf32> to vector<2048xf32>
    %add3A_58 = arith.addf %reduce_sum3A_44, %reduce_sum3A_57 : vector<2048xf32>
    %get3A_59 = arith.constant 0 : index
    %get3A_60 = arith.constant 0 : index
    %get3A_61 = arith.constant 0 : index
    %get3A_62 = vector.load %arg1[%get3A_59, %get3A_60, %get3A_61] : memref<2x2048x128xf32, #tpu.memory_space<vmem>>, vector<1x2048x128xf32>
    %get3A_63 = vector.shape_cast %get3A_62 : vector<1x2048x128xf32> to vector<2048x128xf32>
    %get3A_64 = arith.constant 0 : index
    %get3A_65 = arith.constant 0 : index
    %get3A_66 = arith.constant 0 : index
    %get3A_67 = vector.load %arg1[%get3A_64, %get3A_65, %get3A_66] : memref<2x2048x128xf32, #tpu.memory_space<vmem>>, vector<1x2048x128xf32>
    %get3A_68 = vector.shape_cast %get3A_67 : vector<1x2048x128xf32> to vector<2048x128xf32>
    %mul3A_69 = arith.mulf %get3A_63, %get3A_68 : vector<2048x128xf32>
    %reduce_sum3A_70 = arith.constant dense<0.000000e+00> : vector<2048xf32>
    %reduce_sum3A_71 = vector.multi_reduction <add>, %mul3A_69, %reduce_sum3A_70 [1] : vector<2048x128xf32> to vector<2048xf32>
    %get3A_72 = arith.constant 1 : index
    %get3A_73 = arith.constant 0 : index
    %get3A_74 = arith.constant 0 : index
    %get3A_75 = vector.load %arg1[%get3A_72, %get3A_73, %get3A_74] : memref<2x2048x128xf32, #tpu.memory_space<vmem>>, vector<1x2048x128xf32>
    %get3A_76 = vector.shape_cast %get3A_75 : vector<1x2048x128xf32> to vector<2048x128xf32>
    %get3A_77 = arith.constant 1 : index
    %get3A_78 = arith.constant 0 : index
    %get3A_79 = arith.constant 0 : index
    %get3A_80 = vector.load %arg1[%get3A_77, %get3A_78, %get3A_79] : memref<2x2048x128xf32, #tpu.memory_space<vmem>>, vector<1x2048x128xf32>
    %get3A_81 = vector.shape_cast %get3A_80 : vector<1x2048x128xf32> to vector<2048x128xf32>
    %mul3A_82 = arith.mulf %get3A_76, %get3A_81 : vector<2048x128xf32>
    %reduce_sum3A_83 = arith.constant dense<0.000000e+00> : vector<2048xf32>
    %reduce_sum3A_84 = vector.multi_reduction <add>, %mul3A_82, %reduce_sum3A_83 [1] : vector<2048x128xf32> to vector<2048xf32>
    %add3A_85 = arith.addf %reduce_sum3A_71, %reduce_sum3A_84 : vector<2048xf32>
    %sqrt3A = math.sqrt %add3A_58 : vector<2048xf32>
    %max3A = arith.constant 9.99999993E-9 : f32
    %max3A_86 = vector.broadcast %max3A : f32 to vector<2048xf32>
    %max3A_87 = arith.maximumf %sqrt3A, %max3A_86 : vector<2048xf32>
    %sqrt3A_88 = math.sqrt %add3A_85 : vector<2048xf32>
    %max3A_89 = arith.constant 9.99999993E-9 : f32
    %max3A_90 = vector.broadcast %max3A_89 : f32 to vector<2048xf32>
    %max3A_91 = arith.maximumf %sqrt3A_88, %max3A_90 : vector<2048xf32>
    %mul3A_92 = arith.mulf %max3A_87, %max3A_91 : vector<2048xf32>
    %div3A = arith.divf %add3A, %mul3A_92 : vector<2048xf32>
    %reduce_sum3A_93 = vector.shape_cast %div3A : vector<2048xf32> to vector<1x2048xf32>
    %reduce_sum3A_94 = arith.constant dense<0.000000e+00> : vector<1xf32>
    %reduce_sum3A_95 = vector.multi_reduction <add>, %reduce_sum3A_93, %reduce_sum3A_94 [1] : vector<1x2048xf32> to vector<1xf32>
    %reduce_sum3A_96 = vector.shape_cast %reduce_sum3A_95 : vector<1xf32> to vector<1x1xf32>
    %reduce_sum3A_97 = vector.extract %reduce_sum3A_96[0, 0] : f32 from vector<1x1xf32>
    %get3A_98 = arith.constant 0 : index
    %get3A_99 = arith.constant 0 : index
    %get3A_100 = vector.load %arg3[%get3A_98, %get3A_99] : memref<32x16xi32, #tpu.memory_space<vmem>>, vector<32x16xi32>
    %reduce_max3A = vector.shape_cast %get3A_100 : vector<32x16xi32> to vector<1x32x16xi32>
    %reduce_max3A_101 = arith.constant dense<-2147483648> : vector<1xi32>
    %reduce_max3A_102 = vector.multi_reduction <maxsi>, %reduce_max3A, %reduce_max3A_101 [1, 2] : vector<1x32x16xi32> to vector<1xi32>
    %reduce_max3A_103 = vector.shape_cast %reduce_max3A_102 : vector<1xi32> to vector<1x1x1xi32>
    %reduce_max3A_104 = vector.extract %reduce_max3A_103[0, 0, 0] : i32 from vector<1x1x1xi32>
    %get3A_105 = arith.constant 0 : index
    %get3A_106 = arith.constant 0 : index
    %get3A_107 = vector.load %arg4[%get3A_105, %get3A_106] : memref<32x16xi32, #tpu.memory_space<vmem>>, vector<32x16xi32>
    %reduce_max3A_108 = vector.shape_cast %get3A_107 : vector<32x16xi32> to vector<1x32x16xi32>
    %reduce_max3A_109 = arith.constant dense<-2147483648> : vector<1xi32>
    %reduce_max3A_110 = vector.multi_reduction <maxsi>, %reduce_max3A_108, %reduce_max3A_109 [1, 2] : vector<1x32x16xi32> to vector<1xi32>
    %reduce_max3A_111 = vector.shape_cast %reduce_max3A_110 : vector<1xi32> to vector<1x1x1xi32>
    %reduce_max3A_112 = vector.extract %reduce_max3A_111[0, 0, 0] : i32 from vector<1x1x1xi32>
    %jit3A = arith.constant 1024 : i32
    %div3A_113 = arith.divsi %reduce_max3A_104, %jit3A : i32
    %sign3A = arith.constant 0 : i32
    %sign3A_114 = arith.cmpi sgt, %reduce_max3A_104, %sign3A : i32
    %sign3A_115 = arith.extui %sign3A_114 : i1 to i32
    %sign3A_116 = arith.constant 0 : i32
    %sign3A_117 = arith.cmpi slt, %reduce_max3A_104, %sign3A_116 : i32
    %sign3A_118 = arith.extui %sign3A_117 : i1 to i32
    %sign3A_119 = arith.subi %sign3A_115, %sign3A_118 : i32
    %sign3A_120 = arith.constant 0 : i32
    %sign3A_121 = arith.cmpi sgt, %jit3A, %sign3A_120 : i32
    %sign3A_122 = arith.extui %sign3A_121 : i1 to i32
    %sign3A_123 = arith.constant 0 : i32
    %sign3A_124 = arith.cmpi slt, %jit3A, %sign3A_123 : i32
    %sign3A_125 = arith.extui %sign3A_124 : i1 to i32
    %sign3A_126 = arith.subi %sign3A_122, %sign3A_125 : i32
    %ne3A = arith.cmpi ne, %sign3A_119, %sign3A_126 : i32
    %rem3A = arith.remsi %reduce_max3A_104, %jit3A : i32
    %ne3A_127 = arith.constant 0 : i32
    %ne3A_128 = arith.cmpi ne, %rem3A, %ne3A_127 : i32
    %and3A = arith.andi %ne3A, %ne3A_128 : i1
    %sub3A = arith.constant 1 : i32
    %sub3A_129 = arith.subi %div3A_113, %sub3A : i32
    %select_n3A = arith.select %and3A, %sub3A_129, %div3A_113 : i32
    %mul3A_130 = arith.constant 1024 : i32
    %mul3A_131 = arith.muli %select_n3A, %mul3A_130 : i32
    %sub3A_132 = arith.subi %reduce_max3A_104, %mul3A_131 : i32
    %add3A_133 = arith.constant 1 : i32
    %add3A_134 = arith.addi %reduce_max3A_112, %add3A_133 : i32
    %mul3A_135 = arith.muli %select_n3A, %add3A_134 : i32
    %add3A_136 = arith.addi %mul3A_135, %sub3A_132 : i32
    %add3A_137 = arith.constant 1 : i32
    %add3A_138 = arith.addi %add3A_136, %add3A_137 : i32
    %convert_element_type3A = arith.sitofp %add3A_138 : i32 to f32
    %mul3A_139 = arith.constant 7.62939453E-6 : f32
    %mul3A_140 = arith.mulf %reduce_sum3A_6, %mul3A_139 : f32
    %sub3A_141 = arith.constant 2.000000e+00 : f32
    %sub3A_142 = arith.subf %sub3A_141, %mul3A_140 : f32
    %div3A_143 = arith.divf %reduce_sum3A_97, %convert_element_type3A : f32
    %sub3A_144 = arith.subf %sub3A_142, %div3A_143 : f32
    %swap3A = arith.constant 0 : index
    %swap3A_145 = arith.constant 0 : index
    %swap3A_146 = memref.load %arg5[%swap3A, %swap3A_145] : memref<1x1xf32, #tpu.memory_space<smem>>
    memref.store %sub3A_144, %arg5[%swap3A, %swap3A_145] : memref<1x1xf32, #tpu.memory_space<smem>>
    return
  }
}

</mosaic_0001>

<sc_bundles>
// kernel: kernel.5.cloned.1.call-start
scs
__scs_entry_jumppad:
0x0: {  	(pc) =	sbr.rel $0x88, $3  }
0x1: {  	(tag) =	ssettag $0x0;
	lr =	simm.s32 $0x1  }
0x2: {  	[smem:$0x3F9D] =	sst lr;
	_ =	strace $0xD0000000  }
0x3: {  	_ = 	snop  }
0x4: {  	_ = 	snop  }
0x5: {  	_ = 	snop  }
0x6: {  	_ = 	snop  }
0x7: {  	_ = 	snop  }
__scs_overlays_trampoline_lowered:
0x8: {  	[smem:$0x3FAC] =	sst s0  }
0x9: {  	[smem:$0x3FAD] =	sst s1  }
0xa: {  	[smem:$0x3FAE] =	sst s2  }
0xb: {  	[smem:$0x3FAF] =	sst s3  }
0xc: {  	[smem:$0x3FB0] =	sst s4  }
0xd: {  	[smem:$0x3FB1] =	sst s5  }
0xe: {  	[smem:$0x3FB2] =	sst s6  }
0xf: {  	[smem:$0x3FB3] =	sst s7  }
0x10: {  	[smem:$0x3FB4] =	sst s8  }
0x11: {  	[smem:$0x3FB5] =	sst s9;
	s0 =	simm.s32 @!p0 $0x0  }
0x12: {  	s1 =	sld [smem:$0x3F9B];
	s0 =	simm.s32 @p0 $0x1  }
0x13: {  	[smem:$0x3FB6] =	sst s0;
	s0 =	simm.s32 @!p1 $0x0  }
0x14: {  	s2 =	sld [smem:$0x3F9A];
	s0 =	simm.s32 @p1 $0x1  }
0x15: {  	[smem:$0x3FB7] =	sst s0;
	s0 =	simm.s32 @!p2 $0x0  }
0x16: {  	s3 =	sld [smem:$0x3FDB];
	s0 =	simm.s32 @p2 $0x1  }
0x17: {  	s4 =	simm.s32 $0x1BF5;
	[smem:$0x3FB9] =	sst s0  }
0x18: {  	s0 =	sld [smem:$0x3F9C];
	_ =	swait.ge [sflag:s4], $0x0  }
0x19: {  	s7 =	sld [smem:$0x3F9D]  }
0x1a: {  	s8 =	sadd.s32 $0xFFFFE003, lr  }
0x1b: {  	s9 =	sadd.s32 $0xFFFFFEF7, lr;
	s5 =	simm.s32 $0xFFFFFFFF;
	p2 =	slt.u32 s8, $0xFFFFF086  }
0x1c: {  	p1 =	slt.u32 s9, $0xF7A;
	s5 =	simm.s32 @!p2 $0x0  }
0x1d: {  	s5 =	simm.s32 @p1 $0x1;
	p0 =	seq.s32 s7, s2  }
0x1e: {  	s7 =	smul.u32 @!p0 $0xF7A, s2;
	p2 =	seq.s32 @!p0 s5, $0x0  }
0x1f: {  	s9 =	smul.u32 $0xF7A, s1;
	s8 =	simm.s32 @!p0 $0x1BF5;
	p2 =	por !p2, p0  }
0x20: {  	[sflag:s8] =	ssyncset.s32 @!p0 $0xFFFFF086;
	s6 =	sadd.s32 @!p0 s3, s7;
	s7 =	simm.s32 @!p0 $0x108  }
0x21: {  	s3 =	sadd.s32 s3, s9;
	s6 =	sadd.s32 @!p0 $0x88, s6;
	s7 =	simm.s32 @p2 $0x1082  }
0x22: {  	[simem:s7], [sflag:s8] =	dma.local @!p0 [hbm:s6], $0xF7A  }
0x23: {  	s9 =	sor.u32 $0xD0000000, s2;
	s6 =	simm.s32 $0x108;
	_ =	swait.ge @!p0 [sflag:s8], $0x0  }
0x24: {  	s3 =	sadd.s32 $0x88, s3;
	s6 =	simm.s32 @!p1 $0x1082;
	[sflag:s4] =	ssyncset.s32 $0xFFFFF086  }
0x25: {  	[simem:s6], [sflag:s4] =	dma.local [hbm:s3], $0xF7A  }
0x26: {  	[smem:$0x3F9D] =	sst s1;
	(tag) =	ssettag s2;
	_ =	strace s9  }
0x27: {  	s1 =	sld [smem:$0x3FAD]  }
0x28: {  	s2 =	sld [smem:$0x3FAE]  }
0x29: {  	s4 =	sld [smem:$0x3FB0]  }
0x2a: {  	p0 =	seq.s32 s5, $0x0;
	s5 =	sld [smem:$0x3FB1]  }
0x2b: {  	s6 =	sld [smem:$0x3FB2]  }
0x2c: {  	s7 =	sld [smem:$0x3FB3]  }
0x2d: {  	s3 =	simm.s32 $0x108;
	s8 =	sld [smem:$0x3FB4]  }
0x2e: {  	s3 =	simm.s32 @!p0 $0x1082;
	s9 =	sld [smem:$0x3FB5]  }
0x2f: {  	lr =	sadd.s32 s0, s3;
	s0 =	sld [smem:$0x3FAC]  }
0x30: {  	s3 =	sld [smem:$0x3FAF]  }
0x31: {  	[smem:$0x3FB8] =	sst s10  }
0x32: {  	s10 =	sld [smem:$0x3FB6];
	_ =	sdelay $0x3  }
0x33: {  	p0 =	seq.s32 s10, $0x1;
	s10 =	sld [smem:$0x3FB8];
	_ =	sdelay $0x3  }
0x34: {  	[smem:$0x3FB8] =	sst s10  }
0x35: {  	s10 =	sld [smem:$0x3FB7];
	_ =	sdelay $0x3  }
0x36: {  	p1 =	seq.s32 s10, $0x1;
	s10 =	sld [smem:$0x3FB8];
	_ =	sdelay $0x3  }
0x37: {  	[smem:$0x3FB8] =	sst s10  }
0x38: {  	s10 =	sld [smem:$0x3FB9]  }
0x39: {  	_ = 	snop;
	(pc) =	sbr.ind lr, $3  }
0x3a: {  	_ = 	snop  }
0x3b: {  	_ = 	snop  }
0x3c: {  	p2 =	seq.s32 s10, $0x1;
	s10 =	sld [smem:$0x3FB8]  }
0x3d: {  	_ =	shalt  }
0x3e: {  	_ =	shalt  }
0x3f: {  	_ =	shalt  }
0x40: {  	_ =	shalt  }
0x41: {  	_ =	shalt  }
0x42: {  	_ =	shalt  }
0x43: {  	_ =	shalt  }
0x44: {  	_ =	shalt  }
0x45: {  	_ =	shalt  }
0x46: {  	_ =	shalt  }
0x47: {  	_ =	shalt  }
0x48: {  	_ =	shalt  }
0x49: {  	_ =	shalt  }
0x4a: {  	_ =	shalt  }
0x4b: {  	_ =	shalt  }
0x4c: {  	_ =	shalt  }
0x4d: {  	_ =	shalt  }
0x4e: {  	_ =	shalt  }
0x4f: {  	_ =	shalt  }
0x50: {  	_ =	shalt  }
0x51: {  	_ =	shalt  }
0x52: {  	_ =	shalt  }
0x53: {  	_ =	shalt  }
0x54: {  	_ =	shalt  }
0x55: {  	_ =	shalt  }
0x56: {  	_ =	shalt  }
0x57: {  	_ =	shalt  }
0x58: {  	_ =	shalt  }
0x59: {  	_ =	shalt  }
0x5a: {  	_ =	shalt  }
0x5b: {  	_ =	shalt  }
0x5c: {  	_ =	shalt  }
0x5d: {  	_ =	shalt  }
0x5e: {  	_ =	shalt  }
0x5f: {  	_ =	shalt  }
0x60: {  	_ =	shalt  }
0x61: {  	_ =	shalt  }
0x62: {  	_ =	shalt  }
0x63: {  	_ =	shalt  }
0x64: {  	_ =	shalt  }
0x65: {  	_ =	shalt  }
0x66: {  	_ =	shalt  }
0x67: {  	_ =	shalt  }
0x68: {  	_ =	shalt  }
0x69: {  	_ =	shalt  }
0x6a: {  	_ =	shalt  }
0x6b: {  	_ =	shalt  }
0x6c: {  	_ =	shalt  }
0x6d: {  	_ =	shalt  }
0x6e: {  	_ =	shalt  }
0x6f: {  	_ =	shalt  }
0x70: {  	_ =	shalt  }
0x71: {  	_ =	shalt  }
0x72: {  	_ =	shalt  }
0x73: {  	_ =	shalt  }
0x74: {  	_ =	shalt  }
0x75: {  	_ =	shalt  }
0x76: {  	_ =	shalt  }
0x77: {  	_ =	shalt  }
0x78: {  	_ =	shalt  }
0x79: {  	_ =	shalt  }
0x7a: {  	_ =	shalt  }
0x7b: {  	_ =	shalt  }
0x7c: {  	_ =	shalt  }
0x7d: {  	_ =	shalt  }
0x7e: {  	_ =	shalt  }
0x7f: {  	_ =	shalt  }
0x80: {  	_ =	shalt  }
0x81: {  	_ =	shalt  }
0x82: {  	_ =	shalt  }
0x83: {  	_ =	shalt  }
0x84: {  	_ =	shalt  }
0x85: {  	_ =	shalt  }
0x86: {  	_ =	shalt  }
0x87: {  	_ =	shalt  }
.Lfunc_end0:
.L_simem_size_0:
called_computation_lowered:
.L_overlay_start_0:
0x88: {  	s2 =	sld [smem:$0x3FD9]  }
0x89: {  	s3 =	sld [smem:$0x3FFE];
	_ =	sdelay $0x1  }
0x8a: {  	s1 =	srdreg.scid  }
0x8b: {  	s0 =	sand.u32 $0x1, s1  }
0x8c: {  	s17 =	sshll.u32 s0, $0xA;
	s2 =	sadd.s32 s3, s2  }
0x8d: {  	s2 =	sadd.s32 s2, s17  }
0x8e: {  	[smem:$0x3FC4] =	sst s2  }
0x8f: {  	_ = 	snop  }
0x90: {  	s2 =	sld [smem:$0x3FC9]  }
0x91: {  	s18 =	sld [smem:$0x3FC8]  }
0x92: {  	s4 =	sld [smem:$0x3FC7]  }
0x93: {  	s5 =	sld [smem:$0x3FC6];
	(tm) =	ssettm $0x1  }
0x94: {  	s6 =	sld [smem:$0x3FFB];
	_ =	sdelay $0x3  }
0x95: {  	_ =	strace s6  }
0x96: {  	s6 =	sld [smem:$0x3FFC];
	_ =	sdelay $0x3  }
0x97: {  	_ =	strace s6  }
0x98: {  	s6 =	sld [smem:$0x3FFD];
	_ =	sdelay $0x3  }
0x99: {  	_ =	strace s6  }
0x9a: {  	_ =	strace $0x8FFFFFFF  }
0x9b: {  	s19 =	sld [smem:$0x3FDB];
	_ =	sdelay $0x1  }
0x9c: {  	s7 =	simm.s32 $_scs_section_size  }
0x9d: {  	s8 =	simm.s32 $_size__tile_overlayer_lowered;
	s9 =	simm.s32 $_tile_overlayer_lowered  }
0x9e: {  	s22 =	simm.s32 $0x1BFF;
	s21 =	sshll.u32 s9, $0x1;
	s6 =	sadd.s32 s7, s19  }
0x9f: {  	s10 =	simm.s32 $0x0;
	s20 =	sshll.u32 s8, $0x1;
	s8 =	sadd.s32 s21, s6  }
0xa0: {  	[timem:s10], [sflag:s22] =	dma.local [hbm:s8], s20  }
0xa1: {  	_ =	swait.ge [sflag:s22], s20  }
0xa2: {  	s7 =	ssub.s32 $0x0, s20;
	[sflag:s22] =	ssyncset.done $0x0  }
0xa3: {  	[sflag:s22] =	ssyncadd.s32 s7;
	_ =	sdelay $0x1  }
0xa4: {  	s23 =	simm.s32 $0x1B8B  }
0xa5: {  	_ =	swait.ge [sflag:s23], $0x1  }
0xa6: {  	[sflag:s23] =	ssyncset.done $0x0  }
0xa7: {  	s25 =	simm.s32 $0x1B8E;
	s24 =	sld [smem:$0x3FFE];
	[sflag:s23] =	ssyncadd.s32 $0xFFFFFFFF  }
0xa8: {  	s26 =	simm.s32 $execute0_lowered;
	[smem:$0x3FD2] =	sst s25  }
0xa9: {  	s8 =	sshll.u32 s26, $0x1;
	_ =	strace $0x80000046;
	[dreg:$0x1] =	wrdreg $0xFFFFFFFF  }
0xaa: {  	s28 =	simm.s32 $_size_execute0_lowered;
	s6 =	sadd.s32 s6, s8;
	[dreg:$0x0] =	wrdreg $0x0  }
0xab: {  	s8 =	sshll.u32 s28, $0x1;
	[dreg:$0x2] =	wrdreg s6  }
0xac: {  	[dreg:$0x3] =	wrdreg s8  }
0xad: {  	[dreg:$0x4] =	wrdreg $0xC0  }
0xae: {  	_ =	task [dreg:s10], $0x5FFFF  }
0xaf: {  	[dreg:$0x1] =	wrdreg $0xFFFFFFFF  }
0xb0: {  	[dreg:$0x0] =	wrdreg $0x60  }
0xb1: {  	[dreg:$0x2] =	wrdreg s2  }
0xb2: {  	[dreg:$0x3] =	wrdreg s18  }
0xb3: {  	[dreg:$0x4] =	wrdreg s4  }
0xb4: {  	[dreg:$0x5] =	wrdreg s5  }
0xb5: {  	[dreg:$0x6] =	wrdreg s24  }
0xb6: {  	[dreg:$0x7] =	wrdreg $0x81A00  }
0xb7: {  	[dreg:$0x8] =	wrdreg $0xC1A00  }
0xb8: {  	[dreg:$0x9] =	wrdreg $0x9  }
0xb9: {  	_ =	task.clear_ibuf [dreg:s10], $0xAFFFF;
	_ =	strace $0x90000046  }
0xba: {  	s29 =	simm.s32 $0x9;
	_ =	strace $0x80000048  }
0xbb: {  	_ =	swait.ge [sflag:s29], $0x1  }
0xbc: {  	[sflag:s29] =	ssyncadd.s32 $0xFFFFFFFF  }
0xbd: {  	_ =	strace $0x90000048  }
0xbe: {  	_ =	sfence  }
0xbf: {  	s30 =	sld [smem:$0x0];
	_ =	sdelay $0x2  }
0xc0: {  	s31 =	sshll.u32 s1, $0xD;
	s1 =	sshrl.u32 s1, $0x2  }
0xc1: {  	s3 =	sand.u32 $0x4000, s31;
	s1 =	sadd.s32 s1, s30  }
0xc2: {  	s0 =	sor.u32 s3, s0;
	s1 =	sshll.u32 s1, $0x11  }
0xc3: {  	s0 =	sor.u32 s1, s0  }
0xc4: {  	s0 =	sadd.s32 $0x8F2B, s0  }
0xc5: {  	[sflag:s0] =	ssyncadd.remote.s32 $0x1  }
0xc6: {  	_ =	sfence.sel $0xFFFF  }
0xc7: {  	[dreg:$0x0] =	wrdreg $0xFFFFFFFF;
	(pc) =	sbr.abs _section_cstart, $3  }
0xc8: {  	[dreg:$0x1] =	wrdreg $0xFFFFFFFF  }
0xc9: {  	_ =	task.clear_ibuf [dreg:s10], $0x2FFFF;
	_ =	strace $0x9FFFFFFF  }
0xca: {  	(tm) =	ssettm $0x7FFFFFFF  }
0xcb: {  	_ =	shalt  }
tec
execute0_lowered:
.L_overlay_start_1:
0x0: {  	(tag) =	ssettag $0x1  }
0x1: {  	s0 =	rddreg [dreg:$0x0]  }
0x2: {  	s2 =	rddreg [dreg:$0x1]  }
0x3: {  	s9 =	rddreg [dreg:$0x2]  }
0x4: {  	s10 =	rddreg [dreg:$0x3]  }
0x5: {  	s4 =	rddreg [dreg:$0x4]  }
0x6: {  	s3 =	rddreg [dreg:$0x5]  }
0x7: {  	s5 =	rddreg [dreg:$0x6];
	s1 =	srdreg.scid  }
0x8: {  	s6 =	simm.s32 $0x0;
	s14 =	stileid.u32;
	s8 =	sand.u32 $0x1, s1  }
0x9: {  	[smem:$0x7FF] =	sst s6;
	s11 =	sshll.u32 s14, $0xE;
	s7 =	sshll.u32 s14, $0x2  }
0xa: {  	s31 =	sshll.u32 s14, $0xA;
	s16 =	sshll.u32 s14, $0x15;
	s1 =	sshll.u32 s8, $0x12  }
0xb: {  	_ =	strace $0x80000047;
	s12 =	sshll.u32 s8, $0x1;
	s18 =	ssub.s32 $0x2, s8  }
0xc: {  	s13 =	sor.u32 $0x800, s11;
	s21 =	sor.u32 $0x1000, s11;
	s15 =	sadd.s32 s9, s31  }
0xd: {  	s23 =	sor.u32 $0x1800, s11;
	s30 =	sadd.s32 s11, s5;
	[dreg:$0x10] =	wrdreg s15  }
0xe: {  	s25 =	sor.u32 $0x2000, s11;
	s20 =	sadd.s32 s13, s3;
	[dreg:$0x17] =	wrdreg s30  }
0xf: {  	s8 =	sshll.u32 s8, $0xA;
	s13 =	sadd.s32 s13, s5;
	[dreg:$0x8] =	wrdreg s20  }
0x10: {  	s17 =	sor.u32 $0x2800, s11;
	s22 =	sadd.s32 s21, s3;
	[dreg:$0x9] =	wrdreg s13  }
0x11: {  	s7 =	sor.u32 s12, s7;
	s12 =	sadd.s32 s21, s5;
	[dreg:$0xa] =	wrdreg s22  }
0x12: {  	s1 =	sor.u32 s11, s1;
	s24 =	sadd.s32 s23, s3;
	[dreg:$0xb] =	wrdreg s12  }
0x13: {  	s19 =	sshrl.u32 s18, $0x1;
	s26 =	sadd.s32 s25, s3;
	[dreg:$0xc] =	wrdreg s24  }
0x14: {  	s8 =	sor.u32 s8, s16;
	s21 =	sadd.s32 s17, s5;
	[dreg:$0xe] =	wrdreg s26  }
0x15: {  	s16 =	sadd.s32 s11, s3;
	s1 =	sshrl.u32 s1, $0x3;
	[dreg:$0x15] =	wrdreg s21  }
0x16: {  	s7 =	sadd.s32 s7, s4;
	s13 =	sadd.s32 s23, s5;
	[dreg:$0x16] =	wrdreg s16  }
0x17: {  	s12 =	sadd.s32 s25, s5;
	s20 =	sadd.s32 s17, s3;
	[dreg:$0xd] =	wrdreg s13  }
0x18: {  	s22 =	sor.u32 $0x3000, s11;
	s23 =	sor.u32 $0x3800, s11;
	[dreg:$0xf] =	wrdreg s12  }
0x19: {  	s1 =	sadd.s32 s1, s4;
	[dreg:$0x14] =	wrdreg s20;
	s24 =	sadd.s32 s22, s3  }
0x1a: {  	s4 =	ssub.s32 s18, s19;
	s25 =	sadd.s32 s23, s3;
	[dreg:$0x18] =	wrdreg s24  }
0x1b: {  	s18 =	sor.u32 $0x8, s31;
	s12 =	sadd.s32 s10, s31;
	[dreg:$0x1a] =	wrdreg s25  }
0x1c: {  	s9 =	sadd.s32 s9, s18;
	[dreg:$0x11] =	wrdreg s12  }
0x1d: {  	s11 =	sshrl.u32 s8, $0x3;
	s19 =	sadd.s32 s10, s18;
	[dreg:$0x12] =	wrdreg s9  }
0x1e: {  	s26 =	sor.u32 $0x100, s11;
	s10 =	sadd.s32 s23, s5;
	[dreg:$0x13] =	wrdreg s19  }
0x1f: {  	s13 =	sor.u32 $0x200, s11;
	s31 =	sadd.s32 s0, s26;
	[dreg:$0x1b] =	wrdreg s10  }
0x20: {  	s17 =	sor.u32 $0x300, s11;
	s14 =	sadd.s32 s0, s13;
	[dreg:$0x1c] =	wrdreg s31  }
0x21: {  	s18 =	sadd.s32 s0, s17;
	[dreg:$0x1e] =	wrdreg s14  }
0x22: {  	s9 =	sadd.s32 s22, s5;
	[smem:$0x7DA] =	sst s18  }
0x23: {  	s21 =	sor.u32 $0x500, s11;
	s10 =	sadd.s32 s2, s13;
	[dreg:$0x19] =	wrdreg s9  }
0x24: {  	s23 =	sor.u32 $0x600, s11;
	s22 =	sadd.s32 s0, s21;
	[dreg:$0x1f] =	wrdreg s10  }
0x25: {  	s24 =	sadd.s32 s0, s23;
	[smem:$0x7DE] =	sst s22  }
0x26: {  	s19 =	sor.u32 $0x400, s11;
	s9 =	sadd.s32 s2, s26;
	[smem:$0x7E0] =	sst s24  }
0x27: {  	s20 =	sadd.s32 s0, s19;
	[dreg:$0x1d] =	wrdreg s9  }
0x28: {  	s25 =	sor.u32 $0x700, s11;
	s10 =	sadd.s32 s2, s19;
	[smem:$0x7DC] =	sst s20  }
0x29: {  	s31 =	sor.u32 $0x800, s11;
	s26 =	sadd.s32 s0, s25;
	[smem:$0x7DD] =	sst s10  }
0x2a: {  	s18 =	sor.u32 $0xA00, s11;
	s13 =	sadd.s32 s0, s31;
	[smem:$0x7E2] =	sst s26  }
0x2b: {  	s19 =	sadd.s32 s0, s18;
	[smem:$0x7E4] =	sst s13  }
0x2c: {  	s9 =	sadd.s32 s2, s17;
	[smem:$0x7E8] =	sst s19  }
0x2d: {  	s14 =	sor.u32 $0x900, s11;
	s10 =	sadd.s32 s2, s23;
	[smem:$0x7DB] =	sst s9  }
0x2e: {  	s22 =	sor.u32 $0xC00, s11;
	s17 =	sadd.s32 s0, s14;
	[smem:$0x7E1] =	sst s10  }
0x2f: {  	s23 =	sadd.s32 s0, s22;
	[smem:$0x7E6] =	sst s17  }
0x30: {  	s9 =	sadd.s32 s2, s21;
	[smem:$0x7EC] =	sst s23  }
0x31: {  	s20 =	sor.u32 $0xB00, s11;
	s10 =	sadd.s32 s2, s31;
	[smem:$0x7DF] =	sst s9  }
0x32: {  	s26 =	sor.u32 $0xE00, s11;
	s21 =	sadd.s32 s0, s20;
	[smem:$0x7E5] =	sst s10  }
0x33: {  	s31 =	sadd.s32 s0, s26;
	[smem:$0x7EA] =	sst s21  }
0x34: {  	s13 =	sadd.s32 s2, s26;
	[smem:$0x7F0] =	sst s31  }
0x35: {  	s17 =	sadd.s32 s2, s11;
	[smem:$0x7F1] =	sst s13  }
0x36: {  	s28 =	simm.s32 $0x2;
	s23 =	smax.u32 s4, $0x1;
	[smem:$0x7F3] =	sst s17  }
0x37: {  	s29 =	simm.s32 $0x4;
	s26 =	sadd.s32 $0x10, s12;
	[smem:$0x7FA] =	sst s23  }
0x38: {  	s24 =	sor.u32 $0xD00, s11;
	s9 =	sadd.s32 s2, s25;
	[smem:$0x7FC] =	sst s26  }
0x39: {  	s12 =	simm.s32 $0x7C00;
	s10 =	sadd.s32 s2, s18;
	[smem:$0x7E3] =	sst s9  }
0x3a: {  	s4 =	simm.s32 $0x0;
	s25 =	sadd.s32 s0, s24;
	[smem:$0x7E9] =	sst s10  }
0x3b: {  	s18 =	sor.u32 $0xF00, s11;
	s21 =	sadd.s32 $0x1000, s1;
	[smem:$0x7EE] =	sst s25  }
0x3c: {  	s1 =	sadd.s32 $0x11000, s1;
	s31 =	sadd.s32 $0x10, s15;
	[smem:$0x7F8] =	sst s21  }
0x3d: {  	s23 =	simm.s32 $0x5;
	s26 =	simm.s32 $0x6000;
	[smem:$0x7F9] =	sst s1  }
0x3e: {  	s13 =	simm.s32 $0x8040;
	s9 =	sadd.s32 s2, s14;
	[smem:$0x7FD] =	sst s31  }
0x3f: {  	s10 =	sadd.s32 s2, s22;
	s14 =	sadd.s32 s0, s11;
	[smem:$0x7E7] =	sst s9  }
0x40: {  	s19 =	sadd.s32 s0, s18;
	s22 =	sor.u32 $0xC000, s8;
	[smem:$0x7ED] =	sst s10  }
0x41: {  	s25 =	sor.u32 $0x8000, s8;
	s11 =	simm.s32 $0x3C00;
	[smem:$0x7F2] =	sst s14  }
0x42: {  	s21 =	simm.s32 $0x8100;
	s9 =	sadd.s32 s2, s20;
	[smem:$0x7F4] =	sst s19  }
0x43: {  	s20 =	sadd.s32 $0xE00, s7;
	s7 =	sadd.s32 $0xC00, s7;
	[smem:$0x7FB] =	sst s25  }
0x44: {  	s25 =	simm.s32 $0x2000;
	s10 =	simm.s32 $0x7800;
	[smem:$0x7EB] =	sst s9  }
.Ltmp0:
0x45: {  	s14 =	simm.s32 $0x80C0;
	[smem:$0x7F6] =	sst s20;
	(pc) =	sbr.rel .LBB2_1-.Ltmp0, $4  }
0x46: {  	s19 =	simm.s32 $0x1;
	s9 =	sadd.s32 s2, s24;
	[smem:$0x7F7] =	sst s7  }
0x47: {  	s24 =	sshrl.u32 s22, $0x3;
	s20 =	simm.s32 $0x40;
	s22 =	simm.s32 $0x3  }
0x48: {  	[smem:$0x7EF] =	sst s9;
	s9 =	sadd.s32 s2, s18;
	s17 =	sadd.s32 s24, s0  }
0x49: {  	v0 =	vimm.f32 $0.0e+00;
	v1 =	vimm.s32 $0x0;
	s18 =	sadd.s32 s24, s2;
	s24 =	simm.s32 $0x8140;
	[smem:$0x7F5] =	sst s9  }
.LBB2_4:
0x4a: {  	s1 =	sld [smem:$0x7F6];
	_ =	sdelay $0x1  }
0x4b: {  	s4 =	simm.s32 $0x8180  }
0x4c: {  	[hbm4b:s1+s6] =	stream.linear.scatter [tilespmem:s4], [sflag:$0x5], $0x10, $0x38;
	[tilespmem:$0x101A0] =	vst v63  }
0x4d: {  	_ =	swait.ge [sflag:s23], $0x10  }
0x4e: {  	s9 =	sld [smem:$0x7F7]  }
0x4f: {  	[sflag:s23] =	ssyncset.done $0x0  }
0x50: {  	s15 =	simm.s32 $0x8190;
	[sflag:s23] =	ssyncadd.s32 $0xFFFFFFF0  }
0x51: {  	[hbm4b:s9+s6] =	stream.linear.scatter [tilespmem:s15], [sflag:$0x5], $0x10, $0x38;
	[tilespmem:$0x101A0] =	vst v63  }
0x52: {  	_ =	swait.ge [sflag:s23], $0x10  }
0x53: {  	[sflag:s23] =	ssyncset.done $0x0  }
0x54: {  	[sflag:s23] =	ssyncadd.s32 $0xFFFFFFF0  }
0x55: {  	[bflag:$0x0] =	sbarrier.arrive $0xFFFF  }
0x56: {  	s16 =	stileid.u32;
	s7 =	sld [smem:$0x7F8]  }
0x57: {  	s1 =	sshll.u32 s16, $0x6;
	s16 =	rddreg [dreg:$0x16]  }
0x58: {  	s1 =	sor.u32 $0x1C05, s1;
	s31 =	sshrl.u32 s16, $0x3  }
0x59: {  	[hbm:s7], [sflag:s1] =	dma.local [spmem:s31], $0x800  }
0x5a: {  	_ =	swait.ge [sflag:s23], $0x800  }
0x5b: {  	s9 =	sld [smem:$0x7F9]  }
0x5c: {  	[sflag:s23] =	ssyncset.done $0x0;
	s30 =	rddreg [dreg:$0x17]  }
0x5d: {  	[sflag:s23] =	ssyncadd.s32 $0xFFFFF800;
	s8 =	sshrl.u32 s30, $0x3  }
0x5e: {  	[hbm:s9], [sflag:s1] =	dma.local [spmem:s8], $0x800  }
0x5f: {  	_ =	swait.ge [sflag:s23], $0x800  }
0x60: {  	s15 =	sld [smem:$0x7D9]  }
0x61: {  	s31 =	sld [smem:$0x7FA];
	_ =	sdelay $0x1  }
0x62: {  	s4 =	sadd.s32 $0x1, s15  }
0x63: {  	p0 =	sne.s32 s4, s31  }
.Ltmp1:
0x64: {  	_ = 	snop;
	(pc) =	sbr.rel @!p0 .LBB2_5-.Ltmp1, $3  }
0x65: {  	_ =	sdelay $0x1  }
0x66: {  	[sflag:s23] =	ssyncset.done $0x0  }
0x67: {  	[sflag:s23] =	ssyncadd.s32 $0xFFFFF800  }
.LBB2_1:
0x68: {  	[tilespmem:$0x0] =	vst v0  }
0x69: {  	[tilespmem:$0x10] =	vst v0  }
0x6a: {  	[tilespmem:$0x20] =	vst v0  }
0x6b: {  	[tilespmem:$0x30] =	vst v0  }
0x6c: {  	[tilespmem:$0x40] =	vst v0  }
0x6d: {  	[tilespmem:$0x50] =	vst v0  }
0x6e: {  	[tilespmem:$0x60] =	vst v0  }
0x6f: {  	[tilespmem:$0x70] =	vst v0  }
0x70: {  	[tilespmem:$0x80] =	vst v0  }
0x71: {  	[tilespmem:$0x90] =	vst v0  }
0x72: {  	[tilespmem:$0xA0] =	vst v0  }
0x73: {  	[tilespmem:$0xB0] =	vst v0  }
0x74: {  	[tilespmem:$0xC0] =	vst v0  }
0x75: {  	[tilespmem:$0xD0] =	vst v0  }
0x76: {  	[tilespmem:$0xE0] =	vst v0  }
0x77: {  	[tilespmem:$0xF0] =	vst v0  }
0x78: {  	[tilespmem:$0x100] =	vst v0  }
0x79: {  	[tilespmem:$0x110] =	vst v0  }
0x7a: {  	[tilespmem:$0x120] =	vst v0  }
0x7b: {  	[tilespmem:$0x130] =	vst v0  }
0x7c: {  	[tilespmem:$0x140] =	vst v0  }
0x7d: {  	[tilespmem:$0x150] =	vst v0  }
0x7e: {  	[tilespmem:$0x160] =	vst v0  }
0x7f: {  	[tilespmem:$0x170] =	vst v0  }
0x80: {  	[tilespmem:$0x180] =	vst v0  }
0x81: {  	[tilespmem:$0x190] =	vst v0  }
0x82: {  	[tilespmem:$0x1A0] =	vst v0  }
0x83: {  	[tilespmem:$0x1B0] =	vst v0  }
0x84: {  	[tilespmem:$0x1C0] =	vst v0  }
0x85: {  	[tilespmem:$0x1D0] =	vst v0  }
0x86: {  	[tilespmem:$0x1E0] =	vst v0  }
0x87: {  	[tilespmem:$0x1F0] =	vst v0  }
0x88: {  	[tilespmem:$0x200] =	vst v0  }
0x89: {  	[tilespmem:$0x210] =	vst v0  }
0x8a: {  	[tilespmem:$0x220] =	vst v0  }
0x8b: {  	[tilespmem:$0x230] =	vst v0  }
0x8c: {  	[tilespmem:$0x240] =	vst v0  }
0x8d: {  	[tilespmem:$0x250] =	vst v0  }
0x8e: {  	[tilespmem:$0x260] =	vst v0  }
0x8f: {  	[tilespmem:$0x270] =	vst v0  }
0x90: {  	[tilespmem:$0x280] =	vst v0  }
0x91: {  	[tilespmem:$0x290] =	vst v0  }
0x92: {  	[tilespmem:$0x2A0] =	vst v0  }
0x93: {  	[tilespmem:$0x2B0] =	vst v0  }
0x94: {  	[tilespmem:$0x2C0] =	vst v0  }
0x95: {  	[tilespmem:$0x2D0] =	vst v0  }
0x96: {  	[tilespmem:$0x2E0] =	vst v0  }
0x97: {  	[tilespmem:$0x2F0] =	vst v0  }
0x98: {  	[tilespmem:$0x300] =	vst v0  }
0x99: {  	[tilespmem:$0x310] =	vst v0  }
0x9a: {  	[tilespmem:$0x320] =	vst v0  }
0x9b: {  	[tilespmem:$0x330] =	vst v0  }
0x9c: {  	[tilespmem:$0x340] =	vst v0  }
0x9d: {  	[tilespmem:$0x350] =	vst v0  }
0x9e: {  	[tilespmem:$0x360] =	vst v0  }
0x9f: {  	[tilespmem:$0x370] =	vst v0  }
0xa0: {  	[tilespmem:$0x380] =	vst v0  }
0xa1: {  	[tilespmem:$0x390] =	vst v0  }
0xa2: {  	[tilespmem:$0x3A0] =	vst v0  }
0xa3: {  	[tilespmem:$0x3B0] =	vst v0  }
0xa4: {  	[tilespmem:$0x3C0] =	vst v0  }
0xa5: {  	[tilespmem:$0x3D0] =	vst v0  }
0xa6: {  	[tilespmem:$0x3E0] =	vst v0  }
0xa7: {  	[tilespmem:$0x3F0] =	vst v0  }
0xa8: {  	[tilespmem:$0x400] =	vst v0  }
0xa9: {  	[tilespmem:$0x410] =	vst v0  }
0xaa: {  	[tilespmem:$0x420] =	vst v0  }
0xab: {  	[tilespmem:$0x430] =	vst v0  }
0xac: {  	[tilespmem:$0x440] =	vst v0  }
0xad: {  	[tilespmem:$0x450] =	vst v0  }
0xae: {  	[tilespmem:$0x460] =	vst v0  }
0xaf: {  	[tilespmem:$0x470] =	vst v0  }
0xb0: {  	[tilespmem:$0x480] =	vst v0  }
0xb1: {  	[tilespmem:$0x490] =	vst v0  }
0xb2: {  	[tilespmem:$0x4A0] =	vst v0  }
0xb3: {  	[tilespmem:$0x4B0] =	vst v0  }
0xb4: {  	[tilespmem:$0x4C0] =	vst v0  }
0xb5: {  	[tilespmem:$0x4D0] =	vst v0  }
0xb6: {  	[tilespmem:$0x4E0] =	vst v0  }
0xb7: {  	[tilespmem:$0x4F0] =	vst v0  }
0xb8: {  	[tilespmem:$0x500] =	vst v0  }
0xb9: {  	[tilespmem:$0x510] =	vst v0  }
0xba: {  	[tilespmem:$0x520] =	vst v0  }
0xbb: {  	[tilespmem:$0x530] =	vst v0  }
0xbc: {  	[tilespmem:$0x540] =	vst v0  }
0xbd: {  	[tilespmem:$0x550] =	vst v0  }
0xbe: {  	[tilespmem:$0x560] =	vst v0  }
0xbf: {  	[tilespmem:$0x570] =	vst v0  }
0xc0: {  	[tilespmem:$0x580] =	vst v0  }
0xc1: {  	[tilespmem:$0x590] =	vst v0  }
0xc2: {  	[tilespmem:$0x5A0] =	vst v0  }
0xc3: {  	[tilespmem:$0x5B0] =	vst v0  }
0xc4: {  	[tilespmem:$0x5C0] =	vst v0  }
0xc5: {  	[tilespmem:$0x5D0] =	vst v0  }
0xc6: {  	[tilespmem:$0x5E0] =	vst v0  }
0xc7: {  	[tilespmem:$0x5F0] =	vst v0  }
0xc8: {  	[tilespmem:$0x600] =	vst v0  }
0xc9: {  	[tilespmem:$0x610] =	vst v0  }
0xca: {  	[tilespmem:$0x620] =	vst v0  }
0xcb: {  	[tilespmem:$0x630] =	vst v0  }
0xcc: {  	[tilespmem:$0x640] =	vst v0  }
0xcd: {  	[tilespmem:$0x650] =	vst v0  }
0xce: {  	[tilespmem:$0x660] =	vst v0  }
0xcf: {  	[tilespmem:$0x670] =	vst v0  }
0xd0: {  	[tilespmem:$0x680] =	vst v0  }
0xd1: {  	[tilespmem:$0x690] =	vst v0  }
0xd2: {  	[tilespmem:$0x6A0] =	vst v0  }
0xd3: {  	[tilespmem:$0x6B0] =	vst v0  }
0xd4: {  	[tilespmem:$0x6C0] =	vst v0  }
0xd5: {  	[tilespmem:$0x6D0] =	vst v0  }
0xd6: {  	[tilespmem:$0x6E0] =	vst v0  }
0xd7: {  	[tilespmem:$0x6F0] =	vst v0  }
0xd8: {  	[tilespmem:$0x700] =	vst v0  }
0xd9: {  	[tilespmem:$0x710] =	vst v0  }
0xda: {  	[tilespmem:$0x720] =	vst v0  }
0xdb: {  	[tilespmem:$0x730] =	vst v0  }
0xdc: {  	[tilespmem:$0x740] =	vst v0  }
0xdd: {  	[tilespmem:$0x750] =	vst v0  }
0xde: {  	[tilespmem:$0x760] =	vst v0  }
0xdf: {  	[tilespmem:$0x770] =	vst v0  }
0xe0: {  	[tilespmem:$0x780] =	vst v0  }
0xe1: {  	[tilespmem:$0x790] =	vst v0  }
0xe2: {  	[tilespmem:$0x7A0] =	vst v0  }
0xe3: {  	[tilespmem:$0x7B0] =	vst v0  }
0xe4: {  	[tilespmem:$0x7C0] =	vst v0  }
0xe5: {  	[tilespmem:$0x7D0] =	vst v0  }
0xe6: {  	[tilespmem:$0x7E0] =	vst v0  }
0xe7: {  	[smem:$0x7D9] =	sst s4;
	[tilespmem:$0x7F0] =	vst v0  }
0xe8: {  	[spmem:s16] =	stream.linear.scatter [tilespmem:s6], [sflag:$0x5], $0x800, $0x38;
	[tilespmem:$0x101A0] =	vst v63  }
0xe9: {  	_ =	swait.ge [sflag:s23], $0x800  }
0xea: {  	[sflag:s23] =	ssyncset.done $0x0  }
0xeb: {  	[sflag:s23] =	ssyncadd.s32 $0xFFFFF800  }
0xec: {  	[spmem:s30] =	stream.linear.scatter [tilespmem:s6], [sflag:$0x5], $0x800, $0x38;
	[tilespmem:$0x101A0] =	vst v63  }
0xed: {  	_ =	swait.ge [sflag:s23], $0x800  }
0xee: {  	[sflag:s23] =	ssyncset.done $0x0  }
0xef: {  	s1 =	rddreg [dreg:$0x8];
	[sflag:s23] =	ssyncadd.s32 $0xFFFFF800  }
0xf0: {  	[spmem:s1] =	stream.linear.scatter [tilespmem:s6], [sflag:$0x5], $0x800, $0x38;
	[tilespmem:$0x101A0] =	vst v63  }
0xf1: {  	_ =	swait.ge [sflag:s23], $0x800  }
0xf2: {  	[sflag:s23] =	ssyncset.done $0x0  }
0xf3: {  	s4 =	rddreg [dreg:$0x9];
	[sflag:s23] =	ssyncadd.s32 $0xFFFFF800  }
0xf4: {  	[spmem:s4] =	stream.linear.scatter [tilespmem:s6], [sflag:$0x5], $0x800, $0x38;
	[tilespmem:$0x101A0] =	vst v63  }
0xf5: {  	_ =	swait.ge [sflag:s23], $0x800  }
0xf6: {  	[sflag:s23] =	ssyncset.done $0x0  }
0xf7: {  	s7 =	rddreg [dreg:$0xa];
	[sflag:s23] =	ssyncadd.s32 $0xFFFFF800  }
0xf8: {  	[spmem:s7] =	stream.linear.scatter [tilespmem:s6], [sflag:$0x5], $0x800, $0x38;
	[tilespmem:$0x101A0] =	vst v63  }
0xf9: {  	_ =	swait.ge [sflag:s23], $0x800  }
0xfa: {  	[sflag:s23] =	ssyncset.done $0x0  }
0xfb: {  	s8 =	rddreg [dreg:$0xb];
	[sflag:s23] =	ssyncadd.s32 $0xFFFFF800  }
0xfc: {  	[spmem:s8] =	stream.linear.scatter [tilespmem:s6], [sflag:$0x5], $0x800, $0x38;
	[tilespmem:$0x101A0] =	vst v63  }
0xfd: {  	_ =	swait.ge [sflag:s23], $0x800  }
0xfe: {  	[sflag:s23] =	ssyncset.done $0x0  }
0xff: {  	s9 =	rddreg [dreg:$0xc];
	[sflag:s23] =	ssyncadd.s32 $0xFFFFF800  }
0x100: {  	[spmem:s9] =	stream.linear.scatter [tilespmem:s6], [sflag:$0x5], $0x800, $0x38;
	[tilespmem:$0x101A0] =	vst v63  }
0x101: {  	_ =	swait.ge [sflag:s23], $0x800  }
0x102: {  	[sflag:s23] =	ssyncset.done $0x0  }
0x103: {  	s15 =	rddreg [dreg:$0xd];
	[sflag:s23] =	ssyncadd.s32 $0xFFFFF800  }
0x104: {  	[spmem:s15] =	stream.linear.scatter [tilespmem:s6], [sflag:$0x5], $0x800, $0x38;
	[tilespmem:$0x101A0] =	vst v63  }
0x105: {  	_ =	swait.ge [sflag:s23], $0x800  }
0x106: {  	[sflag:s23] =	ssyncset.done $0x0  }
0x107: {  	s16 =	rddreg [dreg:$0xe];
	[sflag:s23] =	ssyncadd.s32 $0xFFFFF800  }
0x108: {  	[spmem:s16] =	stream.linear.scatter [tilespmem:s6], [sflag:$0x5], $0x800, $0x38;
	[tilespmem:$0x101A0] =	vst v63  }
0x109: {  	_ =	swait.ge [sflag:s23], $0x800  }
0x10a: {  	[sflag:s23] =	ssyncset.done $0x0  }
0x10b: {  	s4 =	rddreg [dreg:$0xf];
	[sflag:s23] =	ssyncadd.s32 $0xFFFFF800  }
0x10c: {  	[spmem:s4] =	stream.linear.scatter [tilespmem:s6], [sflag:$0x5], $0x800, $0x38;
	[tilespmem:$0x101A0] =	vst v63  }
0x10d: {  	_ =	swait.ge [sflag:s23], $0x800  }
0x10e: {  	[sflag:s23] =	ssyncset.done $0x0  }
0x10f: {  	s7 =	rddreg [dreg:$0x14];
	[sflag:s23] =	ssyncadd.s32 $0xFFFFF800  }
0x110: {  	[spmem:s7] =	stream.linear.scatter [tilespmem:s6], [sflag:$0x5], $0x800, $0x38;
	[tilespmem:$0x101A0] =	vst v63  }
0x111: {  	_ =	swait.ge [sflag:s23], $0x800  }
0x112: {  	[sflag:s23] =	ssyncset.done $0x0  }
0x113: {  	s8 =	rddreg [dreg:$0x15];
	[sflag:s23] =	ssyncadd.s32 $0xFFFFF800  }
0x114: {  	[spmem:s8] =	stream.linear.scatter [tilespmem:s6], [sflag:$0x5], $0x800, $0x38;
	[tilespmem:$0x101A0] =	vst v63  }
0x115: {  	_ =	swait.ge [sflag:s23], $0x800  }
0x116: {  	[sflag:s23] =	ssyncset.done $0x0  }
0x117: {  	s9 =	rddreg [dreg:$0x18];
	[sflag:s23] =	ssyncadd.s32 $0xFFFFF800  }
0x118: {  	[spmem:s9] =	stream.linear.scatter [tilespmem:s6], [sflag:$0x5], $0x800, $0x38;
	[tilespmem:$0x101A0] =	vst v63  }
0x119: {  	_ =	swait.ge [sflag:s23], $0x800  }
0x11a: {  	[sflag:s23] =	ssyncset.done $0x0  }
0x11b: {  	s15 =	rddreg [dreg:$0x19];
	[sflag:s23] =	ssyncadd.s32 $0xFFFFF800  }
0x11c: {  	[spmem:s15] =	stream.linear.scatter [tilespmem:s6], [sflag:$0x5], $0x800, $0x38;
	[tilespmem:$0x101A0] =	vst v63  }
0x11d: {  	_ =	swait.ge [sflag:s23], $0x800  }
0x11e: {  	[sflag:s23] =	ssyncset.done $0x0  }
0x11f: {  	s16 =	rddreg [dreg:$0x1a];
	[sflag:s23] =	ssyncadd.s32 $0xFFFFF800  }
0x120: {  	[spmem:s16] =	stream.linear.scatter [tilespmem:s6], [sflag:$0x5], $0x800, $0x38;
	[tilespmem:$0x101A0] =	vst v63  }
0x121: {  	_ =	swait.ge [sflag:s23], $0x800  }
0x122: {  	[sflag:s23] =	ssyncset.done $0x0  }
0x123: {  	s4 =	rddreg [dreg:$0x1b];
	[sflag:s23] =	ssyncadd.s32 $0xFFFFF800  }
0x124: {  	[spmem:s4] =	stream.linear.scatter [tilespmem:s6], [sflag:$0x5], $0x800, $0x38;
	[tilespmem:$0x101A0] =	vst v63  }
0x125: {  	_ =	swait.ge [sflag:s23], $0x800  }
0x126: {  	[sflag:s23] =	ssyncset.done $0x0  }
0x127: {  	[sflag:s23] =	ssyncadd.s32 $0xFFFFF800  }
0x128: {  	[tilespmem:$0x8180] =	vst v1  }
0x129: {  	[tilespmem:$0x8190] =	vst v1  }
0x12a: {  	[bflag:$0x0] =	sbarrier.arrive $0xFFFF  }
0x12b: {  	s7 =	sld [smem:$0x7F2]  }
0x12c: {  	s8 =	sld [smem:$0x7F3]  }
0x12d: {  	s15 =	rddreg [dreg:$0x1c]  }
0x12e: {  	s4 =	rddreg [dreg:$0x1d]  }
0x12f: {  	[tilespmem:s6], [sflag:$0x1] =	stream.linear.gather [hbm4b:s7+s6], $0x400, $0x38;
	[tilespmem:$0x101A0] =	vst v63  }
0x130: {  	s9 =	simm.s32 $0x4000;
	s31 =	sld [smem:$0x7FD]  }
0x131: {  	[tilespmem:s9], [sflag:$0x1] =	stream.linear.gather [hbm4b:s8+s6], $0x400, $0x38;
	[tilespmem:$0x101A0] =	vst v63  }
0x132: {  	s16 =	simm.s32 $0x400;
	s1 =	sld [smem:$0x7FB]  }
0x133: {  	[tilespmem:s16], [sflag:$0x1] =	stream.linear.gather [hbm4b:s15+s6], $0x400, $0x38;
	[tilespmem:$0x101A0] =	vst v63  }
0x134: {  	s7 =	simm.s32 $0x4400;
	s8 =	rddreg [dreg:$0x1e]  }
0x135: {  	[tilespmem:s7], [sflag:$0x1] =	stream.linear.gather [hbm4b:s4+s6], $0x400, $0x38;
	[tilespmem:$0x101A0] =	vst v63  }
0x136: {  	s9 =	simm.s32 $0x800;
	s15 =	rddreg [dreg:$0x1f]  }
0x137: {  	[tilespmem:s9], [sflag:$0x1] =	stream.linear.gather [hbm4b:s8+s6], $0x400, $0x38;
	[tilespmem:$0x101A0] =	vst v63  }
0x138: {  	s16 =	simm.s32 $0x4800;
	s4 =	sld [smem:$0x7DA]  }
0x139: {  	[tilespmem:s16], [sflag:$0x1] =	stream.linear.gather [hbm4b:s15+s6], $0x400, $0x38;
	[tilespmem:$0x101A0] =	vst v63  }
0x13a: {  	s7 =	simm.s32 $0xC00;
	s8 =	sld [smem:$0x7DB]  }
0x13b: {  	[tilespmem:s7], [sflag:$0x1] =	stream.linear.gather [hbm4b:s4+s6], $0x400, $0x38;
	[tilespmem:$0x101A0] =	vst v63  }
0x13c: {  	s9 =	simm.s32 $0x4C00;
	s15 =	sld [smem:$0x7DC]  }
0x13d: {  	[tilespmem:s9], [sflag:$0x1] =	stream.linear.gather [hbm4b:s8+s6], $0x400, $0x38;
	[tilespmem:$0x101A0] =	vst v63  }
0x13e: {  	s16 =	simm.s32 $0x1000;
	s4 =	sld [smem:$0x7DD]  }
0x13f: {  	[tilespmem:s16], [sflag:$0x1] =	stream.linear.gather [hbm4b:s15+s6], $0x400, $0x38;
	[tilespmem:$0x101A0] =	vst v63  }
0x140: {  	s7 =	simm.s32 $0x5000;
	s8 =	sld [smem:$0x7DE]  }
0x141: {  	[tilespmem:s7], [sflag:$0x1] =	stream.linear.gather [hbm4b:s4+s6], $0x400, $0x38;
	[tilespmem:$0x101A0] =	vst v63  }
0x142: {  	s9 =	simm.s32 $0x1400;
	s15 =	sld [smem:$0x7DF]  }
0x143: {  	[tilespmem:s9], [sflag:$0x1] =	stream.linear.gather [hbm4b:s8+s6], $0x400, $0x38;
	[tilespmem:$0x101A0] =	vst v63  }
0x144: {  	s16 =	simm.s32 $0x5400;
	s4 =	sld [smem:$0x7E0]  }
0x145: {  	[tilespmem:s16], [sflag:$0x1] =	stream.linear.gather [hbm4b:s15+s6], $0x400, $0x38;
	[tilespmem:$0x101A0] =	vst v63  }
0x146: {  	s7 =	simm.s32 $0x1800;
	s8 =	sld [smem:$0x7E1]  }
0x147: {  	[tilespmem:s7], [sflag:$0x1] =	stream.linear.gather [hbm4b:s4+s6], $0x400, $0x38;
	[tilespmem:$0x101A0] =	vst v63  }
0x148: {  	s9 =	simm.s32 $0x5800;
	s15 =	sld [smem:$0x7E2]  }
0x149: {  	[tilespmem:s9], [sflag:$0x1] =	stream.linear.gather [hbm4b:s8+s6], $0x400, $0x38;
	[tilespmem:$0x101A0] =	vst v63  }
0x14a: {  	s16 =	simm.s32 $0x1C00;
	s4 =	sld [smem:$0x7E3]  }
0x14b: {  	[tilespmem:s16], [sflag:$0x1] =	stream.linear.gather [hbm4b:s15+s6], $0x400, $0x38;
	[tilespmem:$0x101A0] =	vst v63  }
0x14c: {  	s7 =	simm.s32 $0x5C00;
	s8 =	rddreg [dreg:$0x10]  }
0x14d: {  	[tilespmem:s7], [sflag:$0x1] =	stream.linear.gather [hbm4b:s4+s6], $0x400, $0x38;
	[tilespmem:$0x101A0] =	vst v63  }
0x14e: {  	s9 =	simm.s32 $0x8000;
	s15 =	rddreg [dreg:$0x11]  }
0x14f: {  	[tilespmem:s9], [sflag:$0x1] =	stream.linear.gather [hbm4b:s8+s6], $0x40, $0x38;
	[tilespmem:$0x101A0] =	vst v63  }
0x150: {  	s16 =	simm.s32 $0x8080;
	s4 =	sld [smem:$0x7E4]  }
0x151: {  	[tilespmem:s16], [sflag:$0x1] =	stream.linear.gather [hbm4b:s15+s6], $0x40, $0x38;
	[tilespmem:$0x101A0] =	vst v63  }
0x152: {  	s7 =	sld [smem:$0x7E5]  }
0x153: {  	[tilespmem:s25], [sflag:$0x2] =	stream.linear.gather [hbm4b:s4+s6], $0x400, $0x38;
	[tilespmem:$0x101A0] =	vst v63  }
0x154: {  	s8 =	sld [smem:$0x7E6]  }
0x155: {  	[tilespmem:s26], [sflag:$0x2] =	stream.linear.gather [hbm4b:s7+s6], $0x400, $0x38;
	[tilespmem:$0x101A0] =	vst v63  }
0x156: {  	s9 =	simm.s32 $0x2400;
	s15 =	sld [smem:$0x7E7]  }
0x157: {  	[tilespmem:s9], [sflag:$0x2] =	stream.linear.gather [hbm4b:s8+s6], $0x400, $0x38;
	[tilespmem:$0x101A0] =	vst v63  }
0x158: {  	s16 =	simm.s32 $0x6400;
	s4 =	sld [smem:$0x7E8]  }
0x159: {  	[tilespmem:s16], [sflag:$0x2] =	stream.linear.gather [hbm4b:s15+s6], $0x400, $0x38;
	[tilespmem:$0x101A0] =	vst v63  }
0x15a: {  	s7 =	simm.s32 $0x2800;
	s8 =	sld [smem:$0x7E9]  }
0x15b: {  	[tilespmem:s7], [sflag:$0x2] =	stream.linear.gather [hbm4b:s4+s6], $0x400, $0x38;
	[tilespmem:$0x101A0] =	vst v63  }
0x15c: {  	s9 =	simm.s32 $0x6800;
	s15 =	sld [smem:$0x7EA]  }
0x15d: {  	[tilespmem:s9], [sflag:$0x2] =	stream.linear.gather [hbm4b:s8+s6], $0x400, $0x38;
	[tilespmem:$0x101A0] =	vst v63  }
0x15e: {  	s16 =	simm.s32 $0x2C00;
	s4 =	sld [smem:$0x7EB]  }
0x15f: {  	[tilespmem:s16], [sflag:$0x2] =	stream.linear.gather [hbm4b:s15+s6], $0x400, $0x38;
	[tilespmem:$0x101A0] =	vst v63  }
0x160: {  	s7 =	simm.s32 $0x6C00;
	s8 =	sld [smem:$0x7EC]  }
0x161: {  	[tilespmem:s7], [sflag:$0x2] =	stream.linear.gather [hbm4b:s4+s6], $0x400, $0x38;
	[tilespmem:$0x101A0] =	vst v63  }
0x162: {  	s9 =	simm.s32 $0x3000;
	s15 =	sld [smem:$0x7ED]  }
0x163: {  	[tilespmem:s9], [sflag:$0x2] =	stream.linear.gather [hbm4b:s8+s6], $0x400, $0x38;
	[tilespmem:$0x101A0] =	vst v63  }
0x164: {  	s16 =	simm.s32 $0x7000;
	s4 =	sld [smem:$0x7EE]  }
0x165: {  	[tilespmem:s16], [sflag:$0x2] =	stream.linear.gather [hbm4b:s15+s6], $0x400, $0x38;
	[tilespmem:$0x101A0] =	vst v63  }
0x166: {  	s7 =	simm.s32 $0x3400;
	s8 =	sld [smem:$0x7EF]  }
0x167: {  	[tilespmem:s7], [sflag:$0x2] =	stream.linear.gather [hbm4b:s4+s6], $0x400, $0x38;
	[tilespmem:$0x101A0] =	vst v63  }
0x168: {  	s9 =	simm.s32 $0x7400;
	s15 =	sld [smem:$0x7F0]  }
0x169: {  	[tilespmem:s9], [sflag:$0x2] =	stream.linear.gather [hbm4b:s8+s6], $0x400, $0x38;
	[tilespmem:$0x101A0] =	vst v63  }
0x16a: {  	s16 =	simm.s32 $0x3800;
	s7 =	sld [smem:$0x7F1]  }
0x16b: {  	[tilespmem:s16], [sflag:$0x2] =	stream.linear.gather [hbm4b:s15+s6], $0x400, $0x38;
	[tilespmem:$0x101A0] =	vst v63  }
0x16c: {  	s8 =	sld [smem:$0x7F4]  }
0x16d: {  	[tilespmem:s10], [sflag:$0x2] =	stream.linear.gather [hbm4b:s7+s6], $0x400, $0x38;
	[tilespmem:$0x101A0] =	vst v63  }
0x16e: {  	s9 =	sld [smem:$0x7F5]  }
0x16f: {  	[tilespmem:s11], [sflag:$0x2] =	stream.linear.gather [hbm4b:s8+s6], $0x400, $0x38;
	[tilespmem:$0x101A0] =	vst v63  }
0x170: {  	s15 =	rddreg [dreg:$0x12]  }
0x171: {  	[tilespmem:s12], [sflag:$0x2] =	stream.linear.gather [hbm4b:s9+s6], $0x400, $0x38;
	[tilespmem:$0x101A0] =	vst v63  }
0x172: {  	s16 =	rddreg [dreg:$0x13]  }
0x173: {  	[tilespmem:s13], [sflag:$0x2] =	stream.linear.gather [hbm4b:s15+s6], $0x40, $0x38;
	[tilespmem:$0x101A0] =	vst v63  }
0x174: {  	s30 =	simm.s32 $0x0;
	s15 =	sld [smem:$0x7FC]  }
0x175: {  	[tilespmem:s14], [sflag:$0x2] =	stream.linear.gather [hbm4b:s16+s6], $0x40, $0x38;
	[tilespmem:$0x101A0] =	vst v63  }
.LBB2_2:
0x176: {  	_ =	swait.ge [sflag:s19], $0x400  }
0x177: {  	[sflag:s19] =	ssyncset.done $0x0  }
0x178: {  	[sflag:s19] =	ssyncadd.s32 $0xFFFFFC00  }
0x179: {  	_ =	swait.ge [sflag:s19], $0x400  }
0x17a: {  	[sflag:s19] =	ssyncset.done $0x0  }
0x17b: {  	[sflag:s19] =	ssyncadd.s32 $0xFFFFFC00  }
0x17c: {  	_ =	swait.ge [sflag:s19], $0x400  }
0x17d: {  	[sflag:s19] =	ssyncset.done $0x0  }
0x17e: {  	[sflag:s19] =	ssyncadd.s32 $0xFFFFFC00  }
0x17f: {  	_ =	swait.ge [sflag:s19], $0x400  }
0x180: {  	[sflag:s19] =	ssyncset.done $0x0  }
0x181: {  	[sflag:s19] =	ssyncadd.s32 $0xFFFFFC00  }
0x182: {  	_ =	swait.ge [sflag:s19], $0x400  }
0x183: {  	[sflag:s19] =	ssyncset.done $0x0  }
0x184: {  	[sflag:s19] =	ssyncadd.s32 $0xFFFFFC00  }
0x185: {  	_ =	swait.ge [sflag:s19], $0x400  }
0x186: {  	[sflag:s19] =	ssyncset.done $0x0  }
0x187: {  	[sflag:s19] =	ssyncadd.s32 $0xFFFFFC00  }
0x188: {  	_ =	swait.ge [sflag:s19], $0x400  }
0x189: {  	[sflag:s19] =	ssyncset.done $0x0  }
0x18a: {  	[sflag:s19] =	ssyncadd.s32 $0xFFFFFC00  }
0x18b: {  	_ =	swait.ge [sflag:s19], $0x400  }
0x18c: {  	[sflag:s19] =	ssyncset.done $0x0  }
0x18d: {  	[sflag:s19] =	ssyncadd.s32 $0xFFFFFC00  }
0x18e: {  	_ =	swait.ge [sflag:s19], $0x400  }
0x18f: {  	[sflag:s19] =	ssyncset.done $0x0  }
0x190: {  	[sflag:s19] =	ssyncadd.s32 $0xFFFFFC00  }
0x191: {  	_ =	swait.ge [sflag:s19], $0x400  }
0x192: {  	[sflag:s19] =	ssyncset.done $0x0  }
0x193: {  	[sflag:s19] =	ssyncadd.s32 $0xFFFFFC00  }
0x194: {  	_ =	swait.ge [sflag:s19], $0x400  }
0x195: {  	[sflag:s19] =	ssyncset.done $0x0  }
0x196: {  	[sflag:s19] =	ssyncadd.s32 $0xFFFFFC00  }
0x197: {  	_ =	swait.ge [sflag:s19], $0x400  }
0x198: {  	[sflag:s19] =	ssyncset.done $0x0  }
0x199: {  	[sflag:s19] =	ssyncadd.s32 $0xFFFFFC00  }
0x19a: {  	_ =	swait.ge [sflag:s19], $0x400  }
0x19b: {  	[sflag:s19] =	ssyncset.done $0x0  }
0x19c: {  	[sflag:s19] =	ssyncadd.s32 $0xFFFFFC00  }
0x19d: {  	_ =	swait.ge [sflag:s19], $0x400  }
0x19e: {  	[sflag:s19] =	ssyncset.done $0x0  }
0x19f: {  	[sflag:s19] =	ssyncadd.s32 $0xFFFFFC00  }
0x1a0: {  	_ =	swait.ge [sflag:s19], $0x400  }
0x1a1: {  	[sflag:s19] =	ssyncset.done $0x0  }
0x1a2: {  	[sflag:s19] =	ssyncadd.s32 $0xFFFFFC00  }
0x1a3: {  	_ =	swait.ge [sflag:s19], $0x400  }
0x1a4: {  	[sflag:s19] =	ssyncset.done $0x0  }
0x1a5: {  	[sflag:s19] =	ssyncadd.s32 $0xFFFFFC00  }
0x1a6: {  	_ =	swait.ge [sflag:s19], $0x40  }
0x1a7: {  	[sflag:s19] =	ssyncset.done $0x0  }
0x1a8: {  	[sflag:s19] =	ssyncadd.s32 $0xFFFFFFC0  }
0x1a9: {  	_ =	swait.ge [sflag:s19], $0x40  }
0x1aa: {  	[sflag:s19] =	ssyncset.done $0x0  }
0x1ab: {  	[sflag:s19] =	ssyncadd.s32 $0xFFFFFFC0  }
0x1ac: {  	v3 =	vld [tilespmem:$0x8080]  }
0x1ad: {  	v4 =	vld [tilespmem:$0x8000]  }
0x1ae: {  	v5 =	vld [tilespmem:$0x8190]  }
0x1af: {  	v6 =	vld [tilespmem:$0x8090]  }
0x1b0: {  	v9 =	vld [tilespmem:$0x80A0]  }
0x1b1: {  	v11 =	vld [tilespmem:$0x80B0]  }
0x1b2: {  	v2 =	vld [tilespmem:$0x8180]  }
0x1b3: {  	v7 =	vld [tilespmem:$0x8010]  }
0x1b4: {  	v8 =	vshll.u32 v3, $0xA;
	v3 =	vshll.u32 v3, $0x9  }
0x1b5: {  	v10 =	vld [tilespmem:$0x8020];
	vm15 =	vgt.s32 v5, v4;
	v36 =	vshll.u32 v6, $0xA;
	v37 =	vshll.u32 v6, $0x9  }
0x1b6: {  	v12 =	vshll.u32 v9, $0xA;
	v41 =	vshll.u32 v9, $0x9;
	v42 =	vshll.u32 v11, $0xA  }
0x1b7: {  	v39 =	vld [tilespmem:$0x8030];
	v43 =	vshll.u32 v11, $0x9;
	v8 =	vadd.s32 v4, v8;
	v3 =	vadd.s32 v4, v3  }
0x1b8: {  	v4 =	vsel vm15, v5, v4;
	v38 =	vadd.s32 v7, v36;
	vm0 =	vgt.s32 v2, v8  }
0x1b9: {  	v5 =	vadd.s32 v7, v37;
	vm5 =	vgt.s32 v4, v7;
	v2 =	vsel vm0, v2, v8  }
0x1ba: {  	v40 =	vadd.s32 v10, v12;
	v4 =	vsel vm5, v4, v7;
	vm4 =	vgt.s32 v2, v38  }
0x1bb: {  	[tilespmem:$0x8100] =	vst v3;
	v3 =	vadd.s32 v10, v41;
	vm7 =	vgt.s32 v4, v10;
	v2 =	vsel vm4, v2, v38  }
0x1bc: {  	v6 =	vadd.s32 v39, v42;
	[tilespmem:$0x8120] =	vst v3;
	v3 =	vsel vm7, v4, v10;
	vm6 =	vgt.s32 v2, v40  }
0x1bd: {  	v44 =	vadd.s32 v39, v43;
	[tilespmem:$0x8110] =	vst v5;
	vm9 =	vgt.s32 v3, v39;
	v2 =	vsel vm6, v2, v40  }
0x1be: {  	[tilespmem:$0x8130] =	vst v44;
	v3 =	vsel vm9, v3, v39;
	vm8 =	vgt.s32 v2, v6  }
0x1bf: {  	[tilespmem:$0x8190] =	vst v3;
	v2 =	vsel vm8, v2, v6  }
0x1c0: {  	[tilespmem:$0x8180] =	vst v2  }
0x1c1: {  	[spmem:s3] =	stream.indirect.scatter.add.f32 [tilespmem:s6], [sflag:$0x3], $0x80, s21, s20, $0xb8;
	[tilespmem:$0x101A0] =	vst v63  }
0x1c2: {  	s4 =	simm.s32 $0x4000  }
0x1c3: {  	[spmem:s5] =	stream.indirect.scatter.add.f32 [tilespmem:s4], [sflag:$0x3], $0x80, s21, s20, $0xb8;
	[tilespmem:$0x101A0] =	vst v63  }
0x1c4: {  	_ =	swait.ge [sflag:s22], $0x2000  }
0x1c5: {  	[sflag:s22] =	ssyncset.done $0x0  }
0x1c6: {  	[sflag:s22] =	ssyncadd.s32 $0xFFFFE000  }
0x1c7: {  	p0 =	seq.s32 s30, $0x3F000;
	_ =	swait.ge [sflag:s22], $0x2000  }
0x1c8: {  	s16 =	sshrl.u32 @!p0 s1, $0x3;
	[sflag:s22] =	ssyncset.done $0x0  }
0x1c9: {  	s7 =	simm.s32 @!p0 $0x0;
	s4 =	sadd.s32 @!p0 s0, s16;
	[sflag:s22] =	ssyncadd.s32 $0xFFFFE000  }
0x1ca: {  	[tilespmem:s7], [sflag:$0x1] =	stream.linear.gather @!p0 [hbm4b:s4+s7], $0x400, $0x38;
	[tilespmem:$0x101A0] =	vst v63  }
0x1cb: {  	s8 =	simm.s32 @!p0 $0x4000;
	s4 =	sadd.s32 @!p0 s2, s16  }
0x1cc: {  	[tilespmem:s8], [sflag:$0x1] =	stream.linear.gather @!p0 [hbm4b:s4+s7], $0x400, $0x38;
	[tilespmem:$0x101A0] =	vst v63  }
0x1cd: {  	s4 =	sor.u32 @!p0 $0x100, s16  }
0x1ce: {  	s9 =	simm.s32 @!p0 $0x400;
	s8 =	sadd.s32 @!p0 s0, s4  }
0x1cf: {  	[tilespmem:s9], [sflag:$0x1] =	stream.linear.gather @!p0 [hbm4b:s8+s7], $0x400, $0x38;
	[tilespmem:$0x101A0] =	vst v63  }
0x1d0: {  	s4 =	sadd.s32 @!p0 s2, s4;
	s8 =	simm.s32 @!p0 $0x4400  }
0x1d1: {  	[tilespmem:s8], [sflag:$0x1] =	stream.linear.gather @!p0 [hbm4b:s4+s7], $0x400, $0x38;
	[tilespmem:$0x101A0] =	vst v63  }
0x1d2: {  	s4 =	sor.u32 @!p0 $0x200, s16  }
0x1d3: {  	s9 =	simm.s32 @!p0 $0x800;
	s8 =	sadd.s32 @!p0 s0, s4  }
0x1d4: {  	[tilespmem:s9], [sflag:$0x1] =	stream.linear.gather @!p0 [hbm4b:s8+s7], $0x400, $0x38;
	[tilespmem:$0x101A0] =	vst v63  }
0x1d5: {  	s4 =	sadd.s32 @!p0 s2, s4;
	s8 =	simm.s32 @!p0 $0x4800  }
0x1d6: {  	[tilespmem:s8], [sflag:$0x1] =	stream.linear.gather @!p0 [hbm4b:s4+s7], $0x400, $0x38;
	[tilespmem:$0x101A0] =	vst v63  }
0x1d7: {  	s4 =	sor.u32 @!p0 $0x300, s16  }
0x1d8: {  	s9 =	simm.s32 @!p0 $0xC00;
	s8 =	sadd.s32 @!p0 s0, s4  }
0x1d9: {  	[tilespmem:s9], [sflag:$0x1] =	stream.linear.gather @!p0 [hbm4b:s8+s7], $0x400, $0x38;
	[tilespmem:$0x101A0] =	vst v63  }
0x1da: {  	s4 =	sadd.s32 @!p0 s2, s4;
	s8 =	simm.s32 @!p0 $0x4C00  }
0x1db: {  	[tilespmem:s8], [sflag:$0x1] =	stream.linear.gather @!p0 [hbm4b:s4+s7], $0x400, $0x38;
	[tilespmem:$0x101A0] =	vst v63  }
0x1dc: {  	s4 =	sor.u32 @!p0 $0x400, s16  }
0x1dd: {  	s9 =	simm.s32 @!p0 $0x1000;
	s8 =	sadd.s32 @!p0 s0, s4  }
0x1de: {  	[tilespmem:s9], [sflag:$0x1] =	stream.linear.gather @!p0 [hbm4b:s8+s7], $0x400, $0x38;
	[tilespmem:$0x101A0] =	vst v63  }
0x1df: {  	s4 =	sadd.s32 @!p0 s2, s4;
	s8 =	simm.s32 @!p0 $0x5000  }
0x1e0: {  	[tilespmem:s8], [sflag:$0x1] =	stream.linear.gather @!p0 [hbm4b:s4+s7], $0x400, $0x38;
	[tilespmem:$0x101A0] =	vst v63  }
0x1e1: {  	s4 =	sor.u32 @!p0 $0x500, s16  }
0x1e2: {  	s9 =	simm.s32 @!p0 $0x1400;
	s8 =	sadd.s32 @!p0 s0, s4  }
0x1e3: {  	[tilespmem:s9], [sflag:$0x1] =	stream.linear.gather @!p0 [hbm4b:s8+s7], $0x400, $0x38;
	[tilespmem:$0x101A0] =	vst v63  }
0x1e4: {  	s4 =	sadd.s32 @!p0 s2, s4;
	s8 =	simm.s32 @!p0 $0x5400  }
0x1e5: {  	[tilespmem:s8], [sflag:$0x1] =	stream.linear.gather @!p0 [hbm4b:s4+s7], $0x400, $0x38;
	[tilespmem:$0x101A0] =	vst v63  }
0x1e6: {  	s4 =	sor.u32 @!p0 $0x600, s16  }
0x1e7: {  	s9 =	simm.s32 @!p0 $0x1800;
	s8 =	sadd.s32 @!p0 s0, s4  }
0x1e8: {  	[tilespmem:s9], [sflag:$0x1] =	stream.linear.gather @!p0 [hbm4b:s8+s7], $0x400, $0x38;
	[tilespmem:$0x101A0] =	vst v63  }
0x1e9: {  	s4 =	sadd.s32 @!p0 s2, s4;
	s8 =	simm.s32 @!p0 $0x5800  }
0x1ea: {  	[tilespmem:s8], [sflag:$0x1] =	stream.linear.gather @!p0 [hbm4b:s4+s7], $0x400, $0x38;
	[tilespmem:$0x101A0] =	vst v63  }
0x1eb: {  	s4 =	sor.u32 @!p0 $0x700, s16  }
0x1ec: {  	s9 =	simm.s32 @!p0 $0x1C00;
	s8 =	sadd.s32 @!p0 s0, s4  }
0x1ed: {  	[tilespmem:s9], [sflag:$0x1] =	stream.linear.gather @!p0 [hbm4b:s8+s7], $0x400, $0x38;
	[tilespmem:$0x101A0] =	vst v63  }
0x1ee: {  	s4 =	sadd.s32 @!p0 s2, s4;
	s8 =	simm.s32 @!p0 $0x5C00  }
0x1ef: {  	[tilespmem:s8], [sflag:$0x1] =	stream.linear.gather @!p0 [hbm4b:s4+s7], $0x400, $0x38;
	[tilespmem:$0x101A0] =	vst v63  }
0x1f0: {  	s4 =	simm.s32 @!p0 $0x8000  }
0x1f1: {  	[tilespmem:s4], [sflag:$0x1] =	stream.linear.gather @!p0 [hbm4b:s31+s7], $0x40, $0x38;
	[tilespmem:$0x101A0] =	vst v63  }
0x1f2: {  	s4 =	simm.s32 @!p0 $0x8080  }
0x1f3: {  	[tilespmem:s4], [sflag:$0x1] =	stream.linear.gather @!p0 [hbm4b:s15+s7], $0x40, $0x38;
	[tilespmem:$0x101A0] =	vst v63  }
0x1f4: {  	_ =	swait.ge [sflag:s28], $0x400  }
0x1f5: {  	[sflag:s28] =	ssyncset.done $0x0  }
0x1f6: {  	[sflag:s28] =	ssyncadd.s32 $0xFFFFFC00  }
0x1f7: {  	_ =	swait.ge [sflag:s28], $0x400  }
0x1f8: {  	[sflag:s28] =	ssyncset.done $0x0  }
0x1f9: {  	[sflag:s28] =	ssyncadd.s32 $0xFFFFFC00  }
0x1fa: {  	_ =	swait.ge [sflag:s28], $0x400  }
0x1fb: {  	[sflag:s28] =	ssyncset.done $0x0  }
0x1fc: {  	[sflag:s28] =	ssyncadd.s32 $0xFFFFFC00  }
0x1fd: {  	_ =	swait.ge [sflag:s28], $0x400  }
0x1fe: {  	[sflag:s28] =	ssyncset.done $0x0  }
0x1ff: {  	[sflag:s28] =	ssyncadd.s32 $0xFFFFFC00  }
0x200: {  	_ =	swait.ge [sflag:s28], $0x400  }
0x201: {  	[sflag:s28] =	ssyncset.done $0x0  }
0x202: {  	[sflag:s28] =	ssyncadd.s32 $0xFFFFFC00  }
0x203: {  	_ =	swait.ge [sflag:s28], $0x400  }
0x204: {  	[sflag:s28] =	ssyncset.done $0x0  }
0x205: {  	[sflag:s28] =	ssyncadd.s32 $0xFFFFFC00  }
0x206: {  	_ =	swait.ge [sflag:s28], $0x400  }
0x207: {  	[sflag:s28] =	ssyncset.done $0x0  }
0x208: {  	[sflag:s28] =	ssyncadd.s32 $0xFFFFFC00  }
0x209: {  	_ =	swait.ge [sflag:s28], $0x400  }
0x20a: {  	[sflag:s28] =	ssyncset.done $0x0  }
0x20b: {  	[sflag:s28] =	ssyncadd.s32 $0xFFFFFC00  }
0x20c: {  	_ =	swait.ge [sflag:s28], $0x400  }
0x20d: {  	[sflag:s28] =	ssyncset.done $0x0  }
0x20e: {  	[sflag:s28] =	ssyncadd.s32 $0xFFFFFC00  }
0x20f: {  	_ =	swait.ge [sflag:s28], $0x400  }
0x210: {  	[sflag:s28] =	ssyncset.done $0x0  }
0x211: {  	[sflag:s28] =	ssyncadd.s32 $0xFFFFFC00  }
0x212: {  	_ =	swait.ge [sflag:s28], $0x400  }
0x213: {  	[sflag:s28] =	ssyncset.done $0x0  }
0x214: {  	[sflag:s28] =	ssyncadd.s32 $0xFFFFFC00  }
0x215: {  	_ =	swait.ge [sflag:s28], $0x400  }
0x216: {  	[sflag:s28] =	ssyncset.done $0x0  }
0x217: {  	[sflag:s28] =	ssyncadd.s32 $0xFFFFFC00  }
0x218: {  	_ =	swait.ge [sflag:s28], $0x400  }
0x219: {  	[sflag:s28] =	ssyncset.done $0x0  }
0x21a: {  	[sflag:s28] =	ssyncadd.s32 $0xFFFFFC00  }
0x21b: {  	_ =	swait.ge [sflag:s28], $0x400  }
0x21c: {  	[sflag:s28] =	ssyncset.done $0x0  }
0x21d: {  	[sflag:s28] =	ssyncadd.s32 $0xFFFFFC00  }
0x21e: {  	_ =	swait.ge [sflag:s28], $0x400  }
0x21f: {  	[sflag:s28] =	ssyncset.done $0x0  }
0x220: {  	[sflag:s28] =	ssyncadd.s32 $0xFFFFFC00  }
0x221: {  	_ =	swait.ge [sflag:s28], $0x400  }
0x222: {  	[sflag:s28] =	ssyncset.done $0x0  }
0x223: {  	[sflag:s28] =	ssyncadd.s32 $0xFFFFFC00  }
0x224: {  	_ =	swait.ge [sflag:s28], $0x40  }
0x225: {  	[sflag:s28] =	ssyncset.done $0x0  }
0x226: {  	[sflag:s28] =	ssyncadd.s32 $0xFFFFFFC0  }
0x227: {  	_ =	swait.ge [sflag:s28], $0x40  }
0x228: {  	[sflag:s28] =	ssyncset.done $0x0  }
0x229: {  	[sflag:s28] =	ssyncadd.s32 $0xFFFFFFC0  }
0x22a: {  	v2 =	vld [tilespmem:$0x8180]  }
0x22b: {  	v3 =	vld [tilespmem:$0x8190]  }
0x22c: {  	v45 =	vld [tilespmem:$0x80C0]  }
0x22d: {  	v46 =	vld [tilespmem:$0x8040]  }
0x22e: {  	v47 =	vld [tilespmem:$0x80D0]  }
0x22f: {  	v49 =	vld [tilespmem:$0x80E0]  }
0x230: {  	v55 =	vld [tilespmem:$0x80F0]  }
0x231: {  	v48 =	vld [tilespmem:$0x8050]  }
0x232: {  	v51 =	vld [tilespmem:$0x8060]  }
0x233: {  	v50 =	vshll.u32 v45, $0xA;
	v52 =	vshll.u32 v47, $0xA  }
0x234: {  	v54 =	vshll.u32 v49, $0xA;
	vm11 =	vgt.s32 v3, v46;
	v4 =	vshll.u32 v45, $0x9  }
0x235: {  	v58 =	vshll.u32 v47, $0x9;
	v59 =	vshll.u32 v49, $0x9;
	v62 =	vshll.u32 v55, $0xA  }
0x236: {  	v57 =	vld [tilespmem:$0x8070];
	v63 =	vshll.u32 v55, $0x9;
	v9 =	vadd.s32 v46, v50;
	v53 =	vadd.s32 v48, v52  }
0x237: {  	v56 =	vadd.s32 v51, v54;
	v3 =	vsel vm11, v3, v46;
	vm10 =	vgt.s32 v2, v9  }
0x238: {  	v4 =	vadd.s32 v46, v4;
	vm13 =	vgt.s32 v3, v48;
	v2 =	vsel vm10, v2, v9  }
0x239: {  	v60 =	vadd.s32 v48, v58;
	v3 =	vsel vm13, v3, v48;
	vm0 =	vgt.s32 v2, v53  }
0x23a: {  	v61 =	vadd.s32 v51, v59;
	[tilespmem:$0x8140] =	vst v4;
	v2 =	vsel vm0, v2, v53;
	vm0 =	vgt.s32 v3, v51  }
0x23b: {  	v6 =	vadd.s32 v57, v62;
	[tilespmem:$0x8150] =	vst v60;
	vm12 =	vgt.s32 v2, v56;
	v3 =	vsel vm0, v3, v51  }
0x23c: {  	[tilespmem:$0x8160] =	vst v61;
	v4 =	vadd.s32 v57, v63;
	v2 =	vsel vm12, v2, v56;
	vm15 =	vgt.s32 v3, v57  }
0x23d: {  	[tilespmem:$0x8170] =	vst v4;
	vm14 =	vgt.s32 v2, v6;
	v3 =	vsel vm15, v3, v57  }
0x23e: {  	v2 =	vsel vm14, v2, v6;
	[tilespmem:$0x8190] =	vst v3  }
0x23f: {  	[tilespmem:$0x8180] =	vst v2  }
0x240: {  	[spmem:s3] =	stream.indirect.scatter.add.f32 [tilespmem:s25], [sflag:$0x4], $0x80, s24, s20, $0xb8;
	[tilespmem:$0x101A0] =	vst v63  }
0x241: {  	_ = 	snop  }
0x242: {  	[spmem:s5] =	stream.indirect.scatter.add.f32 [tilespmem:s26], [sflag:$0x4], $0x80, s24, s20, $0xb8;
	[tilespmem:$0x101A0] =	vst v63  }
0x243: {  	_ =	swait.ge [sflag:s29], $0x2000  }
.Ltmp2:
0x244: {  	[sflag:s29] =	ssyncset.done $0x0;
	(pc) =	sbr.rel @p0 .LBB2_4-.Ltmp2, $4  }
0x245: {  	[sflag:s29] =	ssyncadd.s32 $0xFFFFE000  }
0x246: {  	_ =	swait.ge [sflag:s29], $0x2000  }
0x247: {  	[sflag:s29] =	ssyncset.done $0x0  }
0x248: {  	[sflag:s29] =	ssyncadd.s32 $0xFFFFE000  }
0x249: {  	s4 =	sadd.s32 s30, s17  }
0x24a: {  	[tilespmem:s25], [sflag:$0x2] =	stream.linear.gather [hbm4b:s4+s6], $0x400, $0x38;
	[tilespmem:$0x101A0] =	vst v63  }
0x24b: {  	s7 =	sadd.s32 s30, s18  }
0x24c: {  	[tilespmem:s26], [sflag:$0x2] =	stream.linear.gather [hbm4b:s7+s6], $0x400, $0x38;
	[tilespmem:$0x101A0] =	vst v63  }
0x24d: {  	s9 =	simm.s32 $0x2400;
	s8 =	sadd.s32 $0x100, s4  }
0x24e: {  	[tilespmem:s9], [sflag:$0x2] =	stream.linear.gather [hbm4b:s8+s6], $0x400, $0x38;
	[tilespmem:$0x101A0] =	vst v63  }
0x24f: {  	s16 =	simm.s32 $0x6400;
	s9 =	sadd.s32 $0x100, s7  }
0x250: {  	[tilespmem:s16], [sflag:$0x2] =	stream.linear.gather [hbm4b:s9+s6], $0x400, $0x38;
	[tilespmem:$0x101A0] =	vst v63  }
0x251: {  	s9 =	sadd.s32 $0x200, s4;
	s16 =	simm.s32 $0x2800  }
0x252: {  	[tilespmem:s16], [sflag:$0x2] =	stream.linear.gather [hbm4b:s9+s6], $0x400, $0x38;
	[tilespmem:$0x101A0] =	vst v63  }
0x253: {  	s9 =	sadd.s32 $0x200, s7;
	s16 =	simm.s32 $0x6800  }
0x254: {  	[tilespmem:s16], [sflag:$0x2] =	stream.linear.gather [hbm4b:s9+s6], $0x400, $0x38;
	[tilespmem:$0x101A0] =	vst v63  }
0x255: {  	s9 =	sadd.s32 $0x300, s4;
	s16 =	simm.s32 $0x2C00  }
0x256: {  	[tilespmem:s16], [sflag:$0x2] =	stream.linear.gather [hbm4b:s9+s6], $0x400, $0x38;
	[tilespmem:$0x101A0] =	vst v63  }
0x257: {  	s9 =	sadd.s32 $0x300, s7;
	s16 =	simm.s32 $0x6C00  }
0x258: {  	[tilespmem:s16], [sflag:$0x2] =	stream.linear.gather [hbm4b:s9+s6], $0x400, $0x38;
	[tilespmem:$0x101A0] =	vst v63  }
0x259: {  	s9 =	sadd.s32 $0x400, s4;
	s16 =	simm.s32 $0x3000  }
0x25a: {  	[tilespmem:s16], [sflag:$0x2] =	stream.linear.gather [hbm4b:s9+s6], $0x400, $0x38;
	[tilespmem:$0x101A0] =	vst v63  }
0x25b: {  	s9 =	sadd.s32 $0x400, s7;
	s16 =	simm.s32 $0x7000  }
0x25c: {  	[tilespmem:s16], [sflag:$0x2] =	stream.linear.gather [hbm4b:s9+s6], $0x400, $0x38;
	[tilespmem:$0x101A0] =	vst v63  }
0x25d: {  	s9 =	sadd.s32 $0x500, s4;
	s16 =	simm.s32 $0x3400  }
0x25e: {  	[tilespmem:s16], [sflag:$0x2] =	stream.linear.gather [hbm4b:s9+s6], $0x400, $0x38;
	[tilespmem:$0x101A0] =	vst v63  }
0x25f: {  	s9 =	sadd.s32 $0x500, s7;
	s16 =	simm.s32 $0x7400  }
0x260: {  	[tilespmem:s16], [sflag:$0x2] =	stream.linear.gather [hbm4b:s9+s6], $0x400, $0x38;
	[tilespmem:$0x101A0] =	vst v63  }
0x261: {  	s9 =	sadd.s32 $0x600, s4;
	s16 =	simm.s32 $0x3800  }
0x262: {  	[tilespmem:s16], [sflag:$0x2] =	stream.linear.gather [hbm4b:s9+s6], $0x400, $0x38;
	[tilespmem:$0x101A0] =	vst v63  }
0x263: {  	s16 =	sadd.s32 $0x600, s7  }
0x264: {  	[tilespmem:s10], [sflag:$0x2] =	stream.linear.gather [hbm4b:s16+s6], $0x400, $0x38;
	[tilespmem:$0x101A0] =	vst v63  }
0x265: {  	s4 =	sadd.s32 $0x700, s4  }
0x266: {  	[tilespmem:s11], [sflag:$0x2] =	stream.linear.gather [hbm4b:s4+s6], $0x400, $0x38;
	[tilespmem:$0x101A0] =	vst v63  }
0x267: {  	s8 =	sadd.s32 $0x700, s7  }
0x268: {  	[tilespmem:s12], [sflag:$0x2] =	stream.linear.gather [hbm4b:s8+s6], $0x400, $0x38;
	[tilespmem:$0x101A0] =	vst v63  }
.Ltmp3:
0x269: {  	_ = 	snop;
	(pc) =	sbr.rel .LBB2_2-.Ltmp3, $4  }
0x26a: {  	s1 =	sadd.s32 $0x8000, s1;
	s30 =	sadd.s32 $0x1000, s30;
	s9 =	sadd.s32 $0x8, s31  }
0x26b: {  	[tilespmem:s13], [sflag:$0x2] =	stream.linear.gather [hbm4b:s9+s6], $0x40, $0x38;
	[tilespmem:$0x101A0] =	vst v63  }
0x26c: {  	s31 =	sadd.s32 $0x10, s31;
	s16 =	sadd.s32 $0x8, s15;
	s15 =	sadd.s32 $0x10, s15  }
0x26d: {  	[tilespmem:s14], [sflag:$0x2] =	stream.linear.gather [hbm4b:s16+s6], $0x40, $0x38;
	[tilespmem:$0x101A0] =	vst v63  }
.LBB2_5:
0x26e: {  	_ =	sfence.sel $0x180000  }
0x26f: {  	[bflag:$0x0] =	sbarrier.arrive $0xFFFF  }
0x270: {  	_ =	strace $0x90000047  }
0x271: {  	s0 =	stileid.u32;
	[bflag:$0x2] =	sbarrier.arrive $0xFFFF  }
0x272: {  	p0 =	sne.s32 s0, $0x0;
	s0 =	rddreg [dreg:$0x7]  }
0x273: {  	s0 =	sadd.s32 @!p0 $0x100000, s0  }
0x274: {  	[sflag:s0] =	ssyncadd.tile.s32 @!p0 $0x1;
	_ =	shalt  }
.Lfunc_end2:
_tile_overlayer_lowered:
.L_overlay_start_2:
0x275: {  	(tag) =	ssettag $0x2  }
0x276: {  	s0 =	rddreg [dreg:$0x0];
	s2 =	stileid.u32  }
0x277: {  	s1 =	rddreg [dreg:$0x1];
	p0 =	sne.s32 s2, $0x0  }
0x278: {  	s3 =	rddreg [dreg:$0x2];
	[bflag:$0x3] =	sbarrier.arrive $0xFFFF;
	s2 =	simm.s32 @!p0 $0x1C05  }
0x279: {  	[timem:s3], [sflag:s2] =	dma.local @!p0 [hbm:s0], s1  }
0x27a: {  	s0 =	simm.s32 @!p0 $0x5  }
0x27b: {  	_ =	swait.ge @!p0 [sflag:s0], s1  }
0x27c: {  	s1 =	ssub.s32 @!p0 $0x0, s1;
	[sflag:s0] =	ssyncset.done @!p0 $0x0  }
0x27d: {  	[sflag:s0] =	ssyncadd.s32 @!p0 s1  }
0x27e: {  	[bflag:$0x3] =	sbarrier.arrive $0xFFFF  }
0x27f: {  	_ =	shalt  }

</sc_bundles>
